<compile_context>
chip_gen: v7x
topology: tpu7x:2x2x1
jax: 0.10.2.dev20260603
libtpu: 0.0.44.dev20260713+nightly
codegen_flags: <defaults>
</compile_context>

<pallas_src>
import jax
import jax.numpy as jnp
from jax import lax
from jax.experimental import pallas as pl
from jax.experimental.pallas import tpu as pltpu
from jax.experimental.pallas import tpu_sc as plsc

N_NODES = 10000
N_EDGES = 160000
D = 256
HEADS = 8
HEAD_DIM = D // HEADS
HALF = D // 2

ROW_BLK = 400
B = 64
N_SUBCORES = 16
NBLK = 162
E_PAD = N_SUBCORES * NBLK * B
N_PAD = 10240
ROWS_PER_TILE = N_PAD // N_SUBCORES
NBUF = 2
IDXR = 6


def _matmul_kernel(x_ref, w_ref, asrc_ref, adst_ref, h0_ref, h1_ref,
                   acat_ref, acat2_ref):
    h = jnp.dot(x_ref[...], w_ref[...], preferred_element_type=jnp.float32)
    h0_ref[...] = h[:, :HALF]
    h1_ref[...] = h[:, HALF:]
    h3 = h.reshape(h.shape[0], HEADS, HEAD_DIM)
    a_s = jnp.sum(h3 * asrc_ref[...][None, :, :], axis=-1)
    a_d = jnp.sum(h3 * adst_ref[...][None, :, :], axis=-1)
    acat_ref[...] = jnp.concatenate([a_s, a_d], axis=-1)
    acat2_ref[...] = jnp.concatenate([a_d, a_s], axis=-1)


def _edge_kernel(h0_hbm, h1_hbm, acat_hbm, acat2_hbm, srcr_hbm, dstr_hbm,
                 num0_hbm, num1_hbm, den_hbm,
                 as0, as1, ad0, ad1, ex0, ex1,
                 hb0, hb1, hc0, hc1,
                 si0, si1, si2, si3, si4, si5,
                 di0, di1, di2, di3, di4, di5,
                 num_sh, den_sh,
                 gi0, gi1, gi2, gi3, gi4, gi5,
                 sg0, sg1, ss0, ss1):
    c = lax.axis_index("c")
    s = lax.axis_index("s")
    as_b = [as0, as1]
    ad_b = [ad0, ad1]
    ex_b = [ex0, ex1]
    h_b = [hb0, hb1]
    hs_b = [hc0, hc1]
    si = [si0, si1, si2, si3, si4, si5]
    di = [di0, di1, di2, di3, di4, di5]
    gi = [gi0, gi1, gi2, gi3, gi4, gi5]
    sg = [sg0, sg1]
    ss = [ss0, ss1]

    zeros16 = jnp.zeros((16,), jnp.float32)

    @pl.loop(0, B)
    def _zero(r):
        for q in range(HALF // 16):
            hc0[r, pl.ds(q * 16, 16)] = zeros16
        ex0[r] = zeros16

    base = s * ROWS_PER_TILE
    for i in range(ROWS_PER_TILE // B):
        pltpu.sync_copy(hc0, num_sh.at[pl.ds(base + i * B, B)])
        pltpu.sync_copy(ex0, den_sh.at[pl.ds(base + i * B, B)])
    plsc.subcore_barrier()

    head_idx = [jnp.broadcast_to(4 * c + hd, (16, 1)) for hd in range(4)]
    dnums = lax.GatherDimensionNumbers(
        offset_dims=(), collapsed_slice_dims=(0,), start_index_map=(0,))

    def vgather(vec, idx):
        return lax.gather(vec, idx, dnums, (1,),
                          mode=lax.GatherScatterMode.PROMISE_IN_BOUNDS)

    src_row = srcr_hbm.at[s]
    dst_row = dstr_hbm.at[s]

    def issue_idx(j, q):
        jb = j * B
        pltpu.async_copy(src_row.at[pl.ds(jb, B)], si[q], gi[q])
        pltpu.async_copy(dst_row.at[pl.ds(jb, B)], di[q], gi[q])

    def wait_idx(q):
        pltpu.make_async_copy(src_row.at[pl.ds(0, B)], si[q], gi[q]).wait()
        pltpu.make_async_copy(src_row.at[pl.ds(0, B)], di[q], gi[q]).wait()

    def issue_gathers(p, q):
        pltpu.async_copy(acat_hbm.at[si[q]], as_b[p], sg[p])
        pltpu.async_copy(acat2_hbm.at[di[q]], ad_b[p], sg[p])

        @pl.when(c == 0)
        def _():
            pltpu.async_copy(h0_hbm.at[si[q]], h_b[p], sg[p])

        @pl.when(c == 1)
        def _():
            pltpu.async_copy(h1_hbm.at[si[q]], h_b[p], sg[p])

    def wait_gathers(p, q):
        pltpu.make_async_copy(acat_hbm.at[si[q]], as_b[p], sg[p]).wait()
        pltpu.make_async_copy(acat_hbm.at[si[q]], ad_b[p], sg[p]).wait()
        pltpu.make_async_copy(h0_hbm.at[si[q]], h_b[p], sg[p]).wait()

    MASK_HI = jnp.int32(-65536)

    def block_valid(j):
        return (s * NBLK + j) * B < N_EDGES

    def den_turn(j):
        return block_valid(j) & (jnp.bitwise_and(j, 1) == c)

    def issue_scatters(j, p, q):
        @pl.when(block_valid(j))
        def _():
            pltpu.async_copy(hs_b[p], num_sh.at[di[q]], ss[p], add=True)

        @pl.when(den_turn(j))
        def _():
            pltpu.async_copy(ex_b[p], den_sh.at[di[q]], ss[p], add=True)

    def wait_scatters(j, p, q):
        @pl.when(block_valid(j))
        def _():
            pltpu.make_async_copy(hs_b[p], num_sh.at[di[q]], ss[p]).wait()

        @pl.when(den_turn(j))
        def _():
            pltpu.make_async_copy(ex_b[p], den_sh.at[di[q]], ss[p]).wait()

    def step(j, p, q):
        @pl.when(j + 2 < NBLK)
        def _():
            issue_idx(j + 2, (q + 2) % IDXR)

        @pl.when(j + 1 < NBLK)
        def _():
            wait_idx((q + 1) % IDXR)
            issue_gathers((p + 1) % NBUF, (q + 1) % IDXR)

        @pl.when(j >= 2)
        def _():
            wait_scatters(j - 2, p, (q + 4) % IDXR)

        wait_gathers(p, q)

        @plsc.parallel_loop(0, B, unroll=4)
        def _row(r):
            al = as_b[p][r] + ad_b[p][r]
            exr = jnp.exp(jnp.maximum(al, al * 0.2))
            ex_b[p][r] = exr
            for hd in range(4):
                wv = vgather(exr, head_idx[hd])
                v = h_b[p][r, pl.ds(hd * 16, 16)]
                lo = plsc.bitcast(lax.shift_left(v, 16), jnp.float32)
                hi = plsc.bitcast(lax.bitwise_and(v, MASK_HI), jnp.float32)
                hs_b[p][r, pl.ds(hd * 32, 16)] = lo * wv
                hs_b[p][r, pl.ds(hd * 32 + 16, 16)] = hi * wv

        issue_scatters(j, p, q)

    issue_idx(0, 0)
    issue_idx(1, 1)
    wait_idx(0)
    issue_gathers(0, 0)

    @pl.loop(0, NBLK // IDXR)
    def _outer(g):
        for u in range(IDXR):
            step(g * IDXR + u, u % NBUF, u)

    wait_scatters(NBLK - 2, (NBLK - 2) % NBUF, (NBLK - 2) % IDXR)
    wait_scatters(NBLK - 1, (NBLK - 1) % NBUF, (NBLK - 1) % IDXR)
    plsc.subcore_barrier()

    rows = pl.ds(base, ROWS_PER_TILE)
    pltpu.sync_copy(den_sh.at[rows], den_hbm.at[c].at[rows])

    @pl.when(c == 0)
    def _():
        pltpu.sync_copy(num_sh.at[rows], num0_hbm.at[rows])

    @pl.when(c == 1)
    def _():
        pltpu.sync_copy(num_sh.at[rows], num1_hbm.at[rows])


def _finish_kernel(n0_ref, n1_ref, den_ref, x_ref, bias_ref, g_ref, b_ref,
                   o_ref):
    den = den_ref[0] + den_ref[1]
    parts = []
    for hh in range(HEADS):
        nref = n0_ref if hh < 4 else n1_ref
        nh = nref[:, (hh % 4) * HEAD_DIM:(hh % 4 + 1) * HEAD_DIM]
        dh = den[:, hh:hh + 1] + 1e-16
        parts.append(nh / dh)
    out = jnp.concatenate(parts, axis=-1)
    out = out + bias_ref[...][None, :] + x_ref[...]
    mean = jnp.mean(out, axis=-1, keepdims=True)
    var = jnp.mean((out - mean) ** 2, axis=-1, keepdims=True)
    out = (out - mean) * lax.rsqrt(var + 1e-5)
    out = out * g_ref[...][None, :] + b_ref[...][None, :]
    o_ref[...] = jnp.maximum(out, 0.0)


_SC_PARAMS = pltpu.CompilerParams(needs_layout_passes=False,
                                  use_tc_tiling_on_sc=False)


def kernel(x, edge_index, W, att_src, att_dst, bias, ln_gamma, ln_beta):
    N = x.shape[0]
    grid = N // ROW_BLK

    h0, h1, acat, acat2 = pl.pallas_call(
        _matmul_kernel,
        grid=(grid,),
        in_specs=[
            pl.BlockSpec((ROW_BLK, D), lambda i: (i, 0)),
            pl.BlockSpec((D, D), lambda i: (0, 0)),
            pl.BlockSpec((HEADS, HEAD_DIM), lambda i: (0, 0)),
            pl.BlockSpec((HEADS, HEAD_DIM), lambda i: (0, 0)),
        ],
        out_specs=[
            pl.BlockSpec((ROW_BLK, HALF), lambda i: (i, 0)),
            pl.BlockSpec((ROW_BLK, HALF), lambda i: (i, 0)),
            pl.BlockSpec((ROW_BLK, 2 * HEADS), lambda i: (i, 0)),
            pl.BlockSpec((ROW_BLK, 2 * HEADS), lambda i: (i, 0)),
        ],
        out_shape=[
            jax.ShapeDtypeStruct((N, HALF), jnp.float32),
            jax.ShapeDtypeStruct((N, HALF), jnp.float32),
            jax.ShapeDtypeStruct((N, 2 * HEADS), jnp.float32),
            jax.ShapeDtypeStruct((N, 2 * HEADS), jnp.float32),
        ],
    )(x, W, att_src, att_dst)

    def pack_bf16(hh):
        hp = jnp.transpose(hh.reshape(N, 4, 2, 16), (0, 1, 3, 2))
        hp = hp.reshape(N, HALF).astype(jnp.bfloat16)
        return lax.bitcast_convert_type(hp.reshape(N, HALF // 2, 2),
                                        jnp.int32)

    h0 = pack_bf16(h0)
    h1 = pack_bf16(h1)

    src = edge_index[0].astype(jnp.int32)
    dst = edge_index[1].astype(jnp.int32)
    pad = E_PAD - N_EDGES
    src_r = jnp.pad(src, (0, pad)).reshape(N_SUBCORES, NBLK * B)
    dst_r = jnp.pad(dst, (0, pad)).reshape(N_SUBCORES, NBLK * B)

    mesh = plsc.VectorSubcoreMesh(core_axis_name="c", subcore_axis_name="s")
    num0, num1, den = pl.kernel(
        _edge_kernel,
        out_type=[
            jax.ShapeDtypeStruct((N_PAD, HALF), jnp.float32),
            jax.ShapeDtypeStruct((N_PAD, HALF), jnp.float32),
            jax.ShapeDtypeStruct((2, N_PAD, 16), jnp.float32),
        ],
        mesh=mesh,
        compiler_params=_SC_PARAMS,
        scratch_types=(
            [pltpu.VMEM((B, 16), jnp.float32)] * (3 * NBUF)
            + [pltpu.VMEM((B, HALF // 2), jnp.int32)] * NBUF
            + [pltpu.VMEM((B, HALF), jnp.float32)] * NBUF
            + [pltpu.VMEM((B,), jnp.int32)] * (2 * IDXR)
            + [pltpu.VMEM_SHARED((N_PAD, HALF), jnp.float32),
               pltpu.VMEM_SHARED((N_PAD, 16), jnp.float32)]
            + [pltpu.SemaphoreType.DMA] * (IDXR + 2 * NBUF)
        ),
    )(h0, h1, acat, acat2, src_r, dst_r)

    out = pl.pallas_call(
        _finish_kernel,
        grid=(grid,),
        in_specs=[
            pl.BlockSpec((ROW_BLK, HALF), lambda i: (i, 0)),
            pl.BlockSpec((ROW_BLK, HALF), lambda i: (i, 0)),
            pl.BlockSpec((2, ROW_BLK, 16), lambda i: (0, i, 0)),
            pl.BlockSpec((ROW_BLK, D), lambda i: (i, 0)),
            pl.BlockSpec((D,), lambda i: (0,)),
            pl.BlockSpec((D,), lambda i: (0,)),
            pl.BlockSpec((D,), lambda i: (0,)),
        ],
        out_specs=pl.BlockSpec((ROW_BLK, D), lambda i: (i, 0)),
        out_shape=jax.ShapeDtypeStruct((N, D), jnp.float32),
    )(num0, num1, den, x, bias, ln_gamma, ln_beta)
    return out

# --- scband reference (transcript-rebuilt; emitter-appended) ---
"""Pipeline reference for scband-context-gnnlayer-90305982365987 (READ-ONLY COPY).

The authoritative reference and input builder live on the scoring server;
editing this copy changes nothing except your own understanding.
"""

import jax, jax.numpy as jnp
import numpy as np

N_NODES = 10000
N_EDGES = 160000
D = 256
HEADS = 8
HEAD_DIM = D // HEADS


def setup_inputs(seed: int = 0) -> dict:
    key = jax.random.key(seed)
    ks = jax.random.split(key, 8)
    x = jax.random.normal(ks[0], (N_NODES, D), dtype=jnp.float32)
    edge_index = jax.random.randint(ks[1], (2, N_EDGES), 0, N_NODES, dtype=jnp.int64)
    scale = 1.0 / np.sqrt(D)
    W = jax.random.normal(ks[2], (D, HEADS * HEAD_DIM), dtype=jnp.float32) * scale
    att_src = jax.random.normal(ks[3], (HEADS, HEAD_DIM), dtype=jnp.float32) * scale
    att_dst = jax.random.normal(ks[4], (HEADS, HEAD_DIM), dtype=jnp.float32) * scale
    bias = jnp.zeros((HEADS * HEAD_DIM,), dtype=jnp.float32)
    ln_gamma = jnp.ones((D,), dtype=jnp.float32)
    ln_beta = jnp.zeros((D,), dtype=jnp.float32)
    return {"x": x, "edge_index": edge_index, "W": W, "att_src": att_src,
            "att_dst": att_dst, "bias": bias, "ln_gamma": ln_gamma, "ln_beta": ln_beta}


def reference(x, edge_index, W, att_src, att_dst, bias, ln_gamma, ln_beta):
    # GATConv (PyG semantics, concat=True), dropout inactive (eval mode)
    N = x.shape[0]
    h = (x @ W).reshape(N, HEADS, HEAD_DIM)                      # [N, H, C]
    a_src = jnp.sum(h * att_src[None, :, :], axis=-1)            # [N, H]
    a_dst = jnp.sum(h * att_dst[None, :, :], axis=-1)            # [N, H]
    src = edge_index[0]
    dst = edge_index[1]
    alpha = a_src[src] + a_dst[dst]                              # [E, H]
    alpha = jax.nn.leaky_relu(alpha, negative_slope=0.2)
    # segment softmax over destination nodes
    amax = jax.ops.segment_max(alpha, dst, num_segments=N)       # [N, H]
    amax = jnp.where(jnp.isfinite(amax), amax, 0.0)
    ex = jnp.exp(alpha - amax[dst])                              # [E, H]
    denom = jax.ops.segment_sum(ex, dst, num_segments=N)         # [N, H]
    alpha_n = ex / (denom[dst] + 1e-16)                          # [E, H]
    msg = h[src] * alpha_n[:, :, None]                           # [E, H, C]
    out = jax.ops.segment_sum(msg, dst, num_segments=N)          # [N, H, C]
    out = out.reshape(N, HEADS * HEAD_DIM) + bias[None, :]
    # residual (input_dim == output_dim, no projection)
    out = out + x
    # LayerNorm
    mean = jnp.mean(out, axis=-1, keepdims=True)
    var = jnp.var(out, axis=-1, keepdims=True)
    out = (out - mean) / jnp.sqrt(var + 1e-5) * ln_gamma[None, :] + ln_beta[None, :]
    # ReLU (dropout is identity in eval)
    out = jax.nn.relu(out)
    return out

if __name__ == "__main__":
    import jax
    _d = setup_inputs()
    print(jax.jit(kernel)(*tuple(_d.values())))

</pallas_src>

<mosaic_0001>
#map = affine_map<(d0, d1) -> (0, 0)>
#map1 = affine_map<(d0, d1) -> (0, 0, 0)>
module attributes {stable_mosaic.version = 14 : i64} {
  func.func @_edge_kernel(%arg0: i32, %arg1: i32, %arg2: memref<10000x64xi32, #tpu.memory_space<hbm>>, %arg3: memref<10000x64xi32, #tpu.memory_space<hbm>>, %arg4: memref<10000x16xf32, #tpu.memory_space<hbm>>, %arg5: memref<10000x16xf32, #tpu.memory_space<hbm>>, %arg6: memref<16x10368xi32, #tpu.memory_space<hbm>>, %arg7: memref<16x10368xi32, #tpu.memory_space<hbm>>, %arg8: memref<10240x128xf32, #tpu.memory_space<hbm>>, %arg9: memref<10240x128xf32, #tpu.memory_space<hbm>>, %arg10: memref<2x10240x16xf32, #tpu.memory_space<hbm>>, %arg11: memref<64x16xf32, #tpu.memory_space<vmem>>, %arg12: memref<64x16xf32, #tpu.memory_space<vmem>>, %arg13: memref<64x16xf32, #tpu.memory_space<vmem>>, %arg14: memref<64x16xf32, #tpu.memory_space<vmem>>, %arg15: memref<64x16xf32, #tpu.memory_space<vmem>>, %arg16: memref<64x16xf32, #tpu.memory_space<vmem>>, %arg17: memref<64x64xi32, #tpu.memory_space<vmem>>, %arg18: memref<64x64xi32, #tpu.memory_space<vmem>>, %arg19: memref<64x128xf32, #tpu.memory_space<vmem>>, %arg20: memref<64x128xf32, #tpu.memory_space<vmem>>, %arg21: memref<64xi32, #tpu.memory_space<vmem>>, %arg22: memref<64xi32, #tpu.memory_space<vmem>>, %arg23: memref<64xi32, #tpu.memory_space<vmem>>, %arg24: memref<64xi32, #tpu.memory_space<vmem>>, %arg25: memref<64xi32, #tpu.memory_space<vmem>>, %arg26: memref<64xi32, #tpu.memory_space<vmem>>, %arg27: memref<64xi32, #tpu.memory_space<vmem>>, %arg28: memref<64xi32, #tpu.memory_space<vmem>>, %arg29: memref<64xi32, #tpu.memory_space<vmem>>, %arg30: memref<64xi32, #tpu.memory_space<vmem>>, %arg31: memref<64xi32, #tpu.memory_space<vmem>>, %arg32: memref<64xi32, #tpu.memory_space<vmem>>, %arg33: memref<10240x128xf32, #tpu.memory_space<vmem_shared>>, %arg34: memref<10240x16xf32, #tpu.memory_space<vmem_shared>>, %arg35: memref<!tpu.dma_semaphore, #tpu.memory_space<semaphore_mem>>, %arg36: memref<!tpu.dma_semaphore, #tpu.memory_space<semaphore_mem>>, %arg37: memref<!tpu.dma_semaphore, #tpu.memory_space<semaphore_mem>>, %arg38: memref<!tpu.dma_semaphore, #tpu.memory_space<semaphore_mem>>, %arg39: memref<!tpu.dma_semaphore, #tpu.memory_space<semaphore_mem>>, %arg40: memref<!tpu.dma_semaphore, #tpu.memory_space<semaphore_mem>>, %arg41: memref<!tpu.dma_semaphore, #tpu.memory_space<semaphore_mem>>, %arg42: memref<!tpu.dma_semaphore, #tpu.memory_space<semaphore_mem>>, %arg43: memref<!tpu.dma_semaphore, #tpu.memory_space<semaphore_mem>>, %arg44: memref<!tpu.dma_semaphore, #tpu.memory_space<semaphore_mem>>) attributes {dimension_semantics = [#tpu.dimension_semantics<core_parallel>, #tpu.dimension_semantics<subcore_parallel>], iteration_bounds = array<i64: 2, 16>, scalar_prefetch = 0 : i64, scratch_operands = 34 : i64, tpu.core_type = #tpu.core_type<sc_vector_subcore>, window_params = [{transform_indices = #map}, {transform_indices = #map}, {transform_indices = #map}, {transform_indices = #map}, {transform_indices = #map}, {transform_indices = #map}, {transform_indices = #map}, {transform_indices = #map}, {transform_indices = #map1}]} {
    %broadcast_in_dim3A = arith.constant 0.000000e+00 : f32
    %broadcast_in_dim3A_0 = vector.broadcast %broadcast_in_dim3A : f32 to vector<16xf32>
    %scan3A = arith.constant 0 : i32
    %scan3A_1 = arith.constant 64 : i32
    %scan3A_2 = arith.addi %scan3A, %scan3A_1 : i32
    %scan3A_3 = arith.constant 1 : i32
    scf.for %scan3A_205 = %scan3A to %scan3A_2 step %scan3A_3  : i32 {
      %mul3A_206 = arith.constant 1 : i32
      %mul3A_207 = arith.muli %scan3A_205, %mul3A_206 : i32
      %add3A_208 = arith.constant 0 : i32
      %add3A_209 = arith.addi %add3A_208, %mul3A_207 : i32
      %swap3A = arith.index_cast %add3A_209 : i32 to index
      %swap3A_210 = arith.constant 0 : index
      %swap3A_211 = tpu.vector_load %arg19[%swap3A, %swap3A_210] {strides = array<i32>} : memref<64x128xf32, #tpu.memory_space<vmem>>, vector<16xf32>,
      tpu.vector_store %arg19[%swap3A, %swap3A_210], %broadcast_in_dim3A_0 {strides = array<i32>} : memref<64x128xf32, #tpu.memory_space<vmem>>, vector<16xf32>,
      %swap3A_212 = arith.index_cast %add3A_209 : i32 to index
      %swap3A_213 = arith.constant 16 : index
      %swap3A_214 = tpu.vector_load %arg19[%swap3A_212, %swap3A_213] {strides = array<i32>} : memref<64x128xf32, #tpu.memory_space<vmem>>, vector<16xf32>,
      tpu.vector_store %arg19[%swap3A_212, %swap3A_213], %broadcast_in_dim3A_0 {strides = array<i32>} : memref<64x128xf32, #tpu.memory_space<vmem>>, vector<16xf32>,
      %swap3A_215 = arith.index_cast %add3A_209 : i32 to index
      %swap3A_216 = arith.constant 32 : index
      %swap3A_217 = tpu.vector_load %arg19[%swap3A_215, %swap3A_216] {strides = array<i32>} : memref<64x128xf32, #tpu.memory_space<vmem>>, vector<16xf32>,
      tpu.vector_store %arg19[%swap3A_215, %swap3A_216], %broadcast_in_dim3A_0 {strides = array<i32>} : memref<64x128xf32, #tpu.memory_space<vmem>>, vector<16xf32>,
      %swap3A_218 = arith.index_cast %add3A_209 : i32 to index
      %swap3A_219 = arith.constant 48 : index
      %swap3A_220 = tpu.vector_load %arg19[%swap3A_218, %swap3A_219] {strides = array<i32>} : memref<64x128xf32, #tpu.memory_space<vmem>>, vector<16xf32>,
      tpu.vector_store %arg19[%swap3A_218, %swap3A_219], %broadcast_in_dim3A_0 {strides = array<i32>} : memref<64x128xf32, #tpu.memory_space<vmem>>, vector<16xf32>,
      %swap3A_221 = arith.index_cast %add3A_209 : i32 to index
      %swap3A_222 = arith.constant 64 : index
      %swap3A_223 = tpu.vector_load %arg19[%swap3A_221, %swap3A_222] {strides = array<i32>} : memref<64x128xf32, #tpu.memory_space<vmem>>, vector<16xf32>,
      tpu.vector_store %arg19[%swap3A_221, %swap3A_222], %broadcast_in_dim3A_0 {strides = array<i32>} : memref<64x128xf32, #tpu.memory_space<vmem>>, vector<16xf32>,
      %swap3A_224 = arith.index_cast %add3A_209 : i32 to index
      %swap3A_225 = arith.constant 80 : index
      %swap3A_226 = tpu.vector_load %arg19[%swap3A_224, %swap3A_225] {strides = array<i32>} : memref<64x128xf32, #tpu.memory_space<vmem>>, vector<16xf32>,
      tpu.vector_store %arg19[%swap3A_224, %swap3A_225], %broadcast_in_dim3A_0 {strides = array<i32>} : memref<64x128xf32, #tpu.memory_space<vmem>>, vector<16xf32>,
      %swap3A_227 = arith.index_cast %add3A_209 : i32 to index
      %swap3A_228 = arith.constant 96 : index
      %swap3A_229 = tpu.vector_load %arg19[%swap3A_227, %swap3A_228] {strides = array<i32>} : memref<64x128xf32, #tpu.memory_space<vmem>>, vector<16xf32>,
      tpu.vector_store %arg19[%swap3A_227, %swap3A_228], %broadcast_in_dim3A_0 {strides = array<i32>} : memref<64x128xf32, #tpu.memory_space<vmem>>, vector<16xf32>,
      %swap3A_230 = arith.index_cast %add3A_209 : i32 to index
      %swap3A_231 = arith.constant 112 : index
      %swap3A_232 = tpu.vector_load %arg19[%swap3A_230, %swap3A_231] {strides = array<i32>} : memref<64x128xf32, #tpu.memory_space<vmem>>, vector<16xf32>,
      tpu.vector_store %arg19[%swap3A_230, %swap3A_231], %broadcast_in_dim3A_0 {strides = array<i32>} : memref<64x128xf32, #tpu.memory_space<vmem>>, vector<16xf32>,
      %swap3A_233 = arith.index_cast %add3A_209 : i32 to index
      %swap3A_234 = arith.constant 0 : index
      %swap3A_235 = tpu.vector_load %arg15[%swap3A_233, %swap3A_234] {strides = array<i32>} : memref<64x16xf32, #tpu.memory_space<vmem>>, vector<16xf32>,
      tpu.vector_store %arg15[%swap3A_233, %swap3A_234], %broadcast_in_dim3A_0 {strides = array<i32>} : memref<64x16xf32, #tpu.memory_space<vmem>>, vector<16xf32>,
    }
    %scan3A_4 = arith.constant 64 : i32
    %mul3A = arith.constant 640 : i32
    %mul3A_5 = arith.muli %arg1, %mul3A : i32
    %add3A = arith.constant 0 : i32
    %add3A_6 = arith.addi %mul3A_5, %add3A : i32
    "tpu.region"() ({
      %run_scoped3A = tpu.sem_alloc : memref<!tpu.dma_semaphore, #tpu.memory_space<semaphore_mem>>
      %dma_start3A_205 = arith.constant 0 : i32
      %dma_start3A_206 = tpu.memref_slice %arg33[%add3A_6, %dma_start3A_205] : memref<10240x128xf32, #tpu.memory_space<vmem_shared>> -> memref<64x128xf32, #tpu.memory_space<vmem_shared>>
      %dma_start3A_207 = arith.constant 0 : i32
      %dma_start3A_208 = tpu.memref_slice %arg33[%add3A_6, %dma_start3A_207] : memref<10240x128xf32, #tpu.memory_space<vmem_shared>> -> memref<64x128xf32, #tpu.memory_space<vmem_shared>>
      tpu.enqueue_dma source(%arg19 : memref<64x128xf32, #tpu.memory_space<vmem>>) target(%dma_start3A_208 : memref<64x128xf32, #tpu.memory_space<vmem_shared>>) target_semaphore(%run_scoped3A : memref<!tpu.dma_semaphore, #tpu.memory_space<semaphore_mem>>)
      %dma_wait3A_209 = arith.constant 0 : i32
      %dma_wait3A_210 = tpu.memref_slice %arg33[%add3A_6, %dma_wait3A_209] : memref<10240x128xf32, #tpu.memory_space<vmem_shared>> -> memref<64x128xf32, #tpu.memory_space<vmem_shared>>
      %dma_wait3A_211 = arith.constant 0 : i32
      %dma_wait3A_212 = tpu.memref_slice %arg33[%add3A_6, %dma_wait3A_211] : memref<10240x128xf32, #tpu.memory_space<vmem_shared>> -> memref<64x128xf32, #tpu.memory_space<vmem_shared>>
      tpu.wait_dma2 semaphore(%run_scoped3A : memref<!tpu.dma_semaphore, #tpu.memory_space<semaphore_mem>>) src(%arg19 : memref<64x128xf32, #tpu.memory_space<vmem>>) dst(%dma_wait3A_212 : memref<64x128xf32, #tpu.memory_space<vmem_shared>>)
      tpu.yield
    }) : () -> ()
    %add3A_7 = arith.constant 0 : i32
    %add3A_8 = arith.addi %mul3A_5, %add3A_7 : i32
    "tpu.region"() ({
      %run_scoped3A = tpu.sem_alloc : memref<!tpu.dma_semaphore, #tpu.memory_space<semaphore_mem>>
      %dma_start3A_205 = arith.constant 0 : i32
      %dma_start3A_206 = tpu.memref_slice %arg34[%add3A_8, %dma_start3A_205] : memref<10240x16xf32, #tpu.memory_space<vmem_shared>> -> memref<64x16xf32, #tpu.memory_space<vmem_shared>>
      %dma_start3A_207 = arith.constant 0 : i32
      %dma_start3A_208 = tpu.memref_slice %arg34[%add3A_8, %dma_start3A_207] : memref<10240x16xf32, #tpu.memory_space<vmem_shared>> -> memref<64x16xf32, #tpu.memory_space<vmem_shared>>
      tpu.enqueue_dma source(%arg15 : memref<64x16xf32, #tpu.memory_space<vmem>>) target(%dma_start3A_208 : memref<64x16xf32, #tpu.memory_space<vmem_shared>>) target_semaphore(%run_scoped3A : memref<!tpu.dma_semaphore, #tpu.memory_space<semaphore_mem>>)
      %dma_wait3A_209 = arith.constant 0 : i32
      %dma_wait3A_210 = tpu.memref_slice %arg34[%add3A_8, %dma_wait3A_209] : memref<10240x16xf32, #tpu.memory_space<vmem_shared>> -> memref<64x16xf32, #tpu.memory_space<vmem_shared>>
      %dma_wait3A_211 = arith.constant 0 : i32
      %dma_wait3A_212 = tpu.memref_slice %arg34[%add3A_8, %dma_wait3A_211] : memref<10240x16xf32, #tpu.memory_space<vmem_shared>> -> memref<64x16xf32, #tpu.memory_space<vmem_shared>>
      tpu.wait_dma2 semaphore(%run_scoped3A : memref<!tpu.dma_semaphore, #tpu.memory_space<semaphore_mem>>) src(%arg15 : memref<64x16xf32, #tpu.memory_space<vmem>>) dst(%dma_wait3A_212 : memref<64x16xf32, #tpu.memory_space<vmem_shared>>)
      tpu.yield
    }) : () -> ()
    %add3A_9 = arith.constant 64 : i32
    %add3A_10 = arith.addi %mul3A_5, %add3A_9 : i32
    "tpu.region"() ({
      %run_scoped3A = tpu.sem_alloc : memref<!tpu.dma_semaphore, #tpu.memory_space<semaphore_mem>>
      %dma_start3A_205 = arith.constant 0 : i32
      %dma_start3A_206 = tpu.memref_slice %arg33[%add3A_10, %dma_start3A_205] : memref<10240x128xf32, #tpu.memory_space<vmem_shared>> -> memref<64x128xf32, #tpu.memory_space<vmem_shared>>
      %dma_start3A_207 = arith.constant 0 : i32
      %dma_start3A_208 = tpu.memref_slice %arg33[%add3A_10, %dma_start3A_207] : memref<10240x128xf32, #tpu.memory_space<vmem_shared>> -> memref<64x128xf32, #tpu.memory_space<vmem_shared>>
      tpu.enqueue_dma source(%arg19 : memref<64x128xf32, #tpu.memory_space<vmem>>) target(%dma_start3A_208 : memref<64x128xf32, #tpu.memory_space<vmem_shared>>) target_semaphore(%run_scoped3A : memref<!tpu.dma_semaphore, #tpu.memory_space<semaphore_mem>>)
      %dma_wait3A_209 = arith.constant 0 : i32
      %dma_wait3A_210 = tpu.memref_slice %arg33[%add3A_10, %dma_wait3A_209] : memref<10240x128xf32, #tpu.memory_space<vmem_shared>> -> memref<64x128xf32, #tpu.memory_space<vmem_shared>>
      %dma_wait3A_211 = arith.constant 0 : i32
      %dma_wait3A_212 = tpu.memref_slice %arg33[%add3A_10, %dma_wait3A_211] : memref<10240x128xf32, #tpu.memory_space<vmem_shared>> -> memref<64x128xf32, #tpu.memory_space<vmem_shared>>
      tpu.wait_dma2 semaphore(%run_scoped3A : memref<!tpu.dma_semaphore, #tpu.memory_space<semaphore_mem>>) src(%arg19 : memref<64x128xf32, #tpu.memory_space<vmem>>) dst(%dma_wait3A_212 : memref<64x128xf32, #tpu.memory_space<vmem_shared>>)
      tpu.yield
    }) : () -> ()
    %add3A_11 = arith.constant 64 : i32
    %add3A_12 = arith.addi %mul3A_5, %add3A_11 : i32
    "tpu.region"() ({
      %run_scoped3A = tpu.sem_alloc : memref<!tpu.dma_semaphore, #tpu.memory_space<semaphore_mem>>
      %dma_start3A_205 = arith.constant 0 : i32
      %dma_start3A_206 = tpu.memref_slice %arg34[%add3A_12, %dma_start3A_205] : memref<10240x16xf32, #tpu.memory_space<vmem_shared>> -> memref<64x16xf32, #tpu.memory_space<vmem_shared>>
      %dma_start3A_207 = arith.constant 0 : i32
      %dma_start3A_208 = tpu.memref_slice %arg34[%add3A_12, %dma_start3A_207] : memref<10240x16xf32, #tpu.memory_space<vmem_shared>> -> memref<64x16xf32, #tpu.memory_space<vmem_shared>>
      tpu.enqueue_dma source(%arg15 : memref<64x16xf32, #tpu.memory_space<vmem>>) target(%dma_start3A_208 : memref<64x16xf32, #tpu.memory_space<vmem_shared>>) target_semaphore(%run_scoped3A : memref<!tpu.dma_semaphore, #tpu.memory_space<semaphore_mem>>)
      %dma_wait3A_209 = arith.constant 0 : i32
      %dma_wait3A_210 = tpu.memref_slice %arg34[%add3A_12, %dma_wait3A_209] : memref<10240x16xf32, #tpu.memory_space<vmem_shared>> -> memref<64x16xf32, #tpu.memory_space<vmem_shared>>
      %dma_wait3A_211 = arith.constant 0 : i32
      %dma_wait3A_212 = tpu.memref_slice %arg34[%add3A_12, %dma_wait3A_211] : memref<10240x16xf32, #tpu.memory_space<vmem_shared>> -> memref<64x16xf32, #tpu.memory_space<vmem_shared>>
      tpu.wait_dma2 semaphore(%run_scoped3A : memref<!tpu.dma_semaphore, #tpu.memory_space<semaphore_mem>>) src(%arg15 : memref<64x16xf32, #tpu.memory_space<vmem>>) dst(%dma_wait3A_212 : memref<64x16xf32, #tpu.memory_space<vmem_shared>>)
      tpu.yield
    }) : () -> ()
    %add3A_13 = arith.constant 128 : i32
    %add3A_14 = arith.addi %mul3A_5, %add3A_13 : i32
    "tpu.region"() ({
      %run_scoped3A = tpu.sem_alloc : memref<!tpu.dma_semaphore, #tpu.memory_space<semaphore_mem>>
      %dma_start3A_205 = arith.constant 0 : i32
      %dma_start3A_206 = tpu.memref_slice %arg33[%add3A_14, %dma_start3A_205] : memref<10240x128xf32, #tpu.memory_space<vmem_shared>> -> memref<64x128xf32, #tpu.memory_space<vmem_shared>>
      %dma_start3A_207 = arith.constant 0 : i32
      %dma_start3A_208 = tpu.memref_slice %arg33[%add3A_14, %dma_start3A_207] : memref<10240x128xf32, #tpu.memory_space<vmem_shared>> -> memref<64x128xf32, #tpu.memory_space<vmem_shared>>
      tpu.enqueue_dma source(%arg19 : memref<64x128xf32, #tpu.memory_space<vmem>>) target(%dma_start3A_208 : memref<64x128xf32, #tpu.memory_space<vmem_shared>>) target_semaphore(%run_scoped3A : memref<!tpu.dma_semaphore, #tpu.memory_space<semaphore_mem>>)
      %dma_wait3A_209 = arith.constant 0 : i32
      %dma_wait3A_210 = tpu.memref_slice %arg33[%add3A_14, %dma_wait3A_209] : memref<10240x128xf32, #tpu.memory_space<vmem_shared>> -> memref<64x128xf32, #tpu.memory_space<vmem_shared>>
      %dma_wait3A_211 = arith.constant 0 : i32
      %dma_wait3A_212 = tpu.memref_slice %arg33[%add3A_14, %dma_wait3A_211] : memref<10240x128xf32, #tpu.memory_space<vmem_shared>> -> memref<64x128xf32, #tpu.memory_space<vmem_shared>>
      tpu.wait_dma2 semaphore(%run_scoped3A : memref<!tpu.dma_semaphore, #tpu.memory_space<semaphore_mem>>) src(%arg19 : memref<64x128xf32, #tpu.memory_space<vmem>>) dst(%dma_wait3A_212 : memref<64x128xf32, #tpu.memory_space<vmem_shared>>)
      tpu.yield
    }) : () -> ()
    %add3A_15 = arith.constant 128 : i32
    %add3A_16 = arith.addi %mul3A_5, %add3A_15 : i32
    "tpu.region"() ({
      %run_scoped3A = tpu.sem_alloc : memref<!tpu.dma_semaphore, #tpu.memory_space<semaphore_mem>>
      %dma_start3A_205 = arith.constant 0 : i32
      %dma_start3A_206 = tpu.memref_slice %arg34[%add3A_16, %dma_start3A_205] : memref<10240x16xf32, #tpu.memory_space<vmem_shared>> -> memref<64x16xf32, #tpu.memory_space<vmem_shared>>
      %dma_start3A_207 = arith.constant 0 : i32
      %dma_start3A_208 = tpu.memref_slice %arg34[%add3A_16, %dma_start3A_207] : memref<10240x16xf32, #tpu.memory_space<vmem_shared>> -> memref<64x16xf32, #tpu.memory_space<vmem_shared>>
      tpu.enqueue_dma source(%arg15 : memref<64x16xf32, #tpu.memory_space<vmem>>) target(%dma_start3A_208 : memref<64x16xf32, #tpu.memory_space<vmem_shared>>) target_semaphore(%run_scoped3A : memref<!tpu.dma_semaphore, #tpu.memory_space<semaphore_mem>>)
      %dma_wait3A_209 = arith.constant 0 : i32
      %dma_wait3A_210 = tpu.memref_slice %arg34[%add3A_16, %dma_wait3A_209] : memref<10240x16xf32, #tpu.memory_space<vmem_shared>> -> memref<64x16xf32, #tpu.memory_space<vmem_shared>>
      %dma_wait3A_211 = arith.constant 0 : i32
      %dma_wait3A_212 = tpu.memref_slice %arg34[%add3A_16, %dma_wait3A_211] : memref<10240x16xf32, #tpu.memory_space<vmem_shared>> -> memref<64x16xf32, #tpu.memory_space<vmem_shared>>
      tpu.wait_dma2 semaphore(%run_scoped3A : memref<!tpu.dma_semaphore, #tpu.memory_space<semaphore_mem>>) src(%arg15 : memref<64x16xf32, #tpu.memory_space<vmem>>) dst(%dma_wait3A_212 : memref<64x16xf32, #tpu.memory_space<vmem_shared>>)
      tpu.yield
    }) : () -> ()
    %add3A_17 = arith.constant 192 : i32
    %add3A_18 = arith.addi %mul3A_5, %add3A_17 : i32
    "tpu.region"() ({
      %run_scoped3A = tpu.sem_alloc : memref<!tpu.dma_semaphore, #tpu.memory_space<semaphore_mem>>
      %dma_start3A_205 = arith.constant 0 : i32
      %dma_start3A_206 = tpu.memref_slice %arg33[%add3A_18, %dma_start3A_205] : memref<10240x128xf32, #tpu.memory_space<vmem_shared>> -> memref<64x128xf32, #tpu.memory_space<vmem_shared>>
      %dma_start3A_207 = arith.constant 0 : i32
      %dma_start3A_208 = tpu.memref_slice %arg33[%add3A_18, %dma_start3A_207] : memref<10240x128xf32, #tpu.memory_space<vmem_shared>> -> memref<64x128xf32, #tpu.memory_space<vmem_shared>>
      tpu.enqueue_dma source(%arg19 : memref<64x128xf32, #tpu.memory_space<vmem>>) target(%dma_start3A_208 : memref<64x128xf32, #tpu.memory_space<vmem_shared>>) target_semaphore(%run_scoped3A : memref<!tpu.dma_semaphore, #tpu.memory_space<semaphore_mem>>)
      %dma_wait3A_209 = arith.constant 0 : i32
      %dma_wait3A_210 = tpu.memref_slice %arg33[%add3A_18, %dma_wait3A_209] : memref<10240x128xf32, #tpu.memory_space<vmem_shared>> -> memref<64x128xf32, #tpu.memory_space<vmem_shared>>
      %dma_wait3A_211 = arith.constant 0 : i32
      %dma_wait3A_212 = tpu.memref_slice %arg33[%add3A_18, %dma_wait3A_211] : memref<10240x128xf32, #tpu.memory_space<vmem_shared>> -> memref<64x128xf32, #tpu.memory_space<vmem_shared>>
      tpu.wait_dma2 semaphore(%run_scoped3A : memref<!tpu.dma_semaphore, #tpu.memory_space<semaphore_mem>>) src(%arg19 : memref<64x128xf32, #tpu.memory_space<vmem>>) dst(%dma_wait3A_212 : memref<64x128xf32, #tpu.memory_space<vmem_shared>>)
      tpu.yield
    }) : () -> ()
    %add3A_19 = arith.constant 192 : i32
    %add3A_20 = arith.addi %mul3A_5, %add3A_19 : i32
    "tpu.region"() ({
      %run_scoped3A = tpu.sem_alloc : memref<!tpu.dma_semaphore, #tpu.memory_space<semaphore_mem>>
      %dma_start3A_205 = arith.constant 0 : i32
      %dma_start3A_206 = tpu.memref_slice %arg34[%add3A_20, %dma_start3A_205] : memref<10240x16xf32, #tpu.memory_space<vmem_shared>> -> memref<64x16xf32, #tpu.memory_space<vmem_shared>>
      %dma_start3A_207 = arith.constant 0 : i32
      %dma_start3A_208 = tpu.memref_slice %arg34[%add3A_20, %dma_start3A_207] : memref<10240x16xf32, #tpu.memory_space<vmem_shared>> -> memref<64x16xf32, #tpu.memory_space<vmem_shared>>
      tpu.enqueue_dma source(%arg15 : memref<64x16xf32, #tpu.memory_space<vmem>>) target(%dma_start3A_208 : memref<64x16xf32, #tpu.memory_space<vmem_shared>>) target_semaphore(%run_scoped3A : memref<!tpu.dma_semaphore, #tpu.memory_space<semaphore_mem>>)
      %dma_wait3A_209 = arith.constant 0 : i32
      %dma_wait3A_210 = tpu.memref_slice %arg34[%add3A_20, %dma_wait3A_209] : memref<10240x16xf32, #tpu.memory_space<vmem_shared>> -> memref<64x16xf32, #tpu.memory_space<vmem_shared>>
      %dma_wait3A_211 = arith.constant 0 : i32
      %dma_wait3A_212 = tpu.memref_slice %arg34[%add3A_20, %dma_wait3A_211] : memref<10240x16xf32, #tpu.memory_space<vmem_shared>> -> memref<64x16xf32, #tpu.memory_space<vmem_shared>>
      tpu.wait_dma2 semaphore(%run_scoped3A : memref<!tpu.dma_semaphore, #tpu.memory_space<semaphore_mem>>) src(%arg15 : memref<64x16xf32, #tpu.memory_space<vmem>>) dst(%dma_wait3A_212 : memref<64x16xf32, #tpu.memory_space<vmem_shared>>)
      tpu.yield
    }) : () -> ()
    %add3A_21 = arith.constant 256 : i32
    %add3A_22 = arith.addi %mul3A_5, %add3A_21 : i32
    "tpu.region"() ({
      %run_scoped3A = tpu.sem_alloc : memref<!tpu.dma_semaphore, #tpu.memory_space<semaphore_mem>>
      %dma_start3A_205 = arith.constant 0 : i32
      %dma_start3A_206 = tpu.memref_slice %arg33[%add3A_22, %dma_start3A_205] : memref<10240x128xf32, #tpu.memory_space<vmem_shared>> -> memref<64x128xf32, #tpu.memory_space<vmem_shared>>
      %dma_start3A_207 = arith.constant 0 : i32
      %dma_start3A_208 = tpu.memref_slice %arg33[%add3A_22, %dma_start3A_207] : memref<10240x128xf32, #tpu.memory_space<vmem_shared>> -> memref<64x128xf32, #tpu.memory_space<vmem_shared>>
      tpu.enqueue_dma source(%arg19 : memref<64x128xf32, #tpu.memory_space<vmem>>) target(%dma_start3A_208 : memref<64x128xf32, #tpu.memory_space<vmem_shared>>) target_semaphore(%run_scoped3A : memref<!tpu.dma_semaphore, #tpu.memory_space<semaphore_mem>>)
      %dma_wait3A_209 = arith.constant 0 : i32
      %dma_wait3A_210 = tpu.memref_slice %arg33[%add3A_22, %dma_wait3A_209] : memref<10240x128xf32, #tpu.memory_space<vmem_shared>> -> memref<64x128xf32, #tpu.memory_space<vmem_shared>>
      %dma_wait3A_211 = arith.constant 0 : i32
      %dma_wait3A_212 = tpu.memref_slice %arg33[%add3A_22, %dma_wait3A_211] : memref<10240x128xf32, #tpu.memory_space<vmem_shared>> -> memref<64x128xf32, #tpu.memory_space<vmem_shared>>
      tpu.wait_dma2 semaphore(%run_scoped3A : memref<!tpu.dma_semaphore, #tpu.memory_space<semaphore_mem>>) src(%arg19 : memref<64x128xf32, #tpu.memory_space<vmem>>) dst(%dma_wait3A_212 : memref<64x128xf32, #tpu.memory_space<vmem_shared>>)
      tpu.yield
    }) : () -> ()
    %add3A_23 = arith.constant 256 : i32
    %add3A_24 = arith.addi %mul3A_5, %add3A_23 : i32
    "tpu.region"() ({
      %run_scoped3A = tpu.sem_alloc : memref<!tpu.dma_semaphore, #tpu.memory_space<semaphore_mem>>
      %dma_start3A_205 = arith.constant 0 : i32
      %dma_start3A_206 = tpu.memref_slice %arg34[%add3A_24, %dma_start3A_205] : memref<10240x16xf32, #tpu.memory_space<vmem_shared>> -> memref<64x16xf32, #tpu.memory_space<vmem_shared>>
      %dma_start3A_207 = arith.constant 0 : i32
      %dma_start3A_208 = tpu.memref_slice %arg34[%add3A_24, %dma_start3A_207] : memref<10240x16xf32, #tpu.memory_space<vmem_shared>> -> memref<64x16xf32, #tpu.memory_space<vmem_shared>>
      tpu.enqueue_dma source(%arg15 : memref<64x16xf32, #tpu.memory_space<vmem>>) target(%dma_start3A_208 : memref<64x16xf32, #tpu.memory_space<vmem_shared>>) target_semaphore(%run_scoped3A : memref<!tpu.dma_semaphore, #tpu.memory_space<semaphore_mem>>)
      %dma_wait3A_209 = arith.constant 0 : i32
      %dma_wait3A_210 = tpu.memref_slice %arg34[%add3A_24, %dma_wait3A_209] : memref<10240x16xf32, #tpu.memory_space<vmem_shared>> -> memref<64x16xf32, #tpu.memory_space<vmem_shared>>
      %dma_wait3A_211 = arith.constant 0 : i32
      %dma_wait3A_212 = tpu.memref_slice %arg34[%add3A_24, %dma_wait3A_211] : memref<10240x16xf32, #tpu.memory_space<vmem_shared>> -> memref<64x16xf32, #tpu.memory_space<vmem_shared>>
      tpu.wait_dma2 semaphore(%run_scoped3A : memref<!tpu.dma_semaphore, #tpu.memory_space<semaphore_mem>>) src(%arg15 : memref<64x16xf32, #tpu.memory_space<vmem>>) dst(%dma_wait3A_212 : memref<64x16xf32, #tpu.memory_space<vmem_shared>>)
      tpu.yield
    }) : () -> ()
    %add3A_25 = arith.constant 320 : i32
    %add3A_26 = arith.addi %mul3A_5, %add3A_25 : i32
    "tpu.region"() ({
      %run_scoped3A = tpu.sem_alloc : memref<!tpu.dma_semaphore, #tpu.memory_space<semaphore_mem>>
      %dma_start3A_205 = arith.constant 0 : i32
      %dma_start3A_206 = tpu.memref_slice %arg33[%add3A_26, %dma_start3A_205] : memref<10240x128xf32, #tpu.memory_space<vmem_shared>> -> memref<64x128xf32, #tpu.memory_space<vmem_shared>>
      %dma_start3A_207 = arith.constant 0 : i32
      %dma_start3A_208 = tpu.memref_slice %arg33[%add3A_26, %dma_start3A_207] : memref<10240x128xf32, #tpu.memory_space<vmem_shared>> -> memref<64x128xf32, #tpu.memory_space<vmem_shared>>
      tpu.enqueue_dma source(%arg19 : memref<64x128xf32, #tpu.memory_space<vmem>>) target(%dma_start3A_208 : memref<64x128xf32, #tpu.memory_space<vmem_shared>>) target_semaphore(%run_scoped3A : memref<!tpu.dma_semaphore, #tpu.memory_space<semaphore_mem>>)
      %dma_wait3A_209 = arith.constant 0 : i32
      %dma_wait3A_210 = tpu.memref_slice %arg33[%add3A_26, %dma_wait3A_209] : memref<10240x128xf32, #tpu.memory_space<vmem_shared>> -> memref<64x128xf32, #tpu.memory_space<vmem_shared>>
      %dma_wait3A_211 = arith.constant 0 : i32
      %dma_wait3A_212 = tpu.memref_slice %arg33[%add3A_26, %dma_wait3A_211] : memref<10240x128xf32, #tpu.memory_space<vmem_shared>> -> memref<64x128xf32, #tpu.memory_space<vmem_shared>>
      tpu.wait_dma2 semaphore(%run_scoped3A : memref<!tpu.dma_semaphore, #tpu.memory_space<semaphore_mem>>) src(%arg19 : memref<64x128xf32, #tpu.memory_space<vmem>>) dst(%dma_wait3A_212 : memref<64x128xf32, #tpu.memory_space<vmem_shared>>)
      tpu.yield
    }) : () -> ()
    %add3A_27 = arith.constant 320 : i32
    %add3A_28 = arith.addi %mul3A_5, %add3A_27 : i32
    "tpu.region"() ({
      %run_scoped3A = tpu.sem_alloc : memref<!tpu.dma_semaphore, #tpu.memory_space<semaphore_mem>>
      %dma_start3A_205 = arith.constant 0 : i32
      %dma_start3A_206 = tpu.memref_slice %arg34[%add3A_28, %dma_start3A_205] : memref<10240x16xf32, #tpu.memory_space<vmem_shared>> -> memref<64x16xf32, #tpu.memory_space<vmem_shared>>
      %dma_start3A_207 = arith.constant 0 : i32
      %dma_start3A_208 = tpu.memref_slice %arg34[%add3A_28, %dma_start3A_207] : memref<10240x16xf32, #tpu.memory_space<vmem_shared>> -> memref<64x16xf32, #tpu.memory_space<vmem_shared>>
      tpu.enqueue_dma source(%arg15 : memref<64x16xf32, #tpu.memory_space<vmem>>) target(%dma_start3A_208 : memref<64x16xf32, #tpu.memory_space<vmem_shared>>) target_semaphore(%run_scoped3A : memref<!tpu.dma_semaphore, #tpu.memory_space<semaphore_mem>>)
      %dma_wait3A_209 = arith.constant 0 : i32
      %dma_wait3A_210 = tpu.memref_slice %arg34[%add3A_28, %dma_wait3A_209] : memref<10240x16xf32, #tpu.memory_space<vmem_shared>> -> memref<64x16xf32, #tpu.memory_space<vmem_shared>>
      %dma_wait3A_211 = arith.constant 0 : i32
      %dma_wait3A_212 = tpu.memref_slice %arg34[%add3A_28, %dma_wait3A_211] : memref<10240x16xf32, #tpu.memory_space<vmem_shared>> -> memref<64x16xf32, #tpu.memory_space<vmem_shared>>
      tpu.wait_dma2 semaphore(%run_scoped3A : memref<!tpu.dma_semaphore, #tpu.memory_space<semaphore_mem>>) src(%arg15 : memref<64x16xf32, #tpu.memory_space<vmem>>) dst(%dma_wait3A_212 : memref<64x16xf32, #tpu.memory_space<vmem_shared>>)
      tpu.yield
    }) : () -> ()
    %add3A_29 = arith.constant 384 : i32
    %add3A_30 = arith.addi %mul3A_5, %add3A_29 : i32
    "tpu.region"() ({
      %run_scoped3A = tpu.sem_alloc : memref<!tpu.dma_semaphore, #tpu.memory_space<semaphore_mem>>
      %dma_start3A_205 = arith.constant 0 : i32
      %dma_start3A_206 = tpu.memref_slice %arg33[%add3A_30, %dma_start3A_205] : memref<10240x128xf32, #tpu.memory_space<vmem_shared>> -> memref<64x128xf32, #tpu.memory_space<vmem_shared>>
      %dma_start3A_207 = arith.constant 0 : i32
      %dma_start3A_208 = tpu.memref_slice %arg33[%add3A_30, %dma_start3A_207] : memref<10240x128xf32, #tpu.memory_space<vmem_shared>> -> memref<64x128xf32, #tpu.memory_space<vmem_shared>>
      tpu.enqueue_dma source(%arg19 : memref<64x128xf32, #tpu.memory_space<vmem>>) target(%dma_start3A_208 : memref<64x128xf32, #tpu.memory_space<vmem_shared>>) target_semaphore(%run_scoped3A : memref<!tpu.dma_semaphore, #tpu.memory_space<semaphore_mem>>)
      %dma_wait3A_209 = arith.constant 0 : i32
      %dma_wait3A_210 = tpu.memref_slice %arg33[%add3A_30, %dma_wait3A_209] : memref<10240x128xf32, #tpu.memory_space<vmem_shared>> -> memref<64x128xf32, #tpu.memory_space<vmem_shared>>
      %dma_wait3A_211 = arith.constant 0 : i32
      %dma_wait3A_212 = tpu.memref_slice %arg33[%add3A_30, %dma_wait3A_211] : memref<10240x128xf32, #tpu.memory_space<vmem_shared>> -> memref<64x128xf32, #tpu.memory_space<vmem_shared>>
      tpu.wait_dma2 semaphore(%run_scoped3A : memref<!tpu.dma_semaphore, #tpu.memory_space<semaphore_mem>>) src(%arg19 : memref<64x128xf32, #tpu.memory_space<vmem>>) dst(%dma_wait3A_212 : memref<64x128xf32, #tpu.memory_space<vmem_shared>>)
      tpu.yield
    }) : () -> ()
    %add3A_31 = arith.constant 384 : i32
    %add3A_32 = arith.addi %mul3A_5, %add3A_31 : i32
    "tpu.region"() ({
      %run_scoped3A = tpu.sem_alloc : memref<!tpu.dma_semaphore, #tpu.memory_space<semaphore_mem>>
      %dma_start3A_205 = arith.constant 0 : i32
      %dma_start3A_206 = tpu.memref_slice %arg34[%add3A_32, %dma_start3A_205] : memref<10240x16xf32, #tpu.memory_space<vmem_shared>> -> memref<64x16xf32, #tpu.memory_space<vmem_shared>>
      %dma_start3A_207 = arith.constant 0 : i32
      %dma_start3A_208 = tpu.memref_slice %arg34[%add3A_32, %dma_start3A_207] : memref<10240x16xf32, #tpu.memory_space<vmem_shared>> -> memref<64x16xf32, #tpu.memory_space<vmem_shared>>
      tpu.enqueue_dma source(%arg15 : memref<64x16xf32, #tpu.memory_space<vmem>>) target(%dma_start3A_208 : memref<64x16xf32, #tpu.memory_space<vmem_shared>>) target_semaphore(%run_scoped3A : memref<!tpu.dma_semaphore, #tpu.memory_space<semaphore_mem>>)
      %dma_wait3A_209 = arith.constant 0 : i32
      %dma_wait3A_210 = tpu.memref_slice %arg34[%add3A_32, %dma_wait3A_209] : memref<10240x16xf32, #tpu.memory_space<vmem_shared>> -> memref<64x16xf32, #tpu.memory_space<vmem_shared>>
      %dma_wait3A_211 = arith.constant 0 : i32
      %dma_wait3A_212 = tpu.memref_slice %arg34[%add3A_32, %dma_wait3A_211] : memref<10240x16xf32, #tpu.memory_space<vmem_shared>> -> memref<64x16xf32, #tpu.memory_space<vmem_shared>>
      tpu.wait_dma2 semaphore(%run_scoped3A : memref<!tpu.dma_semaphore, #tpu.memory_space<semaphore_mem>>) src(%arg15 : memref<64x16xf32, #tpu.memory_space<vmem>>) dst(%dma_wait3A_212 : memref<64x16xf32, #tpu.memory_space<vmem_shared>>)
      tpu.yield
    }) : () -> ()
    %add3A_33 = arith.constant 448 : i32
    %add3A_34 = arith.addi %mul3A_5, %add3A_33 : i32
    "tpu.region"() ({
      %run_scoped3A = tpu.sem_alloc : memref<!tpu.dma_semaphore, #tpu.memory_space<semaphore_mem>>
      %dma_start3A_205 = arith.constant 0 : i32
      %dma_start3A_206 = tpu.memref_slice %arg33[%add3A_34, %dma_start3A_205] : memref<10240x128xf32, #tpu.memory_space<vmem_shared>> -> memref<64x128xf32, #tpu.memory_space<vmem_shared>>
      %dma_start3A_207 = arith.constant 0 : i32
      %dma_start3A_208 = tpu.memref_slice %arg33[%add3A_34, %dma_start3A_207] : memref<10240x128xf32, #tpu.memory_space<vmem_shared>> -> memref<64x128xf32, #tpu.memory_space<vmem_shared>>
      tpu.enqueue_dma source(%arg19 : memref<64x128xf32, #tpu.memory_space<vmem>>) target(%dma_start3A_208 : memref<64x128xf32, #tpu.memory_space<vmem_shared>>) target_semaphore(%run_scoped3A : memref<!tpu.dma_semaphore, #tpu.memory_space<semaphore_mem>>)
      %dma_wait3A_209 = arith.constant 0 : i32
      %dma_wait3A_210 = tpu.memref_slice %arg33[%add3A_34, %dma_wait3A_209] : memref<10240x128xf32, #tpu.memory_space<vmem_shared>> -> memref<64x128xf32, #tpu.memory_space<vmem_shared>>
      %dma_wait3A_211 = arith.constant 0 : i32
      %dma_wait3A_212 = tpu.memref_slice %arg33[%add3A_34, %dma_wait3A_211] : memref<10240x128xf32, #tpu.memory_space<vmem_shared>> -> memref<64x128xf32, #tpu.memory_space<vmem_shared>>
      tpu.wait_dma2 semaphore(%run_scoped3A : memref<!tpu.dma_semaphore, #tpu.memory_space<semaphore_mem>>) src(%arg19 : memref<64x128xf32, #tpu.memory_space<vmem>>) dst(%dma_wait3A_212 : memref<64x128xf32, #tpu.memory_space<vmem_shared>>)
      tpu.yield
    }) : () -> ()
    %add3A_35 = arith.constant 448 : i32
    %add3A_36 = arith.addi %mul3A_5, %add3A_35 : i32
    "tpu.region"() ({
      %run_scoped3A = tpu.sem_alloc : memref<!tpu.dma_semaphore, #tpu.memory_space<semaphore_mem>>
      %dma_start3A_205 = arith.constant 0 : i32
      %dma_start3A_206 = tpu.memref_slice %arg34[%add3A_36, %dma_start3A_205] : memref<10240x16xf32, #tpu.memory_space<vmem_shared>> -> memref<64x16xf32, #tpu.memory_space<vmem_shared>>
      %dma_start3A_207 = arith.constant 0 : i32
      %dma_start3A_208 = tpu.memref_slice %arg34[%add3A_36, %dma_start3A_207] : memref<10240x16xf32, #tpu.memory_space<vmem_shared>> -> memref<64x16xf32, #tpu.memory_space<vmem_shared>>
      tpu.enqueue_dma source(%arg15 : memref<64x16xf32, #tpu.memory_space<vmem>>) target(%dma_start3A_208 : memref<64x16xf32, #tpu.memory_space<vmem_shared>>) target_semaphore(%run_scoped3A : memref<!tpu.dma_semaphore, #tpu.memory_space<semaphore_mem>>)
      %dma_wait3A_209 = arith.constant 0 : i32
      %dma_wait3A_210 = tpu.memref_slice %arg34[%add3A_36, %dma_wait3A_209] : memref<10240x16xf32, #tpu.memory_space<vmem_shared>> -> memref<64x16xf32, #tpu.memory_space<vmem_shared>>
      %dma_wait3A_211 = arith.constant 0 : i32
      %dma_wait3A_212 = tpu.memref_slice %arg34[%add3A_36, %dma_wait3A_211] : memref<10240x16xf32, #tpu.memory_space<vmem_shared>> -> memref<64x16xf32, #tpu.memory_space<vmem_shared>>
      tpu.wait_dma2 semaphore(%run_scoped3A : memref<!tpu.dma_semaphore, #tpu.memory_space<semaphore_mem>>) src(%arg15 : memref<64x16xf32, #tpu.memory_space<vmem>>) dst(%dma_wait3A_212 : memref<64x16xf32, #tpu.memory_space<vmem_shared>>)
      tpu.yield
    }) : () -> ()
    %add3A_37 = arith.constant 512 : i32
    %add3A_38 = arith.addi %mul3A_5, %add3A_37 : i32
    "tpu.region"() ({
      %run_scoped3A = tpu.sem_alloc : memref<!tpu.dma_semaphore, #tpu.memory_space<semaphore_mem>>
      %dma_start3A_205 = arith.constant 0 : i32
      %dma_start3A_206 = tpu.memref_slice %arg33[%add3A_38, %dma_start3A_205] : memref<10240x128xf32, #tpu.memory_space<vmem_shared>> -> memref<64x128xf32, #tpu.memory_space<vmem_shared>>
      %dma_start3A_207 = arith.constant 0 : i32
      %dma_start3A_208 = tpu.memref_slice %arg33[%add3A_38, %dma_start3A_207] : memref<10240x128xf32, #tpu.memory_space<vmem_shared>> -> memref<64x128xf32, #tpu.memory_space<vmem_shared>>
      tpu.enqueue_dma source(%arg19 : memref<64x128xf32, #tpu.memory_space<vmem>>) target(%dma_start3A_208 : memref<64x128xf32, #tpu.memory_space<vmem_shared>>) target_semaphore(%run_scoped3A : memref<!tpu.dma_semaphore, #tpu.memory_space<semaphore_mem>>)
      %dma_wait3A_209 = arith.constant 0 : i32
      %dma_wait3A_210 = tpu.memref_slice %arg33[%add3A_38, %dma_wait3A_209] : memref<10240x128xf32, #tpu.memory_space<vmem_shared>> -> memref<64x128xf32, #tpu.memory_space<vmem_shared>>
      %dma_wait3A_211 = arith.constant 0 : i32
      %dma_wait3A_212 = tpu.memref_slice %arg33[%add3A_38, %dma_wait3A_211] : memref<10240x128xf32, #tpu.memory_space<vmem_shared>> -> memref<64x128xf32, #tpu.memory_space<vmem_shared>>
      tpu.wait_dma2 semaphore(%run_scoped3A : memref<!tpu.dma_semaphore, #tpu.memory_space<semaphore_mem>>) src(%arg19 : memref<64x128xf32, #tpu.memory_space<vmem>>) dst(%dma_wait3A_212 : memref<64x128xf32, #tpu.memory_space<vmem_shared>>)
      tpu.yield
    }) : () -> ()
    %add3A_39 = arith.constant 512 : i32
    %add3A_40 = arith.addi %mul3A_5, %add3A_39 : i32
    "tpu.region"() ({
      %run_scoped3A = tpu.sem_alloc : memref<!tpu.dma_semaphore, #tpu.memory_space<semaphore_mem>>
      %dma_start3A_205 = arith.constant 0 : i32
      %dma_start3A_206 = tpu.memref_slice %arg34[%add3A_40, %dma_start3A_205] : memref<10240x16xf32, #tpu.memory_space<vmem_shared>> -> memref<64x16xf32, #tpu.memory_space<vmem_shared>>
      %dma_start3A_207 = arith.constant 0 : i32
      %dma_start3A_208 = tpu.memref_slice %arg34[%add3A_40, %dma_start3A_207] : memref<10240x16xf32, #tpu.memory_space<vmem_shared>> -> memref<64x16xf32, #tpu.memory_space<vmem_shared>>
      tpu.enqueue_dma source(%arg15 : memref<64x16xf32, #tpu.memory_space<vmem>>) target(%dma_start3A_208 : memref<64x16xf32, #tpu.memory_space<vmem_shared>>) target_semaphore(%run_scoped3A : memref<!tpu.dma_semaphore, #tpu.memory_space<semaphore_mem>>)
      %dma_wait3A_209 = arith.constant 0 : i32
      %dma_wait3A_210 = tpu.memref_slice %arg34[%add3A_40, %dma_wait3A_209] : memref<10240x16xf32, #tpu.memory_space<vmem_shared>> -> memref<64x16xf32, #tpu.memory_space<vmem_shared>>
      %dma_wait3A_211 = arith.constant 0 : i32
      %dma_wait3A_212 = tpu.memref_slice %arg34[%add3A_40, %dma_wait3A_211] : memref<10240x16xf32, #tpu.memory_space<vmem_shared>> -> memref<64x16xf32, #tpu.memory_space<vmem_shared>>
      tpu.wait_dma2 semaphore(%run_scoped3A : memref<!tpu.dma_semaphore, #tpu.memory_space<semaphore_mem>>) src(%arg15 : memref<64x16xf32, #tpu.memory_space<vmem>>) dst(%dma_wait3A_212 : memref<64x16xf32, #tpu.memory_space<vmem_shared>>)
      tpu.yield
    }) : () -> ()
    %add3A_41 = arith.constant 576 : i32
    %add3A_42 = arith.addi %mul3A_5, %add3A_41 : i32
    "tpu.region"() ({
      %run_scoped3A = tpu.sem_alloc : memref<!tpu.dma_semaphore, #tpu.memory_space<semaphore_mem>>
      %dma_start3A_205 = arith.constant 0 : i32
      %dma_start3A_206 = tpu.memref_slice %arg33[%add3A_42, %dma_start3A_205] : memref<10240x128xf32, #tpu.memory_space<vmem_shared>> -> memref<64x128xf32, #tpu.memory_space<vmem_shared>>
      %dma_start3A_207 = arith.constant 0 : i32
      %dma_start3A_208 = tpu.memref_slice %arg33[%add3A_42, %dma_start3A_207] : memref<10240x128xf32, #tpu.memory_space<vmem_shared>> -> memref<64x128xf32, #tpu.memory_space<vmem_shared>>
      tpu.enqueue_dma source(%arg19 : memref<64x128xf32, #tpu.memory_space<vmem>>) target(%dma_start3A_208 : memref<64x128xf32, #tpu.memory_space<vmem_shared>>) target_semaphore(%run_scoped3A : memref<!tpu.dma_semaphore, #tpu.memory_space<semaphore_mem>>)
      %dma_wait3A_209 = arith.constant 0 : i32
      %dma_wait3A_210 = tpu.memref_slice %arg33[%add3A_42, %dma_wait3A_209] : memref<10240x128xf32, #tpu.memory_space<vmem_shared>> -> memref<64x128xf32, #tpu.memory_space<vmem_shared>>
      %dma_wait3A_211 = arith.constant 0 : i32
      %dma_wait3A_212 = tpu.memref_slice %arg33[%add3A_42, %dma_wait3A_211] : memref<10240x128xf32, #tpu.memory_space<vmem_shared>> -> memref<64x128xf32, #tpu.memory_space<vmem_shared>>
      tpu.wait_dma2 semaphore(%run_scoped3A : memref<!tpu.dma_semaphore, #tpu.memory_space<semaphore_mem>>) src(%arg19 : memref<64x128xf32, #tpu.memory_space<vmem>>) dst(%dma_wait3A_212 : memref<64x128xf32, #tpu.memory_space<vmem_shared>>)
      tpu.yield
    }) : () -> ()
    %add3A_43 = arith.constant 576 : i32
    %add3A_44 = arith.addi %mul3A_5, %add3A_43 : i32
    "tpu.region"() ({
      %run_scoped3A = tpu.sem_alloc : memref<!tpu.dma_semaphore, #tpu.memory_space<semaphore_mem>>
      %dma_start3A_205 = arith.constant 0 : i32
      %dma_start3A_206 = tpu.memref_slice %arg34[%add3A_44, %dma_start3A_205] : memref<10240x16xf32, #tpu.memory_space<vmem_shared>> -> memref<64x16xf32, #tpu.memory_space<vmem_shared>>
      %dma_start3A_207 = arith.constant 0 : i32
      %dma_start3A_208 = tpu.memref_slice %arg34[%add3A_44, %dma_start3A_207] : memref<10240x16xf32, #tpu.memory_space<vmem_shared>> -> memref<64x16xf32, #tpu.memory_space<vmem_shared>>
      tpu.enqueue_dma source(%arg15 : memref<64x16xf32, #tpu.memory_space<vmem>>) target(%dma_start3A_208 : memref<64x16xf32, #tpu.memory_space<vmem_shared>>) target_semaphore(%run_scoped3A : memref<!tpu.dma_semaphore, #tpu.memory_space<semaphore_mem>>)
      %dma_wait3A_209 = arith.constant 0 : i32
      %dma_wait3A_210 = tpu.memref_slice %arg34[%add3A_44, %dma_wait3A_209] : memref<10240x16xf32, #tpu.memory_space<vmem_shared>> -> memref<64x16xf32, #tpu.memory_space<vmem_shared>>
      %dma_wait3A_211 = arith.constant 0 : i32
      %dma_wait3A_212 = tpu.memref_slice %arg34[%add3A_44, %dma_wait3A_211] : memref<10240x16xf32, #tpu.memory_space<vmem_shared>> -> memref<64x16xf32, #tpu.memory_space<vmem_shared>>
      tpu.wait_dma2 semaphore(%run_scoped3A : memref<!tpu.dma_semaphore, #tpu.memory_space<semaphore_mem>>) src(%arg15 : memref<64x16xf32, #tpu.memory_space<vmem>>) dst(%dma_wait3A_212 : memref<64x16xf32, #tpu.memory_space<vmem_shared>>)
      tpu.yield
    }) : () -> ()
    %barrier3A = arith.constant 0 : index
    tpu.barrier barrier_id(%barrier3A)
    %mul3A_45 = arith.constant 4 : i32
    %mul3A_46 = arith.muli %mul3A_45, %arg0 : i32
    %add3A_47 = arith.constant 0 : i32
    %add3A_48 = arith.addi %mul3A_46, %add3A_47 : i32
    %broadcast_in_dim3A_49 = vector.broadcast %add3A_48 : i32 to vector<16x1xi32>
    %mul3A_50 = arith.constant 4 : i32
    %mul3A_51 = arith.muli %mul3A_50, %arg0 : i32
    %add3A_52 = arith.constant 1 : i32
    %add3A_53 = arith.addi %mul3A_51, %add3A_52 : i32
    %broadcast_in_dim3A_54 = vector.broadcast %add3A_53 : i32 to vector<16x1xi32>
    %mul3A_55 = arith.constant 4 : i32
    %mul3A_56 = arith.muli %mul3A_55, %arg0 : i32
    %add3A_57 = arith.constant 2 : i32
    %add3A_58 = arith.addi %mul3A_56, %add3A_57 : i32
    %broadcast_in_dim3A_59 = vector.broadcast %add3A_58 : i32 to vector<16x1xi32>
    %mul3A_60 = arith.constant 4 : i32
    %mul3A_61 = arith.muli %mul3A_60, %arg0 : i32
    %add3A_62 = arith.constant 3 : i32
    %add3A_63 = arith.addi %mul3A_61, %add3A_62 : i32
    %broadcast_in_dim3A_64 = vector.broadcast %add3A_63 : i32 to vector<16x1xi32>
    %dma_start3A = arith.constant 0 : i32
    %dma_start3A_65 = tpu.memref_slice %arg6[%arg1, %dma_start3A] : memref<16x10368xi32, #tpu.memory_space<hbm>> -> memref<1x10368xi32, #tpu.memory_space<hbm>>
    %dma_start3A_66 = tpu.memref_squeeze %dma_start3A_65 : memref<1x10368xi32, #tpu.memory_space<hbm>> -> memref<10368xi32, #tpu.memory_space<hbm>>
    %dma_start3A_67 = arith.constant 0 : i32
    %dma_start3A_68 = tpu.memref_slice %dma_start3A_66[%dma_start3A_67] : memref<10368xi32, #tpu.memory_space<hbm>> -> memref<64xi32, #tpu.memory_space<hbm>>
    %dma_start3A_69 = arith.constant 0 : i32
    %dma_start3A_70 = tpu.memref_slice %arg6[%arg1, %dma_start3A_69] : memref<16x10368xi32, #tpu.memory_space<hbm>> -> memref<1x10368xi32, #tpu.memory_space<hbm>>
    %dma_start3A_71 = tpu.memref_squeeze %dma_start3A_70 : memref<1x10368xi32, #tpu.memory_space<hbm>> -> memref<10368xi32, #tpu.memory_space<hbm>>
    %dma_start3A_72 = arith.constant 0 : i32
    %dma_start3A_73 = tpu.memref_slice %dma_start3A_71[%dma_start3A_72] : memref<10368xi32, #tpu.memory_space<hbm>> -> memref<64xi32, #tpu.memory_space<hbm>>
    tpu.enqueue_dma source(%dma_start3A_73 : memref<64xi32, #tpu.memory_space<hbm>>) target(%arg21 : memref<64xi32, #tpu.memory_space<vmem>>) target_semaphore(%arg35 : memref<!tpu.dma_semaphore, #tpu.memory_space<semaphore_mem>>)
    %dma_start3A_74 = arith.constant 0 : i32
    %dma_start3A_75 = tpu.memref_slice %arg7[%arg1, %dma_start3A_74] : memref<16x10368xi32, #tpu.memory_space<hbm>> -> memref<1x10368xi32, #tpu.memory_space<hbm>>
    %dma_start3A_76 = tpu.memref_squeeze %dma_start3A_75 : memref<1x10368xi32, #tpu.memory_space<hbm>> -> memref<10368xi32, #tpu.memory_space<hbm>>
    %dma_start3A_77 = arith.constant 0 : i32
    %dma_start3A_78 = tpu.memref_slice %dma_start3A_76[%dma_start3A_77] : memref<10368xi32, #tpu.memory_space<hbm>> -> memref<64xi32, #tpu.memory_space<hbm>>
    %dma_start3A_79 = arith.constant 0 : i32
    %dma_start3A_80 = tpu.memref_slice %arg7[%arg1, %dma_start3A_79] : memref<16x10368xi32, #tpu.memory_space<hbm>> -> memref<1x10368xi32, #tpu.memory_space<hbm>>
    %dma_start3A_81 = tpu.memref_squeeze %dma_start3A_80 : memref<1x10368xi32, #tpu.memory_space<hbm>> -> memref<10368xi32, #tpu.memory_space<hbm>>
    %dma_start3A_82 = arith.constant 0 : i32
    %dma_start3A_83 = tpu.memref_slice %dma_start3A_81[%dma_start3A_82] : memref<10368xi32, #tpu.memory_space<hbm>> -> memref<64xi32, #tpu.memory_space<hbm>>
    tpu.enqueue_dma source(%dma_start3A_83 : memref<64xi32, #tpu.memory_space<hbm>>) target(%arg27 : memref<64xi32, #tpu.memory_space<vmem>>) target_semaphore(%arg35 : memref<!tpu.dma_semaphore, #tpu.memory_space<semaphore_mem>>)
    %dma_start3A_84 = arith.constant 0 : i32
    %dma_start3A_85 = tpu.memref_slice %arg6[%arg1, %dma_start3A_84] : memref<16x10368xi32, #tpu.memory_space<hbm>> -> memref<1x10368xi32, #tpu.memory_space<hbm>>
    %dma_start3A_86 = tpu.memref_squeeze %dma_start3A_85 : memref<1x10368xi32, #tpu.memory_space<hbm>> -> memref<10368xi32, #tpu.memory_space<hbm>>
    %dma_start3A_87 = arith.constant 64 : i32
    %dma_start3A_88 = tpu.memref_slice %dma_start3A_86[%dma_start3A_87] : memref<10368xi32, #tpu.memory_space<hbm>> -> memref<64xi32, #tpu.memory_space<hbm>>
    %dma_start3A_89 = arith.constant 0 : i32
    %dma_start3A_90 = tpu.memref_slice %arg6[%arg1, %dma_start3A_89] : memref<16x10368xi32, #tpu.memory_space<hbm>> -> memref<1x10368xi32, #tpu.memory_space<hbm>>
    %dma_start3A_91 = tpu.memref_squeeze %dma_start3A_90 : memref<1x10368xi32, #tpu.memory_space<hbm>> -> memref<10368xi32, #tpu.memory_space<hbm>>
    %dma_start3A_92 = arith.constant 64 : i32
    %dma_start3A_93 = tpu.memref_slice %dma_start3A_91[%dma_start3A_92] : memref<10368xi32, #tpu.memory_space<hbm>> -> memref<64xi32, #tpu.memory_space<hbm>>
    tpu.enqueue_dma source(%dma_start3A_93 : memref<64xi32, #tpu.memory_space<hbm>>) target(%arg22 : memref<64xi32, #tpu.memory_space<vmem>>) target_semaphore(%arg36 : memref<!tpu.dma_semaphore, #tpu.memory_space<semaphore_mem>>)
    %dma_start3A_94 = arith.constant 0 : i32
    %dma_start3A_95 = tpu.memref_slice %arg7[%arg1, %dma_start3A_94] : memref<16x10368xi32, #tpu.memory_space<hbm>> -> memref<1x10368xi32, #tpu.memory_space<hbm>>
    %dma_start3A_96 = tpu.memref_squeeze %dma_start3A_95 : memref<1x10368xi32, #tpu.memory_space<hbm>> -> memref<10368xi32, #tpu.memory_space<hbm>>
    %dma_start3A_97 = arith.constant 64 : i32
    %dma_start3A_98 = tpu.memref_slice %dma_start3A_96[%dma_start3A_97] : memref<10368xi32, #tpu.memory_space<hbm>> -> memref<64xi32, #tpu.memory_space<hbm>>
    %dma_start3A_99 = arith.constant 0 : i32
    %dma_start3A_100 = tpu.memref_slice %arg7[%arg1, %dma_start3A_99] : memref<16x10368xi32, #tpu.memory_space<hbm>> -> memref<1x10368xi32, #tpu.memory_space<hbm>>
    %dma_start3A_101 = tpu.memref_squeeze %dma_start3A_100 : memref<1x10368xi32, #tpu.memory_space<hbm>> -> memref<10368xi32, #tpu.memory_space<hbm>>
    %dma_start3A_102 = arith.constant 64 : i32
    %dma_start3A_103 = tpu.memref_slice %dma_start3A_101[%dma_start3A_102] : memref<10368xi32, #tpu.memory_space<hbm>> -> memref<64xi32, #tpu.memory_space<hbm>>
    tpu.enqueue_dma source(%dma_start3A_103 : memref<64xi32, #tpu.memory_space<hbm>>) target(%arg28 : memref<64xi32, #tpu.memory_space<vmem>>) target_semaphore(%arg36 : memref<!tpu.dma_semaphore, #tpu.memory_space<semaphore_mem>>)
    %dma_wait3A = arith.constant 0 : i32
    %dma_wait3A_104 = tpu.memref_slice %arg6[%arg1, %dma_wait3A] : memref<16x10368xi32, #tpu.memory_space<hbm>> -> memref<1x10368xi32, #tpu.memory_space<hbm>>
    %dma_wait3A_105 = tpu.memref_squeeze %dma_wait3A_104 : memref<1x10368xi32, #tpu.memory_space<hbm>> -> memref<10368xi32, #tpu.memory_space<hbm>>
    %dma_wait3A_106 = arith.constant 0 : i32
    %dma_wait3A_107 = tpu.memref_slice %dma_wait3A_105[%dma_wait3A_106] : memref<10368xi32, #tpu.memory_space<hbm>> -> memref<64xi32, #tpu.memory_space<hbm>>
    %dma_wait3A_108 = arith.constant 0 : i32
    %dma_wait3A_109 = tpu.memref_slice %arg6[%arg1, %dma_wait3A_108] : memref<16x10368xi32, #tpu.memory_space<hbm>> -> memref<1x10368xi32, #tpu.memory_space<hbm>>
    %dma_wait3A_110 = tpu.memref_squeeze %dma_wait3A_109 : memref<1x10368xi32, #tpu.memory_space<hbm>> -> memref<10368xi32, #tpu.memory_space<hbm>>
    %dma_wait3A_111 = arith.constant 0 : i32
    %dma_wait3A_112 = tpu.memref_slice %dma_wait3A_110[%dma_wait3A_111] : memref<10368xi32, #tpu.memory_space<hbm>> -> memref<64xi32, #tpu.memory_space<hbm>>
    tpu.wait_dma2 semaphore(%arg35 : memref<!tpu.dma_semaphore, #tpu.memory_space<semaphore_mem>>) src(%dma_wait3A_112 : memref<64xi32, #tpu.memory_space<hbm>>) dst(%arg21 : memref<64xi32, #tpu.memory_space<vmem>>)
    %dma_wait3A_113 = arith.constant 0 : i32
    %dma_wait3A_114 = tpu.memref_slice %arg6[%arg1, %dma_wait3A_113] : memref<16x10368xi32, #tpu.memory_space<hbm>> -> memref<1x10368xi32, #tpu.memory_space<hbm>>
    %dma_wait3A_115 = tpu.memref_squeeze %dma_wait3A_114 : memref<1x10368xi32, #tpu.memory_space<hbm>> -> memref<10368xi32, #tpu.memory_space<hbm>>
    %dma_wait3A_116 = arith.constant 0 : i32
    %dma_wait3A_117 = tpu.memref_slice %dma_wait3A_115[%dma_wait3A_116] : memref<10368xi32, #tpu.memory_space<hbm>> -> memref<64xi32, #tpu.memory_space<hbm>>
    %dma_wait3A_118 = arith.constant 0 : i32
    %dma_wait3A_119 = tpu.memref_slice %arg6[%arg1, %dma_wait3A_118] : memref<16x10368xi32, #tpu.memory_space<hbm>> -> memref<1x10368xi32, #tpu.memory_space<hbm>>
    %dma_wait3A_120 = tpu.memref_squeeze %dma_wait3A_119 : memref<1x10368xi32, #tpu.memory_space<hbm>> -> memref<10368xi32, #tpu.memory_space<hbm>>
    %dma_wait3A_121 = arith.constant 0 : i32
    %dma_wait3A_122 = tpu.memref_slice %dma_wait3A_120[%dma_wait3A_121] : memref<10368xi32, #tpu.memory_space<hbm>> -> memref<64xi32, #tpu.memory_space<hbm>>
    tpu.wait_dma2 semaphore(%arg35 : memref<!tpu.dma_semaphore, #tpu.memory_space<semaphore_mem>>) src(%dma_wait3A_122 : memref<64xi32, #tpu.memory_space<hbm>>) dst(%arg27 : memref<64xi32, #tpu.memory_space<vmem>>)
    %dma_start3A_123 = arith.constant 0 : i32
    %dma_start3A_124 = arith.constant 0 : i32
    %dma_start3A_125 = tpu.memref_slice %arg4[%dma_start3A_123, %dma_start3A_124] : memref<10000x16xf32, #tpu.memory_space<hbm>> -> memref<10000x16xf32, #tpu.memory_space<hbm>>
    tpu.enqueue_indirect_dma source(%dma_start3A_125 : memref<10000x16xf32, #tpu.memory_space<hbm>>) target(%arg11 : memref<64x16xf32, #tpu.memory_space<vmem>>) offsets(%arg21 : memref<64xi32, #tpu.memory_space<vmem>>) semaphore(%arg41 : memref<!tpu.dma_semaphore, #tpu.memory_space<semaphore_mem>>)
    %dma_start3A_126 = arith.constant 0 : i32
    %dma_start3A_127 = arith.constant 0 : i32
    %dma_start3A_128 = tpu.memref_slice %arg5[%dma_start3A_126, %dma_start3A_127] : memref<10000x16xf32, #tpu.memory_space<hbm>> -> memref<10000x16xf32, #tpu.memory_space<hbm>>
    tpu.enqueue_indirect_dma source(%dma_start3A_128 : memref<10000x16xf32, #tpu.memory_space<hbm>>) target(%arg13 : memref<64x16xf32, #tpu.memory_space<vmem>>) offsets(%arg27 : memref<64xi32, #tpu.memory_space<vmem>>) semaphore(%arg41 : memref<!tpu.dma_semaphore, #tpu.memory_space<semaphore_mem>>)
    %eq3A = arith.constant 0 : i32
    %eq3A_129 = arith.cmpi eq, %arg0, %eq3A : i32
    %convert_element_type3A = arith.extui %eq3A_129 : i1 to i32
    %cond3A = arith.constant 0 : i32
    %cond3A_130 = arith.cmpi ne, %convert_element_type3A, %cond3A : i32
    scf.if %cond3A_130 {
      %dma_start3A_205 = arith.constant 0 : i32
      %dma_start3A_206 = arith.constant 0 : i32
      %dma_start3A_207 = tpu.memref_slice %arg2[%dma_start3A_205, %dma_start3A_206] : memref<10000x64xi32, #tpu.memory_space<hbm>> -> memref<10000x64xi32, #tpu.memory_space<hbm>>
      tpu.enqueue_indirect_dma source(%dma_start3A_207 : memref<10000x64xi32, #tpu.memory_space<hbm>>) target(%arg17 : memref<64x64xi32, #tpu.memory_space<vmem>>) offsets(%arg21 : memref<64xi32, #tpu.memory_space<vmem>>) semaphore(%arg41 : memref<!tpu.dma_semaphore, #tpu.memory_space<semaphore_mem>>)
    } else {
    }
    %eq3A_131 = arith.constant 1 : i32
    %eq3A_132 = arith.cmpi eq, %arg0, %eq3A_131 : i32
    %convert_element_type3A_133 = arith.extui %eq3A_132 : i1 to i32
    %cond3A_134 = arith.constant 0 : i32
    %cond3A_135 = arith.cmpi ne, %convert_element_type3A_133, %cond3A_134 : i32
    scf.if %cond3A_135 {
      %dma_start3A_205 = arith.constant 0 : i32
      %dma_start3A_206 = arith.constant 0 : i32
      %dma_start3A_207 = tpu.memref_slice %arg3[%dma_start3A_205, %dma_start3A_206] : memref<10000x64xi32, #tpu.memory_space<hbm>> -> memref<10000x64xi32, #tpu.memory_space<hbm>>
      tpu.enqueue_indirect_dma source(%dma_start3A_207 : memref<10000x64xi32, #tpu.memory_space<hbm>>) target(%arg17 : memref<64x64xi32, #tpu.memory_space<vmem>>) offsets(%arg21 : memref<64xi32, #tpu.memory_space<vmem>>) semaphore(%arg41 : memref<!tpu.dma_semaphore, #tpu.memory_space<semaphore_mem>>)
    } else {
    }
    %scan3A_136 = arith.constant -65536 : i32
    %scan3A_137 = arith.constant 0 : i32
    %scan3A_138 = arith.constant 27 : i32
    %scan3A_139 = arith.addi %scan3A_137, %scan3A_138 : i32
    %scan3A_140 = arith.constant 1 : i32
    scf.for %scan3A_205 = %scan3A_137 to %scan3A_139 step %scan3A_140  : i32 {
      %mul3A_206 = arith.constant 1 : i32
      %mul3A_207 = arith.muli %scan3A_205, %mul3A_206 : i32
      %add3A_208 = arith.constant 0 : i32
      %add3A_209 = arith.addi %add3A_208, %mul3A_207 : i32
      %mul3A_210 = arith.constant 6 : i32
      %mul3A_211 = arith.muli %add3A_209, %mul3A_210 : i32
      %add3A_212 = arith.constant 0 : i32
      %add3A_213 = arith.addi %mul3A_211, %add3A_212 : i32
      %add3A_214 = arith.constant 2 : i32
      %add3A_215 = arith.addi %add3A_213, %add3A_214 : i32
      %lt3A_216 = arith.constant 162 : i32
      %lt3A_217 = arith.cmpi slt, %add3A_215, %lt3A_216 : i32
      %convert_element_type3A_218 = arith.extui %lt3A_217 : i1 to i32
      %cond3A_219 = arith.constant 0 : i32
      %cond3A_220 = arith.cmpi ne, %convert_element_type3A_218, %cond3A_219 : i32
      scf.if %cond3A_220 {
        %add3A_562 = arith.constant 2 : i32
        %add3A_563 = arith.addi %add3A_213, %add3A_562 : i32
        %mul3A_564 = arith.constant 64 : i32
        %mul3A_565 = arith.muli %add3A_563, %mul3A_564 : i32
        %dma_start3A_566 = arith.constant 0 : i32
        %dma_start3A_567 = tpu.memref_slice %arg6[%arg1, %dma_start3A_566] : memref<16x10368xi32, #tpu.memory_space<hbm>> -> memref<1x10368xi32, #tpu.memory_space<hbm>>
        %dma_start3A_568 = tpu.memref_squeeze %dma_start3A_567 : memref<1x10368xi32, #tpu.memory_space<hbm>> -> memref<10368xi32, #tpu.memory_space<hbm>>
        %dma_start3A_569 = tpu.memref_slice %dma_start3A_568[%mul3A_565] : memref<10368xi32, #tpu.memory_space<hbm>> -> memref<64xi32, #tpu.memory_space<hbm>>
        %dma_start3A_570 = arith.constant 0 : i32
        %dma_start3A_571 = tpu.memref_slice %arg6[%arg1, %dma_start3A_570] : memref<16x10368xi32, #tpu.memory_space<hbm>> -> memref<1x10368xi32, #tpu.memory_space<hbm>>
        %dma_start3A_572 = tpu.memref_squeeze %dma_start3A_571 : memref<1x10368xi32, #tpu.memory_space<hbm>> -> memref<10368xi32, #tpu.memory_space<hbm>>
        %dma_start3A_573 = tpu.memref_slice %dma_start3A_572[%mul3A_565] : memref<10368xi32, #tpu.memory_space<hbm>> -> memref<64xi32, #tpu.memory_space<hbm>>
        tpu.enqueue_dma source(%dma_start3A_573 : memref<64xi32, #tpu.memory_space<hbm>>) target(%arg23 : memref<64xi32, #tpu.memory_space<vmem>>) target_semaphore(%arg37 : memref<!tpu.dma_semaphore, #tpu.memory_space<semaphore_mem>>)
        %dma_start3A_574 = arith.constant 0 : i32
        %dma_start3A_575 = tpu.memref_slice %arg7[%arg1, %dma_start3A_574] : memref<16x10368xi32, #tpu.memory_space<hbm>> -> memref<1x10368xi32, #tpu.memory_space<hbm>>
        %dma_start3A_576 = tpu.memref_squeeze %dma_start3A_575 : memref<1x10368xi32, #tpu.memory_space<hbm>> -> memref<10368xi32, #tpu.memory_space<hbm>>
        %dma_start3A_577 = tpu.memref_slice %dma_start3A_576[%mul3A_565] : memref<10368xi32, #tpu.memory_space<hbm>> -> memref<64xi32, #tpu.memory_space<hbm>>
        %dma_start3A_578 = arith.constant 0 : i32
        %dma_start3A_579 = tpu.memref_slice %arg7[%arg1, %dma_start3A_578] : memref<16x10368xi32, #tpu.memory_space<hbm>> -> memref<1x10368xi32, #tpu.memory_space<hbm>>
        %dma_start3A_580 = tpu.memref_squeeze %dma_start3A_579 : memref<1x10368xi32, #tpu.memory_space<hbm>> -> memref<10368xi32, #tpu.memory_space<hbm>>
        %dma_start3A_581 = tpu.memref_slice %dma_start3A_580[%mul3A_565] : memref<10368xi32, #tpu.memory_space<hbm>> -> memref<64xi32, #tpu.memory_space<hbm>>
        tpu.enqueue_dma source(%dma_start3A_581 : memref<64xi32, #tpu.memory_space<hbm>>) target(%arg29 : memref<64xi32, #tpu.memory_space<vmem>>) target_semaphore(%arg37 : memref<!tpu.dma_semaphore, #tpu.memory_space<semaphore_mem>>)
      } else {
      }
      %add3A_221 = arith.constant 1 : i32
      %add3A_222 = arith.addi %add3A_213, %add3A_221 : i32
      %lt3A_223 = arith.constant 162 : i32
      %lt3A_224 = arith.cmpi slt, %add3A_222, %lt3A_223 : i32
      %convert_element_type3A_225 = arith.extui %lt3A_224 : i1 to i32
      %cond3A_226 = arith.constant 0 : i32
      %cond3A_227 = arith.cmpi ne, %convert_element_type3A_225, %cond3A_226 : i32
      scf.if %cond3A_227 {
        %dma_wait3A_562 = arith.constant 0 : i32
        %dma_wait3A_563 = tpu.memref_slice %arg6[%arg1, %dma_wait3A_562] : memref<16x10368xi32, #tpu.memory_space<hbm>> -> memref<1x10368xi32, #tpu.memory_space<hbm>>
        %dma_wait3A_564 = tpu.memref_squeeze %dma_wait3A_563 : memref<1x10368xi32, #tpu.memory_space<hbm>> -> memref<10368xi32, #tpu.memory_space<hbm>>
        %dma_wait3A_565 = arith.constant 0 : i32
        %dma_wait3A_566 = tpu.memref_slice %dma_wait3A_564[%dma_wait3A_565] : memref<10368xi32, #tpu.memory_space<hbm>> -> memref<64xi32, #tpu.memory_space<hbm>>
        %dma_wait3A_567 = arith.constant 0 : i32
        %dma_wait3A_568 = tpu.memref_slice %arg6[%arg1, %dma_wait3A_567] : memref<16x10368xi32, #tpu.memory_space<hbm>> -> memref<1x10368xi32, #tpu.memory_space<hbm>>
        %dma_wait3A_569 = tpu.memref_squeeze %dma_wait3A_568 : memref<1x10368xi32, #tpu.memory_space<hbm>> -> memref<10368xi32, #tpu.memory_space<hbm>>
        %dma_wait3A_570 = arith.constant 0 : i32
        %dma_wait3A_571 = tpu.memref_slice %dma_wait3A_569[%dma_wait3A_570] : memref<10368xi32, #tpu.memory_space<hbm>> -> memref<64xi32, #tpu.memory_space<hbm>>
        tpu.wait_dma2 semaphore(%arg36 : memref<!tpu.dma_semaphore, #tpu.memory_space<semaphore_mem>>) src(%dma_wait3A_571 : memref<64xi32, #tpu.memory_space<hbm>>) dst(%arg22 : memref<64xi32, #tpu.memory_space<vmem>>)
        %dma_wait3A_572 = arith.constant 0 : i32
        %dma_wait3A_573 = tpu.memref_slice %arg6[%arg1, %dma_wait3A_572] : memref<16x10368xi32, #tpu.memory_space<hbm>> -> memref<1x10368xi32, #tpu.memory_space<hbm>>
        %dma_wait3A_574 = tpu.memref_squeeze %dma_wait3A_573 : memref<1x10368xi32, #tpu.memory_space<hbm>> -> memref<10368xi32, #tpu.memory_space<hbm>>
        %dma_wait3A_575 = arith.constant 0 : i32
        %dma_wait3A_576 = tpu.memref_slice %dma_wait3A_574[%dma_wait3A_575] : memref<10368xi32, #tpu.memory_space<hbm>> -> memref<64xi32, #tpu.memory_space<hbm>>
        %dma_wait3A_577 = arith.constant 0 : i32
        %dma_wait3A_578 = tpu.memref_slice %arg6[%arg1, %dma_wait3A_577] : memref<16x10368xi32, #tpu.memory_space<hbm>> -> memref<1x10368xi32, #tpu.memory_space<hbm>>
        %dma_wait3A_579 = tpu.memref_squeeze %dma_wait3A_578 : memref<1x10368xi32, #tpu.memory_space<hbm>> -> memref<10368xi32, #tpu.memory_space<hbm>>
        %dma_wait3A_580 = arith.constant 0 : i32
        %dma_wait3A_581 = tpu.memref_slice %dma_wait3A_579[%dma_wait3A_580] : memref<10368xi32, #tpu.memory_space<hbm>> -> memref<64xi32, #tpu.memory_space<hbm>>
        tpu.wait_dma2 semaphore(%arg36 : memref<!tpu.dma_semaphore, #tpu.memory_space<semaphore_mem>>) src(%dma_wait3A_581 : memref<64xi32, #tpu.memory_space<hbm>>) dst(%arg28 : memref<64xi32, #tpu.memory_space<vmem>>)
        %dma_start3A_582 = arith.constant 0 : i32
        %dma_start3A_583 = arith.constant 0 : i32
        %dma_start3A_584 = tpu.memref_slice %arg4[%dma_start3A_582, %dma_start3A_583] : memref<10000x16xf32, #tpu.memory_space<hbm>> -> memref<10000x16xf32, #tpu.memory_space<hbm>>
        tpu.enqueue_indirect_dma source(%dma_start3A_584 : memref<10000x16xf32, #tpu.memory_space<hbm>>) target(%arg12 : memref<64x16xf32, #tpu.memory_space<vmem>>) offsets(%arg22 : memref<64xi32, #tpu.memory_space<vmem>>) semaphore(%arg42 : memref<!tpu.dma_semaphore, #tpu.memory_space<semaphore_mem>>)
        %dma_start3A_585 = arith.constant 0 : i32
        %dma_start3A_586 = arith.constant 0 : i32
        %dma_start3A_587 = tpu.memref_slice %arg5[%dma_start3A_585, %dma_start3A_586] : memref<10000x16xf32, #tpu.memory_space<hbm>> -> memref<10000x16xf32, #tpu.memory_space<hbm>>
        tpu.enqueue_indirect_dma source(%dma_start3A_587 : memref<10000x16xf32, #tpu.memory_space<hbm>>) target(%arg14 : memref<64x16xf32, #tpu.memory_space<vmem>>) offsets(%arg28 : memref<64xi32, #tpu.memory_space<vmem>>) semaphore(%arg42 : memref<!tpu.dma_semaphore, #tpu.memory_space<semaphore_mem>>)
        %eq3A_588 = arith.constant 0 : i32
        %eq3A_589 = arith.cmpi eq, %arg0, %eq3A_588 : i32
        %convert_element_type3A_590 = arith.extui %eq3A_589 : i1 to i32
        %cond3A_591 = arith.constant 0 : i32
        %cond3A_592 = arith.cmpi ne, %convert_element_type3A_590, %cond3A_591 : i32
        scf.if %cond3A_592 {
          %dma_start3A_598 = arith.constant 0 : i32
          %dma_start3A_599 = arith.constant 0 : i32
          %dma_start3A_600 = tpu.memref_slice %arg2[%dma_start3A_598, %dma_start3A_599] : memref<10000x64xi32, #tpu.memory_space<hbm>> -> memref<10000x64xi32, #tpu.memory_space<hbm>>
          tpu.enqueue_indirect_dma source(%dma_start3A_600 : memref<10000x64xi32, #tpu.memory_space<hbm>>) target(%arg18 : memref<64x64xi32, #tpu.memory_space<vmem>>) offsets(%arg22 : memref<64xi32, #tpu.memory_space<vmem>>) semaphore(%arg42 : memref<!tpu.dma_semaphore, #tpu.memory_space<semaphore_mem>>)
        } else {
        }
        %eq3A_593 = arith.constant 1 : i32
        %eq3A_594 = arith.cmpi eq, %arg0, %eq3A_593 : i32
        %convert_element_type3A_595 = arith.extui %eq3A_594 : i1 to i32
        %cond3A_596 = arith.constant 0 : i32
        %cond3A_597 = arith.cmpi ne, %convert_element_type3A_595, %cond3A_596 : i32
        scf.if %cond3A_597 {
          %dma_start3A_598 = arith.constant 0 : i32
          %dma_start3A_599 = arith.constant 0 : i32
          %dma_start3A_600 = tpu.memref_slice %arg3[%dma_start3A_598, %dma_start3A_599] : memref<10000x64xi32, #tpu.memory_space<hbm>> -> memref<10000x64xi32, #tpu.memory_space<hbm>>
          tpu.enqueue_indirect_dma source(%dma_start3A_600 : memref<10000x64xi32, #tpu.memory_space<hbm>>) target(%arg18 : memref<64x64xi32, #tpu.memory_space<vmem>>) offsets(%arg22 : memref<64xi32, #tpu.memory_space<vmem>>) semaphore(%arg42 : memref<!tpu.dma_semaphore, #tpu.memory_space<semaphore_mem>>)
        } else {
        }
      } else {
      }
      %ge3A = arith.constant 2 : i32
      %ge3A_228 = arith.cmpi sge, %add3A_213, %ge3A : i32
      %convert_element_type3A_229 = arith.extui %ge3A_228 : i1 to i32
      %cond3A_230 = arith.constant 0 : i32
      %cond3A_231 = arith.cmpi ne, %convert_element_type3A_229, %cond3A_230 : i32
      scf.if %cond3A_231 {
        %sub3A = arith.constant 2 : i32
        %sub3A_562 = arith.subi %add3A_213, %sub3A : i32
        %mul3A_563 = arith.constant 162 : i32
        %mul3A_564 = arith.muli %arg1, %mul3A_563 : i32
        %add3A_565 = arith.addi %mul3A_564, %sub3A_562 : i32
        %mul3A_566 = arith.constant 64 : i32
        %mul3A_567 = arith.muli %add3A_565, %mul3A_566 : i32
        %lt3A_568 = arith.constant 160000 : i32
        %lt3A_569 = arith.cmpi slt, %mul3A_567, %lt3A_568 : i32
        %convert_element_type3A_570 = arith.extui %lt3A_569 : i1 to i32
        %cond3A_571 = arith.constant 0 : i32
        %cond3A_572 = arith.cmpi ne, %convert_element_type3A_570, %cond3A_571 : i32
        scf.if %cond3A_572 {
          %dma_wait3A_587 = arith.constant 0 : i32
          %dma_wait3A_588 = arith.constant 0 : i32
          %dma_wait3A_589 = tpu.memref_slice %arg33[%dma_wait3A_587, %dma_wait3A_588] : memref<10240x128xf32, #tpu.memory_space<vmem_shared>> -> memref<10240x128xf32, #tpu.memory_space<vmem_shared>>
          tpu.wait_indirect_dma semaphore(%arg43 : memref<!tpu.dma_semaphore, #tpu.memory_space<semaphore_mem>>) src(%arg19 : memref<64x128xf32, #tpu.memory_space<vmem>>) dst(%dma_wait3A_589 : memref<10240x128xf32, #tpu.memory_space<vmem_shared>>)
        } else {
        }
        %mul3A_573 = arith.constant 162 : i32
        %mul3A_574 = arith.muli %arg1, %mul3A_573 : i32
        %add3A_575 = arith.addi %mul3A_574, %sub3A_562 : i32
        %mul3A_576 = arith.constant 64 : i32
        %mul3A_577 = arith.muli %add3A_575, %mul3A_576 : i32
        %lt3A_578 = arith.constant 160000 : i32
        %lt3A_579 = arith.cmpi slt, %mul3A_577, %lt3A_578 : i32
        %and3A_580 = arith.constant 1 : i32
        %and3A_581 = arith.andi %sub3A_562, %and3A_580 : i32
        %eq3A_582 = arith.cmpi eq, %and3A_581, %arg0 : i32
        %and3A_583 = arith.andi %lt3A_579, %eq3A_582 : i1
        %convert_element_type3A_584 = arith.extui %and3A_583 : i1 to i32
        %cond3A_585 = arith.constant 0 : i32
        %cond3A_586 = arith.cmpi ne, %convert_element_type3A_584, %cond3A_585 : i32
        scf.if %cond3A_586 {
          %dma_wait3A_587 = arith.constant 0 : i32
          %dma_wait3A_588 = arith.constant 0 : i32
          %dma_wait3A_589 = tpu.memref_slice %arg34[%dma_wait3A_587, %dma_wait3A_588] : memref<10240x16xf32, #tpu.memory_space<vmem_shared>> -> memref<10240x16xf32, #tpu.memory_space<vmem_shared>>
          tpu.wait_indirect_dma semaphore(%arg43 : memref<!tpu.dma_semaphore, #tpu.memory_space<semaphore_mem>>) src(%arg15 : memref<64x16xf32, #tpu.memory_space<vmem>>) dst(%dma_wait3A_589 : memref<10240x16xf32, #tpu.memory_space<vmem_shared>>)
        } else {
        }
      } else {
      }
      %dma_wait3A_232 = arith.constant 0 : i32
      %dma_wait3A_233 = arith.constant 0 : i32
      %dma_wait3A_234 = tpu.memref_slice %arg4[%dma_wait3A_232, %dma_wait3A_233] : memref<10000x16xf32, #tpu.memory_space<hbm>> -> memref<10000x16xf32, #tpu.memory_space<hbm>>
      tpu.wait_indirect_dma semaphore(%arg41 : memref<!tpu.dma_semaphore, #tpu.memory_space<semaphore_mem>>) src(%dma_wait3A_234 : memref<10000x16xf32, #tpu.memory_space<hbm>>) dst(%arg11 : memref<64x16xf32, #tpu.memory_space<vmem>>)
      %dma_wait3A_235 = arith.constant 0 : i32
      %dma_wait3A_236 = arith.constant 0 : i32
      %dma_wait3A_237 = tpu.memref_slice %arg4[%dma_wait3A_235, %dma_wait3A_236] : memref<10000x16xf32, #tpu.memory_space<hbm>> -> memref<10000x16xf32, #tpu.memory_space<hbm>>
      tpu.wait_indirect_dma semaphore(%arg41 : memref<!tpu.dma_semaphore, #tpu.memory_space<semaphore_mem>>) src(%dma_wait3A_237 : memref<10000x16xf32, #tpu.memory_space<hbm>>) dst(%arg13 : memref<64x16xf32, #tpu.memory_space<vmem>>)
      %dma_wait3A_238 = arith.constant 0 : i32
      %dma_wait3A_239 = arith.constant 0 : i32
      %dma_wait3A_240 = tpu.memref_slice %arg2[%dma_wait3A_238, %dma_wait3A_239] : memref<10000x64xi32, #tpu.memory_space<hbm>> -> memref<10000x64xi32, #tpu.memory_space<hbm>>
      tpu.wait_indirect_dma semaphore(%arg41 : memref<!tpu.dma_semaphore, #tpu.memory_space<semaphore_mem>>) src(%dma_wait3A_240 : memref<10000x64xi32, #tpu.memory_space<hbm>>) dst(%arg17 : memref<64x64xi32, #tpu.memory_space<vmem>>)
      %parallel_loop3A = arith.constant 0 : i32
      %parallel_loop3A_241 = arith.constant 64 : i32
      %parallel_loop3A_242 = arith.constant 1 : i32
      scf.for %parallel_loop3A_562 = %parallel_loop3A to %parallel_loop3A_241 step %parallel_loop3A_242  : i32 {
        %parallel_loop3A_563 = arith.index_cast %parallel_loop3A_562 : i32 to index
        %parallel_loop3A_564 = arith.constant 0 : index
        %parallel_loop3A_565 = tpu.vector_load %arg11[%parallel_loop3A_563, %parallel_loop3A_564] {strides = array<i32>} : memref<64x16xf32, #tpu.memory_space<vmem>>, vector<16xf32>,
        %parallel_loop3A_566 = arith.index_cast %parallel_loop3A_562 : i32 to index
        %parallel_loop3A_567 = arith.constant 0 : index
        %parallel_loop3A_568 = tpu.vector_load %arg13[%parallel_loop3A_566, %parallel_loop3A_567] {strides = array<i32>} : memref<64x16xf32, #tpu.memory_space<vmem>>, vector<16xf32>,
        %parallel_loop3A_569 = arith.addf %parallel_loop3A_565, %parallel_loop3A_568 : vector<16xf32>
        %parallel_loop3A_570 = arith.constant 2.000000e-01 : f32
        %parallel_loop3A_571 = vector.broadcast %parallel_loop3A_570 : f32 to vector<16xf32>
        %parallel_loop3A_572 = arith.mulf %parallel_loop3A_569, %parallel_loop3A_571 : vector<16xf32>
        %parallel_loop3A_573 = arith.maximumf %parallel_loop3A_569, %parallel_loop3A_572 : vector<16xf32>
        %parallel_loop3A_574 = math.exp %parallel_loop3A_573 : vector<16xf32>
        %parallel_loop3A_575 = arith.index_cast %parallel_loop3A_562 : i32 to index
        %parallel_loop3A_576 = arith.constant 0 : index
        %parallel_loop3A_577 = tpu.vector_load %arg15[%parallel_loop3A_575, %parallel_loop3A_576] {strides = array<i32>} : memref<64x16xf32, #tpu.memory_space<vmem>>, vector<16xf32>,
        tpu.vector_store %arg15[%parallel_loop3A_575, %parallel_loop3A_576], %parallel_loop3A_574 {strides = array<i32>} : memref<64x16xf32, #tpu.memory_space<vmem>>, vector<16xf32>,
        %parallel_loop3A_578 = vector.shape_cast %broadcast_in_dim3A_49 : vector<16x1xi32> to vector<16xi32>
        %parallel_loop3A_579 = tpu.dynamic_gather %parallel_loop3A_574[%parallel_loop3A_578] in [0] : vector<16xf32>, vector<16xi32> -> vector<16xf32>
        %parallel_loop3A_580 = arith.index_cast %parallel_loop3A_562 : i32 to index
        %parallel_loop3A_581 = arith.constant 0 : index
        %parallel_loop3A_582 = tpu.vector_load %arg17[%parallel_loop3A_580, %parallel_loop3A_581] {strides = array<i32>} : memref<64x64xi32, #tpu.memory_space<vmem>>, vector<16xi32>,
        %parallel_loop3A_583 = arith.constant 16 : i32
        %parallel_loop3A_584 = vector.broadcast %parallel_loop3A_583 : i32 to vector<16xi32>
        %parallel_loop3A_585 = arith.shli %parallel_loop3A_582, %parallel_loop3A_584 : vector<16xi32>
        %parallel_loop3A_586 = vector.bitcast %parallel_loop3A_585 : vector<16xi32> to vector<16xf32>
        %parallel_loop3A_587 = vector.broadcast %scan3A_136 : i32 to vector<16xi32>
        %parallel_loop3A_588 = arith.andi %parallel_loop3A_582, %parallel_loop3A_587 : vector<16xi32>
        %parallel_loop3A_589 = vector.bitcast %parallel_loop3A_588 : vector<16xi32> to vector<16xf32>
        %parallel_loop3A_590 = arith.mulf %parallel_loop3A_586, %parallel_loop3A_579 : vector<16xf32>
        %parallel_loop3A_591 = arith.index_cast %parallel_loop3A_562 : i32 to index
        %parallel_loop3A_592 = arith.constant 0 : index
        %parallel_loop3A_593 = tpu.vector_load %arg19[%parallel_loop3A_591, %parallel_loop3A_592] {strides = array<i32>} : memref<64x128xf32, #tpu.memory_space<vmem>>, vector<16xf32>,
        tpu.vector_store %arg19[%parallel_loop3A_591, %parallel_loop3A_592], %parallel_loop3A_590 {strides = array<i32>} : memref<64x128xf32, #tpu.memory_space<vmem>>, vector<16xf32>,
        %parallel_loop3A_594 = arith.mulf %parallel_loop3A_589, %parallel_loop3A_579 : vector<16xf32>
        %parallel_loop3A_595 = arith.index_cast %parallel_loop3A_562 : i32 to index
        %parallel_loop3A_596 = arith.constant 16 : index
        %parallel_loop3A_597 = tpu.vector_load %arg19[%parallel_loop3A_595, %parallel_loop3A_596] {strides = array<i32>} : memref<64x128xf32, #tpu.memory_space<vmem>>, vector<16xf32>,
        tpu.vector_store %arg19[%parallel_loop3A_595, %parallel_loop3A_596], %parallel_loop3A_594 {strides = array<i32>} : memref<64x128xf32, #tpu.memory_space<vmem>>, vector<16xf32>,
        %parallel_loop3A_598 = vector.shape_cast %broadcast_in_dim3A_54 : vector<16x1xi32> to vector<16xi32>
        %parallel_loop3A_599 = tpu.dynamic_gather %parallel_loop3A_574[%parallel_loop3A_598] in [0] : vector<16xf32>, vector<16xi32> -> vector<16xf32>
        %parallel_loop3A_600 = arith.index_cast %parallel_loop3A_562 : i32 to index
        %parallel_loop3A_601 = arith.constant 16 : index
        %parallel_loop3A_602 = tpu.vector_load %arg17[%parallel_loop3A_600, %parallel_loop3A_601] {strides = array<i32>} : memref<64x64xi32, #tpu.memory_space<vmem>>, vector<16xi32>,
        %parallel_loop3A_603 = arith.constant 16 : i32
        %parallel_loop3A_604 = vector.broadcast %parallel_loop3A_603 : i32 to vector<16xi32>
        %parallel_loop3A_605 = arith.shli %parallel_loop3A_602, %parallel_loop3A_604 : vector<16xi32>
        %parallel_loop3A_606 = vector.bitcast %parallel_loop3A_605 : vector<16xi32> to vector<16xf32>
        %parallel_loop3A_607 = vector.broadcast %scan3A_136 : i32 to vector<16xi32>
        %parallel_loop3A_608 = arith.andi %parallel_loop3A_602, %parallel_loop3A_607 : vector<16xi32>
        %parallel_loop3A_609 = vector.bitcast %parallel_loop3A_608 : vector<16xi32> to vector<16xf32>
        %parallel_loop3A_610 = arith.mulf %parallel_loop3A_606, %parallel_loop3A_599 : vector<16xf32>
        %parallel_loop3A_611 = arith.index_cast %parallel_loop3A_562 : i32 to index
        %parallel_loop3A_612 = arith.constant 32 : index
        %parallel_loop3A_613 = tpu.vector_load %arg19[%parallel_loop3A_611, %parallel_loop3A_612] {strides = array<i32>} : memref<64x128xf32, #tpu.memory_space<vmem>>, vector<16xf32>,
        tpu.vector_store %arg19[%parallel_loop3A_611, %parallel_loop3A_612], %parallel_loop3A_610 {strides = array<i32>} : memref<64x128xf32, #tpu.memory_space<vmem>>, vector<16xf32>,
        %parallel_loop3A_614 = arith.mulf %parallel_loop3A_609, %parallel_loop3A_599 : vector<16xf32>
        %parallel_loop3A_615 = arith.index_cast %parallel_loop3A_562 : i32 to index
        %parallel_loop3A_616 = arith.constant 48 : index
        %parallel_loop3A_617 = tpu.vector_load %arg19[%parallel_loop3A_615, %parallel_loop3A_616] {strides = array<i32>} : memref<64x128xf32, #tpu.memory_space<vmem>>, vector<16xf32>,
        tpu.vector_store %arg19[%parallel_loop3A_615, %parallel_loop3A_616], %parallel_loop3A_614 {strides = array<i32>} : memref<64x128xf32, #tpu.memory_space<vmem>>, vector<16xf32>,
        %parallel_loop3A_618 = vector.shape_cast %broadcast_in_dim3A_59 : vector<16x1xi32> to vector<16xi32>
        %parallel_loop3A_619 = tpu.dynamic_gather %parallel_loop3A_574[%parallel_loop3A_618] in [0] : vector<16xf32>, vector<16xi32> -> vector<16xf32>
        %parallel_loop3A_620 = arith.index_cast %parallel_loop3A_562 : i32 to index
        %parallel_loop3A_621 = arith.constant 32 : index
        %parallel_loop3A_622 = tpu.vector_load %arg17[%parallel_loop3A_620, %parallel_loop3A_621] {strides = array<i32>} : memref<64x64xi32, #tpu.memory_space<vmem>>, vector<16xi32>,
        %parallel_loop3A_623 = arith.constant 16 : i32
        %parallel_loop3A_624 = vector.broadcast %parallel_loop3A_623 : i32 to vector<16xi32>
        %parallel_loop3A_625 = arith.shli %parallel_loop3A_622, %parallel_loop3A_624 : vector<16xi32>
        %parallel_loop3A_626 = vector.bitcast %parallel_loop3A_625 : vector<16xi32> to vector<16xf32>
        %parallel_loop3A_627 = vector.broadcast %scan3A_136 : i32 to vector<16xi32>
        %parallel_loop3A_628 = arith.andi %parallel_loop3A_622, %parallel_loop3A_627 : vector<16xi32>
        %parallel_loop3A_629 = vector.bitcast %parallel_loop3A_628 : vector<16xi32> to vector<16xf32>
        %parallel_loop3A_630 = arith.mulf %parallel_loop3A_626, %parallel_loop3A_619 : vector<16xf32>
        %parallel_loop3A_631 = arith.index_cast %parallel_loop3A_562 : i32 to index
        %parallel_loop3A_632 = arith.constant 64 : index
        %parallel_loop3A_633 = tpu.vector_load %arg19[%parallel_loop3A_631, %parallel_loop3A_632] {strides = array<i32>} : memref<64x128xf32, #tpu.memory_space<vmem>>, vector<16xf32>,
        tpu.vector_store %arg19[%parallel_loop3A_631, %parallel_loop3A_632], %parallel_loop3A_630 {strides = array<i32>} : memref<64x128xf32, #tpu.memory_space<vmem>>, vector<16xf32>,
        %parallel_loop3A_634 = arith.mulf %parallel_loop3A_629, %parallel_loop3A_619 : vector<16xf32>
        %parallel_loop3A_635 = arith.index_cast %parallel_loop3A_562 : i32 to index
        %parallel_loop3A_636 = arith.constant 80 : index
        %parallel_loop3A_637 = tpu.vector_load %arg19[%parallel_loop3A_635, %parallel_loop3A_636] {strides = array<i32>} : memref<64x128xf32, #tpu.memory_space<vmem>>, vector<16xf32>,
        tpu.vector_store %arg19[%parallel_loop3A_635, %parallel_loop3A_636], %parallel_loop3A_634 {strides = array<i32>} : memref<64x128xf32, #tpu.memory_space<vmem>>, vector<16xf32>,
        %parallel_loop3A_638 = vector.shape_cast %broadcast_in_dim3A_64 : vector<16x1xi32> to vector<16xi32>
        %parallel_loop3A_639 = tpu.dynamic_gather %parallel_loop3A_574[%parallel_loop3A_638] in [0] : vector<16xf32>, vector<16xi32> -> vector<16xf32>
        %parallel_loop3A_640 = arith.index_cast %parallel_loop3A_562 : i32 to index
        %parallel_loop3A_641 = arith.constant 48 : index
        %parallel_loop3A_642 = tpu.vector_load %arg17[%parallel_loop3A_640, %parallel_loop3A_641] {strides = array<i32>} : memref<64x64xi32, #tpu.memory_space<vmem>>, vector<16xi32>,
        %parallel_loop3A_643 = arith.constant 16 : i32
        %parallel_loop3A_644 = vector.broadcast %parallel_loop3A_643 : i32 to vector<16xi32>
        %parallel_loop3A_645 = arith.shli %parallel_loop3A_642, %parallel_loop3A_644 : vector<16xi32>
        %parallel_loop3A_646 = vector.bitcast %parallel_loop3A_645 : vector<16xi32> to vector<16xf32>
        %parallel_loop3A_647 = vector.broadcast %scan3A_136 : i32 to vector<16xi32>
        %parallel_loop3A_648 = arith.andi %parallel_loop3A_642, %parallel_loop3A_647 : vector<16xi32>
        %parallel_loop3A_649 = vector.bitcast %parallel_loop3A_648 : vector<16xi32> to vector<16xf32>
        %parallel_loop3A_650 = arith.mulf %parallel_loop3A_646, %parallel_loop3A_639 : vector<16xf32>
        %parallel_loop3A_651 = arith.index_cast %parallel_loop3A_562 : i32 to index
        %parallel_loop3A_652 = arith.constant 96 : index
        %parallel_loop3A_653 = tpu.vector_load %arg19[%parallel_loop3A_651, %parallel_loop3A_652] {strides = array<i32>} : memref<64x128xf32, #tpu.memory_space<vmem>>, vector<16xf32>,
        tpu.vector_store %arg19[%parallel_loop3A_651, %parallel_loop3A_652], %parallel_loop3A_650 {strides = array<i32>} : memref<64x128xf32, #tpu.memory_space<vmem>>, vector<16xf32>,
        %parallel_loop3A_654 = arith.mulf %parallel_loop3A_649, %parallel_loop3A_639 : vector<16xf32>
        %parallel_loop3A_655 = arith.index_cast %parallel_loop3A_562 : i32 to index
        %parallel_loop3A_656 = arith.constant 112 : index
        %parallel_loop3A_657 = tpu.vector_load %arg19[%parallel_loop3A_655, %parallel_loop3A_656] {strides = array<i32>} : memref<64x128xf32, #tpu.memory_space<vmem>>, vector<16xf32>,
        tpu.vector_store %arg19[%parallel_loop3A_655, %parallel_loop3A_656], %parallel_loop3A_654 {strides = array<i32>} : memref<64x128xf32, #tpu.memory_space<vmem>>, vector<16xf32>,
      } {sc.loop_unroll_factor = 4 : i64, sc.parallel_access}
      %mul3A_243 = arith.constant 162 : i32
      %mul3A_244 = arith.muli %arg1, %mul3A_243 : i32
      %add3A_245 = arith.addi %mul3A_244, %add3A_213 : i32
      %mul3A_246 = arith.constant 64 : i32
      %mul3A_247 = arith.muli %add3A_245, %mul3A_246 : i32
      %lt3A_248 = arith.constant 160000 : i32
      %lt3A_249 = arith.cmpi slt, %mul3A_247, %lt3A_248 : i32
      %convert_element_type3A_250 = arith.extui %lt3A_249 : i1 to i32
      %cond3A_251 = arith.constant 0 : i32
      %cond3A_252 = arith.cmpi ne, %convert_element_type3A_250, %cond3A_251 : i32
      scf.if %cond3A_252 {
        %dma_start3A_562 = arith.constant 0 : i32
        %dma_start3A_563 = arith.constant 0 : i32
        %dma_start3A_564 = tpu.memref_slice %arg33[%dma_start3A_562, %dma_start3A_563] : memref<10240x128xf32, #tpu.memory_space<vmem_shared>> -> memref<10240x128xf32, #tpu.memory_space<vmem_shared>>
        tpu.enqueue_indirect_dma source(%arg19 : memref<64x128xf32, #tpu.memory_space<vmem>>) target(%dma_start3A_564 : memref<10240x128xf32, #tpu.memory_space<vmem_shared>>) offsets(%arg27 : memref<64xi32, #tpu.memory_space<vmem>>) semaphore(%arg43 : memref<!tpu.dma_semaphore, #tpu.memory_space<semaphore_mem>>) {add = true}
      } else {
      }
      %mul3A_253 = arith.constant 162 : i32
      %mul3A_254 = arith.muli %arg1, %mul3A_253 : i32
      %add3A_255 = arith.addi %mul3A_254, %add3A_213 : i32
      %mul3A_256 = arith.constant 64 : i32
      %mul3A_257 = arith.muli %add3A_255, %mul3A_256 : i32
      %lt3A_258 = arith.constant 160000 : i32
      %lt3A_259 = arith.cmpi slt, %mul3A_257, %lt3A_258 : i32
      %and3A_260 = arith.constant 1 : i32
      %and3A_261 = arith.andi %add3A_213, %and3A_260 : i32
      %eq3A_262 = arith.cmpi eq, %and3A_261, %arg0 : i32
      %and3A_263 = arith.andi %lt3A_259, %eq3A_262 : i1
      %convert_element_type3A_264 = arith.extui %and3A_263 : i1 to i32
      %cond3A_265 = arith.constant 0 : i32
      %cond3A_266 = arith.cmpi ne, %convert_element_type3A_264, %cond3A_265 : i32
      scf.if %cond3A_266 {
        %dma_start3A_562 = arith.constant 0 : i32
        %dma_start3A_563 = arith.constant 0 : i32
        %dma_start3A_564 = tpu.memref_slice %arg34[%dma_start3A_562, %dma_start3A_563] : memref<10240x16xf32, #tpu.memory_space<vmem_shared>> -> memref<10240x16xf32, #tpu.memory_space<vmem_shared>>
        tpu.enqueue_indirect_dma source(%arg15 : memref<64x16xf32, #tpu.memory_space<vmem>>) target(%dma_start3A_564 : memref<10240x16xf32, #tpu.memory_space<vmem_shared>>) offsets(%arg27 : memref<64xi32, #tpu.memory_space<vmem>>) semaphore(%arg43 : memref<!tpu.dma_semaphore, #tpu.memory_space<semaphore_mem>>) {add = true}
      } else {
      }
      %mul3A_267 = arith.constant 6 : i32
      %mul3A_268 = arith.muli %add3A_209, %mul3A_267 : i32
      %add3A_269 = arith.constant 1 : i32
      %add3A_270 = arith.addi %mul3A_268, %add3A_269 : i32
      %add3A_271 = arith.constant 2 : i32
      %add3A_272 = arith.addi %add3A_270, %add3A_271 : i32
      %lt3A_273 = arith.constant 162 : i32
      %lt3A_274 = arith.cmpi slt, %add3A_272, %lt3A_273 : i32
      %convert_element_type3A_275 = arith.extui %lt3A_274 : i1 to i32
      %cond3A_276 = arith.constant 0 : i32
      %cond3A_277 = arith.cmpi ne, %convert_element_type3A_275, %cond3A_276 : i32
      scf.if %cond3A_277 {
        %add3A_562 = arith.constant 2 : i32
        %add3A_563 = arith.addi %add3A_270, %add3A_562 : i32
        %mul3A_564 = arith.constant 64 : i32
        %mul3A_565 = arith.muli %add3A_563, %mul3A_564 : i32
        %dma_start3A_566 = arith.constant 0 : i32
        %dma_start3A_567 = tpu.memref_slice %arg6[%arg1, %dma_start3A_566] : memref<16x10368xi32, #tpu.memory_space<hbm>> -> memref<1x10368xi32, #tpu.memory_space<hbm>>
        %dma_start3A_568 = tpu.memref_squeeze %dma_start3A_567 : memref<1x10368xi32, #tpu.memory_space<hbm>> -> memref<10368xi32, #tpu.memory_space<hbm>>
        %dma_start3A_569 = tpu.memref_slice %dma_start3A_568[%mul3A_565] : memref<10368xi32, #tpu.memory_space<hbm>> -> memref<64xi32, #tpu.memory_space<hbm>>
        %dma_start3A_570 = arith.constant 0 : i32
        %dma_start3A_571 = tpu.memref_slice %arg6[%arg1, %dma_start3A_570] : memref<16x10368xi32, #tpu.memory_space<hbm>> -> memref<1x10368xi32, #tpu.memory_space<hbm>>
        %dma_start3A_572 = tpu.memref_squeeze %dma_start3A_571 : memref<1x10368xi32, #tpu.memory_space<hbm>> -> memref<10368xi32, #tpu.memory_space<hbm>>
        %dma_start3A_573 = tpu.memref_slice %dma_start3A_572[%mul3A_565] : memref<10368xi32, #tpu.memory_space<hbm>> -> memref<64xi32, #tpu.memory_space<hbm>>
        tpu.enqueue_dma source(%dma_start3A_573 : memref<64xi32, #tpu.memory_space<hbm>>) target(%arg24 : memref<64xi32, #tpu.memory_space<vmem>>) target_semaphore(%arg38 : memref<!tpu.dma_semaphore, #tpu.memory_space<semaphore_mem>>)
        %dma_start3A_574 = arith.constant 0 : i32
        %dma_start3A_575 = tpu.memref_slice %arg7[%arg1, %dma_start3A_574] : memref<16x10368xi32, #tpu.memory_space<hbm>> -> memref<1x10368xi32, #tpu.memory_space<hbm>>
        %dma_start3A_576 = tpu.memref_squeeze %dma_start3A_575 : memref<1x10368xi32, #tpu.memory_space<hbm>> -> memref<10368xi32, #tpu.memory_space<hbm>>
        %dma_start3A_577 = tpu.memref_slice %dma_start3A_576[%mul3A_565] : memref<10368xi32, #tpu.memory_space<hbm>> -> memref<64xi32, #tpu.memory_space<hbm>>
        %dma_start3A_578 = arith.constant 0 : i32
        %dma_start3A_579 = tpu.memref_slice %arg7[%arg1, %dma_start3A_578] : memref<16x10368xi32, #tpu.memory_space<hbm>> -> memref<1x10368xi32, #tpu.memory_space<hbm>>
        %dma_start3A_580 = tpu.memref_squeeze %dma_start3A_579 : memref<1x10368xi32, #tpu.memory_space<hbm>> -> memref<10368xi32, #tpu.memory_space<hbm>>
        %dma_start3A_581 = tpu.memref_slice %dma_start3A_580[%mul3A_565] : memref<10368xi32, #tpu.memory_space<hbm>> -> memref<64xi32, #tpu.memory_space<hbm>>
        tpu.enqueue_dma source(%dma_start3A_581 : memref<64xi32, #tpu.memory_space<hbm>>) target(%arg30 : memref<64xi32, #tpu.memory_space<vmem>>) target_semaphore(%arg38 : memref<!tpu.dma_semaphore, #tpu.memory_space<semaphore_mem>>)
      } else {
      }
      %add3A_278 = arith.constant 1 : i32
      %add3A_279 = arith.addi %add3A_270, %add3A_278 : i32
      %lt3A_280 = arith.constant 162 : i32
      %lt3A_281 = arith.cmpi slt, %add3A_279, %lt3A_280 : i32
      %convert_element_type3A_282 = arith.extui %lt3A_281 : i1 to i32
      %cond3A_283 = arith.constant 0 : i32
      %cond3A_284 = arith.cmpi ne, %convert_element_type3A_282, %cond3A_283 : i32
      scf.if %cond3A_284 {
        %dma_wait3A_562 = arith.constant 0 : i32
        %dma_wait3A_563 = tpu.memref_slice %arg6[%arg1, %dma_wait3A_562] : memref<16x10368xi32, #tpu.memory_space<hbm>> -> memref<1x10368xi32, #tpu.memory_space<hbm>>
        %dma_wait3A_564 = tpu.memref_squeeze %dma_wait3A_563 : memref<1x10368xi32, #tpu.memory_space<hbm>> -> memref<10368xi32, #tpu.memory_space<hbm>>
        %dma_wait3A_565 = arith.constant 0 : i32
        %dma_wait3A_566 = tpu.memref_slice %dma_wait3A_564[%dma_wait3A_565] : memref<10368xi32, #tpu.memory_space<hbm>> -> memref<64xi32, #tpu.memory_space<hbm>>
        %dma_wait3A_567 = arith.constant 0 : i32
        %dma_wait3A_568 = tpu.memref_slice %arg6[%arg1, %dma_wait3A_567] : memref<16x10368xi32, #tpu.memory_space<hbm>> -> memref<1x10368xi32, #tpu.memory_space<hbm>>
        %dma_wait3A_569 = tpu.memref_squeeze %dma_wait3A_568 : memref<1x10368xi32, #tpu.memory_space<hbm>> -> memref<10368xi32, #tpu.memory_space<hbm>>
        %dma_wait3A_570 = arith.constant 0 : i32
        %dma_wait3A_571 = tpu.memref_slice %dma_wait3A_569[%dma_wait3A_570] : memref<10368xi32, #tpu.memory_space<hbm>> -> memref<64xi32, #tpu.memory_space<hbm>>
        tpu.wait_dma2 semaphore(%arg37 : memref<!tpu.dma_semaphore, #tpu.memory_space<semaphore_mem>>) src(%dma_wait3A_571 : memref<64xi32, #tpu.memory_space<hbm>>) dst(%arg23 : memref<64xi32, #tpu.memory_space<vmem>>)
        %dma_wait3A_572 = arith.constant 0 : i32
        %dma_wait3A_573 = tpu.memref_slice %arg6[%arg1, %dma_wait3A_572] : memref<16x10368xi32, #tpu.memory_space<hbm>> -> memref<1x10368xi32, #tpu.memory_space<hbm>>
        %dma_wait3A_574 = tpu.memref_squeeze %dma_wait3A_573 : memref<1x10368xi32, #tpu.memory_space<hbm>> -> memref<10368xi32, #tpu.memory_space<hbm>>
        %dma_wait3A_575 = arith.constant 0 : i32
        %dma_wait3A_576 = tpu.memref_slice %dma_wait3A_574[%dma_wait3A_575] : memref<10368xi32, #tpu.memory_space<hbm>> -> memref<64xi32, #tpu.memory_space<hbm>>
        %dma_wait3A_577 = arith.constant 0 : i32
        %dma_wait3A_578 = tpu.memref_slice %arg6[%arg1, %dma_wait3A_577] : memref<16x10368xi32, #tpu.memory_space<hbm>> -> memref<1x10368xi32, #tpu.memory_space<hbm>>
        %dma_wait3A_579 = tpu.memref_squeeze %dma_wait3A_578 : memref<1x10368xi32, #tpu.memory_space<hbm>> -> memref<10368xi32, #tpu.memory_space<hbm>>
        %dma_wait3A_580 = arith.constant 0 : i32
        %dma_wait3A_581 = tpu.memref_slice %dma_wait3A_579[%dma_wait3A_580] : memref<10368xi32, #tpu.memory_space<hbm>> -> memref<64xi32, #tpu.memory_space<hbm>>
        tpu.wait_dma2 semaphore(%arg37 : memref<!tpu.dma_semaphore, #tpu.memory_space<semaphore_mem>>) src(%dma_wait3A_581 : memref<64xi32, #tpu.memory_space<hbm>>) dst(%arg29 : memref<64xi32, #tpu.memory_space<vmem>>)
        %dma_start3A_582 = arith.constant 0 : i32
        %dma_start3A_583 = arith.constant 0 : i32
        %dma_start3A_584 = tpu.memref_slice %arg4[%dma_start3A_582, %dma_start3A_583] : memref<10000x16xf32, #tpu.memory_space<hbm>> -> memref<10000x16xf32, #tpu.memory_space<hbm>>
        tpu.enqueue_indirect_dma source(%dma_start3A_584 : memref<10000x16xf32, #tpu.memory_space<hbm>>) target(%arg11 : memref<64x16xf32, #tpu.memory_space<vmem>>) offsets(%arg23 : memref<64xi32, #tpu.memory_space<vmem>>) semaphore(%arg41 : memref<!tpu.dma_semaphore, #tpu.memory_space<semaphore_mem>>)
        %dma_start3A_585 = arith.constant 0 : i32
        %dma_start3A_586 = arith.constant 0 : i32
        %dma_start3A_587 = tpu.memref_slice %arg5[%dma_start3A_585, %dma_start3A_586] : memref<10000x16xf32, #tpu.memory_space<hbm>> -> memref<10000x16xf32, #tpu.memory_space<hbm>>
        tpu.enqueue_indirect_dma source(%dma_start3A_587 : memref<10000x16xf32, #tpu.memory_space<hbm>>) target(%arg13 : memref<64x16xf32, #tpu.memory_space<vmem>>) offsets(%arg29 : memref<64xi32, #tpu.memory_space<vmem>>) semaphore(%arg41 : memref<!tpu.dma_semaphore, #tpu.memory_space<semaphore_mem>>)
        %eq3A_588 = arith.constant 0 : i32
        %eq3A_589 = arith.cmpi eq, %arg0, %eq3A_588 : i32
        %convert_element_type3A_590 = arith.extui %eq3A_589 : i1 to i32
        %cond3A_591 = arith.constant 0 : i32
        %cond3A_592 = arith.cmpi ne, %convert_element_type3A_590, %cond3A_591 : i32
        scf.if %cond3A_592 {
          %dma_start3A_598 = arith.constant 0 : i32
          %dma_start3A_599 = arith.constant 0 : i32
          %dma_start3A_600 = tpu.memref_slice %arg2[%dma_start3A_598, %dma_start3A_599] : memref<10000x64xi32, #tpu.memory_space<hbm>> -> memref<10000x64xi32, #tpu.memory_space<hbm>>
          tpu.enqueue_indirect_dma source(%dma_start3A_600 : memref<10000x64xi32, #tpu.memory_space<hbm>>) target(%arg17 : memref<64x64xi32, #tpu.memory_space<vmem>>) offsets(%arg23 : memref<64xi32, #tpu.memory_space<vmem>>) semaphore(%arg41 : memref<!tpu.dma_semaphore, #tpu.memory_space<semaphore_mem>>)
        } else {
        }
        %eq3A_593 = arith.constant 1 : i32
        %eq3A_594 = arith.cmpi eq, %arg0, %eq3A_593 : i32
        %convert_element_type3A_595 = arith.extui %eq3A_594 : i1 to i32
        %cond3A_596 = arith.constant 0 : i32
        %cond3A_597 = arith.cmpi ne, %convert_element_type3A_595, %cond3A_596 : i32
        scf.if %cond3A_597 {
          %dma_start3A_598 = arith.constant 0 : i32
          %dma_start3A_599 = arith.constant 0 : i32
          %dma_start3A_600 = tpu.memref_slice %arg3[%dma_start3A_598, %dma_start3A_599] : memref<10000x64xi32, #tpu.memory_space<hbm>> -> memref<10000x64xi32, #tpu.memory_space<hbm>>
          tpu.enqueue_indirect_dma source(%dma_start3A_600 : memref<10000x64xi32, #tpu.memory_space<hbm>>) target(%arg17 : memref<64x64xi32, #tpu.memory_space<vmem>>) offsets(%arg23 : memref<64xi32, #tpu.memory_space<vmem>>) semaphore(%arg41 : memref<!tpu.dma_semaphore, #tpu.memory_space<semaphore_mem>>)
        } else {
        }
      } else {
      }
      %ge3A_285 = arith.constant 2 : i32
      %ge3A_286 = arith.cmpi sge, %add3A_270, %ge3A_285 : i32
      %convert_element_type3A_287 = arith.extui %ge3A_286 : i1 to i32
      %cond3A_288 = arith.constant 0 : i32
      %cond3A_289 = arith.cmpi ne, %convert_element_type3A_287, %cond3A_288 : i32
      scf.if %cond3A_289 {
        %sub3A = arith.constant 2 : i32
        %sub3A_562 = arith.subi %add3A_270, %sub3A : i32
        %mul3A_563 = arith.constant 162 : i32
        %mul3A_564 = arith.muli %arg1, %mul3A_563 : i32
        %add3A_565 = arith.addi %mul3A_564, %sub3A_562 : i32
        %mul3A_566 = arith.constant 64 : i32
        %mul3A_567 = arith.muli %add3A_565, %mul3A_566 : i32
        %lt3A_568 = arith.constant 160000 : i32
        %lt3A_569 = arith.cmpi slt, %mul3A_567, %lt3A_568 : i32
        %convert_element_type3A_570 = arith.extui %lt3A_569 : i1 to i32
        %cond3A_571 = arith.constant 0 : i32
        %cond3A_572 = arith.cmpi ne, %convert_element_type3A_570, %cond3A_571 : i32
        scf.if %cond3A_572 {
          %dma_wait3A_587 = arith.constant 0 : i32
          %dma_wait3A_588 = arith.constant 0 : i32
          %dma_wait3A_589 = tpu.memref_slice %arg33[%dma_wait3A_587, %dma_wait3A_588] : memref<10240x128xf32, #tpu.memory_space<vmem_shared>> -> memref<10240x128xf32, #tpu.memory_space<vmem_shared>>
          tpu.wait_indirect_dma semaphore(%arg44 : memref<!tpu.dma_semaphore, #tpu.memory_space<semaphore_mem>>) src(%arg20 : memref<64x128xf32, #tpu.memory_space<vmem>>) dst(%dma_wait3A_589 : memref<10240x128xf32, #tpu.memory_space<vmem_shared>>)
        } else {
        }
        %mul3A_573 = arith.constant 162 : i32
        %mul3A_574 = arith.muli %arg1, %mul3A_573 : i32
        %add3A_575 = arith.addi %mul3A_574, %sub3A_562 : i32
        %mul3A_576 = arith.constant 64 : i32
        %mul3A_577 = arith.muli %add3A_575, %mul3A_576 : i32
        %lt3A_578 = arith.constant 160000 : i32
        %lt3A_579 = arith.cmpi slt, %mul3A_577, %lt3A_578 : i32
        %and3A_580 = arith.constant 1 : i32
        %and3A_581 = arith.andi %sub3A_562, %and3A_580 : i32
        %eq3A_582 = arith.cmpi eq, %and3A_581, %arg0 : i32
        %and3A_583 = arith.andi %lt3A_579, %eq3A_582 : i1
        %convert_element_type3A_584 = arith.extui %and3A_583 : i1 to i32
        %cond3A_585 = arith.constant 0 : i32
        %cond3A_586 = arith.cmpi ne, %convert_element_type3A_584, %cond3A_585 : i32
        scf.if %cond3A_586 {
          %dma_wait3A_587 = arith.constant 0 : i32
          %dma_wait3A_588 = arith.constant 0 : i32
          %dma_wait3A_589 = tpu.memref_slice %arg34[%dma_wait3A_587, %dma_wait3A_588] : memref<10240x16xf32, #tpu.memory_space<vmem_shared>> -> memref<10240x16xf32, #tpu.memory_space<vmem_shared>>
          tpu.wait_indirect_dma semaphore(%arg44 : memref<!tpu.dma_semaphore, #tpu.memory_space<semaphore_mem>>) src(%arg16 : memref<64x16xf32, #tpu.memory_space<vmem>>) dst(%dma_wait3A_589 : memref<10240x16xf32, #tpu.memory_space<vmem_shared>>)
        } else {
        }
      } else {
      }
      %dma_wait3A_290 = arith.constant 0 : i32
      %dma_wait3A_291 = arith.constant 0 : i32
      %dma_wait3A_292 = tpu.memref_slice %arg4[%dma_wait3A_290, %dma_wait3A_291] : memref<10000x16xf32, #tpu.memory_space<hbm>> -> memref<10000x16xf32, #tpu.memory_space<hbm>>
      tpu.wait_indirect_dma semaphore(%arg42 : memref<!tpu.dma_semaphore, #tpu.memory_space<semaphore_mem>>) src(%dma_wait3A_292 : memref<10000x16xf32, #tpu.memory_space<hbm>>) dst(%arg12 : memref<64x16xf32, #tpu.memory_space<vmem>>)
      %dma_wait3A_293 = arith.constant 0 : i32
      %dma_wait3A_294 = arith.constant 0 : i32
      %dma_wait3A_295 = tpu.memref_slice %arg4[%dma_wait3A_293, %dma_wait3A_294] : memref<10000x16xf32, #tpu.memory_space<hbm>> -> memref<10000x16xf32, #tpu.memory_space<hbm>>
      tpu.wait_indirect_dma semaphore(%arg42 : memref<!tpu.dma_semaphore, #tpu.memory_space<semaphore_mem>>) src(%dma_wait3A_295 : memref<10000x16xf32, #tpu.memory_space<hbm>>) dst(%arg14 : memref<64x16xf32, #tpu.memory_space<vmem>>)
      %dma_wait3A_296 = arith.constant 0 : i32
      %dma_wait3A_297 = arith.constant 0 : i32
      %dma_wait3A_298 = tpu.memref_slice %arg2[%dma_wait3A_296, %dma_wait3A_297] : memref<10000x64xi32, #tpu.memory_space<hbm>> -> memref<10000x64xi32, #tpu.memory_space<hbm>>
      tpu.wait_indirect_dma semaphore(%arg42 : memref<!tpu.dma_semaphore, #tpu.memory_space<semaphore_mem>>) src(%dma_wait3A_298 : memref<10000x64xi32, #tpu.memory_space<hbm>>) dst(%arg18 : memref<64x64xi32, #tpu.memory_space<vmem>>)
      %parallel_loop3A_299 = arith.constant 0 : i32
      %parallel_loop3A_300 = arith.constant 64 : i32
      %parallel_loop3A_301 = arith.constant 1 : i32
      scf.for %parallel_loop3A_562 = %parallel_loop3A_299 to %parallel_loop3A_300 step %parallel_loop3A_301  : i32 {
        %parallel_loop3A_563 = arith.index_cast %parallel_loop3A_562 : i32 to index
        %parallel_loop3A_564 = arith.constant 0 : index
        %parallel_loop3A_565 = tpu.vector_load %arg12[%parallel_loop3A_563, %parallel_loop3A_564] {strides = array<i32>} : memref<64x16xf32, #tpu.memory_space<vmem>>, vector<16xf32>,
        %parallel_loop3A_566 = arith.index_cast %parallel_loop3A_562 : i32 to index
        %parallel_loop3A_567 = arith.constant 0 : index
        %parallel_loop3A_568 = tpu.vector_load %arg14[%parallel_loop3A_566, %parallel_loop3A_567] {strides = array<i32>} : memref<64x16xf32, #tpu.memory_space<vmem>>, vector<16xf32>,
        %parallel_loop3A_569 = arith.addf %parallel_loop3A_565, %parallel_loop3A_568 : vector<16xf32>
        %parallel_loop3A_570 = arith.constant 2.000000e-01 : f32
        %parallel_loop3A_571 = vector.broadcast %parallel_loop3A_570 : f32 to vector<16xf32>
        %parallel_loop3A_572 = arith.mulf %parallel_loop3A_569, %parallel_loop3A_571 : vector<16xf32>
        %parallel_loop3A_573 = arith.maximumf %parallel_loop3A_569, %parallel_loop3A_572 : vector<16xf32>
        %parallel_loop3A_574 = math.exp %parallel_loop3A_573 : vector<16xf32>
        %parallel_loop3A_575 = arith.index_cast %parallel_loop3A_562 : i32 to index
        %parallel_loop3A_576 = arith.constant 0 : index
        %parallel_loop3A_577 = tpu.vector_load %arg16[%parallel_loop3A_575, %parallel_loop3A_576] {strides = array<i32>} : memref<64x16xf32, #tpu.memory_space<vmem>>, vector<16xf32>,
        tpu.vector_store %arg16[%parallel_loop3A_575, %parallel_loop3A_576], %parallel_loop3A_574 {strides = array<i32>} : memref<64x16xf32, #tpu.memory_space<vmem>>, vector<16xf32>,
        %parallel_loop3A_578 = vector.shape_cast %broadcast_in_dim3A_49 : vector<16x1xi32> to vector<16xi32>
        %parallel_loop3A_579 = tpu.dynamic_gather %parallel_loop3A_574[%parallel_loop3A_578] in [0] : vector<16xf32>, vector<16xi32> -> vector<16xf32>
        %parallel_loop3A_580 = arith.index_cast %parallel_loop3A_562 : i32 to index
        %parallel_loop3A_581 = arith.constant 0 : index
        %parallel_loop3A_582 = tpu.vector_load %arg18[%parallel_loop3A_580, %parallel_loop3A_581] {strides = array<i32>} : memref<64x64xi32, #tpu.memory_space<vmem>>, vector<16xi32>,
        %parallel_loop3A_583 = arith.constant 16 : i32
        %parallel_loop3A_584 = vector.broadcast %parallel_loop3A_583 : i32 to vector<16xi32>
        %parallel_loop3A_585 = arith.shli %parallel_loop3A_582, %parallel_loop3A_584 : vector<16xi32>
        %parallel_loop3A_586 = vector.bitcast %parallel_loop3A_585 : vector<16xi32> to vector<16xf32>
        %parallel_loop3A_587 = vector.broadcast %scan3A_136 : i32 to vector<16xi32>
        %parallel_loop3A_588 = arith.andi %parallel_loop3A_582, %parallel_loop3A_587 : vector<16xi32>
        %parallel_loop3A_589 = vector.bitcast %parallel_loop3A_588 : vector<16xi32> to vector<16xf32>
        %parallel_loop3A_590 = arith.mulf %parallel_loop3A_586, %parallel_loop3A_579 : vector<16xf32>
        %parallel_loop3A_591 = arith.index_cast %parallel_loop3A_562 : i32 to index
        %parallel_loop3A_592 = arith.constant 0 : index
        %parallel_loop3A_593 = tpu.vector_load %arg20[%parallel_loop3A_591, %parallel_loop3A_592] {strides = array<i32>} : memref<64x128xf32, #tpu.memory_space<vmem>>, vector<16xf32>,
        tpu.vector_store %arg20[%parallel_loop3A_591, %parallel_loop3A_592], %parallel_loop3A_590 {strides = array<i32>} : memref<64x128xf32, #tpu.memory_space<vmem>>, vector<16xf32>,
        %parallel_loop3A_594 = arith.mulf %parallel_loop3A_589, %parallel_loop3A_579 : vector<16xf32>
        %parallel_loop3A_595 = arith.index_cast %parallel_loop3A_562 : i32 to index
        %parallel_loop3A_596 = arith.constant 16 : index
        %parallel_loop3A_597 = tpu.vector_load %arg20[%parallel_loop3A_595, %parallel_loop3A_596] {strides = array<i32>} : memref<64x128xf32, #tpu.memory_space<vmem>>, vector<16xf32>,
        tpu.vector_store %arg20[%parallel_loop3A_595, %parallel_loop3A_596], %parallel_loop3A_594 {strides = array<i32>} : memref<64x128xf32, #tpu.memory_space<vmem>>, vector<16xf32>,
        %parallel_loop3A_598 = vector.shape_cast %broadcast_in_dim3A_54 : vector<16x1xi32> to vector<16xi32>
        %parallel_loop3A_599 = tpu.dynamic_gather %parallel_loop3A_574[%parallel_loop3A_598] in [0] : vector<16xf32>, vector<16xi32> -> vector<16xf32>
        %parallel_loop3A_600 = arith.index_cast %parallel_loop3A_562 : i32 to index
        %parallel_loop3A_601 = arith.constant 16 : index
        %parallel_loop3A_602 = tpu.vector_load %arg18[%parallel_loop3A_600, %parallel_loop3A_601] {strides = array<i32>} : memref<64x64xi32, #tpu.memory_space<vmem>>, vector<16xi32>,
        %parallel_loop3A_603 = arith.constant 16 : i32
        %parallel_loop3A_604 = vector.broadcast %parallel_loop3A_603 : i32 to vector<16xi32>
        %parallel_loop3A_605 = arith.shli %parallel_loop3A_602, %parallel_loop3A_604 : vector<16xi32>
        %parallel_loop3A_606 = vector.bitcast %parallel_loop3A_605 : vector<16xi32> to vector<16xf32>
        %parallel_loop3A_607 = vector.broadcast %scan3A_136 : i32 to vector<16xi32>
        %parallel_loop3A_608 = arith.andi %parallel_loop3A_602, %parallel_loop3A_607 : vector<16xi32>
        %parallel_loop3A_609 = vector.bitcast %parallel_loop3A_608 : vector<16xi32> to vector<16xf32>
        %parallel_loop3A_610 = arith.mulf %parallel_loop3A_606, %parallel_loop3A_599 : vector<16xf32>
        %parallel_loop3A_611 = arith.index_cast %parallel_loop3A_562 : i32 to index
        %parallel_loop3A_612 = arith.constant 32 : index
        %parallel_loop3A_613 = tpu.vector_load %arg20[%parallel_loop3A_611, %parallel_loop3A_612] {strides = array<i32>} : memref<64x128xf32, #tpu.memory_space<vmem>>, vector<16xf32>,
        tpu.vector_store %arg20[%parallel_loop3A_611, %parallel_loop3A_612], %parallel_loop3A_610 {strides = array<i32>} : memref<64x128xf32, #tpu.memory_space<vmem>>, vector<16xf32>,
        %parallel_loop3A_614 = arith.mulf %parallel_loop3A_609, %parallel_loop3A_599 : vector<16xf32>
        %parallel_loop3A_615 = arith.index_cast %parallel_loop3A_562 : i32 to index
        %parallel_loop3A_616 = arith.constant 48 : index
        %parallel_loop3A_617 = tpu.vector_load %arg20[%parallel_loop3A_615, %parallel_loop3A_616] {strides = array<i32>} : memref<64x128xf32, #tpu.memory_space<vmem>>, vector<16xf32>,
        tpu.vector_store %arg20[%parallel_loop3A_615, %parallel_loop3A_616], %parallel_loop3A_614 {strides = array<i32>} : memref<64x128xf32, #tpu.memory_space<vmem>>, vector<16xf32>,
        %parallel_loop3A_618 = vector.shape_cast %broadcast_in_dim3A_59 : vector<16x1xi32> to vector<16xi32>
        %parallel_loop3A_619 = tpu.dynamic_gather %parallel_loop3A_574[%parallel_loop3A_618] in [0] : vector<16xf32>, vector<16xi32> -> vector<16xf32>
        %parallel_loop3A_620 = arith.index_cast %parallel_loop3A_562 : i32 to index
        %parallel_loop3A_621 = arith.constant 32 : index
        %parallel_loop3A_622 = tpu.vector_load %arg18[%parallel_loop3A_620, %parallel_loop3A_621] {strides = array<i32>} : memref<64x64xi32, #tpu.memory_space<vmem>>, vector<16xi32>,
        %parallel_loop3A_623 = arith.constant 16 : i32
        %parallel_loop3A_624 = vector.broadcast %parallel_loop3A_623 : i32 to vector<16xi32>
        %parallel_loop3A_625 = arith.shli %parallel_loop3A_622, %parallel_loop3A_624 : vector<16xi32>
        %parallel_loop3A_626 = vector.bitcast %parallel_loop3A_625 : vector<16xi32> to vector<16xf32>
        %parallel_loop3A_627 = vector.broadcast %scan3A_136 : i32 to vector<16xi32>
        %parallel_loop3A_628 = arith.andi %parallel_loop3A_622, %parallel_loop3A_627 : vector<16xi32>
        %parallel_loop3A_629 = vector.bitcast %parallel_loop3A_628 : vector<16xi32> to vector<16xf32>
        %parallel_loop3A_630 = arith.mulf %parallel_loop3A_626, %parallel_loop3A_619 : vector<16xf32>
        %parallel_loop3A_631 = arith.index_cast %parallel_loop3A_562 : i32 to index
        %parallel_loop3A_632 = arith.constant 64 : index
        %parallel_loop3A_633 = tpu.vector_load %arg20[%parallel_loop3A_631, %parallel_loop3A_632] {strides = array<i32>} : memref<64x128xf32, #tpu.memory_space<vmem>>, vector<16xf32>,
        tpu.vector_store %arg20[%parallel_loop3A_631, %parallel_loop3A_632], %parallel_loop3A_630 {strides = array<i32>} : memref<64x128xf32, #tpu.memory_space<vmem>>, vector<16xf32>,
        %parallel_loop3A_634 = arith.mulf %parallel_loop3A_629, %parallel_loop3A_619 : vector<16xf32>
        %parallel_loop3A_635 = arith.index_cast %parallel_loop3A_562 : i32 to index
        %parallel_loop3A_636 = arith.constant 80 : index
        %parallel_loop3A_637 = tpu.vector_load %arg20[%parallel_loop3A_635, %parallel_loop3A_636] {strides = array<i32>} : memref<64x128xf32, #tpu.memory_space<vmem>>, vector<16xf32>,
        tpu.vector_store %arg20[%parallel_loop3A_635, %parallel_loop3A_636], %parallel_loop3A_634 {strides = array<i32>} : memref<64x128xf32, #tpu.memory_space<vmem>>, vector<16xf32>,
        %parallel_loop3A_638 = vector.shape_cast %broadcast_in_dim3A_64 : vector<16x1xi32> to vector<16xi32>
        %parallel_loop3A_639 = tpu.dynamic_gather %parallel_loop3A_574[%parallel_loop3A_638] in [0] : vector<16xf32>, vector<16xi32> -> vector<16xf32>
        %parallel_loop3A_640 = arith.index_cast %parallel_loop3A_562 : i32 to index
        %parallel_loop3A_641 = arith.constant 48 : index
        %parallel_loop3A_642 = tpu.vector_load %arg18[%parallel_loop3A_640, %parallel_loop3A_641] {strides = array<i32>} : memref<64x64xi32, #tpu.memory_space<vmem>>, vector<16xi32>,
        %parallel_loop3A_643 = arith.constant 16 : i32
        %parallel_loop3A_644 = vector.broadcast %parallel_loop3A_643 : i32 to vector<16xi32>
        %parallel_loop3A_645 = arith.shli %parallel_loop3A_642, %parallel_loop3A_644 : vector<16xi32>
        %parallel_loop3A_646 = vector.bitcast %parallel_loop3A_645 : vector<16xi32> to vector<16xf32>
        %parallel_loop3A_647 = vector.broadcast %scan3A_136 : i32 to vector<16xi32>
        %parallel_loop3A_648 = arith.andi %parallel_loop3A_642, %parallel_loop3A_647 : vector<16xi32>
        %parallel_loop3A_649 = vector.bitcast %parallel_loop3A_648 : vector<16xi32> to vector<16xf32>
        %parallel_loop3A_650 = arith.mulf %parallel_loop3A_646, %parallel_loop3A_639 : vector<16xf32>
        %parallel_loop3A_651 = arith.index_cast %parallel_loop3A_562 : i32 to index
        %parallel_loop3A_652 = arith.constant 96 : index
        %parallel_loop3A_653 = tpu.vector_load %arg20[%parallel_loop3A_651, %parallel_loop3A_652] {strides = array<i32>} : memref<64x128xf32, #tpu.memory_space<vmem>>, vector<16xf32>,
        tpu.vector_store %arg20[%parallel_loop3A_651, %parallel_loop3A_652], %parallel_loop3A_650 {strides = array<i32>} : memref<64x128xf32, #tpu.memory_space<vmem>>, vector<16xf32>,
        %parallel_loop3A_654 = arith.mulf %parallel_loop3A_649, %parallel_loop3A_639 : vector<16xf32>
        %parallel_loop3A_655 = arith.index_cast %parallel_loop3A_562 : i32 to index
        %parallel_loop3A_656 = arith.constant 112 : index
        %parallel_loop3A_657 = tpu.vector_load %arg20[%parallel_loop3A_655, %parallel_loop3A_656] {strides = array<i32>} : memref<64x128xf32, #tpu.memory_space<vmem>>, vector<16xf32>,
        tpu.vector_store %arg20[%parallel_loop3A_655, %parallel_loop3A_656], %parallel_loop3A_654 {strides = array<i32>} : memref<64x128xf32, #tpu.memory_space<vmem>>, vector<16xf32>,
      } {sc.loop_unroll_factor = 4 : i64, sc.parallel_access}
      %mul3A_302 = arith.constant 162 : i32
      %mul3A_303 = arith.muli %arg1, %mul3A_302 : i32
      %add3A_304 = arith.addi %mul3A_303, %add3A_270 : i32
      %mul3A_305 = arith.constant 64 : i32
      %mul3A_306 = arith.muli %add3A_304, %mul3A_305 : i32
      %lt3A_307 = arith.constant 160000 : i32
      %lt3A_308 = arith.cmpi slt, %mul3A_306, %lt3A_307 : i32
      %convert_element_type3A_309 = arith.extui %lt3A_308 : i1 to i32
      %cond3A_310 = arith.constant 0 : i32
      %cond3A_311 = arith.cmpi ne, %convert_element_type3A_309, %cond3A_310 : i32
      scf.if %cond3A_311 {
        %dma_start3A_562 = arith.constant 0 : i32
        %dma_start3A_563 = arith.constant 0 : i32
        %dma_start3A_564 = tpu.memref_slice %arg33[%dma_start3A_562, %dma_start3A_563] : memref<10240x128xf32, #tpu.memory_space<vmem_shared>> -> memref<10240x128xf32, #tpu.memory_space<vmem_shared>>
        tpu.enqueue_indirect_dma source(%arg20 : memref<64x128xf32, #tpu.memory_space<vmem>>) target(%dma_start3A_564 : memref<10240x128xf32, #tpu.memory_space<vmem_shared>>) offsets(%arg28 : memref<64xi32, #tpu.memory_space<vmem>>) semaphore(%arg44 : memref<!tpu.dma_semaphore, #tpu.memory_space<semaphore_mem>>) {add = true}
      } else {
      }
      %mul3A_312 = arith.constant 162 : i32
      %mul3A_313 = arith.muli %arg1, %mul3A_312 : i32
      %add3A_314 = arith.addi %mul3A_313, %add3A_270 : i32
      %mul3A_315 = arith.constant 64 : i32
      %mul3A_316 = arith.muli %add3A_314, %mul3A_315 : i32
      %lt3A_317 = arith.constant 160000 : i32
      %lt3A_318 = arith.cmpi slt, %mul3A_316, %lt3A_317 : i32
      %and3A_319 = arith.constant 1 : i32
      %and3A_320 = arith.andi %add3A_270, %and3A_319 : i32
      %eq3A_321 = arith.cmpi eq, %and3A_320, %arg0 : i32
      %and3A_322 = arith.andi %lt3A_318, %eq3A_321 : i1
      %convert_element_type3A_323 = arith.extui %and3A_322 : i1 to i32
      %cond3A_324 = arith.constant 0 : i32
      %cond3A_325 = arith.cmpi ne, %convert_element_type3A_323, %cond3A_324 : i32
      scf.if %cond3A_325 {
        %dma_start3A_562 = arith.constant 0 : i32
        %dma_start3A_563 = arith.constant 0 : i32
        %dma_start3A_564 = tpu.memref_slice %arg34[%dma_start3A_562, %dma_start3A_563] : memref<10240x16xf32, #tpu.memory_space<vmem_shared>> -> memref<10240x16xf32, #tpu.memory_space<vmem_shared>>
        tpu.enqueue_indirect_dma source(%arg16 : memref<64x16xf32, #tpu.memory_space<vmem>>) target(%dma_start3A_564 : memref<10240x16xf32, #tpu.memory_space<vmem_shared>>) offsets(%arg28 : memref<64xi32, #tpu.memory_space<vmem>>) semaphore(%arg44 : memref<!tpu.dma_semaphore, #tpu.memory_space<semaphore_mem>>) {add = true}
      } else {
      }
      %mul3A_326 = arith.constant 6 : i32
      %mul3A_327 = arith.muli %add3A_209, %mul3A_326 : i32
      %add3A_328 = arith.constant 2 : i32
      %add3A_329 = arith.addi %mul3A_327, %add3A_328 : i32
      %add3A_330 = arith.constant 2 : i32
      %add3A_331 = arith.addi %add3A_329, %add3A_330 : i32
      %lt3A_332 = arith.constant 162 : i32
      %lt3A_333 = arith.cmpi slt, %add3A_331, %lt3A_332 : i32
      %convert_element_type3A_334 = arith.extui %lt3A_333 : i1 to i32
      %cond3A_335 = arith.constant 0 : i32
      %cond3A_336 = arith.cmpi ne, %convert_element_type3A_334, %cond3A_335 : i32
      scf.if %cond3A_336 {
        %add3A_562 = arith.constant 2 : i32
        %add3A_563 = arith.addi %add3A_329, %add3A_562 : i32
        %mul3A_564 = arith.constant 64 : i32
        %mul3A_565 = arith.muli %add3A_563, %mul3A_564 : i32
        %dma_start3A_566 = arith.constant 0 : i32
        %dma_start3A_567 = tpu.memref_slice %arg6[%arg1, %dma_start3A_566] : memref<16x10368xi32, #tpu.memory_space<hbm>> -> memref<1x10368xi32, #tpu.memory_space<hbm>>
        %dma_start3A_568 = tpu.memref_squeeze %dma_start3A_567 : memref<1x10368xi32, #tpu.memory_space<hbm>> -> memref<10368xi32, #tpu.memory_space<hbm>>
        %dma_start3A_569 = tpu.memref_slice %dma_start3A_568[%mul3A_565] : memref<10368xi32, #tpu.memory_space<hbm>> -> memref<64xi32, #tpu.memory_space<hbm>>
        %dma_start3A_570 = arith.constant 0 : i32
        %dma_start3A_571 = tpu.memref_slice %arg6[%arg1, %dma_start3A_570] : memref<16x10368xi32, #tpu.memory_space<hbm>> -> memref<1x10368xi32, #tpu.memory_space<hbm>>
        %dma_start3A_572 = tpu.memref_squeeze %dma_start3A_571 : memref<1x10368xi32, #tpu.memory_space<hbm>> -> memref<10368xi32, #tpu.memory_space<hbm>>
        %dma_start3A_573 = tpu.memref_slice %dma_start3A_572[%mul3A_565] : memref<10368xi32, #tpu.memory_space<hbm>> -> memref<64xi32, #tpu.memory_space<hbm>>
        tpu.enqueue_dma source(%dma_start3A_573 : memref<64xi32, #tpu.memory_space<hbm>>) target(%arg25 : memref<64xi32, #tpu.memory_space<vmem>>) target_semaphore(%arg39 : memref<!tpu.dma_semaphore, #tpu.memory_space<semaphore_mem>>)
        %dma_start3A_574 = arith.constant 0 : i32
        %dma_start3A_575 = tpu.memref_slice %arg7[%arg1, %dma_start3A_574] : memref<16x10368xi32, #tpu.memory_space<hbm>> -> memref<1x10368xi32, #tpu.memory_space<hbm>>
        %dma_start3A_576 = tpu.memref_squeeze %dma_start3A_575 : memref<1x10368xi32, #tpu.memory_space<hbm>> -> memref<10368xi32, #tpu.memory_space<hbm>>
        %dma_start3A_577 = tpu.memref_slice %dma_start3A_576[%mul3A_565] : memref<10368xi32, #tpu.memory_space<hbm>> -> memref<64xi32, #tpu.memory_space<hbm>>
        %dma_start3A_578 = arith.constant 0 : i32
        %dma_start3A_579 = tpu.memref_slice %arg7[%arg1, %dma_start3A_578] : memref<16x10368xi32, #tpu.memory_space<hbm>> -> memref<1x10368xi32, #tpu.memory_space<hbm>>
        %dma_start3A_580 = tpu.memref_squeeze %dma_start3A_579 : memref<1x10368xi32, #tpu.memory_space<hbm>> -> memref<10368xi32, #tpu.memory_space<hbm>>
        %dma_start3A_581 = tpu.memref_slice %dma_start3A_580[%mul3A_565] : memref<10368xi32, #tpu.memory_space<hbm>> -> memref<64xi32, #tpu.memory_space<hbm>>
        tpu.enqueue_dma source(%dma_start3A_581 : memref<64xi32, #tpu.memory_space<hbm>>) target(%arg31 : memref<64xi32, #tpu.memory_space<vmem>>) target_semaphore(%arg39 : memref<!tpu.dma_semaphore, #tpu.memory_space<semaphore_mem>>)
      } else {
      }
      %add3A_337 = arith.constant 1 : i32
      %add3A_338 = arith.addi %add3A_329, %add3A_337 : i32
      %lt3A_339 = arith.constant 162 : i32
      %lt3A_340 = arith.cmpi slt, %add3A_338, %lt3A_339 : i32
      %convert_element_type3A_341 = arith.extui %lt3A_340 : i1 to i32
      %cond3A_342 = arith.constant 0 : i32
      %cond3A_343 = arith.cmpi ne, %convert_element_type3A_341, %cond3A_342 : i32
      scf.if %cond3A_343 {
        %dma_wait3A_562 = arith.constant 0 : i32
        %dma_wait3A_563 = tpu.memref_slice %arg6[%arg1, %dma_wait3A_562] : memref<16x10368xi32, #tpu.memory_space<hbm>> -> memref<1x10368xi32, #tpu.memory_space<hbm>>
        %dma_wait3A_564 = tpu.memref_squeeze %dma_wait3A_563 : memref<1x10368xi32, #tpu.memory_space<hbm>> -> memref<10368xi32, #tpu.memory_space<hbm>>
        %dma_wait3A_565 = arith.constant 0 : i32
        %dma_wait3A_566 = tpu.memref_slice %dma_wait3A_564[%dma_wait3A_565] : memref<10368xi32, #tpu.memory_space<hbm>> -> memref<64xi32, #tpu.memory_space<hbm>>
        %dma_wait3A_567 = arith.constant 0 : i32
        %dma_wait3A_568 = tpu.memref_slice %arg6[%arg1, %dma_wait3A_567] : memref<16x10368xi32, #tpu.memory_space<hbm>> -> memref<1x10368xi32, #tpu.memory_space<hbm>>
        %dma_wait3A_569 = tpu.memref_squeeze %dma_wait3A_568 : memref<1x10368xi32, #tpu.memory_space<hbm>> -> memref<10368xi32, #tpu.memory_space<hbm>>
        %dma_wait3A_570 = arith.constant 0 : i32
        %dma_wait3A_571 = tpu.memref_slice %dma_wait3A_569[%dma_wait3A_570] : memref<10368xi32, #tpu.memory_space<hbm>> -> memref<64xi32, #tpu.memory_space<hbm>>
        tpu.wait_dma2 semaphore(%arg38 : memref<!tpu.dma_semaphore, #tpu.memory_space<semaphore_mem>>) src(%dma_wait3A_571 : memref<64xi32, #tpu.memory_space<hbm>>) dst(%arg24 : memref<64xi32, #tpu.memory_space<vmem>>)
        %dma_wait3A_572 = arith.constant 0 : i32
        %dma_wait3A_573 = tpu.memref_slice %arg6[%arg1, %dma_wait3A_572] : memref<16x10368xi32, #tpu.memory_space<hbm>> -> memref<1x10368xi32, #tpu.memory_space<hbm>>
        %dma_wait3A_574 = tpu.memref_squeeze %dma_wait3A_573 : memref<1x10368xi32, #tpu.memory_space<hbm>> -> memref<10368xi32, #tpu.memory_space<hbm>>
        %dma_wait3A_575 = arith.constant 0 : i32
        %dma_wait3A_576 = tpu.memref_slice %dma_wait3A_574[%dma_wait3A_575] : memref<10368xi32, #tpu.memory_space<hbm>> -> memref<64xi32, #tpu.memory_space<hbm>>
        %dma_wait3A_577 = arith.constant 0 : i32
        %dma_wait3A_578 = tpu.memref_slice %arg6[%arg1, %dma_wait3A_577] : memref<16x10368xi32, #tpu.memory_space<hbm>> -> memref<1x10368xi32, #tpu.memory_space<hbm>>
        %dma_wait3A_579 = tpu.memref_squeeze %dma_wait3A_578 : memref<1x10368xi32, #tpu.memory_space<hbm>> -> memref<10368xi32, #tpu.memory_space<hbm>>
        %dma_wait3A_580 = arith.constant 0 : i32
        %dma_wait3A_581 = tpu.memref_slice %dma_wait3A_579[%dma_wait3A_580] : memref<10368xi32, #tpu.memory_space<hbm>> -> memref<64xi32, #tpu.memory_space<hbm>>
        tpu.wait_dma2 semaphore(%arg38 : memref<!tpu.dma_semaphore, #tpu.memory_space<semaphore_mem>>) src(%dma_wait3A_581 : memref<64xi32, #tpu.memory_space<hbm>>) dst(%arg30 : memref<64xi32, #tpu.memory_space<vmem>>)
        %dma_start3A_582 = arith.constant 0 : i32
        %dma_start3A_583 = arith.constant 0 : i32
        %dma_start3A_584 = tpu.memref_slice %arg4[%dma_start3A_582, %dma_start3A_583] : memref<10000x16xf32, #tpu.memory_space<hbm>> -> memref<10000x16xf32, #tpu.memory_space<hbm>>
        tpu.enqueue_indirect_dma source(%dma_start3A_584 : memref<10000x16xf32, #tpu.memory_space<hbm>>) target(%arg12 : memref<64x16xf32, #tpu.memory_space<vmem>>) offsets(%arg24 : memref<64xi32, #tpu.memory_space<vmem>>) semaphore(%arg42 : memref<!tpu.dma_semaphore, #tpu.memory_space<semaphore_mem>>)
        %dma_start3A_585 = arith.constant 0 : i32
        %dma_start3A_586 = arith.constant 0 : i32
        %dma_start3A_587 = tpu.memref_slice %arg5[%dma_start3A_585, %dma_start3A_586] : memref<10000x16xf32, #tpu.memory_space<hbm>> -> memref<10000x16xf32, #tpu.memory_space<hbm>>
        tpu.enqueue_indirect_dma source(%dma_start3A_587 : memref<10000x16xf32, #tpu.memory_space<hbm>>) target(%arg14 : memref<64x16xf32, #tpu.memory_space<vmem>>) offsets(%arg30 : memref<64xi32, #tpu.memory_space<vmem>>) semaphore(%arg42 : memref<!tpu.dma_semaphore, #tpu.memory_space<semaphore_mem>>)
        %eq3A_588 = arith.constant 0 : i32
        %eq3A_589 = arith.cmpi eq, %arg0, %eq3A_588 : i32
        %convert_element_type3A_590 = arith.extui %eq3A_589 : i1 to i32
        %cond3A_591 = arith.constant 0 : i32
        %cond3A_592 = arith.cmpi ne, %convert_element_type3A_590, %cond3A_591 : i32
        scf.if %cond3A_592 {
          %dma_start3A_598 = arith.constant 0 : i32
          %dma_start3A_599 = arith.constant 0 : i32
          %dma_start3A_600 = tpu.memref_slice %arg2[%dma_start3A_598, %dma_start3A_599] : memref<10000x64xi32, #tpu.memory_space<hbm>> -> memref<10000x64xi32, #tpu.memory_space<hbm>>
          tpu.enqueue_indirect_dma source(%dma_start3A_600 : memref<10000x64xi32, #tpu.memory_space<hbm>>) target(%arg18 : memref<64x64xi32, #tpu.memory_space<vmem>>) offsets(%arg24 : memref<64xi32, #tpu.memory_space<vmem>>) semaphore(%arg42 : memref<!tpu.dma_semaphore, #tpu.memory_space<semaphore_mem>>)
        } else {
        }
        %eq3A_593 = arith.constant 1 : i32
        %eq3A_594 = arith.cmpi eq, %arg0, %eq3A_593 : i32
        %convert_element_type3A_595 = arith.extui %eq3A_594 : i1 to i32
        %cond3A_596 = arith.constant 0 : i32
        %cond3A_597 = arith.cmpi ne, %convert_element_type3A_595, %cond3A_596 : i32
        scf.if %cond3A_597 {
          %dma_start3A_598 = arith.constant 0 : i32
          %dma_start3A_599 = arith.constant 0 : i32
          %dma_start3A_600 = tpu.memref_slice %arg3[%dma_start3A_598, %dma_start3A_599] : memref<10000x64xi32, #tpu.memory_space<hbm>> -> memref<10000x64xi32, #tpu.memory_space<hbm>>
          tpu.enqueue_indirect_dma source(%dma_start3A_600 : memref<10000x64xi32, #tpu.memory_space<hbm>>) target(%arg18 : memref<64x64xi32, #tpu.memory_space<vmem>>) offsets(%arg24 : memref<64xi32, #tpu.memory_space<vmem>>) semaphore(%arg42 : memref<!tpu.dma_semaphore, #tpu.memory_space<semaphore_mem>>)
        } else {
        }
      } else {
      }
      %ge3A_344 = arith.constant 2 : i32
      %ge3A_345 = arith.cmpi sge, %add3A_329, %ge3A_344 : i32
      %convert_element_type3A_346 = arith.extui %ge3A_345 : i1 to i32
      %cond3A_347 = arith.constant 0 : i32
      %cond3A_348 = arith.cmpi ne, %convert_element_type3A_346, %cond3A_347 : i32
      scf.if %cond3A_348 {
        %sub3A = arith.constant 2 : i32
        %sub3A_562 = arith.subi %add3A_329, %sub3A : i32
        %mul3A_563 = arith.constant 162 : i32
        %mul3A_564 = arith.muli %arg1, %mul3A_563 : i32
        %add3A_565 = arith.addi %mul3A_564, %sub3A_562 : i32
        %mul3A_566 = arith.constant 64 : i32
        %mul3A_567 = arith.muli %add3A_565, %mul3A_566 : i32
        %lt3A_568 = arith.constant 160000 : i32
        %lt3A_569 = arith.cmpi slt, %mul3A_567, %lt3A_568 : i32
        %convert_element_type3A_570 = arith.extui %lt3A_569 : i1 to i32
        %cond3A_571 = arith.constant 0 : i32
        %cond3A_572 = arith.cmpi ne, %convert_element_type3A_570, %cond3A_571 : i32
        scf.if %cond3A_572 {
          %dma_wait3A_587 = arith.constant 0 : i32
          %dma_wait3A_588 = arith.constant 0 : i32
          %dma_wait3A_589 = tpu.memref_slice %arg33[%dma_wait3A_587, %dma_wait3A_588] : memref<10240x128xf32, #tpu.memory_space<vmem_shared>> -> memref<10240x128xf32, #tpu.memory_space<vmem_shared>>
          tpu.wait_indirect_dma semaphore(%arg43 : memref<!tpu.dma_semaphore, #tpu.memory_space<semaphore_mem>>) src(%arg19 : memref<64x128xf32, #tpu.memory_space<vmem>>) dst(%dma_wait3A_589 : memref<10240x128xf32, #tpu.memory_space<vmem_shared>>)
        } else {
        }
        %mul3A_573 = arith.constant 162 : i32
        %mul3A_574 = arith.muli %arg1, %mul3A_573 : i32
        %add3A_575 = arith.addi %mul3A_574, %sub3A_562 : i32
        %mul3A_576 = arith.constant 64 : i32
        %mul3A_577 = arith.muli %add3A_575, %mul3A_576 : i32
        %lt3A_578 = arith.constant 160000 : i32
        %lt3A_579 = arith.cmpi slt, %mul3A_577, %lt3A_578 : i32
        %and3A_580 = arith.constant 1 : i32
        %and3A_581 = arith.andi %sub3A_562, %and3A_580 : i32
        %eq3A_582 = arith.cmpi eq, %and3A_581, %arg0 : i32
        %and3A_583 = arith.andi %lt3A_579, %eq3A_582 : i1
        %convert_element_type3A_584 = arith.extui %and3A_583 : i1 to i32
        %cond3A_585 = arith.constant 0 : i32
        %cond3A_586 = arith.cmpi ne, %convert_element_type3A_584, %cond3A_585 : i32
        scf.if %cond3A_586 {
          %dma_wait3A_587 = arith.constant 0 : i32
          %dma_wait3A_588 = arith.constant 0 : i32
          %dma_wait3A_589 = tpu.memref_slice %arg34[%dma_wait3A_587, %dma_wait3A_588] : memref<10240x16xf32, #tpu.memory_space<vmem_shared>> -> memref<10240x16xf32, #tpu.memory_space<vmem_shared>>
          tpu.wait_indirect_dma semaphore(%arg43 : memref<!tpu.dma_semaphore, #tpu.memory_space<semaphore_mem>>) src(%arg15 : memref<64x16xf32, #tpu.memory_space<vmem>>) dst(%dma_wait3A_589 : memref<10240x16xf32, #tpu.memory_space<vmem_shared>>)
        } else {
        }
      } else {
      }
      %dma_wait3A_349 = arith.constant 0 : i32
      %dma_wait3A_350 = arith.constant 0 : i32
      %dma_wait3A_351 = tpu.memref_slice %arg4[%dma_wait3A_349, %dma_wait3A_350] : memref<10000x16xf32, #tpu.memory_space<hbm>> -> memref<10000x16xf32, #tpu.memory_space<hbm>>
      tpu.wait_indirect_dma semaphore(%arg41 : memref<!tpu.dma_semaphore, #tpu.memory_space<semaphore_mem>>) src(%dma_wait3A_351 : memref<10000x16xf32, #tpu.memory_space<hbm>>) dst(%arg11 : memref<64x16xf32, #tpu.memory_space<vmem>>)
      %dma_wait3A_352 = arith.constant 0 : i32
      %dma_wait3A_353 = arith.constant 0 : i32
      %dma_wait3A_354 = tpu.memref_slice %arg4[%dma_wait3A_352, %dma_wait3A_353] : memref<10000x16xf32, #tpu.memory_space<hbm>> -> memref<10000x16xf32, #tpu.memory_space<hbm>>
      tpu.wait_indirect_dma semaphore(%arg41 : memref<!tpu.dma_semaphore, #tpu.memory_space<semaphore_mem>>) src(%dma_wait3A_354 : memref<10000x16xf32, #tpu.memory_space<hbm>>) dst(%arg13 : memref<64x16xf32, #tpu.memory_space<vmem>>)
      %dma_wait3A_355 = arith.constant 0 : i32
      %dma_wait3A_356 = arith.constant 0 : i32
      %dma_wait3A_357 = tpu.memref_slice %arg2[%dma_wait3A_355, %dma_wait3A_356] : memref<10000x64xi32, #tpu.memory_space<hbm>> -> memref<10000x64xi32, #tpu.memory_space<hbm>>
      tpu.wait_indirect_dma semaphore(%arg41 : memref<!tpu.dma_semaphore, #tpu.memory_space<semaphore_mem>>) src(%dma_wait3A_357 : memref<10000x64xi32, #tpu.memory_space<hbm>>) dst(%arg17 : memref<64x64xi32, #tpu.memory_space<vmem>>)
      %parallel_loop3A_358 = arith.constant 0 : i32
      %parallel_loop3A_359 = arith.constant 64 : i32
      %parallel_loop3A_360 = arith.constant 1 : i32
      scf.for %parallel_loop3A_562 = %parallel_loop3A_358 to %parallel_loop3A_359 step %parallel_loop3A_360  : i32 {
        %parallel_loop3A_563 = arith.index_cast %parallel_loop3A_562 : i32 to index
        %parallel_loop3A_564 = arith.constant 0 : index
        %parallel_loop3A_565 = tpu.vector_load %arg11[%parallel_loop3A_563, %parallel_loop3A_564] {strides = array<i32>} : memref<64x16xf32, #tpu.memory_space<vmem>>, vector<16xf32>,
        %parallel_loop3A_566 = arith.index_cast %parallel_loop3A_562 : i32 to index
        %parallel_loop3A_567 = arith.constant 0 : index
        %parallel_loop3A_568 = tpu.vector_load %arg13[%parallel_loop3A_566, %parallel_loop3A_567] {strides = array<i32>} : memref<64x16xf32, #tpu.memory_space<vmem>>, vector<16xf32>,
        %parallel_loop3A_569 = arith.addf %parallel_loop3A_565, %parallel_loop3A_568 : vector<16xf32>
        %parallel_loop3A_570 = arith.constant 2.000000e-01 : f32
        %parallel_loop3A_571 = vector.broadcast %parallel_loop3A_570 : f32 to vector<16xf32>
        %parallel_loop3A_572 = arith.mulf %parallel_loop3A_569, %parallel_loop3A_571 : vector<16xf32>
        %parallel_loop3A_573 = arith.maximumf %parallel_loop3A_569, %parallel_loop3A_572 : vector<16xf32>
        %parallel_loop3A_574 = math.exp %parallel_loop3A_573 : vector<16xf32>
        %parallel_loop3A_575 = arith.index_cast %parallel_loop3A_562 : i32 to index
        %parallel_loop3A_576 = arith.constant 0 : index
        %parallel_loop3A_577 = tpu.vector_load %arg15[%parallel_loop3A_575, %parallel_loop3A_576] {strides = array<i32>} : memref<64x16xf32, #tpu.memory_space<vmem>>, vector<16xf32>,
        tpu.vector_store %arg15[%parallel_loop3A_575, %parallel_loop3A_576], %parallel_loop3A_574 {strides = array<i32>} : memref<64x16xf32, #tpu.memory_space<vmem>>, vector<16xf32>,
        %parallel_loop3A_578 = vector.shape_cast %broadcast_in_dim3A_49 : vector<16x1xi32> to vector<16xi32>
        %parallel_loop3A_579 = tpu.dynamic_gather %parallel_loop3A_574[%parallel_loop3A_578] in [0] : vector<16xf32>, vector<16xi32> -> vector<16xf32>
        %parallel_loop3A_580 = arith.index_cast %parallel_loop3A_562 : i32 to index
        %parallel_loop3A_581 = arith.constant 0 : index
        %parallel_loop3A_582 = tpu.vector_load %arg17[%parallel_loop3A_580, %parallel_loop3A_581] {strides = array<i32>} : memref<64x64xi32, #tpu.memory_space<vmem>>, vector<16xi32>,
        %parallel_loop3A_583 = arith.constant 16 : i32
        %parallel_loop3A_584 = vector.broadcast %parallel_loop3A_583 : i32 to vector<16xi32>
        %parallel_loop3A_585 = arith.shli %parallel_loop3A_582, %parallel_loop3A_584 : vector<16xi32>
        %parallel_loop3A_586 = vector.bitcast %parallel_loop3A_585 : vector<16xi32> to vector<16xf32>
        %parallel_loop3A_587 = vector.broadcast %scan3A_136 : i32 to vector<16xi32>
        %parallel_loop3A_588 = arith.andi %parallel_loop3A_582, %parallel_loop3A_587 : vector<16xi32>
        %parallel_loop3A_589 = vector.bitcast %parallel_loop3A_588 : vector<16xi32> to vector<16xf32>
        %parallel_loop3A_590 = arith.mulf %parallel_loop3A_586, %parallel_loop3A_579 : vector<16xf32>
        %parallel_loop3A_591 = arith.index_cast %parallel_loop3A_562 : i32 to index
        %parallel_loop3A_592 = arith.constant 0 : index
        %parallel_loop3A_593 = tpu.vector_load %arg19[%parallel_loop3A_591, %parallel_loop3A_592] {strides = array<i32>} : memref<64x128xf32, #tpu.memory_space<vmem>>, vector<16xf32>,
        tpu.vector_store %arg19[%parallel_loop3A_591, %parallel_loop3A_592], %parallel_loop3A_590 {strides = array<i32>} : memref<64x128xf32, #tpu.memory_space<vmem>>, vector<16xf32>,
        %parallel_loop3A_594 = arith.mulf %parallel_loop3A_589, %parallel_loop3A_579 : vector<16xf32>
        %parallel_loop3A_595 = arith.index_cast %parallel_loop3A_562 : i32 to index
        %parallel_loop3A_596 = arith.constant 16 : index
        %parallel_loop3A_597 = tpu.vector_load %arg19[%parallel_loop3A_595, %parallel_loop3A_596] {strides = array<i32>} : memref<64x128xf32, #tpu.memory_space<vmem>>, vector<16xf32>,
        tpu.vector_store %arg19[%parallel_loop3A_595, %parallel_loop3A_596], %parallel_loop3A_594 {strides = array<i32>} : memref<64x128xf32, #tpu.memory_space<vmem>>, vector<16xf32>,
        %parallel_loop3A_598 = vector.shape_cast %broadcast_in_dim3A_54 : vector<16x1xi32> to vector<16xi32>
        %parallel_loop3A_599 = tpu.dynamic_gather %parallel_loop3A_574[%parallel_loop3A_598] in [0] : vector<16xf32>, vector<16xi32> -> vector<16xf32>
        %parallel_loop3A_600 = arith.index_cast %parallel_loop3A_562 : i32 to index
        %parallel_loop3A_601 = arith.constant 16 : index
        %parallel_loop3A_602 = tpu.vector_load %arg17[%parallel_loop3A_600, %parallel_loop3A_601] {strides = array<i32>} : memref<64x64xi32, #tpu.memory_space<vmem>>, vector<16xi32>,
        %parallel_loop3A_603 = arith.constant 16 : i32
        %parallel_loop3A_604 = vector.broadcast %parallel_loop3A_603 : i32 to vector<16xi32>
        %parallel_loop3A_605 = arith.shli %parallel_loop3A_602, %parallel_loop3A_604 : vector<16xi32>
        %parallel_loop3A_606 = vector.bitcast %parallel_loop3A_605 : vector<16xi32> to vector<16xf32>
        %parallel_loop3A_607 = vector.broadcast %scan3A_136 : i32 to vector<16xi32>
        %parallel_loop3A_608 = arith.andi %parallel_loop3A_602, %parallel_loop3A_607 : vector<16xi32>
        %parallel_loop3A_609 = vector.bitcast %parallel_loop3A_608 : vector<16xi32> to vector<16xf32>
        %parallel_loop3A_610 = arith.mulf %parallel_loop3A_606, %parallel_loop3A_599 : vector<16xf32>
        %parallel_loop3A_611 = arith.index_cast %parallel_loop3A_562 : i32 to index
        %parallel_loop3A_612 = arith.constant 32 : index
        %parallel_loop3A_613 = tpu.vector_load %arg19[%parallel_loop3A_611, %parallel_loop3A_612] {strides = array<i32>} : memref<64x128xf32, #tpu.memory_space<vmem>>, vector<16xf32>,
        tpu.vector_store %arg19[%parallel_loop3A_611, %parallel_loop3A_612], %parallel_loop3A_610 {strides = array<i32>} : memref<64x128xf32, #tpu.memory_space<vmem>>, vector<16xf32>,
        %parallel_loop3A_614 = arith.mulf %parallel_loop3A_609, %parallel_loop3A_599 : vector<16xf32>
        %parallel_loop3A_615 = arith.index_cast %parallel_loop3A_562 : i32 to index
        %parallel_loop3A_616 = arith.constant 48 : index
        %parallel_loop3A_617 = tpu.vector_load %arg19[%parallel_loop3A_615, %parallel_loop3A_616] {strides = array<i32>} : memref<64x128xf32, #tpu.memory_space<vmem>>, vector<16xf32>,
        tpu.vector_store %arg19[%parallel_loop3A_615, %parallel_loop3A_616], %parallel_loop3A_614 {strides = array<i32>} : memref<64x128xf32, #tpu.memory_space<vmem>>, vector<16xf32>,
        %parallel_loop3A_618 = vector.shape_cast %broadcast_in_dim3A_59 : vector<16x1xi32> to vector<16xi32>
        %parallel_loop3A_619 = tpu.dynamic_gather %parallel_loop3A_574[%parallel_loop3A_618] in [0] : vector<16xf32>, vector<16xi32> -> vector<16xf32>
        %parallel_loop3A_620 = arith.index_cast %parallel_loop3A_562 : i32 to index
        %parallel_loop3A_621 = arith.constant 32 : index
        %parallel_loop3A_622 = tpu.vector_load %arg17[%parallel_loop3A_620, %parallel_loop3A_621] {strides = array<i32>} : memref<64x64xi32, #tpu.memory_space<vmem>>, vector<16xi32>,
        %parallel_loop3A_623 = arith.constant 16 : i32
        %parallel_loop3A_624 = vector.broadcast %parallel_loop3A_623 : i32 to vector<16xi32>
        %parallel_loop3A_625 = arith.shli %parallel_loop3A_622, %parallel_loop3A_624 : vector<16xi32>
        %parallel_loop3A_626 = vector.bitcast %parallel_loop3A_625 : vector<16xi32> to vector<16xf32>
        %parallel_loop3A_627 = vector.broadcast %scan3A_136 : i32 to vector<16xi32>
        %parallel_loop3A_628 = arith.andi %parallel_loop3A_622, %parallel_loop3A_627 : vector<16xi32>
        %parallel_loop3A_629 = vector.bitcast %parallel_loop3A_628 : vector<16xi32> to vector<16xf32>
        %parallel_loop3A_630 = arith.mulf %parallel_loop3A_626, %parallel_loop3A_619 : vector<16xf32>
        %parallel_loop3A_631 = arith.index_cast %parallel_loop3A_562 : i32 to index
        %parallel_loop3A_632 = arith.constant 64 : index
        %parallel_loop3A_633 = tpu.vector_load %arg19[%parallel_loop3A_631, %parallel_loop3A_632] {strides = array<i32>} : memref<64x128xf32, #tpu.memory_space<vmem>>, vector<16xf32>,
        tpu.vector_store %arg19[%parallel_loop3A_631, %parallel_loop3A_632], %parallel_loop3A_630 {strides = array<i32>} : memref<64x128xf32, #tpu.memory_space<vmem>>, vector<16xf32>,
        %parallel_loop3A_634 = arith.mulf %parallel_loop3A_629, %parallel_loop3A_619 : vector<16xf32>
        %parallel_loop3A_635 = arith.index_cast %parallel_loop3A_562 : i32 to index
        %parallel_loop3A_636 = arith.constant 80 : index
        %parallel_loop3A_637 = tpu.vector_load %arg19[%parallel_loop3A_635, %parallel_loop3A_636] {strides = array<i32>} : memref<64x128xf32, #tpu.memory_space<vmem>>, vector<16xf32>,
        tpu.vector_store %arg19[%parallel_loop3A_635, %parallel_loop3A_636], %parallel_loop3A_634 {strides = array<i32>} : memref<64x128xf32, #tpu.memory_space<vmem>>, vector<16xf32>,
        %parallel_loop3A_638 = vector.shape_cast %broadcast_in_dim3A_64 : vector<16x1xi32> to vector<16xi32>
        %parallel_loop3A_639 = tpu.dynamic_gather %parallel_loop3A_574[%parallel_loop3A_638] in [0] : vector<16xf32>, vector<16xi32> -> vector<16xf32>
        %parallel_loop3A_640 = arith.index_cast %parallel_loop3A_562 : i32 to index
        %parallel_loop3A_641 = arith.constant 48 : index
        %parallel_loop3A_642 = tpu.vector_load %arg17[%parallel_loop3A_640, %parallel_loop3A_641] {strides = array<i32>} : memref<64x64xi32, #tpu.memory_space<vmem>>, vector<16xi32>,
        %parallel_loop3A_643 = arith.constant 16 : i32
        %parallel_loop3A_644 = vector.broadcast %parallel_loop3A_643 : i32 to vector<16xi32>
        %parallel_loop3A_645 = arith.shli %parallel_loop3A_642, %parallel_loop3A_644 : vector<16xi32>
        %parallel_loop3A_646 = vector.bitcast %parallel_loop3A_645 : vector<16xi32> to vector<16xf32>
        %parallel_loop3A_647 = vector.broadcast %scan3A_136 : i32 to vector<16xi32>
        %parallel_loop3A_648 = arith.andi %parallel_loop3A_642, %parallel_loop3A_647 : vector<16xi32>
        %parallel_loop3A_649 = vector.bitcast %parallel_loop3A_648 : vector<16xi32> to vector<16xf32>
        %parallel_loop3A_650 = arith.mulf %parallel_loop3A_646, %parallel_loop3A_639 : vector<16xf32>
        %parallel_loop3A_651 = arith.index_cast %parallel_loop3A_562 : i32 to index
        %parallel_loop3A_652 = arith.constant 96 : index
        %parallel_loop3A_653 = tpu.vector_load %arg19[%parallel_loop3A_651, %parallel_loop3A_652] {strides = array<i32>} : memref<64x128xf32, #tpu.memory_space<vmem>>, vector<16xf32>,
        tpu.vector_store %arg19[%parallel_loop3A_651, %parallel_loop3A_652], %parallel_loop3A_650 {strides = array<i32>} : memref<64x128xf32, #tpu.memory_space<vmem>>, vector<16xf32>,
        %parallel_loop3A_654 = arith.mulf %parallel_loop3A_649, %parallel_loop3A_639 : vector<16xf32>
        %parallel_loop3A_655 = arith.index_cast %parallel_loop3A_562 : i32 to index
        %parallel_loop3A_656 = arith.constant 112 : index
        %parallel_loop3A_657 = tpu.vector_load %arg19[%parallel_loop3A_655, %parallel_loop3A_656] {strides = array<i32>} : memref<64x128xf32, #tpu.memory_space<vmem>>, vector<16xf32>,
        tpu.vector_store %arg19[%parallel_loop3A_655, %parallel_loop3A_656], %parallel_loop3A_654 {strides = array<i32>} : memref<64x128xf32, #tpu.memory_space<vmem>>, vector<16xf32>,
      } {sc.loop_unroll_factor = 4 : i64, sc.parallel_access}
      %mul3A_361 = arith.constant 162 : i32
      %mul3A_362 = arith.muli %arg1, %mul3A_361 : i32
      %add3A_363 = arith.addi %mul3A_362, %add3A_329 : i32
      %mul3A_364 = arith.constant 64 : i32
      %mul3A_365 = arith.muli %add3A_363, %mul3A_364 : i32
      %lt3A_366 = arith.constant 160000 : i32
      %lt3A_367 = arith.cmpi slt, %mul3A_365, %lt3A_366 : i32
      %convert_element_type3A_368 = arith.extui %lt3A_367 : i1 to i32
      %cond3A_369 = arith.constant 0 : i32
      %cond3A_370 = arith.cmpi ne, %convert_element_type3A_368, %cond3A_369 : i32
      scf.if %cond3A_370 {
        %dma_start3A_562 = arith.constant 0 : i32
        %dma_start3A_563 = arith.constant 0 : i32
        %dma_start3A_564 = tpu.memref_slice %arg33[%dma_start3A_562, %dma_start3A_563] : memref<10240x128xf32, #tpu.memory_space<vmem_shared>> -> memref<10240x128xf32, #tpu.memory_space<vmem_shared>>
        tpu.enqueue_indirect_dma source(%arg19 : memref<64x128xf32, #tpu.memory_space<vmem>>) target(%dma_start3A_564 : memref<10240x128xf32, #tpu.memory_space<vmem_shared>>) offsets(%arg29 : memref<64xi32, #tpu.memory_space<vmem>>) semaphore(%arg43 : memref<!tpu.dma_semaphore, #tpu.memory_space<semaphore_mem>>) {add = true}
      } else {
      }
      %mul3A_371 = arith.constant 162 : i32
      %mul3A_372 = arith.muli %arg1, %mul3A_371 : i32
      %add3A_373 = arith.addi %mul3A_372, %add3A_329 : i32
      %mul3A_374 = arith.constant 64 : i32
      %mul3A_375 = arith.muli %add3A_373, %mul3A_374 : i32
      %lt3A_376 = arith.constant 160000 : i32
      %lt3A_377 = arith.cmpi slt, %mul3A_375, %lt3A_376 : i32
      %and3A_378 = arith.constant 1 : i32
      %and3A_379 = arith.andi %add3A_329, %and3A_378 : i32
      %eq3A_380 = arith.cmpi eq, %and3A_379, %arg0 : i32
      %and3A_381 = arith.andi %lt3A_377, %eq3A_380 : i1
      %convert_element_type3A_382 = arith.extui %and3A_381 : i1 to i32
      %cond3A_383 = arith.constant 0 : i32
      %cond3A_384 = arith.cmpi ne, %convert_element_type3A_382, %cond3A_383 : i32
      scf.if %cond3A_384 {
        %dma_start3A_562 = arith.constant 0 : i32
        %dma_start3A_563 = arith.constant 0 : i32
        %dma_start3A_564 = tpu.memref_slice %arg34[%dma_start3A_562, %dma_start3A_563] : memref<10240x16xf32, #tpu.memory_space<vmem_shared>> -> memref<10240x16xf32, #tpu.memory_space<vmem_shared>>
        tpu.enqueue_indirect_dma source(%arg15 : memref<64x16xf32, #tpu.memory_space<vmem>>) target(%dma_start3A_564 : memref<10240x16xf32, #tpu.memory_space<vmem_shared>>) offsets(%arg29 : memref<64xi32, #tpu.memory_space<vmem>>) semaphore(%arg43 : memref<!tpu.dma_semaphore, #tpu.memory_space<semaphore_mem>>) {add = true}
      } else {
      }
      %mul3A_385 = arith.constant 6 : i32
      %mul3A_386 = arith.muli %add3A_209, %mul3A_385 : i32
      %add3A_387 = arith.constant 3 : i32
      %add3A_388 = arith.addi %mul3A_386, %add3A_387 : i32
      %add3A_389 = arith.constant 2 : i32
      %add3A_390 = arith.addi %add3A_388, %add3A_389 : i32
      %lt3A_391 = arith.constant 162 : i32
      %lt3A_392 = arith.cmpi slt, %add3A_390, %lt3A_391 : i32
      %convert_element_type3A_393 = arith.extui %lt3A_392 : i1 to i32
      %cond3A_394 = arith.constant 0 : i32
      %cond3A_395 = arith.cmpi ne, %convert_element_type3A_393, %cond3A_394 : i32
      scf.if %cond3A_395 {
        %add3A_562 = arith.constant 2 : i32
        %add3A_563 = arith.addi %add3A_388, %add3A_562 : i32
        %mul3A_564 = arith.constant 64 : i32
        %mul3A_565 = arith.muli %add3A_563, %mul3A_564 : i32
        %dma_start3A_566 = arith.constant 0 : i32
        %dma_start3A_567 = tpu.memref_slice %arg6[%arg1, %dma_start3A_566] : memref<16x10368xi32, #tpu.memory_space<hbm>> -> memref<1x10368xi32, #tpu.memory_space<hbm>>
        %dma_start3A_568 = tpu.memref_squeeze %dma_start3A_567 : memref<1x10368xi32, #tpu.memory_space<hbm>> -> memref<10368xi32, #tpu.memory_space<hbm>>
        %dma_start3A_569 = tpu.memref_slice %dma_start3A_568[%mul3A_565] : memref<10368xi32, #tpu.memory_space<hbm>> -> memref<64xi32, #tpu.memory_space<hbm>>
        %dma_start3A_570 = arith.constant 0 : i32
        %dma_start3A_571 = tpu.memref_slice %arg6[%arg1, %dma_start3A_570] : memref<16x10368xi32, #tpu.memory_space<hbm>> -> memref<1x10368xi32, #tpu.memory_space<hbm>>
        %dma_start3A_572 = tpu.memref_squeeze %dma_start3A_571 : memref<1x10368xi32, #tpu.memory_space<hbm>> -> memref<10368xi32, #tpu.memory_space<hbm>>
        %dma_start3A_573 = tpu.memref_slice %dma_start3A_572[%mul3A_565] : memref<10368xi32, #tpu.memory_space<hbm>> -> memref<64xi32, #tpu.memory_space<hbm>>
        tpu.enqueue_dma source(%dma_start3A_573 : memref<64xi32, #tpu.memory_space<hbm>>) target(%arg26 : memref<64xi32, #tpu.memory_space<vmem>>) target_semaphore(%arg40 : memref<!tpu.dma_semaphore, #tpu.memory_space<semaphore_mem>>)
        %dma_start3A_574 = arith.constant 0 : i32
        %dma_start3A_575 = tpu.memref_slice %arg7[%arg1, %dma_start3A_574] : memref<16x10368xi32, #tpu.memory_space<hbm>> -> memref<1x10368xi32, #tpu.memory_space<hbm>>
        %dma_start3A_576 = tpu.memref_squeeze %dma_start3A_575 : memref<1x10368xi32, #tpu.memory_space<hbm>> -> memref<10368xi32, #tpu.memory_space<hbm>>
        %dma_start3A_577 = tpu.memref_slice %dma_start3A_576[%mul3A_565] : memref<10368xi32, #tpu.memory_space<hbm>> -> memref<64xi32, #tpu.memory_space<hbm>>
        %dma_start3A_578 = arith.constant 0 : i32
        %dma_start3A_579 = tpu.memref_slice %arg7[%arg1, %dma_start3A_578] : memref<16x10368xi32, #tpu.memory_space<hbm>> -> memref<1x10368xi32, #tpu.memory_space<hbm>>
        %dma_start3A_580 = tpu.memref_squeeze %dma_start3A_579 : memref<1x10368xi32, #tpu.memory_space<hbm>> -> memref<10368xi32, #tpu.memory_space<hbm>>
        %dma_start3A_581 = tpu.memref_slice %dma_start3A_580[%mul3A_565] : memref<10368xi32, #tpu.memory_space<hbm>> -> memref<64xi32, #tpu.memory_space<hbm>>
        tpu.enqueue_dma source(%dma_start3A_581 : memref<64xi32, #tpu.memory_space<hbm>>) target(%arg32 : memref<64xi32, #tpu.memory_space<vmem>>) target_semaphore(%arg40 : memref<!tpu.dma_semaphore, #tpu.memory_space<semaphore_mem>>)
      } else {
      }
      %add3A_396 = arith.constant 1 : i32
      %add3A_397 = arith.addi %add3A_388, %add3A_396 : i32
      %lt3A_398 = arith.constant 162 : i32
      %lt3A_399 = arith.cmpi slt, %add3A_397, %lt3A_398 : i32
      %convert_element_type3A_400 = arith.extui %lt3A_399 : i1 to i32
      %cond3A_401 = arith.constant 0 : i32
      %cond3A_402 = arith.cmpi ne, %convert_element_type3A_400, %cond3A_401 : i32
      scf.if %cond3A_402 {
        %dma_wait3A_562 = arith.constant 0 : i32
        %dma_wait3A_563 = tpu.memref_slice %arg6[%arg1, %dma_wait3A_562] : memref<16x10368xi32, #tpu.memory_space<hbm>> -> memref<1x10368xi32, #tpu.memory_space<hbm>>
        %dma_wait3A_564 = tpu.memref_squeeze %dma_wait3A_563 : memref<1x10368xi32, #tpu.memory_space<hbm>> -> memref<10368xi32, #tpu.memory_space<hbm>>
        %dma_wait3A_565 = arith.constant 0 : i32
        %dma_wait3A_566 = tpu.memref_slice %dma_wait3A_564[%dma_wait3A_565] : memref<10368xi32, #tpu.memory_space<hbm>> -> memref<64xi32, #tpu.memory_space<hbm>>
        %dma_wait3A_567 = arith.constant 0 : i32
        %dma_wait3A_568 = tpu.memref_slice %arg6[%arg1, %dma_wait3A_567] : memref<16x10368xi32, #tpu.memory_space<hbm>> -> memref<1x10368xi32, #tpu.memory_space<hbm>>
        %dma_wait3A_569 = tpu.memref_squeeze %dma_wait3A_568 : memref<1x10368xi32, #tpu.memory_space<hbm>> -> memref<10368xi32, #tpu.memory_space<hbm>>
        %dma_wait3A_570 = arith.constant 0 : i32
        %dma_wait3A_571 = tpu.memref_slice %dma_wait3A_569[%dma_wait3A_570] : memref<10368xi32, #tpu.memory_space<hbm>> -> memref<64xi32, #tpu.memory_space<hbm>>
        tpu.wait_dma2 semaphore(%arg39 : memref<!tpu.dma_semaphore, #tpu.memory_space<semaphore_mem>>) src(%dma_wait3A_571 : memref<64xi32, #tpu.memory_space<hbm>>) dst(%arg25 : memref<64xi32, #tpu.memory_space<vmem>>)
        %dma_wait3A_572 = arith.constant 0 : i32
        %dma_wait3A_573 = tpu.memref_slice %arg6[%arg1, %dma_wait3A_572] : memref<16x10368xi32, #tpu.memory_space<hbm>> -> memref<1x10368xi32, #tpu.memory_space<hbm>>
        %dma_wait3A_574 = tpu.memref_squeeze %dma_wait3A_573 : memref<1x10368xi32, #tpu.memory_space<hbm>> -> memref<10368xi32, #tpu.memory_space<hbm>>
        %dma_wait3A_575 = arith.constant 0 : i32
        %dma_wait3A_576 = tpu.memref_slice %dma_wait3A_574[%dma_wait3A_575] : memref<10368xi32, #tpu.memory_space<hbm>> -> memref<64xi32, #tpu.memory_space<hbm>>
        %dma_wait3A_577 = arith.constant 0 : i32
        %dma_wait3A_578 = tpu.memref_slice %arg6[%arg1, %dma_wait3A_577] : memref<16x10368xi32, #tpu.memory_space<hbm>> -> memref<1x10368xi32, #tpu.memory_space<hbm>>
        %dma_wait3A_579 = tpu.memref_squeeze %dma_wait3A_578 : memref<1x10368xi32, #tpu.memory_space<hbm>> -> memref<10368xi32, #tpu.memory_space<hbm>>
        %dma_wait3A_580 = arith.constant 0 : i32
        %dma_wait3A_581 = tpu.memref_slice %dma_wait3A_579[%dma_wait3A_580] : memref<10368xi32, #tpu.memory_space<hbm>> -> memref<64xi32, #tpu.memory_space<hbm>>
        tpu.wait_dma2 semaphore(%arg39 : memref<!tpu.dma_semaphore, #tpu.memory_space<semaphore_mem>>) src(%dma_wait3A_581 : memref<64xi32, #tpu.memory_space<hbm>>) dst(%arg31 : memref<64xi32, #tpu.memory_space<vmem>>)
        %dma_start3A_582 = arith.constant 0 : i32
        %dma_start3A_583 = arith.constant 0 : i32
        %dma_start3A_584 = tpu.memref_slice %arg4[%dma_start3A_582, %dma_start3A_583] : memref<10000x16xf32, #tpu.memory_space<hbm>> -> memref<10000x16xf32, #tpu.memory_space<hbm>>
        tpu.enqueue_indirect_dma source(%dma_start3A_584 : memref<10000x16xf32, #tpu.memory_space<hbm>>) target(%arg11 : memref<64x16xf32, #tpu.memory_space<vmem>>) offsets(%arg25 : memref<64xi32, #tpu.memory_space<vmem>>) semaphore(%arg41 : memref<!tpu.dma_semaphore, #tpu.memory_space<semaphore_mem>>)
        %dma_start3A_585 = arith.constant 0 : i32
        %dma_start3A_586 = arith.constant 0 : i32
        %dma_start3A_587 = tpu.memref_slice %arg5[%dma_start3A_585, %dma_start3A_586] : memref<10000x16xf32, #tpu.memory_space<hbm>> -> memref<10000x16xf32, #tpu.memory_space<hbm>>
        tpu.enqueue_indirect_dma source(%dma_start3A_587 : memref<10000x16xf32, #tpu.memory_space<hbm>>) target(%arg13 : memref<64x16xf32, #tpu.memory_space<vmem>>) offsets(%arg31 : memref<64xi32, #tpu.memory_space<vmem>>) semaphore(%arg41 : memref<!tpu.dma_semaphore, #tpu.memory_space<semaphore_mem>>)
        %eq3A_588 = arith.constant 0 : i32
        %eq3A_589 = arith.cmpi eq, %arg0, %eq3A_588 : i32
        %convert_element_type3A_590 = arith.extui %eq3A_589 : i1 to i32
        %cond3A_591 = arith.constant 0 : i32
        %cond3A_592 = arith.cmpi ne, %convert_element_type3A_590, %cond3A_591 : i32
        scf.if %cond3A_592 {
          %dma_start3A_598 = arith.constant 0 : i32
          %dma_start3A_599 = arith.constant 0 : i32
          %dma_start3A_600 = tpu.memref_slice %arg2[%dma_start3A_598, %dma_start3A_599] : memref<10000x64xi32, #tpu.memory_space<hbm>> -> memref<10000x64xi32, #tpu.memory_space<hbm>>
          tpu.enqueue_indirect_dma source(%dma_start3A_600 : memref<10000x64xi32, #tpu.memory_space<hbm>>) target(%arg17 : memref<64x64xi32, #tpu.memory_space<vmem>>) offsets(%arg25 : memref<64xi32, #tpu.memory_space<vmem>>) semaphore(%arg41 : memref<!tpu.dma_semaphore, #tpu.memory_space<semaphore_mem>>)
        } else {
        }
        %eq3A_593 = arith.constant 1 : i32
        %eq3A_594 = arith.cmpi eq, %arg0, %eq3A_593 : i32
        %convert_element_type3A_595 = arith.extui %eq3A_594 : i1 to i32
        %cond3A_596 = arith.constant 0 : i32
        %cond3A_597 = arith.cmpi ne, %convert_element_type3A_595, %cond3A_596 : i32
        scf.if %cond3A_597 {
          %dma_start3A_598 = arith.constant 0 : i32
          %dma_start3A_599 = arith.constant 0 : i32
          %dma_start3A_600 = tpu.memref_slice %arg3[%dma_start3A_598, %dma_start3A_599] : memref<10000x64xi32, #tpu.memory_space<hbm>> -> memref<10000x64xi32, #tpu.memory_space<hbm>>
          tpu.enqueue_indirect_dma source(%dma_start3A_600 : memref<10000x64xi32, #tpu.memory_space<hbm>>) target(%arg17 : memref<64x64xi32, #tpu.memory_space<vmem>>) offsets(%arg25 : memref<64xi32, #tpu.memory_space<vmem>>) semaphore(%arg41 : memref<!tpu.dma_semaphore, #tpu.memory_space<semaphore_mem>>)
        } else {
        }
      } else {
      }
      %ge3A_403 = arith.constant 2 : i32
      %ge3A_404 = arith.cmpi sge, %add3A_388, %ge3A_403 : i32
      %convert_element_type3A_405 = arith.extui %ge3A_404 : i1 to i32
      %cond3A_406 = arith.constant 0 : i32
      %cond3A_407 = arith.cmpi ne, %convert_element_type3A_405, %cond3A_406 : i32
      scf.if %cond3A_407 {
        %sub3A = arith.constant 2 : i32
        %sub3A_562 = arith.subi %add3A_388, %sub3A : i32
        %mul3A_563 = arith.constant 162 : i32
        %mul3A_564 = arith.muli %arg1, %mul3A_563 : i32
        %add3A_565 = arith.addi %mul3A_564, %sub3A_562 : i32
        %mul3A_566 = arith.constant 64 : i32
        %mul3A_567 = arith.muli %add3A_565, %mul3A_566 : i32
        %lt3A_568 = arith.constant 160000 : i32
        %lt3A_569 = arith.cmpi slt, %mul3A_567, %lt3A_568 : i32
        %convert_element_type3A_570 = arith.extui %lt3A_569 : i1 to i32
        %cond3A_571 = arith.constant 0 : i32
        %cond3A_572 = arith.cmpi ne, %convert_element_type3A_570, %cond3A_571 : i32
        scf.if %cond3A_572 {
          %dma_wait3A_587 = arith.constant 0 : i32
          %dma_wait3A_588 = arith.constant 0 : i32
          %dma_wait3A_589 = tpu.memref_slice %arg33[%dma_wait3A_587, %dma_wait3A_588] : memref<10240x128xf32, #tpu.memory_space<vmem_shared>> -> memref<10240x128xf32, #tpu.memory_space<vmem_shared>>
          tpu.wait_indirect_dma semaphore(%arg44 : memref<!tpu.dma_semaphore, #tpu.memory_space<semaphore_mem>>) src(%arg20 : memref<64x128xf32, #tpu.memory_space<vmem>>) dst(%dma_wait3A_589 : memref<10240x128xf32, #tpu.memory_space<vmem_shared>>)
        } else {
        }
        %mul3A_573 = arith.constant 162 : i32
        %mul3A_574 = arith.muli %arg1, %mul3A_573 : i32
        %add3A_575 = arith.addi %mul3A_574, %sub3A_562 : i32
        %mul3A_576 = arith.constant 64 : i32
        %mul3A_577 = arith.muli %add3A_575, %mul3A_576 : i32
        %lt3A_578 = arith.constant 160000 : i32
        %lt3A_579 = arith.cmpi slt, %mul3A_577, %lt3A_578 : i32
        %and3A_580 = arith.constant 1 : i32
        %and3A_581 = arith.andi %sub3A_562, %and3A_580 : i32
        %eq3A_582 = arith.cmpi eq, %and3A_581, %arg0 : i32
        %and3A_583 = arith.andi %lt3A_579, %eq3A_582 : i1
        %convert_element_type3A_584 = arith.extui %and3A_583 : i1 to i32
        %cond3A_585 = arith.constant 0 : i32
        %cond3A_586 = arith.cmpi ne, %convert_element_type3A_584, %cond3A_585 : i32
        scf.if %cond3A_586 {
          %dma_wait3A_587 = arith.constant 0 : i32
          %dma_wait3A_588 = arith.constant 0 : i32
          %dma_wait3A_589 = tpu.memref_slice %arg34[%dma_wait3A_587, %dma_wait3A_588] : memref<10240x16xf32, #tpu.memory_space<vmem_shared>> -> memref<10240x16xf32, #tpu.memory_space<vmem_shared>>
          tpu.wait_indirect_dma semaphore(%arg44 : memref<!tpu.dma_semaphore, #tpu.memory_space<semaphore_mem>>) src(%arg16 : memref<64x16xf32, #tpu.memory_space<vmem>>) dst(%dma_wait3A_589 : memref<10240x16xf32, #tpu.memory_space<vmem_shared>>)
        } else {
        }
      } else {
      }
      %dma_wait3A_408 = arith.constant 0 : i32
      %dma_wait3A_409 = arith.constant 0 : i32
      %dma_wait3A_410 = tpu.memref_slice %arg4[%dma_wait3A_408, %dma_wait3A_409] : memref<10000x16xf32, #tpu.memory_space<hbm>> -> memref<10000x16xf32, #tpu.memory_space<hbm>>
      tpu.wait_indirect_dma semaphore(%arg42 : memref<!tpu.dma_semaphore, #tpu.memory_space<semaphore_mem>>) src(%dma_wait3A_410 : memref<10000x16xf32, #tpu.memory_space<hbm>>) dst(%arg12 : memref<64x16xf32, #tpu.memory_space<vmem>>)
      %dma_wait3A_411 = arith.constant 0 : i32
      %dma_wait3A_412 = arith.constant 0 : i32
      %dma_wait3A_413 = tpu.memref_slice %arg4[%dma_wait3A_411, %dma_wait3A_412] : memref<10000x16xf32, #tpu.memory_space<hbm>> -> memref<10000x16xf32, #tpu.memory_space<hbm>>
      tpu.wait_indirect_dma semaphore(%arg42 : memref<!tpu.dma_semaphore, #tpu.memory_space<semaphore_mem>>) src(%dma_wait3A_413 : memref<10000x16xf32, #tpu.memory_space<hbm>>) dst(%arg14 : memref<64x16xf32, #tpu.memory_space<vmem>>)
      %dma_wait3A_414 = arith.constant 0 : i32
      %dma_wait3A_415 = arith.constant 0 : i32
      %dma_wait3A_416 = tpu.memref_slice %arg2[%dma_wait3A_414, %dma_wait3A_415] : memref<10000x64xi32, #tpu.memory_space<hbm>> -> memref<10000x64xi32, #tpu.memory_space<hbm>>
      tpu.wait_indirect_dma semaphore(%arg42 : memref<!tpu.dma_semaphore, #tpu.memory_space<semaphore_mem>>) src(%dma_wait3A_416 : memref<10000x64xi32, #tpu.memory_space<hbm>>) dst(%arg18 : memref<64x64xi32, #tpu.memory_space<vmem>>)
      %parallel_loop3A_417 = arith.constant 0 : i32
      %parallel_loop3A_418 = arith.constant 64 : i32
      %parallel_loop3A_419 = arith.constant 1 : i32
      scf.for %parallel_loop3A_562 = %parallel_loop3A_417 to %parallel_loop3A_418 step %parallel_loop3A_419  : i32 {
        %parallel_loop3A_563 = arith.index_cast %parallel_loop3A_562 : i32 to index
        %parallel_loop3A_564 = arith.constant 0 : index
        %parallel_loop3A_565 = tpu.vector_load %arg12[%parallel_loop3A_563, %parallel_loop3A_564] {strides = array<i32>} : memref<64x16xf32, #tpu.memory_space<vmem>>, vector<16xf32>,
        %parallel_loop3A_566 = arith.index_cast %parallel_loop3A_562 : i32 to index
        %parallel_loop3A_567 = arith.constant 0 : index
        %parallel_loop3A_568 = tpu.vector_load %arg14[%parallel_loop3A_566, %parallel_loop3A_567] {strides = array<i32>} : memref<64x16xf32, #tpu.memory_space<vmem>>, vector<16xf32>,
        %parallel_loop3A_569 = arith.addf %parallel_loop3A_565, %parallel_loop3A_568 : vector<16xf32>
        %parallel_loop3A_570 = arith.constant 2.000000e-01 : f32
        %parallel_loop3A_571 = vector.broadcast %parallel_loop3A_570 : f32 to vector<16xf32>
        %parallel_loop3A_572 = arith.mulf %parallel_loop3A_569, %parallel_loop3A_571 : vector<16xf32>
        %parallel_loop3A_573 = arith.maximumf %parallel_loop3A_569, %parallel_loop3A_572 : vector<16xf32>
        %parallel_loop3A_574 = math.exp %parallel_loop3A_573 : vector<16xf32>
        %parallel_loop3A_575 = arith.index_cast %parallel_loop3A_562 : i32 to index
        %parallel_loop3A_576 = arith.constant 0 : index
        %parallel_loop3A_577 = tpu.vector_load %arg16[%parallel_loop3A_575, %parallel_loop3A_576] {strides = array<i32>} : memref<64x16xf32, #tpu.memory_space<vmem>>, vector<16xf32>,
        tpu.vector_store %arg16[%parallel_loop3A_575, %parallel_loop3A_576], %parallel_loop3A_574 {strides = array<i32>} : memref<64x16xf32, #tpu.memory_space<vmem>>, vector<16xf32>,
        %parallel_loop3A_578 = vector.shape_cast %broadcast_in_dim3A_49 : vector<16x1xi32> to vector<16xi32>
        %parallel_loop3A_579 = tpu.dynamic_gather %parallel_loop3A_574[%parallel_loop3A_578] in [0] : vector<16xf32>, vector<16xi32> -> vector<16xf32>
        %parallel_loop3A_580 = arith.index_cast %parallel_loop3A_562 : i32 to index
        %parallel_loop3A_581 = arith.constant 0 : index
        %parallel_loop3A_582 = tpu.vector_load %arg18[%parallel_loop3A_580, %parallel_loop3A_581] {strides = array<i32>} : memref<64x64xi32, #tpu.memory_space<vmem>>, vector<16xi32>,
        %parallel_loop3A_583 = arith.constant 16 : i32
        %parallel_loop3A_584 = vector.broadcast %parallel_loop3A_583 : i32 to vector<16xi32>
        %parallel_loop3A_585 = arith.shli %parallel_loop3A_582, %parallel_loop3A_584 : vector<16xi32>
        %parallel_loop3A_586 = vector.bitcast %parallel_loop3A_585 : vector<16xi32> to vector<16xf32>
        %parallel_loop3A_587 = vector.broadcast %scan3A_136 : i32 to vector<16xi32>
        %parallel_loop3A_588 = arith.andi %parallel_loop3A_582, %parallel_loop3A_587 : vector<16xi32>
        %parallel_loop3A_589 = vector.bitcast %parallel_loop3A_588 : vector<16xi32> to vector<16xf32>
        %parallel_loop3A_590 = arith.mulf %parallel_loop3A_586, %parallel_loop3A_579 : vector<16xf32>
        %parallel_loop3A_591 = arith.index_cast %parallel_loop3A_562 : i32 to index
        %parallel_loop3A_592 = arith.constant 0 : index
        %parallel_loop3A_593 = tpu.vector_load %arg20[%parallel_loop3A_591, %parallel_loop3A_592] {strides = array<i32>} : memref<64x128xf32, #tpu.memory_space<vmem>>, vector<16xf32>,
        tpu.vector_store %arg20[%parallel_loop3A_591, %parallel_loop3A_592], %parallel_loop3A_590 {strides = array<i32>} : memref<64x128xf32, #tpu.memory_space<vmem>>, vector<16xf32>,
        %parallel_loop3A_594 = arith.mulf %parallel_loop3A_589, %parallel_loop3A_579 : vector<16xf32>
        %parallel_loop3A_595 = arith.index_cast %parallel_loop3A_562 : i32 to index
        %parallel_loop3A_596 = arith.constant 16 : index
        %parallel_loop3A_597 = tpu.vector_load %arg20[%parallel_loop3A_595, %parallel_loop3A_596] {strides = array<i32>} : memref<64x128xf32, #tpu.memory_space<vmem>>, vector<16xf32>,
        tpu.vector_store %arg20[%parallel_loop3A_595, %parallel_loop3A_596], %parallel_loop3A_594 {strides = array<i32>} : memref<64x128xf32, #tpu.memory_space<vmem>>, vector<16xf32>,
        %parallel_loop3A_598 = vector.shape_cast %broadcast_in_dim3A_54 : vector<16x1xi32> to vector<16xi32>
        %parallel_loop3A_599 = tpu.dynamic_gather %parallel_loop3A_574[%parallel_loop3A_598] in [0] : vector<16xf32>, vector<16xi32> -> vector<16xf32>
        %parallel_loop3A_600 = arith.index_cast %parallel_loop3A_562 : i32 to index
        %parallel_loop3A_601 = arith.constant 16 : index
        %parallel_loop3A_602 = tpu.vector_load %arg18[%parallel_loop3A_600, %parallel_loop3A_601] {strides = array<i32>} : memref<64x64xi32, #tpu.memory_space<vmem>>, vector<16xi32>,
        %parallel_loop3A_603 = arith.constant 16 : i32
        %parallel_loop3A_604 = vector.broadcast %parallel_loop3A_603 : i32 to vector<16xi32>
        %parallel_loop3A_605 = arith.shli %parallel_loop3A_602, %parallel_loop3A_604 : vector<16xi32>
        %parallel_loop3A_606 = vector.bitcast %parallel_loop3A_605 : vector<16xi32> to vector<16xf32>
        %parallel_loop3A_607 = vector.broadcast %scan3A_136 : i32 to vector<16xi32>
        %parallel_loop3A_608 = arith.andi %parallel_loop3A_602, %parallel_loop3A_607 : vector<16xi32>
        %parallel_loop3A_609 = vector.bitcast %parallel_loop3A_608 : vector<16xi32> to vector<16xf32>
        %parallel_loop3A_610 = arith.mulf %parallel_loop3A_606, %parallel_loop3A_599 : vector<16xf32>
        %parallel_loop3A_611 = arith.index_cast %parallel_loop3A_562 : i32 to index
        %parallel_loop3A_612 = arith.constant 32 : index
        %parallel_loop3A_613 = tpu.vector_load %arg20[%parallel_loop3A_611, %parallel_loop3A_612] {strides = array<i32>} : memref<64x128xf32, #tpu.memory_space<vmem>>, vector<16xf32>,
        tpu.vector_store %arg20[%parallel_loop3A_611, %parallel_loop3A_612], %parallel_loop3A_610 {strides = array<i32>} : memref<64x128xf32, #tpu.memory_space<vmem>>, vector<16xf32>,
        %parallel_loop3A_614 = arith.mulf %parallel_loop3A_609, %parallel_loop3A_599 : vector<16xf32>
        %parallel_loop3A_615 = arith.index_cast %parallel_loop3A_562 : i32 to index
        %parallel_loop3A_616 = arith.constant 48 : index
        %parallel_loop3A_617 = tpu.vector_load %arg20[%parallel_loop3A_615, %parallel_loop3A_616] {strides = array<i32>} : memref<64x128xf32, #tpu.memory_space<vmem>>, vector<16xf32>,
        tpu.vector_store %arg20[%parallel_loop3A_615, %parallel_loop3A_616], %parallel_loop3A_614 {strides = array<i32>} : memref<64x128xf32, #tpu.memory_space<vmem>>, vector<16xf32>,
        %parallel_loop3A_618 = vector.shape_cast %broadcast_in_dim3A_59 : vector<16x1xi32> to vector<16xi32>
        %parallel_loop3A_619 = tpu.dynamic_gather %parallel_loop3A_574[%parallel_loop3A_618] in [0] : vector<16xf32>, vector<16xi32> -> vector<16xf32>
        %parallel_loop3A_620 = arith.index_cast %parallel_loop3A_562 : i32 to index
        %parallel_loop3A_621 = arith.constant 32 : index
        %parallel_loop3A_622 = tpu.vector_load %arg18[%parallel_loop3A_620, %parallel_loop3A_621] {strides = array<i32>} : memref<64x64xi32, #tpu.memory_space<vmem>>, vector<16xi32>,
        %parallel_loop3A_623 = arith.constant 16 : i32
        %parallel_loop3A_624 = vector.broadcast %parallel_loop3A_623 : i32 to vector<16xi32>
        %parallel_loop3A_625 = arith.shli %parallel_loop3A_622, %parallel_loop3A_624 : vector<16xi32>
        %parallel_loop3A_626 = vector.bitcast %parallel_loop3A_625 : vector<16xi32> to vector<16xf32>
        %parallel_loop3A_627 = vector.broadcast %scan3A_136 : i32 to vector<16xi32>
        %parallel_loop3A_628 = arith.andi %parallel_loop3A_622, %parallel_loop3A_627 : vector<16xi32>
        %parallel_loop3A_629 = vector.bitcast %parallel_loop3A_628 : vector<16xi32> to vector<16xf32>
        %parallel_loop3A_630 = arith.mulf %parallel_loop3A_626, %parallel_loop3A_619 : vector<16xf32>
        %parallel_loop3A_631 = arith.index_cast %parallel_loop3A_562 : i32 to index
        %parallel_loop3A_632 = arith.constant 64 : index
        %parallel_loop3A_633 = tpu.vector_load %arg20[%parallel_loop3A_631, %parallel_loop3A_632] {strides = array<i32>} : memref<64x128xf32, #tpu.memory_space<vmem>>, vector<16xf32>,
        tpu.vector_store %arg20[%parallel_loop3A_631, %parallel_loop3A_632], %parallel_loop3A_630 {strides = array<i32>} : memref<64x128xf32, #tpu.memory_space<vmem>>, vector<16xf32>,
        %parallel_loop3A_634 = arith.mulf %parallel_loop3A_629, %parallel_loop3A_619 : vector<16xf32>
        %parallel_loop3A_635 = arith.index_cast %parallel_loop3A_562 : i32 to index
        %parallel_loop3A_636 = arith.constant 80 : index
        %parallel_loop3A_637 = tpu.vector_load %arg20[%parallel_loop3A_635, %parallel_loop3A_636] {strides = array<i32>} : memref<64x128xf32, #tpu.memory_space<vmem>>, vector<16xf32>,
        tpu.vector_store %arg20[%parallel_loop3A_635, %parallel_loop3A_636], %parallel_loop3A_634 {strides = array<i32>} : memref<64x128xf32, #tpu.memory_space<vmem>>, vector<16xf32>,
        %parallel_loop3A_638 = vector.shape_cast %broadcast_in_dim3A_64 : vector<16x1xi32> to vector<16xi32>
        %parallel_loop3A_639 = tpu.dynamic_gather %parallel_loop3A_574[%parallel_loop3A_638] in [0] : vector<16xf32>, vector<16xi32> -> vector<16xf32>
        %parallel_loop3A_640 = arith.index_cast %parallel_loop3A_562 : i32 to index
        %parallel_loop3A_641 = arith.constant 48 : index
        %parallel_loop3A_642 = tpu.vector_load %arg18[%parallel_loop3A_640, %parallel_loop3A_641] {strides = array<i32>} : memref<64x64xi32, #tpu.memory_space<vmem>>, vector<16xi32>,
        %parallel_loop3A_643 = arith.constant 16 : i32
        %parallel_loop3A_644 = vector.broadcast %parallel_loop3A_643 : i32 to vector<16xi32>
        %parallel_loop3A_645 = arith.shli %parallel_loop3A_642, %parallel_loop3A_644 : vector<16xi32>
        %parallel_loop3A_646 = vector.bitcast %parallel_loop3A_645 : vector<16xi32> to vector<16xf32>
        %parallel_loop3A_647 = vector.broadcast %scan3A_136 : i32 to vector<16xi32>
        %parallel_loop3A_648 = arith.andi %parallel_loop3A_642, %parallel_loop3A_647 : vector<16xi32>
        %parallel_loop3A_649 = vector.bitcast %parallel_loop3A_648 : vector<16xi32> to vector<16xf32>
        %parallel_loop3A_650 = arith.mulf %parallel_loop3A_646, %parallel_loop3A_639 : vector<16xf32>
        %parallel_loop3A_651 = arith.index_cast %parallel_loop3A_562 : i32 to index
        %parallel_loop3A_652 = arith.constant 96 : index
        %parallel_loop3A_653 = tpu.vector_load %arg20[%parallel_loop3A_651, %parallel_loop3A_652] {strides = array<i32>} : memref<64x128xf32, #tpu.memory_space<vmem>>, vector<16xf32>,
        tpu.vector_store %arg20[%parallel_loop3A_651, %parallel_loop3A_652], %parallel_loop3A_650 {strides = array<i32>} : memref<64x128xf32, #tpu.memory_space<vmem>>, vector<16xf32>,
        %parallel_loop3A_654 = arith.mulf %parallel_loop3A_649, %parallel_loop3A_639 : vector<16xf32>
        %parallel_loop3A_655 = arith.index_cast %parallel_loop3A_562 : i32 to index
        %parallel_loop3A_656 = arith.constant 112 : index
        %parallel_loop3A_657 = tpu.vector_load %arg20[%parallel_loop3A_655, %parallel_loop3A_656] {strides = array<i32>} : memref<64x128xf32, #tpu.memory_space<vmem>>, vector<16xf32>,
        tpu.vector_store %arg20[%parallel_loop3A_655, %parallel_loop3A_656], %parallel_loop3A_654 {strides = array<i32>} : memref<64x128xf32, #tpu.memory_space<vmem>>, vector<16xf32>,
      } {sc.loop_unroll_factor = 4 : i64, sc.parallel_access}
      %mul3A_420 = arith.constant 162 : i32
      %mul3A_421 = arith.muli %arg1, %mul3A_420 : i32
      %add3A_422 = arith.addi %mul3A_421, %add3A_388 : i32
      %mul3A_423 = arith.constant 64 : i32
      %mul3A_424 = arith.muli %add3A_422, %mul3A_423 : i32
      %lt3A_425 = arith.constant 160000 : i32
      %lt3A_426 = arith.cmpi slt, %mul3A_424, %lt3A_425 : i32
      %convert_element_type3A_427 = arith.extui %lt3A_426 : i1 to i32
      %cond3A_428 = arith.constant 0 : i32
      %cond3A_429 = arith.cmpi ne, %convert_element_type3A_427, %cond3A_428 : i32
      scf.if %cond3A_429 {
        %dma_start3A_562 = arith.constant 0 : i32
        %dma_start3A_563 = arith.constant 0 : i32
        %dma_start3A_564 = tpu.memref_slice %arg33[%dma_start3A_562, %dma_start3A_563] : memref<10240x128xf32, #tpu.memory_space<vmem_shared>> -> memref<10240x128xf32, #tpu.memory_space<vmem_shared>>
        tpu.enqueue_indirect_dma source(%arg20 : memref<64x128xf32, #tpu.memory_space<vmem>>) target(%dma_start3A_564 : memref<10240x128xf32, #tpu.memory_space<vmem_shared>>) offsets(%arg30 : memref<64xi32, #tpu.memory_space<vmem>>) semaphore(%arg44 : memref<!tpu.dma_semaphore, #tpu.memory_space<semaphore_mem>>) {add = true}
      } else {
      }
      %mul3A_430 = arith.constant 162 : i32
      %mul3A_431 = arith.muli %arg1, %mul3A_430 : i32
      %add3A_432 = arith.addi %mul3A_431, %add3A_388 : i32
      %mul3A_433 = arith.constant 64 : i32
      %mul3A_434 = arith.muli %add3A_432, %mul3A_433 : i32
      %lt3A_435 = arith.constant 160000 : i32
      %lt3A_436 = arith.cmpi slt, %mul3A_434, %lt3A_435 : i32
      %and3A_437 = arith.constant 1 : i32
      %and3A_438 = arith.andi %add3A_388, %and3A_437 : i32
      %eq3A_439 = arith.cmpi eq, %and3A_438, %arg0 : i32
      %and3A_440 = arith.andi %lt3A_436, %eq3A_439 : i1
      %convert_element_type3A_441 = arith.extui %and3A_440 : i1 to i32
      %cond3A_442 = arith.constant 0 : i32
      %cond3A_443 = arith.cmpi ne, %convert_element_type3A_441, %cond3A_442 : i32
      scf.if %cond3A_443 {
        %dma_start3A_562 = arith.constant 0 : i32
        %dma_start3A_563 = arith.constant 0 : i32
        %dma_start3A_564 = tpu.memref_slice %arg34[%dma_start3A_562, %dma_start3A_563] : memref<10240x16xf32, #tpu.memory_space<vmem_shared>> -> memref<10240x16xf32, #tpu.memory_space<vmem_shared>>
        tpu.enqueue_indirect_dma source(%arg16 : memref<64x16xf32, #tpu.memory_space<vmem>>) target(%dma_start3A_564 : memref<10240x16xf32, #tpu.memory_space<vmem_shared>>) offsets(%arg30 : memref<64xi32, #tpu.memory_space<vmem>>) semaphore(%arg44 : memref<!tpu.dma_semaphore, #tpu.memory_space<semaphore_mem>>) {add = true}
      } else {
      }
      %mul3A_444 = arith.constant 6 : i32
      %mul3A_445 = arith.muli %add3A_209, %mul3A_444 : i32
      %add3A_446 = arith.constant 4 : i32
      %add3A_447 = arith.addi %mul3A_445, %add3A_446 : i32
      %add3A_448 = arith.constant 2 : i32
      %add3A_449 = arith.addi %add3A_447, %add3A_448 : i32
      %lt3A_450 = arith.constant 162 : i32
      %lt3A_451 = arith.cmpi slt, %add3A_449, %lt3A_450 : i32
      %convert_element_type3A_452 = arith.extui %lt3A_451 : i1 to i32
      %cond3A_453 = arith.constant 0 : i32
      %cond3A_454 = arith.cmpi ne, %convert_element_type3A_452, %cond3A_453 : i32
      scf.if %cond3A_454 {
        %add3A_562 = arith.constant 2 : i32
        %add3A_563 = arith.addi %add3A_447, %add3A_562 : i32
        %mul3A_564 = arith.constant 64 : i32
        %mul3A_565 = arith.muli %add3A_563, %mul3A_564 : i32
        %dma_start3A_566 = arith.constant 0 : i32
        %dma_start3A_567 = tpu.memref_slice %arg6[%arg1, %dma_start3A_566] : memref<16x10368xi32, #tpu.memory_space<hbm>> -> memref<1x10368xi32, #tpu.memory_space<hbm>>
        %dma_start3A_568 = tpu.memref_squeeze %dma_start3A_567 : memref<1x10368xi32, #tpu.memory_space<hbm>> -> memref<10368xi32, #tpu.memory_space<hbm>>
        %dma_start3A_569 = tpu.memref_slice %dma_start3A_568[%mul3A_565] : memref<10368xi32, #tpu.memory_space<hbm>> -> memref<64xi32, #tpu.memory_space<hbm>>
        %dma_start3A_570 = arith.constant 0 : i32
        %dma_start3A_571 = tpu.memref_slice %arg6[%arg1, %dma_start3A_570] : memref<16x10368xi32, #tpu.memory_space<hbm>> -> memref<1x10368xi32, #tpu.memory_space<hbm>>
        %dma_start3A_572 = tpu.memref_squeeze %dma_start3A_571 : memref<1x10368xi32, #tpu.memory_space<hbm>> -> memref<10368xi32, #tpu.memory_space<hbm>>
        %dma_start3A_573 = tpu.memref_slice %dma_start3A_572[%mul3A_565] : memref<10368xi32, #tpu.memory_space<hbm>> -> memref<64xi32, #tpu.memory_space<hbm>>
        tpu.enqueue_dma source(%dma_start3A_573 : memref<64xi32, #tpu.memory_space<hbm>>) target(%arg21 : memref<64xi32, #tpu.memory_space<vmem>>) target_semaphore(%arg35 : memref<!tpu.dma_semaphore, #tpu.memory_space<semaphore_mem>>)
        %dma_start3A_574 = arith.constant 0 : i32
        %dma_start3A_575 = tpu.memref_slice %arg7[%arg1, %dma_start3A_574] : memref<16x10368xi32, #tpu.memory_space<hbm>> -> memref<1x10368xi32, #tpu.memory_space<hbm>>
        %dma_start3A_576 = tpu.memref_squeeze %dma_start3A_575 : memref<1x10368xi32, #tpu.memory_space<hbm>> -> memref<10368xi32, #tpu.memory_space<hbm>>
        %dma_start3A_577 = tpu.memref_slice %dma_start3A_576[%mul3A_565] : memref<10368xi32, #tpu.memory_space<hbm>> -> memref<64xi32, #tpu.memory_space<hbm>>
        %dma_start3A_578 = arith.constant 0 : i32
        %dma_start3A_579 = tpu.memref_slice %arg7[%arg1, %dma_start3A_578] : memref<16x10368xi32, #tpu.memory_space<hbm>> -> memref<1x10368xi32, #tpu.memory_space<hbm>>
        %dma_start3A_580 = tpu.memref_squeeze %dma_start3A_579 : memref<1x10368xi32, #tpu.memory_space<hbm>> -> memref<10368xi32, #tpu.memory_space<hbm>>
        %dma_start3A_581 = tpu.memref_slice %dma_start3A_580[%mul3A_565] : memref<10368xi32, #tpu.memory_space<hbm>> -> memref<64xi32, #tpu.memory_space<hbm>>
        tpu.enqueue_dma source(%dma_start3A_581 : memref<64xi32, #tpu.memory_space<hbm>>) target(%arg27 : memref<64xi32, #tpu.memory_space<vmem>>) target_semaphore(%arg35 : memref<!tpu.dma_semaphore, #tpu.memory_space<semaphore_mem>>)
      } else {
      }
      %add3A_455 = arith.constant 1 : i32
      %add3A_456 = arith.addi %add3A_447, %add3A_455 : i32
      %lt3A_457 = arith.constant 162 : i32
      %lt3A_458 = arith.cmpi slt, %add3A_456, %lt3A_457 : i32
      %convert_element_type3A_459 = arith.extui %lt3A_458 : i1 to i32
      %cond3A_460 = arith.constant 0 : i32
      %cond3A_461 = arith.cmpi ne, %convert_element_type3A_459, %cond3A_460 : i32
      scf.if %cond3A_461 {
        %dma_wait3A_562 = arith.constant 0 : i32
        %dma_wait3A_563 = tpu.memref_slice %arg6[%arg1, %dma_wait3A_562] : memref<16x10368xi32, #tpu.memory_space<hbm>> -> memref<1x10368xi32, #tpu.memory_space<hbm>>
        %dma_wait3A_564 = tpu.memref_squeeze %dma_wait3A_563 : memref<1x10368xi32, #tpu.memory_space<hbm>> -> memref<10368xi32, #tpu.memory_space<hbm>>
        %dma_wait3A_565 = arith.constant 0 : i32
        %dma_wait3A_566 = tpu.memref_slice %dma_wait3A_564[%dma_wait3A_565] : memref<10368xi32, #tpu.memory_space<hbm>> -> memref<64xi32, #tpu.memory_space<hbm>>
        %dma_wait3A_567 = arith.constant 0 : i32
        %dma_wait3A_568 = tpu.memref_slice %arg6[%arg1, %dma_wait3A_567] : memref<16x10368xi32, #tpu.memory_space<hbm>> -> memref<1x10368xi32, #tpu.memory_space<hbm>>
        %dma_wait3A_569 = tpu.memref_squeeze %dma_wait3A_568 : memref<1x10368xi32, #tpu.memory_space<hbm>> -> memref<10368xi32, #tpu.memory_space<hbm>>
        %dma_wait3A_570 = arith.constant 0 : i32
        %dma_wait3A_571 = tpu.memref_slice %dma_wait3A_569[%dma_wait3A_570] : memref<10368xi32, #tpu.memory_space<hbm>> -> memref<64xi32, #tpu.memory_space<hbm>>
        tpu.wait_dma2 semaphore(%arg40 : memref<!tpu.dma_semaphore, #tpu.memory_space<semaphore_mem>>) src(%dma_wait3A_571 : memref<64xi32, #tpu.memory_space<hbm>>) dst(%arg26 : memref<64xi32, #tpu.memory_space<vmem>>)
        %dma_wait3A_572 = arith.constant 0 : i32
        %dma_wait3A_573 = tpu.memref_slice %arg6[%arg1, %dma_wait3A_572] : memref<16x10368xi32, #tpu.memory_space<hbm>> -> memref<1x10368xi32, #tpu.memory_space<hbm>>
        %dma_wait3A_574 = tpu.memref_squeeze %dma_wait3A_573 : memref<1x10368xi32, #tpu.memory_space<hbm>> -> memref<10368xi32, #tpu.memory_space<hbm>>
        %dma_wait3A_575 = arith.constant 0 : i32
        %dma_wait3A_576 = tpu.memref_slice %dma_wait3A_574[%dma_wait3A_575] : memref<10368xi32, #tpu.memory_space<hbm>> -> memref<64xi32, #tpu.memory_space<hbm>>
        %dma_wait3A_577 = arith.constant 0 : i32
        %dma_wait3A_578 = tpu.memref_slice %arg6[%arg1, %dma_wait3A_577] : memref<16x10368xi32, #tpu.memory_space<hbm>> -> memref<1x10368xi32, #tpu.memory_space<hbm>>
        %dma_wait3A_579 = tpu.memref_squeeze %dma_wait3A_578 : memref<1x10368xi32, #tpu.memory_space<hbm>> -> memref<10368xi32, #tpu.memory_space<hbm>>
        %dma_wait3A_580 = arith.constant 0 : i32
        %dma_wait3A_581 = tpu.memref_slice %dma_wait3A_579[%dma_wait3A_580] : memref<10368xi32, #tpu.memory_space<hbm>> -> memref<64xi32, #tpu.memory_space<hbm>>
        tpu.wait_dma2 semaphore(%arg40 : memref<!tpu.dma_semaphore, #tpu.memory_space<semaphore_mem>>) src(%dma_wait3A_581 : memref<64xi32, #tpu.memory_space<hbm>>) dst(%arg32 : memref<64xi32, #tpu.memory_space<vmem>>)
        %dma_start3A_582 = arith.constant 0 : i32
        %dma_start3A_583 = arith.constant 0 : i32
        %dma_start3A_584 = tpu.memref_slice %arg4[%dma_start3A_582, %dma_start3A_583] : memref<10000x16xf32, #tpu.memory_space<hbm>> -> memref<10000x16xf32, #tpu.memory_space<hbm>>
        tpu.enqueue_indirect_dma source(%dma_start3A_584 : memref<10000x16xf32, #tpu.memory_space<hbm>>) target(%arg12 : memref<64x16xf32, #tpu.memory_space<vmem>>) offsets(%arg26 : memref<64xi32, #tpu.memory_space<vmem>>) semaphore(%arg42 : memref<!tpu.dma_semaphore, #tpu.memory_space<semaphore_mem>>)
        %dma_start3A_585 = arith.constant 0 : i32
        %dma_start3A_586 = arith.constant 0 : i32
        %dma_start3A_587 = tpu.memref_slice %arg5[%dma_start3A_585, %dma_start3A_586] : memref<10000x16xf32, #tpu.memory_space<hbm>> -> memref<10000x16xf32, #tpu.memory_space<hbm>>
        tpu.enqueue_indirect_dma source(%dma_start3A_587 : memref<10000x16xf32, #tpu.memory_space<hbm>>) target(%arg14 : memref<64x16xf32, #tpu.memory_space<vmem>>) offsets(%arg32 : memref<64xi32, #tpu.memory_space<vmem>>) semaphore(%arg42 : memref<!tpu.dma_semaphore, #tpu.memory_space<semaphore_mem>>)
        %eq3A_588 = arith.constant 0 : i32
        %eq3A_589 = arith.cmpi eq, %arg0, %eq3A_588 : i32
        %convert_element_type3A_590 = arith.extui %eq3A_589 : i1 to i32
        %cond3A_591 = arith.constant 0 : i32
        %cond3A_592 = arith.cmpi ne, %convert_element_type3A_590, %cond3A_591 : i32
        scf.if %cond3A_592 {
          %dma_start3A_598 = arith.constant 0 : i32
          %dma_start3A_599 = arith.constant 0 : i32
          %dma_start3A_600 = tpu.memref_slice %arg2[%dma_start3A_598, %dma_start3A_599] : memref<10000x64xi32, #tpu.memory_space<hbm>> -> memref<10000x64xi32, #tpu.memory_space<hbm>>
          tpu.enqueue_indirect_dma source(%dma_start3A_600 : memref<10000x64xi32, #tpu.memory_space<hbm>>) target(%arg18 : memref<64x64xi32, #tpu.memory_space<vmem>>) offsets(%arg26 : memref<64xi32, #tpu.memory_space<vmem>>) semaphore(%arg42 : memref<!tpu.dma_semaphore, #tpu.memory_space<semaphore_mem>>)
        } else {
        }
        %eq3A_593 = arith.constant 1 : i32
        %eq3A_594 = arith.cmpi eq, %arg0, %eq3A_593 : i32
        %convert_element_type3A_595 = arith.extui %eq3A_594 : i1 to i32
        %cond3A_596 = arith.constant 0 : i32
        %cond3A_597 = arith.cmpi ne, %convert_element_type3A_595, %cond3A_596 : i32
        scf.if %cond3A_597 {
          %dma_start3A_598 = arith.constant 0 : i32
          %dma_start3A_599 = arith.constant 0 : i32
          %dma_start3A_600 = tpu.memref_slice %arg3[%dma_start3A_598, %dma_start3A_599] : memref<10000x64xi32, #tpu.memory_space<hbm>> -> memref<10000x64xi32, #tpu.memory_space<hbm>>
          tpu.enqueue_indirect_dma source(%dma_start3A_600 : memref<10000x64xi32, #tpu.memory_space<hbm>>) target(%arg18 : memref<64x64xi32, #tpu.memory_space<vmem>>) offsets(%arg26 : memref<64xi32, #tpu.memory_space<vmem>>) semaphore(%arg42 : memref<!tpu.dma_semaphore, #tpu.memory_space<semaphore_mem>>)
        } else {
        }
      } else {
      }
      %ge3A_462 = arith.constant 2 : i32
      %ge3A_463 = arith.cmpi sge, %add3A_447, %ge3A_462 : i32
      %convert_element_type3A_464 = arith.extui %ge3A_463 : i1 to i32
      %cond3A_465 = arith.constant 0 : i32
      %cond3A_466 = arith.cmpi ne, %convert_element_type3A_464, %cond3A_465 : i32
      scf.if %cond3A_466 {
        %sub3A = arith.constant 2 : i32
        %sub3A_562 = arith.subi %add3A_447, %sub3A : i32
        %mul3A_563 = arith.constant 162 : i32
        %mul3A_564 = arith.muli %arg1, %mul3A_563 : i32
        %add3A_565 = arith.addi %mul3A_564, %sub3A_562 : i32
        %mul3A_566 = arith.constant 64 : i32
        %mul3A_567 = arith.muli %add3A_565, %mul3A_566 : i32
        %lt3A_568 = arith.constant 160000 : i32
        %lt3A_569 = arith.cmpi slt, %mul3A_567, %lt3A_568 : i32
        %convert_element_type3A_570 = arith.extui %lt3A_569 : i1 to i32
        %cond3A_571 = arith.constant 0 : i32
        %cond3A_572 = arith.cmpi ne, %convert_element_type3A_570, %cond3A_571 : i32
        scf.if %cond3A_572 {
          %dma_wait3A_587 = arith.constant 0 : i32
          %dma_wait3A_588 = arith.constant 0 : i32
          %dma_wait3A_589 = tpu.memref_slice %arg33[%dma_wait3A_587, %dma_wait3A_588] : memref<10240x128xf32, #tpu.memory_space<vmem_shared>> -> memref<10240x128xf32, #tpu.memory_space<vmem_shared>>
          tpu.wait_indirect_dma semaphore(%arg43 : memref<!tpu.dma_semaphore, #tpu.memory_space<semaphore_mem>>) src(%arg19 : memref<64x128xf32, #tpu.memory_space<vmem>>) dst(%dma_wait3A_589 : memref<10240x128xf32, #tpu.memory_space<vmem_shared>>)
        } else {
        }
        %mul3A_573 = arith.constant 162 : i32
        %mul3A_574 = arith.muli %arg1, %mul3A_573 : i32
        %add3A_575 = arith.addi %mul3A_574, %sub3A_562 : i32
        %mul3A_576 = arith.constant 64 : i32
        %mul3A_577 = arith.muli %add3A_575, %mul3A_576 : i32
        %lt3A_578 = arith.constant 160000 : i32
        %lt3A_579 = arith.cmpi slt, %mul3A_577, %lt3A_578 : i32
        %and3A_580 = arith.constant 1 : i32
        %and3A_581 = arith.andi %sub3A_562, %and3A_580 : i32
        %eq3A_582 = arith.cmpi eq, %and3A_581, %arg0 : i32
        %and3A_583 = arith.andi %lt3A_579, %eq3A_582 : i1
        %convert_element_type3A_584 = arith.extui %and3A_583 : i1 to i32
        %cond3A_585 = arith.constant 0 : i32
        %cond3A_586 = arith.cmpi ne, %convert_element_type3A_584, %cond3A_585 : i32
        scf.if %cond3A_586 {
          %dma_wait3A_587 = arith.constant 0 : i32
          %dma_wait3A_588 = arith.constant 0 : i32
          %dma_wait3A_589 = tpu.memref_slice %arg34[%dma_wait3A_587, %dma_wait3A_588] : memref<10240x16xf32, #tpu.memory_space<vmem_shared>> -> memref<10240x16xf32, #tpu.memory_space<vmem_shared>>
          tpu.wait_indirect_dma semaphore(%arg43 : memref<!tpu.dma_semaphore, #tpu.memory_space<semaphore_mem>>) src(%arg15 : memref<64x16xf32, #tpu.memory_space<vmem>>) dst(%dma_wait3A_589 : memref<10240x16xf32, #tpu.memory_space<vmem_shared>>)
        } else {
        }
      } else {
      }
      %dma_wait3A_467 = arith.constant 0 : i32
      %dma_wait3A_468 = arith.constant 0 : i32
      %dma_wait3A_469 = tpu.memref_slice %arg4[%dma_wait3A_467, %dma_wait3A_468] : memref<10000x16xf32, #tpu.memory_space<hbm>> -> memref<10000x16xf32, #tpu.memory_space<hbm>>
      tpu.wait_indirect_dma semaphore(%arg41 : memref<!tpu.dma_semaphore, #tpu.memory_space<semaphore_mem>>) src(%dma_wait3A_469 : memref<10000x16xf32, #tpu.memory_space<hbm>>) dst(%arg11 : memref<64x16xf32, #tpu.memory_space<vmem>>)
      %dma_wait3A_470 = arith.constant 0 : i32
      %dma_wait3A_471 = arith.constant 0 : i32
      %dma_wait3A_472 = tpu.memref_slice %arg4[%dma_wait3A_470, %dma_wait3A_471] : memref<10000x16xf32, #tpu.memory_space<hbm>> -> memref<10000x16xf32, #tpu.memory_space<hbm>>
      tpu.wait_indirect_dma semaphore(%arg41 : memref<!tpu.dma_semaphore, #tpu.memory_space<semaphore_mem>>) src(%dma_wait3A_472 : memref<10000x16xf32, #tpu.memory_space<hbm>>) dst(%arg13 : memref<64x16xf32, #tpu.memory_space<vmem>>)
      %dma_wait3A_473 = arith.constant 0 : i32
      %dma_wait3A_474 = arith.constant 0 : i32
      %dma_wait3A_475 = tpu.memref_slice %arg2[%dma_wait3A_473, %dma_wait3A_474] : memref<10000x64xi32, #tpu.memory_space<hbm>> -> memref<10000x64xi32, #tpu.memory_space<hbm>>
      tpu.wait_indirect_dma semaphore(%arg41 : memref<!tpu.dma_semaphore, #tpu.memory_space<semaphore_mem>>) src(%dma_wait3A_475 : memref<10000x64xi32, #tpu.memory_space<hbm>>) dst(%arg17 : memref<64x64xi32, #tpu.memory_space<vmem>>)
      %parallel_loop3A_476 = arith.constant 0 : i32
      %parallel_loop3A_477 = arith.constant 64 : i32
      %parallel_loop3A_478 = arith.constant 1 : i32
      scf.for %parallel_loop3A_562 = %parallel_loop3A_476 to %parallel_loop3A_477 step %parallel_loop3A_478  : i32 {
        %parallel_loop3A_563 = arith.index_cast %parallel_loop3A_562 : i32 to index
        %parallel_loop3A_564 = arith.constant 0 : index
        %parallel_loop3A_565 = tpu.vector_load %arg11[%parallel_loop3A_563, %parallel_loop3A_564] {strides = array<i32>} : memref<64x16xf32, #tpu.memory_space<vmem>>, vector<16xf32>,
        %parallel_loop3A_566 = arith.index_cast %parallel_loop3A_562 : i32 to index
        %parallel_loop3A_567 = arith.constant 0 : index
        %parallel_loop3A_568 = tpu.vector_load %arg13[%parallel_loop3A_566, %parallel_loop3A_567] {strides = array<i32>} : memref<64x16xf32, #tpu.memory_space<vmem>>, vector<16xf32>,
        %parallel_loop3A_569 = arith.addf %parallel_loop3A_565, %parallel_loop3A_568 : vector<16xf32>
        %parallel_loop3A_570 = arith.constant 2.000000e-01 : f32
        %parallel_loop3A_571 = vector.broadcast %parallel_loop3A_570 : f32 to vector<16xf32>
        %parallel_loop3A_572 = arith.mulf %parallel_loop3A_569, %parallel_loop3A_571 : vector<16xf32>
        %parallel_loop3A_573 = arith.maximumf %parallel_loop3A_569, %parallel_loop3A_572 : vector<16xf32>
        %parallel_loop3A_574 = math.exp %parallel_loop3A_573 : vector<16xf32>
        %parallel_loop3A_575 = arith.index_cast %parallel_loop3A_562 : i32 to index
        %parallel_loop3A_576 = arith.constant 0 : index
        %parallel_loop3A_577 = tpu.vector_load %arg15[%parallel_loop3A_575, %parallel_loop3A_576] {strides = array<i32>} : memref<64x16xf32, #tpu.memory_space<vmem>>, vector<16xf32>,
        tpu.vector_store %arg15[%parallel_loop3A_575, %parallel_loop3A_576], %parallel_loop3A_574 {strides = array<i32>} : memref<64x16xf32, #tpu.memory_space<vmem>>, vector<16xf32>,
        %parallel_loop3A_578 = vector.shape_cast %broadcast_in_dim3A_49 : vector<16x1xi32> to vector<16xi32>
        %parallel_loop3A_579 = tpu.dynamic_gather %parallel_loop3A_574[%parallel_loop3A_578] in [0] : vector<16xf32>, vector<16xi32> -> vector<16xf32>
        %parallel_loop3A_580 = arith.index_cast %parallel_loop3A_562 : i32 to index
        %parallel_loop3A_581 = arith.constant 0 : index
        %parallel_loop3A_582 = tpu.vector_load %arg17[%parallel_loop3A_580, %parallel_loop3A_581] {strides = array<i32>} : memref<64x64xi32, #tpu.memory_space<vmem>>, vector<16xi32>,
        %parallel_loop3A_583 = arith.constant 16 : i32
        %parallel_loop3A_584 = vector.broadcast %parallel_loop3A_583 : i32 to vector<16xi32>
        %parallel_loop3A_585 = arith.shli %parallel_loop3A_582, %parallel_loop3A_584 : vector<16xi32>
        %parallel_loop3A_586 = vector.bitcast %parallel_loop3A_585 : vector<16xi32> to vector<16xf32>
        %parallel_loop3A_587 = vector.broadcast %scan3A_136 : i32 to vector<16xi32>
        %parallel_loop3A_588 = arith.andi %parallel_loop3A_582, %parallel_loop3A_587 : vector<16xi32>
        %parallel_loop3A_589 = vector.bitcast %parallel_loop3A_588 : vector<16xi32> to vector<16xf32>
        %parallel_loop3A_590 = arith.mulf %parallel_loop3A_586, %parallel_loop3A_579 : vector<16xf32>
        %parallel_loop3A_591 = arith.index_cast %parallel_loop3A_562 : i32 to index
        %parallel_loop3A_592 = arith.constant 0 : index
        %parallel_loop3A_593 = tpu.vector_load %arg19[%parallel_loop3A_591, %parallel_loop3A_592] {strides = array<i32>} : memref<64x128xf32, #tpu.memory_space<vmem>>, vector<16xf32>,
        tpu.vector_store %arg19[%parallel_loop3A_591, %parallel_loop3A_592], %parallel_loop3A_590 {strides = array<i32>} : memref<64x128xf32, #tpu.memory_space<vmem>>, vector<16xf32>,
        %parallel_loop3A_594 = arith.mulf %parallel_loop3A_589, %parallel_loop3A_579 : vector<16xf32>
        %parallel_loop3A_595 = arith.index_cast %parallel_loop3A_562 : i32 to index
        %parallel_loop3A_596 = arith.constant 16 : index
        %parallel_loop3A_597 = tpu.vector_load %arg19[%parallel_loop3A_595, %parallel_loop3A_596] {strides = array<i32>} : memref<64x128xf32, #tpu.memory_space<vmem>>, vector<16xf32>,
        tpu.vector_store %arg19[%parallel_loop3A_595, %parallel_loop3A_596], %parallel_loop3A_594 {strides = array<i32>} : memref<64x128xf32, #tpu.memory_space<vmem>>, vector<16xf32>,
        %parallel_loop3A_598 = vector.shape_cast %broadcast_in_dim3A_54 : vector<16x1xi32> to vector<16xi32>
        %parallel_loop3A_599 = tpu.dynamic_gather %parallel_loop3A_574[%parallel_loop3A_598] in [0] : vector<16xf32>, vector<16xi32> -> vector<16xf32>
        %parallel_loop3A_600 = arith.index_cast %parallel_loop3A_562 : i32 to index
        %parallel_loop3A_601 = arith.constant 16 : index
        %parallel_loop3A_602 = tpu.vector_load %arg17[%parallel_loop3A_600, %parallel_loop3A_601] {strides = array<i32>} : memref<64x64xi32, #tpu.memory_space<vmem>>, vector<16xi32>,
        %parallel_loop3A_603 = arith.constant 16 : i32
        %parallel_loop3A_604 = vector.broadcast %parallel_loop3A_603 : i32 to vector<16xi32>
        %parallel_loop3A_605 = arith.shli %parallel_loop3A_602, %parallel_loop3A_604 : vector<16xi32>
        %parallel_loop3A_606 = vector.bitcast %parallel_loop3A_605 : vector<16xi32> to vector<16xf32>
        %parallel_loop3A_607 = vector.broadcast %scan3A_136 : i32 to vector<16xi32>
        %parallel_loop3A_608 = arith.andi %parallel_loop3A_602, %parallel_loop3A_607 : vector<16xi32>
        %parallel_loop3A_609 = vector.bitcast %parallel_loop3A_608 : vector<16xi32> to vector<16xf32>
        %parallel_loop3A_610 = arith.mulf %parallel_loop3A_606, %parallel_loop3A_599 : vector<16xf32>
        %parallel_loop3A_611 = arith.index_cast %parallel_loop3A_562 : i32 to index
        %parallel_loop3A_612 = arith.constant 32 : index
        %parallel_loop3A_613 = tpu.vector_load %arg19[%parallel_loop3A_611, %parallel_loop3A_612] {strides = array<i32>} : memref<64x128xf32, #tpu.memory_space<vmem>>, vector<16xf32>,
        tpu.vector_store %arg19[%parallel_loop3A_611, %parallel_loop3A_612], %parallel_loop3A_610 {strides = array<i32>} : memref<64x128xf32, #tpu.memory_space<vmem>>, vector<16xf32>,
        %parallel_loop3A_614 = arith.mulf %parallel_loop3A_609, %parallel_loop3A_599 : vector<16xf32>
        %parallel_loop3A_615 = arith.index_cast %parallel_loop3A_562 : i32 to index
        %parallel_loop3A_616 = arith.constant 48 : index
        %parallel_loop3A_617 = tpu.vector_load %arg19[%parallel_loop3A_615, %parallel_loop3A_616] {strides = array<i32>} : memref<64x128xf32, #tpu.memory_space<vmem>>, vector<16xf32>,
        tpu.vector_store %arg19[%parallel_loop3A_615, %parallel_loop3A_616], %parallel_loop3A_614 {strides = array<i32>} : memref<64x128xf32, #tpu.memory_space<vmem>>, vector<16xf32>,
        %parallel_loop3A_618 = vector.shape_cast %broadcast_in_dim3A_59 : vector<16x1xi32> to vector<16xi32>
        %parallel_loop3A_619 = tpu.dynamic_gather %parallel_loop3A_574[%parallel_loop3A_618] in [0] : vector<16xf32>, vector<16xi32> -> vector<16xf32>
        %parallel_loop3A_620 = arith.index_cast %parallel_loop3A_562 : i32 to index
        %parallel_loop3A_621 = arith.constant 32 : index
        %parallel_loop3A_622 = tpu.vector_load %arg17[%parallel_loop3A_620, %parallel_loop3A_621] {strides = array<i32>} : memref<64x64xi32, #tpu.memory_space<vmem>>, vector<16xi32>,
        %parallel_loop3A_623 = arith.constant 16 : i32
        %parallel_loop3A_624 = vector.broadcast %parallel_loop3A_623 : i32 to vector<16xi32>
        %parallel_loop3A_625 = arith.shli %parallel_loop3A_622, %parallel_loop3A_624 : vector<16xi32>
        %parallel_loop3A_626 = vector.bitcast %parallel_loop3A_625 : vector<16xi32> to vector<16xf32>
        %parallel_loop3A_627 = vector.broadcast %scan3A_136 : i32 to vector<16xi32>
        %parallel_loop3A_628 = arith.andi %parallel_loop3A_622, %parallel_loop3A_627 : vector<16xi32>
        %parallel_loop3A_629 = vector.bitcast %parallel_loop3A_628 : vector<16xi32> to vector<16xf32>
        %parallel_loop3A_630 = arith.mulf %parallel_loop3A_626, %parallel_loop3A_619 : vector<16xf32>
        %parallel_loop3A_631 = arith.index_cast %parallel_loop3A_562 : i32 to index
        %parallel_loop3A_632 = arith.constant 64 : index
        %parallel_loop3A_633 = tpu.vector_load %arg19[%parallel_loop3A_631, %parallel_loop3A_632] {strides = array<i32>} : memref<64x128xf32, #tpu.memory_space<vmem>>, vector<16xf32>,
        tpu.vector_store %arg19[%parallel_loop3A_631, %parallel_loop3A_632], %parallel_loop3A_630 {strides = array<i32>} : memref<64x128xf32, #tpu.memory_space<vmem>>, vector<16xf32>,
        %parallel_loop3A_634 = arith.mulf %parallel_loop3A_629, %parallel_loop3A_619 : vector<16xf32>
        %parallel_loop3A_635 = arith.index_cast %parallel_loop3A_562 : i32 to index
        %parallel_loop3A_636 = arith.constant 80 : index
        %parallel_loop3A_637 = tpu.vector_load %arg19[%parallel_loop3A_635, %parallel_loop3A_636] {strides = array<i32>} : memref<64x128xf32, #tpu.memory_space<vmem>>, vector<16xf32>,
        tpu.vector_store %arg19[%parallel_loop3A_635, %parallel_loop3A_636], %parallel_loop3A_634 {strides = array<i32>} : memref<64x128xf32, #tpu.memory_space<vmem>>, vector<16xf32>,
        %parallel_loop3A_638 = vector.shape_cast %broadcast_in_dim3A_64 : vector<16x1xi32> to vector<16xi32>
        %parallel_loop3A_639 = tpu.dynamic_gather %parallel_loop3A_574[%parallel_loop3A_638] in [0] : vector<16xf32>, vector<16xi32> -> vector<16xf32>
        %parallel_loop3A_640 = arith.index_cast %parallel_loop3A_562 : i32 to index
        %parallel_loop3A_641 = arith.constant 48 : index
        %parallel_loop3A_642 = tpu.vector_load %arg17[%parallel_loop3A_640, %parallel_loop3A_641] {strides = array<i32>} : memref<64x64xi32, #tpu.memory_space<vmem>>, vector<16xi32>,
        %parallel_loop3A_643 = arith.constant 16 : i32
        %parallel_loop3A_644 = vector.broadcast %parallel_loop3A_643 : i32 to vector<16xi32>
        %parallel_loop3A_645 = arith.shli %parallel_loop3A_642, %parallel_loop3A_644 : vector<16xi32>
        %parallel_loop3A_646 = vector.bitcast %parallel_loop3A_645 : vector<16xi32> to vector<16xf32>
        %parallel_loop3A_647 = vector.broadcast %scan3A_136 : i32 to vector<16xi32>
        %parallel_loop3A_648 = arith.andi %parallel_loop3A_642, %parallel_loop3A_647 : vector<16xi32>
        %parallel_loop3A_649 = vector.bitcast %parallel_loop3A_648 : vector<16xi32> to vector<16xf32>
        %parallel_loop3A_650 = arith.mulf %parallel_loop3A_646, %parallel_loop3A_639 : vector<16xf32>
        %parallel_loop3A_651 = arith.index_cast %parallel_loop3A_562 : i32 to index
        %parallel_loop3A_652 = arith.constant 96 : index
        %parallel_loop3A_653 = tpu.vector_load %arg19[%parallel_loop3A_651, %parallel_loop3A_652] {strides = array<i32>} : memref<64x128xf32, #tpu.memory_space<vmem>>, vector<16xf32>,
        tpu.vector_store %arg19[%parallel_loop3A_651, %parallel_loop3A_652], %parallel_loop3A_650 {strides = array<i32>} : memref<64x128xf32, #tpu.memory_space<vmem>>, vector<16xf32>,
        %parallel_loop3A_654 = arith.mulf %parallel_loop3A_649, %parallel_loop3A_639 : vector<16xf32>
        %parallel_loop3A_655 = arith.index_cast %parallel_loop3A_562 : i32 to index
        %parallel_loop3A_656 = arith.constant 112 : index
        %parallel_loop3A_657 = tpu.vector_load %arg19[%parallel_loop3A_655, %parallel_loop3A_656] {strides = array<i32>} : memref<64x128xf32, #tpu.memory_space<vmem>>, vector<16xf32>,
        tpu.vector_store %arg19[%parallel_loop3A_655, %parallel_loop3A_656], %parallel_loop3A_654 {strides = array<i32>} : memref<64x128xf32, #tpu.memory_space<vmem>>, vector<16xf32>,
      } {sc.loop_unroll_factor = 4 : i64, sc.parallel_access}
      %mul3A_479 = arith.constant 162 : i32
      %mul3A_480 = arith.muli %arg1, %mul3A_479 : i32
      %add3A_481 = arith.addi %mul3A_480, %add3A_447 : i32
      %mul3A_482 = arith.constant 64 : i32
      %mul3A_483 = arith.muli %add3A_481, %mul3A_482 : i32
      %lt3A_484 = arith.constant 160000 : i32
      %lt3A_485 = arith.cmpi slt, %mul3A_483, %lt3A_484 : i32
      %convert_element_type3A_486 = arith.extui %lt3A_485 : i1 to i32
      %cond3A_487 = arith.constant 0 : i32
      %cond3A_488 = arith.cmpi ne, %convert_element_type3A_486, %cond3A_487 : i32
      scf.if %cond3A_488 {
        %dma_start3A_562 = arith.constant 0 : i32
        %dma_start3A_563 = arith.constant 0 : i32
        %dma_start3A_564 = tpu.memref_slice %arg33[%dma_start3A_562, %dma_start3A_563] : memref<10240x128xf32, #tpu.memory_space<vmem_shared>> -> memref<10240x128xf32, #tpu.memory_space<vmem_shared>>
        tpu.enqueue_indirect_dma source(%arg19 : memref<64x128xf32, #tpu.memory_space<vmem>>) target(%dma_start3A_564 : memref<10240x128xf32, #tpu.memory_space<vmem_shared>>) offsets(%arg31 : memref<64xi32, #tpu.memory_space<vmem>>) semaphore(%arg43 : memref<!tpu.dma_semaphore, #tpu.memory_space<semaphore_mem>>) {add = true}
      } else {
      }
      %mul3A_489 = arith.constant 162 : i32
      %mul3A_490 = arith.muli %arg1, %mul3A_489 : i32
      %add3A_491 = arith.addi %mul3A_490, %add3A_447 : i32
      %mul3A_492 = arith.constant 64 : i32
      %mul3A_493 = arith.muli %add3A_491, %mul3A_492 : i32
      %lt3A_494 = arith.constant 160000 : i32
      %lt3A_495 = arith.cmpi slt, %mul3A_493, %lt3A_494 : i32
      %and3A_496 = arith.constant 1 : i32
      %and3A_497 = arith.andi %add3A_447, %and3A_496 : i32
      %eq3A_498 = arith.cmpi eq, %and3A_497, %arg0 : i32
      %and3A_499 = arith.andi %lt3A_495, %eq3A_498 : i1
      %convert_element_type3A_500 = arith.extui %and3A_499 : i1 to i32
      %cond3A_501 = arith.constant 0 : i32
      %cond3A_502 = arith.cmpi ne, %convert_element_type3A_500, %cond3A_501 : i32
      scf.if %cond3A_502 {
        %dma_start3A_562 = arith.constant 0 : i32
        %dma_start3A_563 = arith.constant 0 : i32
        %dma_start3A_564 = tpu.memref_slice %arg34[%dma_start3A_562, %dma_start3A_563] : memref<10240x16xf32, #tpu.memory_space<vmem_shared>> -> memref<10240x16xf32, #tpu.memory_space<vmem_shared>>
        tpu.enqueue_indirect_dma source(%arg15 : memref<64x16xf32, #tpu.memory_space<vmem>>) target(%dma_start3A_564 : memref<10240x16xf32, #tpu.memory_space<vmem_shared>>) offsets(%arg31 : memref<64xi32, #tpu.memory_space<vmem>>) semaphore(%arg43 : memref<!tpu.dma_semaphore, #tpu.memory_space<semaphore_mem>>) {add = true}
      } else {
      }
      %mul3A_503 = arith.constant 6 : i32
      %mul3A_504 = arith.muli %add3A_209, %mul3A_503 : i32
      %add3A_505 = arith.constant 5 : i32
      %add3A_506 = arith.addi %mul3A_504, %add3A_505 : i32
      %add3A_507 = arith.constant 2 : i32
      %add3A_508 = arith.addi %add3A_506, %add3A_507 : i32
      %lt3A_509 = arith.constant 162 : i32
      %lt3A_510 = arith.cmpi slt, %add3A_508, %lt3A_509 : i32
      %convert_element_type3A_511 = arith.extui %lt3A_510 : i1 to i32
      %cond3A_512 = arith.constant 0 : i32
      %cond3A_513 = arith.cmpi ne, %convert_element_type3A_511, %cond3A_512 : i32
      scf.if %cond3A_513 {
        %add3A_562 = arith.constant 2 : i32
        %add3A_563 = arith.addi %add3A_506, %add3A_562 : i32
        %mul3A_564 = arith.constant 64 : i32
        %mul3A_565 = arith.muli %add3A_563, %mul3A_564 : i32
        %dma_start3A_566 = arith.constant 0 : i32
        %dma_start3A_567 = tpu.memref_slice %arg6[%arg1, %dma_start3A_566] : memref<16x10368xi32, #tpu.memory_space<hbm>> -> memref<1x10368xi32, #tpu.memory_space<hbm>>
        %dma_start3A_568 = tpu.memref_squeeze %dma_start3A_567 : memref<1x10368xi32, #tpu.memory_space<hbm>> -> memref<10368xi32, #tpu.memory_space<hbm>>
        %dma_start3A_569 = tpu.memref_slice %dma_start3A_568[%mul3A_565] : memref<10368xi32, #tpu.memory_space<hbm>> -> memref<64xi32, #tpu.memory_space<hbm>>
        %dma_start3A_570 = arith.constant 0 : i32
        %dma_start3A_571 = tpu.memref_slice %arg6[%arg1, %dma_start3A_570] : memref<16x10368xi32, #tpu.memory_space<hbm>> -> memref<1x10368xi32, #tpu.memory_space<hbm>>
        %dma_start3A_572 = tpu.memref_squeeze %dma_start3A_571 : memref<1x10368xi32, #tpu.memory_space<hbm>> -> memref<10368xi32, #tpu.memory_space<hbm>>
        %dma_start3A_573 = tpu.memref_slice %dma_start3A_572[%mul3A_565] : memref<10368xi32, #tpu.memory_space<hbm>> -> memref<64xi32, #tpu.memory_space<hbm>>
        tpu.enqueue_dma source(%dma_start3A_573 : memref<64xi32, #tpu.memory_space<hbm>>) target(%arg22 : memref<64xi32, #tpu.memory_space<vmem>>) target_semaphore(%arg36 : memref<!tpu.dma_semaphore, #tpu.memory_space<semaphore_mem>>)
        %dma_start3A_574 = arith.constant 0 : i32
        %dma_start3A_575 = tpu.memref_slice %arg7[%arg1, %dma_start3A_574] : memref<16x10368xi32, #tpu.memory_space<hbm>> -> memref<1x10368xi32, #tpu.memory_space<hbm>>
        %dma_start3A_576 = tpu.memref_squeeze %dma_start3A_575 : memref<1x10368xi32, #tpu.memory_space<hbm>> -> memref<10368xi32, #tpu.memory_space<hbm>>
        %dma_start3A_577 = tpu.memref_slice %dma_start3A_576[%mul3A_565] : memref<10368xi32, #tpu.memory_space<hbm>> -> memref<64xi32, #tpu.memory_space<hbm>>
        %dma_start3A_578 = arith.constant 0 : i32
        %dma_start3A_579 = tpu.memref_slice %arg7[%arg1, %dma_start3A_578] : memref<16x10368xi32, #tpu.memory_space<hbm>> -> memref<1x10368xi32, #tpu.memory_space<hbm>>
        %dma_start3A_580 = tpu.memref_squeeze %dma_start3A_579 : memref<1x10368xi32, #tpu.memory_space<hbm>> -> memref<10368xi32, #tpu.memory_space<hbm>>
        %dma_start3A_581 = tpu.memref_slice %dma_start3A_580[%mul3A_565] : memref<10368xi32, #tpu.memory_space<hbm>> -> memref<64xi32, #tpu.memory_space<hbm>>
        tpu.enqueue_dma source(%dma_start3A_581 : memref<64xi32, #tpu.memory_space<hbm>>) target(%arg28 : memref<64xi32, #tpu.memory_space<vmem>>) target_semaphore(%arg36 : memref<!tpu.dma_semaphore, #tpu.memory_space<semaphore_mem>>)
      } else {
      }
      %add3A_514 = arith.constant 1 : i32
      %add3A_515 = arith.addi %add3A_506, %add3A_514 : i32
      %lt3A_516 = arith.constant 162 : i32
      %lt3A_517 = arith.cmpi slt, %add3A_515, %lt3A_516 : i32
      %convert_element_type3A_518 = arith.extui %lt3A_517 : i1 to i32
      %cond3A_519 = arith.constant 0 : i32
      %cond3A_520 = arith.cmpi ne, %convert_element_type3A_518, %cond3A_519 : i32
      scf.if %cond3A_520 {
        %dma_wait3A_562 = arith.constant 0 : i32
        %dma_wait3A_563 = tpu.memref_slice %arg6[%arg1, %dma_wait3A_562] : memref<16x10368xi32, #tpu.memory_space<hbm>> -> memref<1x10368xi32, #tpu.memory_space<hbm>>
        %dma_wait3A_564 = tpu.memref_squeeze %dma_wait3A_563 : memref<1x10368xi32, #tpu.memory_space<hbm>> -> memref<10368xi32, #tpu.memory_space<hbm>>
        %dma_wait3A_565 = arith.constant 0 : i32
        %dma_wait3A_566 = tpu.memref_slice %dma_wait3A_564[%dma_wait3A_565] : memref<10368xi32, #tpu.memory_space<hbm>> -> memref<64xi32, #tpu.memory_space<hbm>>
        %dma_wait3A_567 = arith.constant 0 : i32
        %dma_wait3A_568 = tpu.memref_slice %arg6[%arg1, %dma_wait3A_567] : memref<16x10368xi32, #tpu.memory_space<hbm>> -> memref<1x10368xi32, #tpu.memory_space<hbm>>
        %dma_wait3A_569 = tpu.memref_squeeze %dma_wait3A_568 : memref<1x10368xi32, #tpu.memory_space<hbm>> -> memref<10368xi32, #tpu.memory_space<hbm>>
        %dma_wait3A_570 = arith.constant 0 : i32
        %dma_wait3A_571 = tpu.memref_slice %dma_wait3A_569[%dma_wait3A_570] : memref<10368xi32, #tpu.memory_space<hbm>> -> memref<64xi32, #tpu.memory_space<hbm>>
        tpu.wait_dma2 semaphore(%arg35 : memref<!tpu.dma_semaphore, #tpu.memory_space<semaphore_mem>>) src(%dma_wait3A_571 : memref<64xi32, #tpu.memory_space<hbm>>) dst(%arg21 : memref<64xi32, #tpu.memory_space<vmem>>)
        %dma_wait3A_572 = arith.constant 0 : i32
        %dma_wait3A_573 = tpu.memref_slice %arg6[%arg1, %dma_wait3A_572] : memref<16x10368xi32, #tpu.memory_space<hbm>> -> memref<1x10368xi32, #tpu.memory_space<hbm>>
        %dma_wait3A_574 = tpu.memref_squeeze %dma_wait3A_573 : memref<1x10368xi32, #tpu.memory_space<hbm>> -> memref<10368xi32, #tpu.memory_space<hbm>>
        %dma_wait3A_575 = arith.constant 0 : i32
        %dma_wait3A_576 = tpu.memref_slice %dma_wait3A_574[%dma_wait3A_575] : memref<10368xi32, #tpu.memory_space<hbm>> -> memref<64xi32, #tpu.memory_space<hbm>>
        %dma_wait3A_577 = arith.constant 0 : i32
        %dma_wait3A_578 = tpu.memref_slice %arg6[%arg1, %dma_wait3A_577] : memref<16x10368xi32, #tpu.memory_space<hbm>> -> memref<1x10368xi32, #tpu.memory_space<hbm>>
        %dma_wait3A_579 = tpu.memref_squeeze %dma_wait3A_578 : memref<1x10368xi32, #tpu.memory_space<hbm>> -> memref<10368xi32, #tpu.memory_space<hbm>>
        %dma_wait3A_580 = arith.constant 0 : i32
        %dma_wait3A_581 = tpu.memref_slice %dma_wait3A_579[%dma_wait3A_580] : memref<10368xi32, #tpu.memory_space<hbm>> -> memref<64xi32, #tpu.memory_space<hbm>>
        tpu.wait_dma2 semaphore(%arg35 : memref<!tpu.dma_semaphore, #tpu.memory_space<semaphore_mem>>) src(%dma_wait3A_581 : memref<64xi32, #tpu.memory_space<hbm>>) dst(%arg27 : memref<64xi32, #tpu.memory_space<vmem>>)
        %dma_start3A_582 = arith.constant 0 : i32
        %dma_start3A_583 = arith.constant 0 : i32
        %dma_start3A_584 = tpu.memref_slice %arg4[%dma_start3A_582, %dma_start3A_583] : memref<10000x16xf32, #tpu.memory_space<hbm>> -> memref<10000x16xf32, #tpu.memory_space<hbm>>
        tpu.enqueue_indirect_dma source(%dma_start3A_584 : memref<10000x16xf32, #tpu.memory_space<hbm>>) target(%arg11 : memref<64x16xf32, #tpu.memory_space<vmem>>) offsets(%arg21 : memref<64xi32, #tpu.memory_space<vmem>>) semaphore(%arg41 : memref<!tpu.dma_semaphore, #tpu.memory_space<semaphore_mem>>)
        %dma_start3A_585 = arith.constant 0 : i32
        %dma_start3A_586 = arith.constant 0 : i32
        %dma_start3A_587 = tpu.memref_slice %arg5[%dma_start3A_585, %dma_start3A_586] : memref<10000x16xf32, #tpu.memory_space<hbm>> -> memref<10000x16xf32, #tpu.memory_space<hbm>>
        tpu.enqueue_indirect_dma source(%dma_start3A_587 : memref<10000x16xf32, #tpu.memory_space<hbm>>) target(%arg13 : memref<64x16xf32, #tpu.memory_space<vmem>>) offsets(%arg27 : memref<64xi32, #tpu.memory_space<vmem>>) semaphore(%arg41 : memref<!tpu.dma_semaphore, #tpu.memory_space<semaphore_mem>>)
        %eq3A_588 = arith.constant 0 : i32
        %eq3A_589 = arith.cmpi eq, %arg0, %eq3A_588 : i32
        %convert_element_type3A_590 = arith.extui %eq3A_589 : i1 to i32
        %cond3A_591 = arith.constant 0 : i32
        %cond3A_592 = arith.cmpi ne, %convert_element_type3A_590, %cond3A_591 : i32
        scf.if %cond3A_592 {
          %dma_start3A_598 = arith.constant 0 : i32
          %dma_start3A_599 = arith.constant 0 : i32
          %dma_start3A_600 = tpu.memref_slice %arg2[%dma_start3A_598, %dma_start3A_599] : memref<10000x64xi32, #tpu.memory_space<hbm>> -> memref<10000x64xi32, #tpu.memory_space<hbm>>
          tpu.enqueue_indirect_dma source(%dma_start3A_600 : memref<10000x64xi32, #tpu.memory_space<hbm>>) target(%arg17 : memref<64x64xi32, #tpu.memory_space<vmem>>) offsets(%arg21 : memref<64xi32, #tpu.memory_space<vmem>>) semaphore(%arg41 : memref<!tpu.dma_semaphore, #tpu.memory_space<semaphore_mem>>)
        } else {
        }
        %eq3A_593 = arith.constant 1 : i32
        %eq3A_594 = arith.cmpi eq, %arg0, %eq3A_593 : i32
        %convert_element_type3A_595 = arith.extui %eq3A_594 : i1 to i32
        %cond3A_596 = arith.constant 0 : i32
        %cond3A_597 = arith.cmpi ne, %convert_element_type3A_595, %cond3A_596 : i32
        scf.if %cond3A_597 {
          %dma_start3A_598 = arith.constant 0 : i32
          %dma_start3A_599 = arith.constant 0 : i32
          %dma_start3A_600 = tpu.memref_slice %arg3[%dma_start3A_598, %dma_start3A_599] : memref<10000x64xi32, #tpu.memory_space<hbm>> -> memref<10000x64xi32, #tpu.memory_space<hbm>>
          tpu.enqueue_indirect_dma source(%dma_start3A_600 : memref<10000x64xi32, #tpu.memory_space<hbm>>) target(%arg17 : memref<64x64xi32, #tpu.memory_space<vmem>>) offsets(%arg21 : memref<64xi32, #tpu.memory_space<vmem>>) semaphore(%arg41 : memref<!tpu.dma_semaphore, #tpu.memory_space<semaphore_mem>>)
        } else {
        }
      } else {
      }
      %ge3A_521 = arith.constant 2 : i32
      %ge3A_522 = arith.cmpi sge, %add3A_506, %ge3A_521 : i32
      %convert_element_type3A_523 = arith.extui %ge3A_522 : i1 to i32
      %cond3A_524 = arith.constant 0 : i32
      %cond3A_525 = arith.cmpi ne, %convert_element_type3A_523, %cond3A_524 : i32
      scf.if %cond3A_525 {
        %sub3A = arith.constant 2 : i32
        %sub3A_562 = arith.subi %add3A_506, %sub3A : i32
        %mul3A_563 = arith.constant 162 : i32
        %mul3A_564 = arith.muli %arg1, %mul3A_563 : i32
        %add3A_565 = arith.addi %mul3A_564, %sub3A_562 : i32
        %mul3A_566 = arith.constant 64 : i32
        %mul3A_567 = arith.muli %add3A_565, %mul3A_566 : i32
        %lt3A_568 = arith.constant 160000 : i32
        %lt3A_569 = arith.cmpi slt, %mul3A_567, %lt3A_568 : i32
        %convert_element_type3A_570 = arith.extui %lt3A_569 : i1 to i32
        %cond3A_571 = arith.constant 0 : i32
        %cond3A_572 = arith.cmpi ne, %convert_element_type3A_570, %cond3A_571 : i32
        scf.if %cond3A_572 {
          %dma_wait3A_587 = arith.constant 0 : i32
          %dma_wait3A_588 = arith.constant 0 : i32
          %dma_wait3A_589 = tpu.memref_slice %arg33[%dma_wait3A_587, %dma_wait3A_588] : memref<10240x128xf32, #tpu.memory_space<vmem_shared>> -> memref<10240x128xf32, #tpu.memory_space<vmem_shared>>
          tpu.wait_indirect_dma semaphore(%arg44 : memref<!tpu.dma_semaphore, #tpu.memory_space<semaphore_mem>>) src(%arg20 : memref<64x128xf32, #tpu.memory_space<vmem>>) dst(%dma_wait3A_589 : memref<10240x128xf32, #tpu.memory_space<vmem_shared>>)
        } else {
        }
        %mul3A_573 = arith.constant 162 : i32
        %mul3A_574 = arith.muli %arg1, %mul3A_573 : i32
        %add3A_575 = arith.addi %mul3A_574, %sub3A_562 : i32
        %mul3A_576 = arith.constant 64 : i32
        %mul3A_577 = arith.muli %add3A_575, %mul3A_576 : i32
        %lt3A_578 = arith.constant 160000 : i32
        %lt3A_579 = arith.cmpi slt, %mul3A_577, %lt3A_578 : i32
        %and3A_580 = arith.constant 1 : i32
        %and3A_581 = arith.andi %sub3A_562, %and3A_580 : i32
        %eq3A_582 = arith.cmpi eq, %and3A_581, %arg0 : i32
        %and3A_583 = arith.andi %lt3A_579, %eq3A_582 : i1
        %convert_element_type3A_584 = arith.extui %and3A_583 : i1 to i32
        %cond3A_585 = arith.constant 0 : i32
        %cond3A_586 = arith.cmpi ne, %convert_element_type3A_584, %cond3A_585 : i32
        scf.if %cond3A_586 {
          %dma_wait3A_587 = arith.constant 0 : i32
          %dma_wait3A_588 = arith.constant 0 : i32
          %dma_wait3A_589 = tpu.memref_slice %arg34[%dma_wait3A_587, %dma_wait3A_588] : memref<10240x16xf32, #tpu.memory_space<vmem_shared>> -> memref<10240x16xf32, #tpu.memory_space<vmem_shared>>
          tpu.wait_indirect_dma semaphore(%arg44 : memref<!tpu.dma_semaphore, #tpu.memory_space<semaphore_mem>>) src(%arg16 : memref<64x16xf32, #tpu.memory_space<vmem>>) dst(%dma_wait3A_589 : memref<10240x16xf32, #tpu.memory_space<vmem_shared>>)
        } else {
        }
      } else {
      }
      %dma_wait3A_526 = arith.constant 0 : i32
      %dma_wait3A_527 = arith.constant 0 : i32
      %dma_wait3A_528 = tpu.memref_slice %arg4[%dma_wait3A_526, %dma_wait3A_527] : memref<10000x16xf32, #tpu.memory_space<hbm>> -> memref<10000x16xf32, #tpu.memory_space<hbm>>
      tpu.wait_indirect_dma semaphore(%arg42 : memref<!tpu.dma_semaphore, #tpu.memory_space<semaphore_mem>>) src(%dma_wait3A_528 : memref<10000x16xf32, #tpu.memory_space<hbm>>) dst(%arg12 : memref<64x16xf32, #tpu.memory_space<vmem>>)
      %dma_wait3A_529 = arith.constant 0 : i32
      %dma_wait3A_530 = arith.constant 0 : i32
      %dma_wait3A_531 = tpu.memref_slice %arg4[%dma_wait3A_529, %dma_wait3A_530] : memref<10000x16xf32, #tpu.memory_space<hbm>> -> memref<10000x16xf32, #tpu.memory_space<hbm>>
      tpu.wait_indirect_dma semaphore(%arg42 : memref<!tpu.dma_semaphore, #tpu.memory_space<semaphore_mem>>) src(%dma_wait3A_531 : memref<10000x16xf32, #tpu.memory_space<hbm>>) dst(%arg14 : memref<64x16xf32, #tpu.memory_space<vmem>>)
      %dma_wait3A_532 = arith.constant 0 : i32
      %dma_wait3A_533 = arith.constant 0 : i32
      %dma_wait3A_534 = tpu.memref_slice %arg2[%dma_wait3A_532, %dma_wait3A_533] : memref<10000x64xi32, #tpu.memory_space<hbm>> -> memref<10000x64xi32, #tpu.memory_space<hbm>>
      tpu.wait_indirect_dma semaphore(%arg42 : memref<!tpu.dma_semaphore, #tpu.memory_space<semaphore_mem>>) src(%dma_wait3A_534 : memref<10000x64xi32, #tpu.memory_space<hbm>>) dst(%arg18 : memref<64x64xi32, #tpu.memory_space<vmem>>)
      %parallel_loop3A_535 = arith.constant 0 : i32
      %parallel_loop3A_536 = arith.constant 64 : i32
      %parallel_loop3A_537 = arith.constant 1 : i32
      scf.for %parallel_loop3A_562 = %parallel_loop3A_535 to %parallel_loop3A_536 step %parallel_loop3A_537  : i32 {
        %parallel_loop3A_563 = arith.index_cast %parallel_loop3A_562 : i32 to index
        %parallel_loop3A_564 = arith.constant 0 : index
        %parallel_loop3A_565 = tpu.vector_load %arg12[%parallel_loop3A_563, %parallel_loop3A_564] {strides = array<i32>} : memref<64x16xf32, #tpu.memory_space<vmem>>, vector<16xf32>,
        %parallel_loop3A_566 = arith.index_cast %parallel_loop3A_562 : i32 to index
        %parallel_loop3A_567 = arith.constant 0 : index
        %parallel_loop3A_568 = tpu.vector_load %arg14[%parallel_loop3A_566, %parallel_loop3A_567] {strides = array<i32>} : memref<64x16xf32, #tpu.memory_space<vmem>>, vector<16xf32>,
        %parallel_loop3A_569 = arith.addf %parallel_loop3A_565, %parallel_loop3A_568 : vector<16xf32>
        %parallel_loop3A_570 = arith.constant 2.000000e-01 : f32
        %parallel_loop3A_571 = vector.broadcast %parallel_loop3A_570 : f32 to vector<16xf32>
        %parallel_loop3A_572 = arith.mulf %parallel_loop3A_569, %parallel_loop3A_571 : vector<16xf32>
        %parallel_loop3A_573 = arith.maximumf %parallel_loop3A_569, %parallel_loop3A_572 : vector<16xf32>
        %parallel_loop3A_574 = math.exp %parallel_loop3A_573 : vector<16xf32>
        %parallel_loop3A_575 = arith.index_cast %parallel_loop3A_562 : i32 to index
        %parallel_loop3A_576 = arith.constant 0 : index
        %parallel_loop3A_577 = tpu.vector_load %arg16[%parallel_loop3A_575, %parallel_loop3A_576] {strides = array<i32>} : memref<64x16xf32, #tpu.memory_space<vmem>>, vector<16xf32>,
        tpu.vector_store %arg16[%parallel_loop3A_575, %parallel_loop3A_576], %parallel_loop3A_574 {strides = array<i32>} : memref<64x16xf32, #tpu.memory_space<vmem>>, vector<16xf32>,
        %parallel_loop3A_578 = vector.shape_cast %broadcast_in_dim3A_49 : vector<16x1xi32> to vector<16xi32>
        %parallel_loop3A_579 = tpu.dynamic_gather %parallel_loop3A_574[%parallel_loop3A_578] in [0] : vector<16xf32>, vector<16xi32> -> vector<16xf32>
        %parallel_loop3A_580 = arith.index_cast %parallel_loop3A_562 : i32 to index
        %parallel_loop3A_581 = arith.constant 0 : index
        %parallel_loop3A_582 = tpu.vector_load %arg18[%parallel_loop3A_580, %parallel_loop3A_581] {strides = array<i32>} : memref<64x64xi32, #tpu.memory_space<vmem>>, vector<16xi32>,
        %parallel_loop3A_583 = arith.constant 16 : i32
        %parallel_loop3A_584 = vector.broadcast %parallel_loop3A_583 : i32 to vector<16xi32>
        %parallel_loop3A_585 = arith.shli %parallel_loop3A_582, %parallel_loop3A_584 : vector<16xi32>
        %parallel_loop3A_586 = vector.bitcast %parallel_loop3A_585 : vector<16xi32> to vector<16xf32>
        %parallel_loop3A_587 = vector.broadcast %scan3A_136 : i32 to vector<16xi32>
        %parallel_loop3A_588 = arith.andi %parallel_loop3A_582, %parallel_loop3A_587 : vector<16xi32>
        %parallel_loop3A_589 = vector.bitcast %parallel_loop3A_588 : vector<16xi32> to vector<16xf32>
        %parallel_loop3A_590 = arith.mulf %parallel_loop3A_586, %parallel_loop3A_579 : vector<16xf32>
        %parallel_loop3A_591 = arith.index_cast %parallel_loop3A_562 : i32 to index
        %parallel_loop3A_592 = arith.constant 0 : index
        %parallel_loop3A_593 = tpu.vector_load %arg20[%parallel_loop3A_591, %parallel_loop3A_592] {strides = array<i32>} : memref<64x128xf32, #tpu.memory_space<vmem>>, vector<16xf32>,
        tpu.vector_store %arg20[%parallel_loop3A_591, %parallel_loop3A_592], %parallel_loop3A_590 {strides = array<i32>} : memref<64x128xf32, #tpu.memory_space<vmem>>, vector<16xf32>,
        %parallel_loop3A_594 = arith.mulf %parallel_loop3A_589, %parallel_loop3A_579 : vector<16xf32>
        %parallel_loop3A_595 = arith.index_cast %parallel_loop3A_562 : i32 to index
        %parallel_loop3A_596 = arith.constant 16 : index
        %parallel_loop3A_597 = tpu.vector_load %arg20[%parallel_loop3A_595, %parallel_loop3A_596] {strides = array<i32>} : memref<64x128xf32, #tpu.memory_space<vmem>>, vector<16xf32>,
        tpu.vector_store %arg20[%parallel_loop3A_595, %parallel_loop3A_596], %parallel_loop3A_594 {strides = array<i32>} : memref<64x128xf32, #tpu.memory_space<vmem>>, vector<16xf32>,
        %parallel_loop3A_598 = vector.shape_cast %broadcast_in_dim3A_54 : vector<16x1xi32> to vector<16xi32>
        %parallel_loop3A_599 = tpu.dynamic_gather %parallel_loop3A_574[%parallel_loop3A_598] in [0] : vector<16xf32>, vector<16xi32> -> vector<16xf32>
        %parallel_loop3A_600 = arith.index_cast %parallel_loop3A_562 : i32 to index
        %parallel_loop3A_601 = arith.constant 16 : index
        %parallel_loop3A_602 = tpu.vector_load %arg18[%parallel_loop3A_600, %parallel_loop3A_601] {strides = array<i32>} : memref<64x64xi32, #tpu.memory_space<vmem>>, vector<16xi32>,
        %parallel_loop3A_603 = arith.constant 16 : i32
        %parallel_loop3A_604 = vector.broadcast %parallel_loop3A_603 : i32 to vector<16xi32>
        %parallel_loop3A_605 = arith.shli %parallel_loop3A_602, %parallel_loop3A_604 : vector<16xi32>
        %parallel_loop3A_606 = vector.bitcast %parallel_loop3A_605 : vector<16xi32> to vector<16xf32>
        %parallel_loop3A_607 = vector.broadcast %scan3A_136 : i32 to vector<16xi32>
        %parallel_loop3A_608 = arith.andi %parallel_loop3A_602, %parallel_loop3A_607 : vector<16xi32>
        %parallel_loop3A_609 = vector.bitcast %parallel_loop3A_608 : vector<16xi32> to vector<16xf32>
        %parallel_loop3A_610 = arith.mulf %parallel_loop3A_606, %parallel_loop3A_599 : vector<16xf32>
        %parallel_loop3A_611 = arith.index_cast %parallel_loop3A_562 : i32 to index
        %parallel_loop3A_612 = arith.constant 32 : index
        %parallel_loop3A_613 = tpu.vector_load %arg20[%parallel_loop3A_611, %parallel_loop3A_612] {strides = array<i32>} : memref<64x128xf32, #tpu.memory_space<vmem>>, vector<16xf32>,
        tpu.vector_store %arg20[%parallel_loop3A_611, %parallel_loop3A_612], %parallel_loop3A_610 {strides = array<i32>} : memref<64x128xf32, #tpu.memory_space<vmem>>, vector<16xf32>,
        %parallel_loop3A_614 = arith.mulf %parallel_loop3A_609, %parallel_loop3A_599 : vector<16xf32>
        %parallel_loop3A_615 = arith.index_cast %parallel_loop3A_562 : i32 to index
        %parallel_loop3A_616 = arith.constant 48 : index
        %parallel_loop3A_617 = tpu.vector_load %arg20[%parallel_loop3A_615, %parallel_loop3A_616] {strides = array<i32>} : memref<64x128xf32, #tpu.memory_space<vmem>>, vector<16xf32>,
        tpu.vector_store %arg20[%parallel_loop3A_615, %parallel_loop3A_616], %parallel_loop3A_614 {strides = array<i32>} : memref<64x128xf32, #tpu.memory_space<vmem>>, vector<16xf32>,
        %parallel_loop3A_618 = vector.shape_cast %broadcast_in_dim3A_59 : vector<16x1xi32> to vector<16xi32>
        %parallel_loop3A_619 = tpu.dynamic_gather %parallel_loop3A_574[%parallel_loop3A_618] in [0] : vector<16xf32>, vector<16xi32> -> vector<16xf32>
        %parallel_loop3A_620 = arith.index_cast %parallel_loop3A_562 : i32 to index
        %parallel_loop3A_621 = arith.constant 32 : index
        %parallel_loop3A_622 = tpu.vector_load %arg18[%parallel_loop3A_620, %parallel_loop3A_621] {strides = array<i32>} : memref<64x64xi32, #tpu.memory_space<vmem>>, vector<16xi32>,
        %parallel_loop3A_623 = arith.constant 16 : i32
        %parallel_loop3A_624 = vector.broadcast %parallel_loop3A_623 : i32 to vector<16xi32>
        %parallel_loop3A_625 = arith.shli %parallel_loop3A_622, %parallel_loop3A_624 : vector<16xi32>
        %parallel_loop3A_626 = vector.bitcast %parallel_loop3A_625 : vector<16xi32> to vector<16xf32>
        %parallel_loop3A_627 = vector.broadcast %scan3A_136 : i32 to vector<16xi32>
        %parallel_loop3A_628 = arith.andi %parallel_loop3A_622, %parallel_loop3A_627 : vector<16xi32>
        %parallel_loop3A_629 = vector.bitcast %parallel_loop3A_628 : vector<16xi32> to vector<16xf32>
        %parallel_loop3A_630 = arith.mulf %parallel_loop3A_626, %parallel_loop3A_619 : vector<16xf32>
        %parallel_loop3A_631 = arith.index_cast %parallel_loop3A_562 : i32 to index
        %parallel_loop3A_632 = arith.constant 64 : index
        %parallel_loop3A_633 = tpu.vector_load %arg20[%parallel_loop3A_631, %parallel_loop3A_632] {strides = array<i32>} : memref<64x128xf32, #tpu.memory_space<vmem>>, vector<16xf32>,
        tpu.vector_store %arg20[%parallel_loop3A_631, %parallel_loop3A_632], %parallel_loop3A_630 {strides = array<i32>} : memref<64x128xf32, #tpu.memory_space<vmem>>, vector<16xf32>,
        %parallel_loop3A_634 = arith.mulf %parallel_loop3A_629, %parallel_loop3A_619 : vector<16xf32>
        %parallel_loop3A_635 = arith.index_cast %parallel_loop3A_562 : i32 to index
        %parallel_loop3A_636 = arith.constant 80 : index
        %parallel_loop3A_637 = tpu.vector_load %arg20[%parallel_loop3A_635, %parallel_loop3A_636] {strides = array<i32>} : memref<64x128xf32, #tpu.memory_space<vmem>>, vector<16xf32>,
        tpu.vector_store %arg20[%parallel_loop3A_635, %parallel_loop3A_636], %parallel_loop3A_634 {strides = array<i32>} : memref<64x128xf32, #tpu.memory_space<vmem>>, vector<16xf32>,
        %parallel_loop3A_638 = vector.shape_cast %broadcast_in_dim3A_64 : vector<16x1xi32> to vector<16xi32>
        %parallel_loop3A_639 = tpu.dynamic_gather %parallel_loop3A_574[%parallel_loop3A_638] in [0] : vector<16xf32>, vector<16xi32> -> vector<16xf32>
        %parallel_loop3A_640 = arith.index_cast %parallel_loop3A_562 : i32 to index
        %parallel_loop3A_641 = arith.constant 48 : index
        %parallel_loop3A_642 = tpu.vector_load %arg18[%parallel_loop3A_640, %parallel_loop3A_641] {strides = array<i32>} : memref<64x64xi32, #tpu.memory_space<vmem>>, vector<16xi32>,
        %parallel_loop3A_643 = arith.constant 16 : i32
        %parallel_loop3A_644 = vector.broadcast %parallel_loop3A_643 : i32 to vector<16xi32>
        %parallel_loop3A_645 = arith.shli %parallel_loop3A_642, %parallel_loop3A_644 : vector<16xi32>
        %parallel_loop3A_646 = vector.bitcast %parallel_loop3A_645 : vector<16xi32> to vector<16xf32>
        %parallel_loop3A_647 = vector.broadcast %scan3A_136 : i32 to vector<16xi32>
        %parallel_loop3A_648 = arith.andi %parallel_loop3A_642, %parallel_loop3A_647 : vector<16xi32>
        %parallel_loop3A_649 = vector.bitcast %parallel_loop3A_648 : vector<16xi32> to vector<16xf32>
        %parallel_loop3A_650 = arith.mulf %parallel_loop3A_646, %parallel_loop3A_639 : vector<16xf32>
        %parallel_loop3A_651 = arith.index_cast %parallel_loop3A_562 : i32 to index
        %parallel_loop3A_652 = arith.constant 96 : index
        %parallel_loop3A_653 = tpu.vector_load %arg20[%parallel_loop3A_651, %parallel_loop3A_652] {strides = array<i32>} : memref<64x128xf32, #tpu.memory_space<vmem>>, vector<16xf32>,
        tpu.vector_store %arg20[%parallel_loop3A_651, %parallel_loop3A_652], %parallel_loop3A_650 {strides = array<i32>} : memref<64x128xf32, #tpu.memory_space<vmem>>, vector<16xf32>,
        %parallel_loop3A_654 = arith.mulf %parallel_loop3A_649, %parallel_loop3A_639 : vector<16xf32>
        %parallel_loop3A_655 = arith.index_cast %parallel_loop3A_562 : i32 to index
        %parallel_loop3A_656 = arith.constant 112 : index
        %parallel_loop3A_657 = tpu.vector_load %arg20[%parallel_loop3A_655, %parallel_loop3A_656] {strides = array<i32>} : memref<64x128xf32, #tpu.memory_space<vmem>>, vector<16xf32>,
        tpu.vector_store %arg20[%parallel_loop3A_655, %parallel_loop3A_656], %parallel_loop3A_654 {strides = array<i32>} : memref<64x128xf32, #tpu.memory_space<vmem>>, vector<16xf32>,
      } {sc.loop_unroll_factor = 4 : i64, sc.parallel_access}
      %mul3A_538 = arith.constant 162 : i32
      %mul3A_539 = arith.muli %arg1, %mul3A_538 : i32
      %add3A_540 = arith.addi %mul3A_539, %add3A_506 : i32
      %mul3A_541 = arith.constant 64 : i32
      %mul3A_542 = arith.muli %add3A_540, %mul3A_541 : i32
      %lt3A_543 = arith.constant 160000 : i32
      %lt3A_544 = arith.cmpi slt, %mul3A_542, %lt3A_543 : i32
      %convert_element_type3A_545 = arith.extui %lt3A_544 : i1 to i32
      %cond3A_546 = arith.constant 0 : i32
      %cond3A_547 = arith.cmpi ne, %convert_element_type3A_545, %cond3A_546 : i32
      scf.if %cond3A_547 {
        %dma_start3A_562 = arith.constant 0 : i32
        %dma_start3A_563 = arith.constant 0 : i32
        %dma_start3A_564 = tpu.memref_slice %arg33[%dma_start3A_562, %dma_start3A_563] : memref<10240x128xf32, #tpu.memory_space<vmem_shared>> -> memref<10240x128xf32, #tpu.memory_space<vmem_shared>>
        tpu.enqueue_indirect_dma source(%arg20 : memref<64x128xf32, #tpu.memory_space<vmem>>) target(%dma_start3A_564 : memref<10240x128xf32, #tpu.memory_space<vmem_shared>>) offsets(%arg32 : memref<64xi32, #tpu.memory_space<vmem>>) semaphore(%arg44 : memref<!tpu.dma_semaphore, #tpu.memory_space<semaphore_mem>>) {add = true}
      } else {
      }
      %mul3A_548 = arith.constant 162 : i32
      %mul3A_549 = arith.muli %arg1, %mul3A_548 : i32
      %add3A_550 = arith.addi %mul3A_549, %add3A_506 : i32
      %mul3A_551 = arith.constant 64 : i32
      %mul3A_552 = arith.muli %add3A_550, %mul3A_551 : i32
      %lt3A_553 = arith.constant 160000 : i32
      %lt3A_554 = arith.cmpi slt, %mul3A_552, %lt3A_553 : i32
      %and3A_555 = arith.constant 1 : i32
      %and3A_556 = arith.andi %add3A_506, %and3A_555 : i32
      %eq3A_557 = arith.cmpi eq, %and3A_556, %arg0 : i32
      %and3A_558 = arith.andi %lt3A_554, %eq3A_557 : i1
      %convert_element_type3A_559 = arith.extui %and3A_558 : i1 to i32
      %cond3A_560 = arith.constant 0 : i32
      %cond3A_561 = arith.cmpi ne, %convert_element_type3A_559, %cond3A_560 : i32
      scf.if %cond3A_561 {
        %dma_start3A_562 = arith.constant 0 : i32
        %dma_start3A_563 = arith.constant 0 : i32
        %dma_start3A_564 = tpu.memref_slice %arg34[%dma_start3A_562, %dma_start3A_563] : memref<10240x16xf32, #tpu.memory_space<vmem_shared>> -> memref<10240x16xf32, #tpu.memory_space<vmem_shared>>
        tpu.enqueue_indirect_dma source(%arg16 : memref<64x16xf32, #tpu.memory_space<vmem>>) target(%dma_start3A_564 : memref<10240x16xf32, #tpu.memory_space<vmem_shared>>) offsets(%arg32 : memref<64xi32, #tpu.memory_space<vmem>>) semaphore(%arg44 : memref<!tpu.dma_semaphore, #tpu.memory_space<semaphore_mem>>) {add = true}
      } else {
      }
    }
    %scan3A_141 = arith.constant 27 : i32
    %mul3A_142 = arith.constant 162 : i32
    %mul3A_143 = arith.muli %arg1, %mul3A_142 : i32
    %add3A_144 = arith.constant 160 : i32
    %add3A_145 = arith.addi %mul3A_143, %add3A_144 : i32
    %mul3A_146 = arith.constant 64 : i32
    %mul3A_147 = arith.muli %add3A_145, %mul3A_146 : i32
    %lt3A = arith.constant 160000 : i32
    %lt3A_148 = arith.cmpi slt, %mul3A_147, %lt3A : i32
    %convert_element_type3A_149 = arith.extui %lt3A_148 : i1 to i32
    %cond3A_150 = arith.constant 0 : i32
    %cond3A_151 = arith.cmpi ne, %convert_element_type3A_149, %cond3A_150 : i32
    scf.if %cond3A_151 {
      %dma_wait3A_205 = arith.constant 0 : i32
      %dma_wait3A_206 = arith.constant 0 : i32
      %dma_wait3A_207 = tpu.memref_slice %arg33[%dma_wait3A_205, %dma_wait3A_206] : memref<10240x128xf32, #tpu.memory_space<vmem_shared>> -> memref<10240x128xf32, #tpu.memory_space<vmem_shared>>
      tpu.wait_indirect_dma semaphore(%arg43 : memref<!tpu.dma_semaphore, #tpu.memory_space<semaphore_mem>>) src(%arg19 : memref<64x128xf32, #tpu.memory_space<vmem>>) dst(%dma_wait3A_207 : memref<10240x128xf32, #tpu.memory_space<vmem_shared>>)
    } else {
    }
    %mul3A_152 = arith.constant 162 : i32
    %mul3A_153 = arith.muli %arg1, %mul3A_152 : i32
    %add3A_154 = arith.constant 160 : i32
    %add3A_155 = arith.addi %mul3A_153, %add3A_154 : i32
    %mul3A_156 = arith.constant 64 : i32
    %mul3A_157 = arith.muli %add3A_155, %mul3A_156 : i32
    %lt3A_158 = arith.constant 160000 : i32
    %lt3A_159 = arith.cmpi slt, %mul3A_157, %lt3A_158 : i32
    %and3A = arith.constant 160 : i32
    %and3A_160 = arith.constant 1 : i32
    %and3A_161 = arith.andi %and3A, %and3A_160 : i32
    %eq3A_162 = arith.cmpi eq, %and3A_161, %arg0 : i32
    %and3A_163 = arith.andi %lt3A_159, %eq3A_162 : i1
    %convert_element_type3A_164 = arith.extui %and3A_163 : i1 to i32
    %cond3A_165 = arith.constant 0 : i32
    %cond3A_166 = arith.cmpi ne, %convert_element_type3A_164, %cond3A_165 : i32
    scf.if %cond3A_166 {
      %dma_wait3A_205 = arith.constant 0 : i32
      %dma_wait3A_206 = arith.constant 0 : i32
      %dma_wait3A_207 = tpu.memref_slice %arg34[%dma_wait3A_205, %dma_wait3A_206] : memref<10240x16xf32, #tpu.memory_space<vmem_shared>> -> memref<10240x16xf32, #tpu.memory_space<vmem_shared>>
      tpu.wait_indirect_dma semaphore(%arg43 : memref<!tpu.dma_semaphore, #tpu.memory_space<semaphore_mem>>) src(%arg15 : memref<64x16xf32, #tpu.memory_space<vmem>>) dst(%dma_wait3A_207 : memref<10240x16xf32, #tpu.memory_space<vmem_shared>>)
    } else {
    }
    %mul3A_167 = arith.constant 162 : i32
    %mul3A_168 = arith.muli %arg1, %mul3A_167 : i32
    %add3A_169 = arith.constant 161 : i32
    %add3A_170 = arith.addi %mul3A_168, %add3A_169 : i32
    %mul3A_171 = arith.constant 64 : i32
    %mul3A_172 = arith.muli %add3A_170, %mul3A_171 : i32
    %lt3A_173 = arith.constant 160000 : i32
    %lt3A_174 = arith.cmpi slt, %mul3A_172, %lt3A_173 : i32
    %convert_element_type3A_175 = arith.extui %lt3A_174 : i1 to i32
    %cond3A_176 = arith.constant 0 : i32
    %cond3A_177 = arith.cmpi ne, %convert_element_type3A_175, %cond3A_176 : i32
    scf.if %cond3A_177 {
      %dma_wait3A_205 = arith.constant 0 : i32
      %dma_wait3A_206 = arith.constant 0 : i32
      %dma_wait3A_207 = tpu.memref_slice %arg33[%dma_wait3A_205, %dma_wait3A_206] : memref<10240x128xf32, #tpu.memory_space<vmem_shared>> -> memref<10240x128xf32, #tpu.memory_space<vmem_shared>>
      tpu.wait_indirect_dma semaphore(%arg44 : memref<!tpu.dma_semaphore, #tpu.memory_space<semaphore_mem>>) src(%arg20 : memref<64x128xf32, #tpu.memory_space<vmem>>) dst(%dma_wait3A_207 : memref<10240x128xf32, #tpu.memory_space<vmem_shared>>)
    } else {
    }
    %mul3A_178 = arith.constant 162 : i32
    %mul3A_179 = arith.muli %arg1, %mul3A_178 : i32
    %add3A_180 = arith.constant 161 : i32
    %add3A_181 = arith.addi %mul3A_179, %add3A_180 : i32
    %mul3A_182 = arith.constant 64 : i32
    %mul3A_183 = arith.muli %add3A_181, %mul3A_182 : i32
    %lt3A_184 = arith.constant 160000 : i32
    %lt3A_185 = arith.cmpi slt, %mul3A_183, %lt3A_184 : i32
    %and3A_186 = arith.constant 161 : i32
    %and3A_187 = arith.constant 1 : i32
    %and3A_188 = arith.andi %and3A_186, %and3A_187 : i32
    %eq3A_189 = arith.cmpi eq, %and3A_188, %arg0 : i32
    %and3A_190 = arith.andi %lt3A_185, %eq3A_189 : i1
    %convert_element_type3A_191 = arith.extui %and3A_190 : i1 to i32
    %cond3A_192 = arith.constant 0 : i32
    %cond3A_193 = arith.cmpi ne, %convert_element_type3A_191, %cond3A_192 : i32
    scf.if %cond3A_193 {
      %dma_wait3A_205 = arith.constant 0 : i32
      %dma_wait3A_206 = arith.constant 0 : i32
      %dma_wait3A_207 = tpu.memref_slice %arg34[%dma_wait3A_205, %dma_wait3A_206] : memref<10240x16xf32, #tpu.memory_space<vmem_shared>> -> memref<10240x16xf32, #tpu.memory_space<vmem_shared>>
      tpu.wait_indirect_dma semaphore(%arg44 : memref<!tpu.dma_semaphore, #tpu.memory_space<semaphore_mem>>) src(%arg16 : memref<64x16xf32, #tpu.memory_space<vmem>>) dst(%dma_wait3A_207 : memref<10240x16xf32, #tpu.memory_space<vmem_shared>>)
    } else {
    }
    %barrier3A_194 = arith.constant 0 : index
    tpu.barrier barrier_id(%barrier3A_194)
    "tpu.region"() ({
      %run_scoped3A = tpu.sem_alloc : memref<!tpu.dma_semaphore, #tpu.memory_space<semaphore_mem>>
      %dma_start3A_205 = arith.constant 0 : i32
      %dma_start3A_206 = arith.constant 0 : i32
      %dma_start3A_207 = tpu.memref_slice %arg10[%arg0, %dma_start3A_205, %dma_start3A_206] : memref<2x10240x16xf32, #tpu.memory_space<hbm>> -> memref<1x10240x16xf32, #tpu.memory_space<hbm>>
      %dma_start3A_208 = tpu.memref_squeeze %dma_start3A_207 : memref<1x10240x16xf32, #tpu.memory_space<hbm>> -> memref<10240x16xf32, #tpu.memory_space<hbm>>
      %dma_start3A_209 = arith.constant 0 : i32
      %dma_start3A_210 = tpu.memref_slice %dma_start3A_208[%mul3A_5, %dma_start3A_209] : memref<10240x16xf32, #tpu.memory_space<hbm>> -> memref<640x16xf32, #tpu.memory_space<hbm>>
      %dma_start3A_211 = arith.constant 0 : i32
      %dma_start3A_212 = tpu.memref_slice %arg34[%mul3A_5, %dma_start3A_211] : memref<10240x16xf32, #tpu.memory_space<vmem_shared>> -> memref<640x16xf32, #tpu.memory_space<vmem_shared>>
      tpu.enqueue_dma source(%dma_start3A_212 : memref<640x16xf32, #tpu.memory_space<vmem_shared>>) target(%dma_start3A_210 : memref<640x16xf32, #tpu.memory_space<hbm>>) target_semaphore(%run_scoped3A : memref<!tpu.dma_semaphore, #tpu.memory_space<semaphore_mem>>)
      %dma_wait3A_213 = arith.constant 0 : i32
      %dma_wait3A_214 = arith.constant 0 : i32
      %dma_wait3A_215 = tpu.memref_slice %arg10[%arg0, %dma_wait3A_213, %dma_wait3A_214] : memref<2x10240x16xf32, #tpu.memory_space<hbm>> -> memref<1x10240x16xf32, #tpu.memory_space<hbm>>
      %dma_wait3A_216 = tpu.memref_squeeze %dma_wait3A_215 : memref<1x10240x16xf32, #tpu.memory_space<hbm>> -> memref<10240x16xf32, #tpu.memory_space<hbm>>
      %dma_wait3A_217 = arith.constant 0 : i32
      %dma_wait3A_218 = tpu.memref_slice %dma_wait3A_216[%mul3A_5, %dma_wait3A_217] : memref<10240x16xf32, #tpu.memory_space<hbm>> -> memref<640x16xf32, #tpu.memory_space<hbm>>
      %dma_wait3A_219 = arith.constant 0 : i32
      %dma_wait3A_220 = tpu.memref_slice %arg34[%mul3A_5, %dma_wait3A_219] : memref<10240x16xf32, #tpu.memory_space<vmem_shared>> -> memref<640x16xf32, #tpu.memory_space<vmem_shared>>
      tpu.wait_dma2 semaphore(%run_scoped3A : memref<!tpu.dma_semaphore, #tpu.memory_space<semaphore_mem>>) src(%dma_wait3A_220 : memref<640x16xf32, #tpu.memory_space<vmem_shared>>) dst(%dma_wait3A_218 : memref<640x16xf32, #tpu.memory_space<hbm>>)
      tpu.yield
    }) : () -> ()
    %eq3A_195 = arith.constant 0 : i32
    %eq3A_196 = arith.cmpi eq, %arg0, %eq3A_195 : i32
    %convert_element_type3A_197 = arith.extui %eq3A_196 : i1 to i32
    %cond3A_198 = arith.constant 0 : i32
    %cond3A_199 = arith.cmpi ne, %convert_element_type3A_197, %cond3A_198 : i32
    scf.if %cond3A_199 {
      "tpu.region"() ({
        %run_scoped3A = tpu.sem_alloc : memref<!tpu.dma_semaphore, #tpu.memory_space<semaphore_mem>>
        %dma_start3A_205 = arith.constant 0 : i32
        %dma_start3A_206 = tpu.memref_slice %arg8[%mul3A_5, %dma_start3A_205] : memref<10240x128xf32, #tpu.memory_space<hbm>> -> memref<640x128xf32, #tpu.memory_space<hbm>>
        %dma_start3A_207 = arith.constant 0 : i32
        %dma_start3A_208 = tpu.memref_slice %arg33[%mul3A_5, %dma_start3A_207] : memref<10240x128xf32, #tpu.memory_space<vmem_shared>> -> memref<640x128xf32, #tpu.memory_space<vmem_shared>>
        tpu.enqueue_dma source(%dma_start3A_208 : memref<640x128xf32, #tpu.memory_space<vmem_shared>>) target(%dma_start3A_206 : memref<640x128xf32, #tpu.memory_space<hbm>>) target_semaphore(%run_scoped3A : memref<!tpu.dma_semaphore, #tpu.memory_space<semaphore_mem>>)
        %dma_wait3A_209 = arith.constant 0 : i32
        %dma_wait3A_210 = tpu.memref_slice %arg8[%mul3A_5, %dma_wait3A_209] : memref<10240x128xf32, #tpu.memory_space<hbm>> -> memref<640x128xf32, #tpu.memory_space<hbm>>
        %dma_wait3A_211 = arith.constant 0 : i32
        %dma_wait3A_212 = tpu.memref_slice %arg33[%mul3A_5, %dma_wait3A_211] : memref<10240x128xf32, #tpu.memory_space<vmem_shared>> -> memref<640x128xf32, #tpu.memory_space<vmem_shared>>
        tpu.wait_dma2 semaphore(%run_scoped3A : memref<!tpu.dma_semaphore, #tpu.memory_space<semaphore_mem>>) src(%dma_wait3A_212 : memref<640x128xf32, #tpu.memory_space<vmem_shared>>) dst(%dma_wait3A_210 : memref<640x128xf32, #tpu.memory_space<hbm>>)
        tpu.yield
      }) : () -> ()
    } else {
    }
    %eq3A_200 = arith.constant 1 : i32
    %eq3A_201 = arith.cmpi eq, %arg0, %eq3A_200 : i32
    %convert_element_type3A_202 = arith.extui %eq3A_201 : i1 to i32
    %cond3A_203 = arith.constant 0 : i32
    %cond3A_204 = arith.cmpi ne, %convert_element_type3A_202, %cond3A_203 : i32
    scf.if %cond3A_204 {
      "tpu.region"() ({
        %run_scoped3A = tpu.sem_alloc : memref<!tpu.dma_semaphore, #tpu.memory_space<semaphore_mem>>
        %dma_start3A_205 = arith.constant 0 : i32
        %dma_start3A_206 = tpu.memref_slice %arg9[%mul3A_5, %dma_start3A_205] : memref<10240x128xf32, #tpu.memory_space<hbm>> -> memref<640x128xf32, #tpu.memory_space<hbm>>
        %dma_start3A_207 = arith.constant 0 : i32
        %dma_start3A_208 = tpu.memref_slice %arg33[%mul3A_5, %dma_start3A_207] : memref<10240x128xf32, #tpu.memory_space<vmem_shared>> -> memref<640x128xf32, #tpu.memory_space<vmem_shared>>
        tpu.enqueue_dma source(%dma_start3A_208 : memref<640x128xf32, #tpu.memory_space<vmem_shared>>) target(%dma_start3A_206 : memref<640x128xf32, #tpu.memory_space<hbm>>) target_semaphore(%run_scoped3A : memref<!tpu.dma_semaphore, #tpu.memory_space<semaphore_mem>>)
        %dma_wait3A_209 = arith.constant 0 : i32
        %dma_wait3A_210 = tpu.memref_slice %arg9[%mul3A_5, %dma_wait3A_209] : memref<10240x128xf32, #tpu.memory_space<hbm>> -> memref<640x128xf32, #tpu.memory_space<hbm>>
        %dma_wait3A_211 = arith.constant 0 : i32
        %dma_wait3A_212 = tpu.memref_slice %arg33[%mul3A_5, %dma_wait3A_211] : memref<10240x128xf32, #tpu.memory_space<vmem_shared>> -> memref<640x128xf32, #tpu.memory_space<vmem_shared>>
        tpu.wait_dma2 semaphore(%run_scoped3A : memref<!tpu.dma_semaphore, #tpu.memory_space<semaphore_mem>>) src(%dma_wait3A_212 : memref<640x128xf32, #tpu.memory_space<vmem_shared>>) dst(%dma_wait3A_210 : memref<640x128xf32, #tpu.memory_space<hbm>>)
        tpu.yield
      }) : () -> ()
    } else {
    }
    return
  }
}

module attributes {stable_mosaic.version = 14 : i64} {
  func.func @_matmul_kernel(%arg0: i32, %arg1: memref<400x256xf32, #tpu.memory_space<vmem>>, %arg2: memref<256x256xf32, #tpu.memory_space<vmem>>, %arg3: memref<8x32xf32, #tpu.memory_space<vmem>>, %arg4: memref<8x32xf32, #tpu.memory_space<vmem>>, %arg5: memref<400x128xf32, #tpu.memory_space<vmem>>, %arg6: memref<400x128xf32, #tpu.memory_space<vmem>>, %arg7: memref<400x16xf32, #tpu.memory_space<vmem>>, %arg8: memref<400x16xf32, #tpu.memory_space<vmem>>) attributes {dimension_semantics = [#tpu.dimension_semantics<arbitrary>], iteration_bounds = array<i64: 25>, scalar_prefetch = 0 : i64, scratch_operands = 0 : i64, tpu.core_type = #tpu.core_type<tc>, window_params = [{transform_indices = @transform_0, window_bounds = array<i64: 400, 256>}, {pipeline_mode = #tpu.pipeline_mode<synchronous>, transform_indices = @transform_1, window_bounds = array<i64: 256, 256>}, {pipeline_mode = #tpu.pipeline_mode<synchronous>, transform_indices = @transform_2, window_bounds = array<i64: 8, 32>}, {pipeline_mode = #tpu.pipeline_mode<synchronous>, transform_indices = @transform_3, window_bounds = array<i64: 8, 32>}, {transform_indices = @transform_4, window_bounds = array<i64: 400, 128>}, {transform_indices = @transform_5, window_bounds = array<i64: 400, 128>}, {transform_indices = @transform_6, window_bounds = array<i64: 400, 16>}, {transform_indices = @transform_7, window_bounds = array<i64: 400, 16>}]} {
    %get3A = arith.constant 0 : index
    %get3A_0 = arith.constant 0 : index
    %get3A_1 = vector.load %arg1[%get3A, %get3A_0] : memref<400x256xf32, #tpu.memory_space<vmem>>, vector<400x256xf32>
    %get3A_2 = arith.constant 0 : index
    %get3A_3 = arith.constant 0 : index
    %get3A_4 = vector.load %arg2[%get3A_2, %get3A_3] : memref<256x256xf32, #tpu.memory_space<vmem>>, vector<256x256xf32>
    %dot_general3A = arith.constant dense<0.000000e+00> : vector<400x256xf32>
    %dot_general3A_5 = tpu.matmul %get3A_1, %get3A_4, %dot_general3A {dimension_numbers = #tpu.dot_dimension_numbers<[1], [0], [0], [1], [0, 0, 1, 1], [], []>, transpose_lhs_hint = false} : vector<400x256xf32>, vector<256x256xf32>, vector<400x256xf32> -> vector<400x256xf32>
    %slice3A = vector.extract_strided_slice %dot_general3A_5 {offsets = [0, 0], sizes = [400, 128], strides = [1, 1]} : vector<400x256xf32> to vector<400x128xf32>
    %swap3A = arith.constant 0 : index
    %swap3A_6 = arith.constant 0 : index
    %swap3A_7 = vector.load %arg5[%swap3A, %swap3A_6] : memref<400x128xf32, #tpu.memory_space<vmem>>, vector<400x128xf32>
    tpu.vector_store %arg5[%swap3A, %swap3A_6], %slice3A {strides = array<i32>} : memref<400x128xf32, #tpu.memory_space<vmem>>, vector<400x128xf32>,
    %slice3A_8 = vector.extract_strided_slice %dot_general3A_5 {offsets = [0, 128], sizes = [400, 128], strides = [1, 1]} : vector<400x256xf32> to vector<400x128xf32>
    %swap3A_9 = arith.constant 0 : index
    %swap3A_10 = arith.constant 0 : index
    %swap3A_11 = vector.load %arg6[%swap3A_9, %swap3A_10] : memref<400x128xf32, #tpu.memory_space<vmem>>, vector<400x128xf32>
    tpu.vector_store %arg6[%swap3A_9, %swap3A_10], %slice3A_8 {strides = array<i32>} : memref<400x128xf32, #tpu.memory_space<vmem>>, vector<400x128xf32>,
    %reshape3A = vector.shape_cast %dot_general3A_5 : vector<400x256xf32> to vector<400x8x32xf32>
    %get3A_12 = arith.constant 0 : index
    %get3A_13 = arith.constant 0 : index
    %get3A_14 = vector.load %arg3[%get3A_12, %get3A_13] : memref<8x32xf32, #tpu.memory_space<vmem>>, vector<8x32xf32>
    %broadcast_in_dim3A = vector.shape_cast %get3A_14 : vector<8x32xf32> to vector<1x8x32xf32>
    %mul3A = vector.broadcast %broadcast_in_dim3A : vector<1x8x32xf32> to vector<400x8x32xf32>
    %mul3A_15 = arith.mulf %reshape3A, %mul3A : vector<400x8x32xf32>
    %reduce_sum3A = arith.constant dense<0.000000e+00> : vector<400x8xf32>
    %reduce_sum3A_16 = vector.multi_reduction <add>, %mul3A_15, %reduce_sum3A [2] : vector<400x8x32xf32> to vector<400x8xf32>
    %get3A_17 = arith.constant 0 : index
    %get3A_18 = arith.constant 0 : index
    %get3A_19 = vector.load %arg4[%get3A_17, %get3A_18] : memref<8x32xf32, #tpu.memory_space<vmem>>, vector<8x32xf32>
    %broadcast_in_dim3A_20 = vector.shape_cast %get3A_19 : vector<8x32xf32> to vector<1x8x32xf32>
    %mul3A_21 = vector.broadcast %broadcast_in_dim3A_20 : vector<1x8x32xf32> to vector<400x8x32xf32>
    %mul3A_22 = arith.mulf %reshape3A, %mul3A_21 : vector<400x8x32xf32>
    %reduce_sum3A_23 = arith.constant dense<0.000000e+00> : vector<400x8xf32>
    %reduce_sum3A_24 = vector.multi_reduction <add>, %mul3A_22, %reduce_sum3A_23 [2] : vector<400x8x32xf32> to vector<400x8xf32>
    %concatenate3A = tpu.concatenate %reduce_sum3A_16, %reduce_sum3A_24 in 1 : vector<400x8xf32>, vector<400x8xf32> -> vector<400x16xf32>
    %swap3A_25 = arith.constant 0 : index
    %swap3A_26 = arith.constant 0 : index
    %swap3A_27 = vector.load %arg7[%swap3A_25, %swap3A_26] : memref<400x16xf32, #tpu.memory_space<vmem>>, vector<400x16xf32>
    tpu.vector_store %arg7[%swap3A_25, %swap3A_26], %concatenate3A {strides = array<i32>} : memref<400x16xf32, #tpu.memory_space<vmem>>, vector<400x16xf32>,
    %concatenate3A_28 = tpu.concatenate %reduce_sum3A_24, %reduce_sum3A_16 in 1 : vector<400x8xf32>, vector<400x8xf32> -> vector<400x16xf32>
    %swap3A_29 = arith.constant 0 : index
    %swap3A_30 = arith.constant 0 : index
    %swap3A_31 = vector.load %arg8[%swap3A_29, %swap3A_30] : memref<400x16xf32, #tpu.memory_space<vmem>>, vector<400x16xf32>
    tpu.vector_store %arg8[%swap3A_29, %swap3A_30], %concatenate3A_28 {strides = array<i32>} : memref<400x16xf32, #tpu.memory_space<vmem>>, vector<400x16xf32>,
    return
  }
  func.func @transform_0(%arg0: i32) -> (i32, i32) {
    %c0_i32 = arith.constant 0 : i32
    %c0_i32_0 = arith.constant 0 : i32
    return %arg0, %c0_i32 : i32, i32
  }
  func.func @transform_1(%arg0: i32) -> (i32, i32) {
    %c0_i32 = arith.constant 0 : i32
    %c0_i32_0 = arith.constant 0 : i32
    %c0_i32_1 = arith.constant 0 : i32
    return %c0_i32, %c0_i32_0 : i32, i32
  }
  func.func @transform_2(%arg0: i32) -> (i32, i32) {
    %c0_i32 = arith.constant 0 : i32
    %c0_i32_0 = arith.constant 0 : i32
    %c0_i32_1 = arith.constant 0 : i32
    return %c0_i32, %c0_i32_0 : i32, i32
  }
  func.func @transform_3(%arg0: i32) -> (i32, i32) {
    %c0_i32 = arith.constant 0 : i32
    %c0_i32_0 = arith.constant 0 : i32
    %c0_i32_1 = arith.constant 0 : i32
    return %c0_i32, %c0_i32_0 : i32, i32
  }
  func.func @transform_4(%arg0: i32) -> (i32, i32) {
    %c0_i32 = arith.constant 0 : i32
    %c0_i32_0 = arith.constant 0 : i32
    return %arg0, %c0_i32 : i32, i32
  }
  func.func @transform_5(%arg0: i32) -> (i32, i32) {
    %c0_i32 = arith.constant 0 : i32
    %c0_i32_0 = arith.constant 0 : i32
    return %arg0, %c0_i32 : i32, i32
  }
  func.func @transform_6(%arg0: i32) -> (i32, i32) {
    %c0_i32 = arith.constant 0 : i32
    %c0_i32_0 = arith.constant 0 : i32
    return %arg0, %c0_i32 : i32, i32
  }
  func.func @transform_7(%arg0: i32) -> (i32, i32) {
    %c0_i32 = arith.constant 0 : i32
    %c0_i32_0 = arith.constant 0 : i32
    return %arg0, %c0_i32 : i32, i32
  }
}

module attributes {stable_mosaic.version = 14 : i64} {
  func.func @_finish_kernel(%arg0: i32, %arg1: memref<400x128xf32, #tpu.memory_space<vmem>>, %arg2: memref<400x128xf32, #tpu.memory_space<vmem>>, %arg3: memref<2x400x16xf32, #tpu.memory_space<vmem>>, %arg4: memref<400x256xf32, #tpu.memory_space<vmem>>, %arg5: memref<256xf32, #tpu.memory_space<vmem>>, %arg6: memref<256xf32, #tpu.memory_space<vmem>>, %arg7: memref<256xf32, #tpu.memory_space<vmem>>, %arg8: memref<400x256xf32, #tpu.memory_space<vmem>>) attributes {dimension_semantics = [#tpu.dimension_semantics<arbitrary>], iteration_bounds = array<i64: 25>, scalar_prefetch = 0 : i64, scratch_operands = 0 : i64, tpu.core_type = #tpu.core_type<tc>, window_params = [{transform_indices = @transform_0, window_bounds = array<i64: 400, 128>}, {transform_indices = @transform_1, window_bounds = array<i64: 400, 128>}, {transform_indices = @transform_2, window_bounds = array<i64: 2, 400, 16>}, {transform_indices = @transform_3, window_bounds = array<i64: 400, 256>}, {pipeline_mode = #tpu.pipeline_mode<synchronous>, transform_indices = @transform_4, window_bounds = array<i64: 256>}, {pipeline_mode = #tpu.pipeline_mode<synchronous>, transform_indices = @transform_5, window_bounds = array<i64: 256>}, {pipeline_mode = #tpu.pipeline_mode<synchronous>, transform_indices = @transform_6, window_bounds = array<i64: 256>}, {transform_indices = @transform_7, window_bounds = array<i64: 400, 256>}]} {
    %get3A = arith.constant 0 : index
    %get3A_0 = arith.constant 0 : index
    %get3A_1 = arith.constant 0 : index
    %get3A_2 = vector.load %arg3[%get3A, %get3A_0, %get3A_1] : memref<2x400x16xf32, #tpu.memory_space<vmem>>, vector<1x400x16xf32>
    %get3A_3 = vector.shape_cast %get3A_2 : vector<1x400x16xf32> to vector<400x16xf32>
    %get3A_4 = arith.constant 1 : index
    %get3A_5 = arith.constant 0 : index
    %get3A_6 = arith.constant 0 : index
    %get3A_7 = vector.load %arg3[%get3A_4, %get3A_5, %get3A_6] : memref<2x400x16xf32, #tpu.memory_space<vmem>>, vector<1x400x16xf32>
    %get3A_8 = vector.shape_cast %get3A_7 : vector<1x400x16xf32> to vector<400x16xf32>
    %add3A = arith.addf %get3A_3, %get3A_8 : vector<400x16xf32>
    %get3A_9 = arith.constant 0 : index
    %get3A_10 = arith.constant 0 : index
    %get3A_11 = vector.load %arg1[%get3A_9, %get3A_10] : memref<400x128xf32, #tpu.memory_space<vmem>>, vector<400x32xf32>
    %slice3A = vector.extract_strided_slice %add3A {offsets = [0, 0], sizes = [400, 1], strides = [1, 1]} : vector<400x16xf32> to vector<400x1xf32>
    %add3A_12 = arith.constant 1.000000e-16 : f32
    %add3A_13 = vector.broadcast %add3A_12 : f32 to vector<400x1xf32>
    %add3A_14 = arith.addf %slice3A, %add3A_13 : vector<400x1xf32>
    %div3A = vector.broadcast %add3A_14 : vector<400x1xf32> to vector<400x32xf32>
    %div3A_15 = arith.divf %get3A_11, %div3A : vector<400x32xf32>
    %get3A_16 = arith.constant 0 : index
    %get3A_17 = arith.constant 32 : index
    %get3A_18 = vector.load %arg1[%get3A_16, %get3A_17] : memref<400x128xf32, #tpu.memory_space<vmem>>, vector<400x32xf32>
    %slice3A_19 = vector.extract_strided_slice %add3A {offsets = [0, 1], sizes = [400, 1], strides = [1, 1]} : vector<400x16xf32> to vector<400x1xf32>
    %add3A_20 = arith.constant 1.000000e-16 : f32
    %add3A_21 = vector.broadcast %add3A_20 : f32 to vector<400x1xf32>
    %add3A_22 = arith.addf %slice3A_19, %add3A_21 : vector<400x1xf32>
    %div3A_23 = vector.broadcast %add3A_22 : vector<400x1xf32> to vector<400x32xf32>
    %div3A_24 = arith.divf %get3A_18, %div3A_23 : vector<400x32xf32>
    %get3A_25 = arith.constant 0 : index
    %get3A_26 = arith.constant 64 : index
    %get3A_27 = vector.load %arg1[%get3A_25, %get3A_26] : memref<400x128xf32, #tpu.memory_space<vmem>>, vector<400x32xf32>
    %slice3A_28 = vector.extract_strided_slice %add3A {offsets = [0, 2], sizes = [400, 1], strides = [1, 1]} : vector<400x16xf32> to vector<400x1xf32>
    %add3A_29 = arith.constant 1.000000e-16 : f32
    %add3A_30 = vector.broadcast %add3A_29 : f32 to vector<400x1xf32>
    %add3A_31 = arith.addf %slice3A_28, %add3A_30 : vector<400x1xf32>
    %div3A_32 = vector.broadcast %add3A_31 : vector<400x1xf32> to vector<400x32xf32>
    %div3A_33 = arith.divf %get3A_27, %div3A_32 : vector<400x32xf32>
    %get3A_34 = arith.constant 0 : index
    %get3A_35 = arith.constant 96 : index
    %get3A_36 = vector.load %arg1[%get3A_34, %get3A_35] : memref<400x128xf32, #tpu.memory_space<vmem>>, vector<400x32xf32>
    %slice3A_37 = vector.extract_strided_slice %add3A {offsets = [0, 3], sizes = [400, 1], strides = [1, 1]} : vector<400x16xf32> to vector<400x1xf32>
    %add3A_38 = arith.constant 1.000000e-16 : f32
    %add3A_39 = vector.broadcast %add3A_38 : f32 to vector<400x1xf32>
    %add3A_40 = arith.addf %slice3A_37, %add3A_39 : vector<400x1xf32>
    %div3A_41 = vector.broadcast %add3A_40 : vector<400x1xf32> to vector<400x32xf32>
    %div3A_42 = arith.divf %get3A_36, %div3A_41 : vector<400x32xf32>
    %get3A_43 = arith.constant 0 : index
    %get3A_44 = arith.constant 0 : index
    %get3A_45 = vector.load %arg2[%get3A_43, %get3A_44] : memref<400x128xf32, #tpu.memory_space<vmem>>, vector<400x32xf32>
    %slice3A_46 = vector.extract_strided_slice %add3A {offsets = [0, 4], sizes = [400, 1], strides = [1, 1]} : vector<400x16xf32> to vector<400x1xf32>
    %add3A_47 = arith.constant 1.000000e-16 : f32
    %add3A_48 = vector.broadcast %add3A_47 : f32 to vector<400x1xf32>
    %add3A_49 = arith.addf %slice3A_46, %add3A_48 : vector<400x1xf32>
    %div3A_50 = vector.broadcast %add3A_49 : vector<400x1xf32> to vector<400x32xf32>
    %div3A_51 = arith.divf %get3A_45, %div3A_50 : vector<400x32xf32>
    %get3A_52 = arith.constant 0 : index
    %get3A_53 = arith.constant 32 : index
    %get3A_54 = vector.load %arg2[%get3A_52, %get3A_53] : memref<400x128xf32, #tpu.memory_space<vmem>>, vector<400x32xf32>
    %slice3A_55 = vector.extract_strided_slice %add3A {offsets = [0, 5], sizes = [400, 1], strides = [1, 1]} : vector<400x16xf32> to vector<400x1xf32>
    %add3A_56 = arith.constant 1.000000e-16 : f32
    %add3A_57 = vector.broadcast %add3A_56 : f32 to vector<400x1xf32>
    %add3A_58 = arith.addf %slice3A_55, %add3A_57 : vector<400x1xf32>
    %div3A_59 = vector.broadcast %add3A_58 : vector<400x1xf32> to vector<400x32xf32>
    %div3A_60 = arith.divf %get3A_54, %div3A_59 : vector<400x32xf32>
    %get3A_61 = arith.constant 0 : index
    %get3A_62 = arith.constant 64 : index
    %get3A_63 = vector.load %arg2[%get3A_61, %get3A_62] : memref<400x128xf32, #tpu.memory_space<vmem>>, vector<400x32xf32>
    %slice3A_64 = vector.extract_strided_slice %add3A {offsets = [0, 6], sizes = [400, 1], strides = [1, 1]} : vector<400x16xf32> to vector<400x1xf32>
    %add3A_65 = arith.constant 1.000000e-16 : f32
    %add3A_66 = vector.broadcast %add3A_65 : f32 to vector<400x1xf32>
    %add3A_67 = arith.addf %slice3A_64, %add3A_66 : vector<400x1xf32>
    %div3A_68 = vector.broadcast %add3A_67 : vector<400x1xf32> to vector<400x32xf32>
    %div3A_69 = arith.divf %get3A_63, %div3A_68 : vector<400x32xf32>
    %get3A_70 = arith.constant 0 : index
    %get3A_71 = arith.constant 96 : index
    %get3A_72 = vector.load %arg2[%get3A_70, %get3A_71] : memref<400x128xf32, #tpu.memory_space<vmem>>, vector<400x32xf32>
    %slice3A_73 = vector.extract_strided_slice %add3A {offsets = [0, 7], sizes = [400, 1], strides = [1, 1]} : vector<400x16xf32> to vector<400x1xf32>
    %add3A_74 = arith.constant 1.000000e-16 : f32
    %add3A_75 = vector.broadcast %add3A_74 : f32 to vector<400x1xf32>
    %add3A_76 = arith.addf %slice3A_73, %add3A_75 : vector<400x1xf32>
    %div3A_77 = vector.broadcast %add3A_76 : vector<400x1xf32> to vector<400x32xf32>
    %div3A_78 = arith.divf %get3A_72, %div3A_77 : vector<400x32xf32>
    %concatenate3A = tpu.concatenate %div3A_15, %div3A_24, %div3A_33, %div3A_42, %div3A_51, %div3A_60, %div3A_69, %div3A_78 in 1 : vector<400x32xf32>, vector<400x32xf32>, vector<400x32xf32>, vector<400x32xf32>, vector<400x32xf32>, vector<400x32xf32>, vector<400x32xf32>, vector<400x32xf32> -> vector<400x256xf32>
    %get3A_79 = arith.constant 0 : index
    %get3A_80 = vector.load %arg5[%get3A_79] : memref<256xf32, #tpu.memory_space<vmem>>, vector<256xf32>
    %broadcast_in_dim3A = vector.shape_cast %get3A_80 : vector<256xf32> to vector<1x256xf32>
    %add3A_81 = vector.broadcast %broadcast_in_dim3A : vector<1x256xf32> to vector<400x256xf32>
    %add3A_82 = arith.addf %concatenate3A, %add3A_81 : vector<400x256xf32>
    %get3A_83 = arith.constant 0 : index
    %get3A_84 = arith.constant 0 : index
    %get3A_85 = vector.load %arg4[%get3A_83, %get3A_84] : memref<400x256xf32, #tpu.memory_space<vmem>>, vector<400x256xf32>
    %add3A_86 = arith.addf %add3A_82, %get3A_85 : vector<400x256xf32>
    %reduce_sum3A = arith.constant dense<0.000000e+00> : vector<400xf32>
    %reduce_sum3A_87 = vector.multi_reduction <add>, %add3A_86, %reduce_sum3A [1] : vector<400x256xf32> to vector<400xf32>
    %broadcast_in_dim3A_88 = vector.shape_cast %reduce_sum3A_87 : vector<400xf32> to vector<400x1xf32>
    %div3A_89 = arith.constant 2.560000e+02 : f32
    %div3A_90 = vector.broadcast %div3A_89 : f32 to vector<400x1xf32>
    %div3A_91 = arith.divf %broadcast_in_dim3A_88, %div3A_90 : vector<400x1xf32>
    %sub3A = vector.broadcast %div3A_91 : vector<400x1xf32> to vector<400x256xf32>
    %sub3A_92 = arith.subf %add3A_86, %sub3A : vector<400x256xf32>
    %integer_pow3A = arith.mulf %sub3A_92, %sub3A_92 : vector<400x256xf32>
    %reduce_sum3A_93 = arith.constant dense<0.000000e+00> : vector<400xf32>
    %reduce_sum3A_94 = vector.multi_reduction <add>, %integer_pow3A, %reduce_sum3A_93 [1] : vector<400x256xf32> to vector<400xf32>
    %broadcast_in_dim3A_95 = vector.shape_cast %reduce_sum3A_94 : vector<400xf32> to vector<400x1xf32>
    %div3A_96 = arith.constant 2.560000e+02 : f32
    %div3A_97 = vector.broadcast %div3A_96 : f32 to vector<400x1xf32>
    %div3A_98 = arith.divf %broadcast_in_dim3A_95, %div3A_97 : vector<400x1xf32>
    %sub3A_99 = vector.broadcast %div3A_91 : vector<400x1xf32> to vector<400x256xf32>
    %sub3A_100 = arith.subf %add3A_86, %sub3A_99 : vector<400x256xf32>
    %add3A_101 = arith.constant 9.99999974E-6 : f32
    %add3A_102 = vector.broadcast %add3A_101 : f32 to vector<400x1xf32>
    %add3A_103 = arith.addf %div3A_98, %add3A_102 : vector<400x1xf32>
    %rsqrt3A = math.rsqrt %add3A_103 : vector<400x1xf32>
    %mul3A = vector.broadcast %rsqrt3A : vector<400x1xf32> to vector<400x256xf32>
    %mul3A_104 = arith.mulf %sub3A_100, %mul3A : vector<400x256xf32>
    %get3A_105 = arith.constant 0 : index
    %get3A_106 = vector.load %arg6[%get3A_105] : memref<256xf32, #tpu.memory_space<vmem>>, vector<256xf32>
    %broadcast_in_dim3A_107 = vector.shape_cast %get3A_106 : vector<256xf32> to vector<1x256xf32>
    %mul3A_108 = vector.broadcast %broadcast_in_dim3A_107 : vector<1x256xf32> to vector<400x256xf32>
    %mul3A_109 = arith.mulf %mul3A_104, %mul3A_108 : vector<400x256xf32>
    %get3A_110 = arith.constant 0 : index
    %get3A_111 = vector.load %arg7[%get3A_110] : memref<256xf32, #tpu.memory_space<vmem>>, vector<256xf32>
    %broadcast_in_dim3A_112 = vector.shape_cast %get3A_111 : vector<256xf32> to vector<1x256xf32>
    %add3A_113 = vector.broadcast %broadcast_in_dim3A_112 : vector<1x256xf32> to vector<400x256xf32>
    %add3A_114 = arith.addf %mul3A_109, %add3A_113 : vector<400x256xf32>
    %max3A = arith.constant 0.000000e+00 : f32
    %max3A_115 = vector.broadcast %max3A : f32 to vector<400x256xf32>
    %max3A_116 = arith.maximumf %add3A_114, %max3A_115 : vector<400x256xf32>
    %swap3A = arith.constant 0 : index
    %swap3A_117 = arith.constant 0 : index
    %swap3A_118 = vector.load %arg8[%swap3A, %swap3A_117] : memref<400x256xf32, #tpu.memory_space<vmem>>, vector<400x256xf32>
    tpu.vector_store %arg8[%swap3A, %swap3A_117], %max3A_116 {strides = array<i32>} : memref<400x256xf32, #tpu.memory_space<vmem>>, vector<400x256xf32>,
    return
  }
  func.func @transform_0(%arg0: i32) -> (i32, i32) {
    %c0_i32 = arith.constant 0 : i32
    %c0_i32_0 = arith.constant 0 : i32
    return %arg0, %c0_i32 : i32, i32
  }
  func.func @transform_1(%arg0: i32) -> (i32, i32) {
    %c0_i32 = arith.constant 0 : i32
    %c0_i32_0 = arith.constant 0 : i32
    return %arg0, %c0_i32 : i32, i32
  }
  func.func @transform_2(%arg0: i32) -> (i32, i32, i32) {
    %c0_i32 = arith.constant 0 : i32
    %c0_i32_0 = arith.constant 0 : i32
    %c0_i32_1 = arith.constant 0 : i32
    return %c0_i32, %arg0, %c0_i32_0 : i32, i32, i32
  }
  func.func @transform_3(%arg0: i32) -> (i32, i32) {
    %c0_i32 = arith.constant 0 : i32
    %c0_i32_0 = arith.constant 0 : i32
    return %arg0, %c0_i32 : i32, i32
  }
  func.func @transform_4(%arg0: i32) -> i32 {
    %c0_i32 = arith.constant 0 : i32
    %c0_i32_0 = arith.constant 0 : i32
    return %c0_i32 : i32
  }
  func.func @transform_5(%arg0: i32) -> i32 {
    %c0_i32 = arith.constant 0 : i32
    %c0_i32_0 = arith.constant 0 : i32
    return %c0_i32 : i32
  }
  func.func @transform_6(%arg0: i32) -> i32 {
    %c0_i32 = arith.constant 0 : i32
    %c0_i32_0 = arith.constant 0 : i32
    return %c0_i32 : i32
  }
  func.func @transform_7(%arg0: i32) -> (i32, i32) {
    %c0_i32 = arith.constant 0 : i32
    %c0_i32_0 = arith.constant 0 : i32
    return %arg0, %c0_i32 : i32, i32
  }
}

</mosaic_0001>

<sc_bundles>
// kernel: kernel.5.cloned.1.call-start
scs
__scs_entry_jumppad:
0x0: {  	(pc) =	sbr.rel $0x88, $3  }
0x1: {  	(tag) =	ssettag $0x0;
	lr =	simm.s32 $0x1  }
0x2: {  	[smem:$0x3F99] =	sst lr;
	_ =	strace $0xD0000000  }
0x3: {  	_ = 	snop  }
0x4: {  	_ = 	snop  }
0x5: {  	_ = 	snop  }
0x6: {  	_ = 	snop  }
0x7: {  	_ = 	snop  }
__scs_overlays_trampoline_lowered:
0x8: {  	[smem:$0x3FA8] =	sst s0  }
0x9: {  	[smem:$0x3FA9] =	sst s1  }
0xa: {  	[smem:$0x3FAA] =	sst s2  }
0xb: {  	[smem:$0x3FAB] =	sst s3  }
0xc: {  	[smem:$0x3FAC] =	sst s4  }
0xd: {  	[smem:$0x3FAD] =	sst s5  }
0xe: {  	[smem:$0x3FAE] =	sst s6  }
0xf: {  	[smem:$0x3FAF] =	sst s7  }
0x10: {  	[smem:$0x3FB0] =	sst s8  }
0x11: {  	[smem:$0x3FB1] =	sst s9;
	s0 =	simm.s32 @!p0 $0x0  }
0x12: {  	s1 =	sld [smem:$0x3F97];
	s0 =	simm.s32 @p0 $0x1  }
0x13: {  	[smem:$0x3FB2] =	sst s0;
	s0 =	simm.s32 @!p1 $0x0  }
0x14: {  	s2 =	sld [smem:$0x3F96];
	s0 =	simm.s32 @p1 $0x1  }
0x15: {  	[smem:$0x3FB3] =	sst s0;
	s0 =	simm.s32 @!p2 $0x0  }
0x16: {  	s3 =	sld [smem:$0x3FDB];
	s0 =	simm.s32 @p2 $0x1  }
0x17: {  	s4 =	simm.s32 $0x1BF5;
	[smem:$0x3FB5] =	sst s0  }
0x18: {  	s0 =	sld [smem:$0x3F98];
	_ =	swait.ge [sflag:s4], $0x0  }
0x19: {  	s7 =	sld [smem:$0x3F99]  }
0x1a: {  	s8 =	sadd.s32 $0xFFFFE003, lr  }
0x1b: {  	s9 =	sadd.s32 $0xFFFFFEF7, lr;
	s5 =	simm.s32 $0xFFFFFFFF;
	p2 =	slt.u32 s8, $0xFFFFF086  }
0x1c: {  	p1 =	slt.u32 s9, $0xF7A;
	s5 =	simm.s32 @!p2 $0x0  }
0x1d: {  	s5 =	simm.s32 @p1 $0x1;
	p0 =	seq.s32 s7, s2  }
0x1e: {  	s7 =	smul.u32 @!p0 $0xF7A, s2;
	p2 =	seq.s32 @!p0 s5, $0x0  }
0x1f: {  	s9 =	smul.u32 $0xF7A, s1;
	s8 =	simm.s32 @!p0 $0x1BF5;
	p2 =	por !p2, p0  }
0x20: {  	[sflag:s8] =	ssyncset.s32 @!p0 $0xFFFFF086;
	s6 =	sadd.s32 @!p0 s3, s7;
	s7 =	simm.s32 @!p0 $0x108  }
0x21: {  	s3 =	sadd.s32 s3, s9;
	s6 =	sadd.s32 @!p0 $0x88, s6;
	s7 =	simm.s32 @p2 $0x1082  }
0x22: {  	[simem:s7], [sflag:s8] =	dma.local @!p0 [hbm:s6], $0xF7A  }
0x23: {  	s9 =	sor.u32 $0xD0000000, s2;
	s6 =	simm.s32 $0x108;
	_ =	swait.ge @!p0 [sflag:s8], $0x0  }
0x24: {  	s3 =	sadd.s32 $0x88, s3;
	s6 =	simm.s32 @!p1 $0x1082;
	[sflag:s4] =	ssyncset.s32 $0xFFFFF086  }
0x25: {  	[simem:s6], [sflag:s4] =	dma.local [hbm:s3], $0xF7A  }
0x26: {  	[smem:$0x3F99] =	sst s1;
	(tag) =	ssettag s2;
	_ =	strace s9  }
0x27: {  	s1 =	sld [smem:$0x3FA9]  }
0x28: {  	s2 =	sld [smem:$0x3FAA]  }
0x29: {  	s4 =	sld [smem:$0x3FAC]  }
0x2a: {  	p0 =	seq.s32 s5, $0x0;
	s5 =	sld [smem:$0x3FAD]  }
0x2b: {  	s6 =	sld [smem:$0x3FAE]  }
0x2c: {  	s7 =	sld [smem:$0x3FAF]  }
0x2d: {  	s3 =	simm.s32 $0x108;
	s8 =	sld [smem:$0x3FB0]  }
0x2e: {  	s3 =	simm.s32 @!p0 $0x1082;
	s9 =	sld [smem:$0x3FB1]  }
0x2f: {  	lr =	sadd.s32 s0, s3;
	s0 =	sld [smem:$0x3FA8]  }
0x30: {  	s3 =	sld [smem:$0x3FAB]  }
0x31: {  	[smem:$0x3FB4] =	sst s10  }
0x32: {  	s10 =	sld [smem:$0x3FB2];
	_ =	sdelay $0x3  }
0x33: {  	p0 =	seq.s32 s10, $0x1;
	s10 =	sld [smem:$0x3FB4];
	_ =	sdelay $0x3  }
0x34: {  	[smem:$0x3FB4] =	sst s10  }
0x35: {  	s10 =	sld [smem:$0x3FB3];
	_ =	sdelay $0x3  }
0x36: {  	p1 =	seq.s32 s10, $0x1;
	s10 =	sld [smem:$0x3FB4];
	_ =	sdelay $0x3  }
0x37: {  	[smem:$0x3FB4] =	sst s10  }
0x38: {  	s10 =	sld [smem:$0x3FB5]  }
0x39: {  	_ = 	snop;
	(pc) =	sbr.ind lr, $3  }
0x3a: {  	_ = 	snop  }
0x3b: {  	_ = 	snop  }
0x3c: {  	p2 =	seq.s32 s10, $0x1;
	s10 =	sld [smem:$0x3FB4]  }
0x3d: {  	_ =	shalt  }
0x3e: {  	_ =	shalt  }
0x3f: {  	_ =	shalt  }
0x40: {  	_ =	shalt  }
0x41: {  	_ =	shalt  }
0x42: {  	_ =	shalt  }
0x43: {  	_ =	shalt  }
0x44: {  	_ =	shalt  }
0x45: {  	_ =	shalt  }
0x46: {  	_ =	shalt  }
0x47: {  	_ =	shalt  }
0x48: {  	_ =	shalt  }
0x49: {  	_ =	shalt  }
0x4a: {  	_ =	shalt  }
0x4b: {  	_ =	shalt  }
0x4c: {  	_ =	shalt  }
0x4d: {  	_ =	shalt  }
0x4e: {  	_ =	shalt  }
0x4f: {  	_ =	shalt  }
0x50: {  	_ =	shalt  }
0x51: {  	_ =	shalt  }
0x52: {  	_ =	shalt  }
0x53: {  	_ =	shalt  }
0x54: {  	_ =	shalt  }
0x55: {  	_ =	shalt  }
0x56: {  	_ =	shalt  }
0x57: {  	_ =	shalt  }
0x58: {  	_ =	shalt  }
0x59: {  	_ =	shalt  }
0x5a: {  	_ =	shalt  }
0x5b: {  	_ =	shalt  }
0x5c: {  	_ =	shalt  }
0x5d: {  	_ =	shalt  }
0x5e: {  	_ =	shalt  }
0x5f: {  	_ =	shalt  }
0x60: {  	_ =	shalt  }
0x61: {  	_ =	shalt  }
0x62: {  	_ =	shalt  }
0x63: {  	_ =	shalt  }
0x64: {  	_ =	shalt  }
0x65: {  	_ =	shalt  }
0x66: {  	_ =	shalt  }
0x67: {  	_ =	shalt  }
0x68: {  	_ =	shalt  }
0x69: {  	_ =	shalt  }
0x6a: {  	_ =	shalt  }
0x6b: {  	_ =	shalt  }
0x6c: {  	_ =	shalt  }
0x6d: {  	_ =	shalt  }
0x6e: {  	_ =	shalt  }
0x6f: {  	_ =	shalt  }
0x70: {  	_ =	shalt  }
0x71: {  	_ =	shalt  }
0x72: {  	_ =	shalt  }
0x73: {  	_ =	shalt  }
0x74: {  	_ =	shalt  }
0x75: {  	_ =	shalt  }
0x76: {  	_ =	shalt  }
0x77: {  	_ =	shalt  }
0x78: {  	_ =	shalt  }
0x79: {  	_ =	shalt  }
0x7a: {  	_ =	shalt  }
0x7b: {  	_ =	shalt  }
0x7c: {  	_ =	shalt  }
0x7d: {  	_ =	shalt  }
0x7e: {  	_ =	shalt  }
0x7f: {  	_ =	shalt  }
0x80: {  	_ =	shalt  }
0x81: {  	_ =	shalt  }
0x82: {  	_ =	shalt  }
0x83: {  	_ =	shalt  }
0x84: {  	_ =	shalt  }
0x85: {  	_ =	shalt  }
0x86: {  	_ =	shalt  }
0x87: {  	_ =	shalt  }
.Lfunc_end0:
.L_simem_size_0:
called_computation_lowered:
.L_overlay_start_0:
0x88: {  	s2 =	sld [smem:$0x3FD9]  }
0x89: {  	s3 =	sld [smem:$0x3FFE];
	_ =	sdelay $0x1  }
0x8a: {  	s1 =	srdreg.scid  }
0x8b: {  	s0 =	sand.u32 $0x1, s1  }
0x8c: {  	s17 =	sshll.u32 s0, $0xA;
	s2 =	sadd.s32 s3, s2  }
0x8d: {  	s2 =	sadd.s32 s2, s17  }
0x8e: {  	[smem:$0x3FC0] =	sst s2  }
0x8f: {  	_ = 	snop  }
0x90: {  	s2 =	sld [smem:$0x3FD0];
	(tm) =	ssettm $0x1  }
0x91: {  	s18 =	sld [smem:$0x3FFB];
	_ =	sdelay $0x3  }
0x92: {  	_ =	strace s18  }
0x93: {  	s3 =	sld [smem:$0x3FFC];
	_ =	sdelay $0x3  }
0x94: {  	_ =	strace s3  }
0x95: {  	s3 =	sld [smem:$0x3FFD];
	_ =	sdelay $0x3  }
0x96: {  	_ =	strace s3  }
0x97: {  	_ =	strace $0x8FFFFFFF  }
0x98: {  	s19 =	sld [smem:$0x3FDB];
	_ =	sdelay $0x1  }
0x99: {  	s4 =	simm.s32 $_scs_section_size  }
0x9a: {  	s5 =	simm.s32 $_size__tile_overlayer_lowered;
	s6 =	simm.s32 $_tile_overlayer_lowered  }
0x9b: {  	s22 =	simm.s32 $0x1BFF;
	s21 =	sshll.u32 s6, $0x1;
	s3 =	sadd.s32 s4, s19  }
0x9c: {  	s7 =	simm.s32 $0x0;
	s20 =	sshll.u32 s5, $0x1;
	s5 =	sadd.s32 s21, s3  }
0x9d: {  	[timem:s7], [sflag:s22] =	dma.local [hbm:s5], s20  }
0x9e: {  	_ =	swait.ge [sflag:s22], s20  }
0x9f: {  	s4 =	ssub.s32 $0x0, s20;
	[sflag:s22] =	ssyncset.done $0x0  }
0xa0: {  	[sflag:s22] =	ssyncadd.s32 s4;
	_ =	sdelay $0x1  }
0xa1: {  	s23 =	simm.s32 $0x1B8B  }
0xa2: {  	_ =	swait.ge [sflag:s23], $0x1  }
0xa3: {  	[sflag:s23] =	ssyncset.done $0x0  }
0xa4: {  	s25 =	simm.s32 $0x1B8E;
	s24 =	sld [smem:$0x3FFE];
	[sflag:s23] =	ssyncadd.s32 $0xFFFFFFFF  }
0xa5: {  	s26 =	simm.s32 $execute0_lowered;
	[smem:$0x3FD2] =	sst s25  }
0xa6: {  	s5 =	sshll.u32 s26, $0x1;
	_ =	strace $0x80000046;
	[dreg:$0x1] =	wrdreg $0xFFFFFFFF  }
0xa7: {  	s28 =	simm.s32 $_size_execute0_lowered;
	s3 =	sadd.s32 s3, s5;
	[dreg:$0x0] =	wrdreg $0x0  }
0xa8: {  	s5 =	sshll.u32 s28, $0x1;
	[dreg:$0x2] =	wrdreg s3  }
0xa9: {  	[dreg:$0x3] =	wrdreg s5  }
0xaa: {  	[dreg:$0x4] =	wrdreg $0xC0  }
0xab: {  	_ =	task [dreg:s7], $0x5FFFF  }
0xac: {  	[dreg:$0x1] =	wrdreg $0xFFFFFFFF  }
0xad: {  	[dreg:$0x0] =	wrdreg $0x60  }
0xae: {  	[dreg:$0x2] =	wrdreg s24  }
0xaf: {  	[dreg:$0x3] =	wrdreg s2  }
0xb0: {  	[dreg:$0x4] =	wrdreg $0x7B000  }
0xb1: {  	[dreg:$0x5] =	wrdreg $0x1BB000  }
0xb2: {  	[dreg:$0x6] =	wrdreg $0x9  }
0xb3: {  	_ =	task.clear_ibuf [dreg:s7], $0x7FFFF;
	_ =	strace $0x90000046  }
0xb4: {  	s29 =	simm.s32 $0x9;
	_ =	strace $0x80000048  }
0xb5: {  	_ =	swait.ge [sflag:s29], $0x1  }
0xb6: {  	[sflag:s29] =	ssyncadd.s32 $0xFFFFFFFF  }
0xb7: {  	_ =	strace $0x90000048  }
0xb8: {  	_ =	sfence  }
0xb9: {  	s30 =	sld [smem:$0x0];
	_ =	sdelay $0x2  }
0xba: {  	s31 =	sshll.u32 s1, $0xD;
	s1 =	sshrl.u32 s1, $0x2  }
0xbb: {  	s3 =	sand.u32 $0x4000, s31;
	s1 =	sadd.s32 s1, s30  }
0xbc: {  	s0 =	sor.u32 s3, s0;
	s1 =	sshll.u32 s1, $0x11  }
0xbd: {  	s0 =	sor.u32 s1, s0  }
0xbe: {  	s0 =	sadd.s32 $0x8F2B, s0  }
0xbf: {  	[sflag:s0] =	ssyncadd.remote.s32 $0x1  }
0xc0: {  	_ =	sfence.sel $0xFFFF  }
0xc1: {  	[dreg:$0x0] =	wrdreg $0xFFFFFFFF;
	(pc) =	sbr.abs _section_cstart, $3  }
0xc2: {  	[dreg:$0x1] =	wrdreg $0xFFFFFFFF  }
0xc3: {  	_ =	task.clear_ibuf [dreg:s7], $0x2FFFF;
	_ =	strace $0x9FFFFFFF  }
0xc4: {  	(tm) =	ssettm $0x7FFFFFFF  }
0xc5: {  	_ =	shalt  }
tec
execute0_lowered:
.L_overlay_start_1:
0x0: {  	(tag) =	ssettag $0x1  }
0x1: {  	s0 =	rddreg [dreg:$0x0]  }
0x2: {  	s1 =	rddreg [dreg:$0x1]  }
0x3: {  	s31 =	rddreg [dreg:$0x2]  }
0x4: {  	s29 =	rddreg [dreg:$0x3];
	s17 =	stileid.u32  }
0x5: {  	s4 =	simm.s32 $0x0;
	s3 =	srdreg.scid;
	s2 =	smul.u32 $0x510, s17  }
0x6: {  	[smem:$0x7FF] =	sst s4;
	s5 =	sadd.s32 $0x15000, s0;
	s10 =	smul.u32 $0x14000, s17  }
0x7: {  	s6 =	sadd.s32 $0x1600, s0;
	s7 =	sand.u32 $0x1, s3;
	s12 =	smul.u32 $0x280, s17  }
0x8: {  	s8 =	sadd.s32 $0x2DA00, s0;
	s9 =	sadd.s32 $0x28A00, s0;
	s15 =	smul.u32 $0x2800, s17  }
0x9: {  	p2 =	seq.s32 s17, $0xF;
	_ =	strace $0x80000047;
	s3 =	smul.u32 $0x5000, s7  }
0xa: {  	s11 =	ssub.s32 $0x2, s7;
	p0 =	seq.s32 s7, $0x1;
	p1 =	sne.s32 s7, $0x0  }
0xb: {  	s2 =	sadd.s32 s2, s0;
	s13 =	sshrl.u32 s10, $0x3;
	s14 =	sshrl.u32 s11, $0x1  }
0xc: {  	s18 =	sadd.s32 s10, s31;
	s21 =	sadd.s32 s15, s29;
	s19 =	sor.u32 $0x40, s12  }
0xd: {  	s22 =	sadd.s32 $0x80, s12;
	s25 =	sadd.s32 $0xC0, s12;
	s30 =	sadd.s32 $0x100, s12  }
0xe: {  	s16 =	sadd.s32 s13, s0;
	s0 =	sadd.s32 s3, s0;
	s11 =	ssub.s32 s11, s14  }
0xf: {  	s20 =	sshll.u32 s19, $0x7;
	s3 =	sshll.u32 s19, $0x4;
	s23 =	sshll.u32 s22, $0x7  }
0x10: {  	s24 =	sshll.u32 s22, $0x4;
	s26 =	sshll.u32 s25, $0x7;
	[dreg:$0x5] =	wrdreg s18  }
0x11: {  	s1 =	sadd.s32 s1, s13;
	s13 =	sshll.u32 s30, $0x7;
	[dreg:$0x6] =	wrdreg s21  }
0x12: {  	s10 =	sadd.s32 s20, s31;
	s3 =	sadd.s32 s3, s29;
	[dreg:$0xd] =	wrdreg s1  }
0x13: {  	s0 =	sadd.s32 $0x3CE00, s0;
	s1 =	sshll.u32 s30, $0x4;
	[dreg:$0x7] =	wrdreg s10  }
0x14: {  	s20 =	sadd.s32 $0x180, s12;
	[dreg:$0x8] =	wrdreg s3;
	s3 =	sadd.s32 s23, s31  }
0x15: {  	s10 =	sshll.u32 s25, $0x4;
	s14 =	sadd.s32 s1, s29;
	s22 =	sshll.u32 s20, $0x7  }
0x16: {  	s23 =	sshll.u32 s20, $0x4;
	s20 =	smax.u32 s11, $0x1;
	[dreg:$0x9] =	wrdreg s3  }
0x17: {  	s11 =	simm.s32 $0x0;
	s3 =	sadd.s32 s24, s29;
	[dreg:$0x10] =	wrdreg s14  }
0x18: {  	s28 =	sadd.s32 s10, s29;
	s10 =	sshrl.u32 s15, $0x3;
	[dreg:$0x1c] =	wrdreg s20  }
0x19: {  	s15 =	sadd.s32 $0x140, s12;
	s24 =	sadd.s32 $0x1C0, s12;
	[dreg:$0xa] =	wrdreg s3  }
0x1a: {  	s20 =	simm.s32 $0x4;
	s3 =	sadd.s32 s26, s31;
	[dreg:$0xc] =	wrdreg s28  }
0x1b: {  	s0 =	sadd.s32 s10, s0;
	s19 =	sshll.u32 s15, $0x7;
	[dreg:$0xb] =	wrdreg s3  }
0x1c: {  	s25 =	sshll.u32 s24, $0x7;
	[dreg:$0xe] =	wrdreg s0;
	s0 =	sadd.s32 s13, s31  }
0x1d: {  	s26 =	sadd.s32 $0x200, s12;
	s1 =	sadd.s32 s19, s31;
	[dreg:$0xf] =	wrdreg s0  }
0x1e: {  	s30 =	sshll.u32 s26, $0x7;
	s19 =	sadd.s32 $0x46E00, s16;
	[dreg:$0x11] =	wrdreg s1  }
0x1f: {  	s13 =	sshll.u32 s26, $0x4;
	s10 =	sadd.s32 s30, s31;
	[dreg:$0x1b] =	wrdreg s19  }
0x20: {  	s0 =	sshll.u32 s15, $0x4;
	s1 =	sadd.s32 s13, s29;
	[dreg:$0x17] =	wrdreg s10  }
0x21: {  	s28 =	sshll.u32 s24, $0x4;
	s0 =	sadd.s32 s0, s29;
	[dreg:$0x18] =	wrdreg s1  }
0x22: {  	s12 =	sadd.s32 $0x240, s12;
	[dreg:$0x12] =	wrdreg s0;
	s0 =	sadd.s32 s22, s31  }
0x23: {  	s24 =	simm.s32 $0x40;
	[dreg:$0x13] =	wrdreg s0;
	s0 =	sadd.s32 s23, s29  }
0x24: {  	s14 =	sshll.u32 s12, $0x7;
	[dreg:$0x14] =	wrdreg s0;
	s0 =	sadd.s32 s25, s31  }
0x25: {  	s3 =	sadd.s32 $0x37C00, s2;
	[dreg:$0x15] =	wrdreg s0;
	s0 =	sadd.s32 s28, s29  }
0x26: {  	s15 =	sadd.s32 s14, s31;
	[dreg:$0x16] =	wrdreg s0;
	s0 =	sshll.u32 s12, $0x4  }
0x27: {  	s16 =	simm.s32 $0x6;
	[dreg:$0x19] =	wrdreg s15;
	s0 =	sadd.s32 s0, s29  }
0x28: {  	s19 =	simm.s32 $0x5;
	[dreg:$0x1a] =	wrdreg s0;
	s0 =	simm.s32 @!p1 $0x0  }
0x29: {  	s15 =	smul.u32 $0xA2, s17;
	s0 =	simm.s32 @p1 $0x1;
	p1 =	sne.s32 @!p2 s7, $0x0  }
0x2a: {  	s17 =	simm.s32 $0xB;
	s10 =	simm.s32 $0x8;
	p1 =	por p1, p2  }
0x2b: {  	s22 =	sshll.u32 s7, $0x2;
	[smem:$0x7FA] =	sst s0;
	s0 =	simm.s32 @!p1 $0x0  }
0x2c: {  	s23 =	sor.u32 $0x1, s22;
	s26 =	sadd.s32 $0x3FFFFFE, s15;
	s0 =	simm.s32 @p1 $0x1  }
0x2d: {  	s30 =	sadd.s32 $0x3FFFFFF, s15;
	[smem:$0x7FB] =	sst s0;
	s0 =	simm.s32 @!p2 $0x0  }
0x2e: {  	[dreg:$0x1d] =	wrdreg s26;
	p1 =	por !p0, p2;
	s0 =	simm.s32 @p2 $0x1  }
0x2f: {  	s25 =	sor.u32 $0x2, s22;
	[smem:$0x7FC] =	sst s0;
	s0 =	simm.s32 @!p1 $0x0  }
0x30: {  	v4 =	vimm.f32 $0.0e+00;
	v0 =	vmov s22;
	[dreg:$0x1e] =	wrdreg s30;
	s28 =	sshllo.u32 s7, $0x2;
	s0 =	simm.s32 @p1 $0x1  }
0x31: {  	v1 =	vmov s23;
	v2 =	vmov s25;
	s12 =	sadd.s32 $0x32A00, s2;
	v3 =	vmov s28;
	[smem:$0x7FD] =	sst s0;
	s0 =	simm.s32 $0x7  }
.LBB2_1:
0x32: {  	s1 =	simm.s32 $0x3840  }
0x33: {  	[tilespmem:s1+$0xFFFFFFD0] =	vst v4  }
0x34: {  	[tilespmem:s1+$0xFFFFFFE0] =	vst v4  }
0x35: {  	[tilespmem:s1+$0xFFFFFFF0] =	vst v4  }
0x36: {  	[tilespmem:s1+$0x0] =	vst v4  }
0x37: {  	[tilespmem:s1+$0x10] =	vst v4  }
0x38: {  	[tilespmem:s1+$0x20] =	vst v4  }
0x39: {  	[tilespmem:s1+$0x30] =	vst v4  }
0x3a: {  	[dreg:$0x1f] =	wrdreg s11;
	s13 =	simm.s32 $0x0;
	s2 =	simm.s32 $0x40;
	[tilespmem:s1+$0xFFFFFFC0] =	vst v4  }
.LBB2_2:
0x3b: {  	p1 =	sne.s32 s2, $0xFC0;
	[tilespmem:s13+$0x1000] =	vst v4;
	s1 =	sadd.s32 $0x80, s1  }
0x3c: {  	[tilespmem:s1+$0xFFFFFFD0] =	vst v4  }
0x3d: {  	[tilespmem:s1+$0xFFFFFFE0] =	vst v4  }
0x3e: {  	[tilespmem:s1+$0xFFFFFFF0] =	vst v4  }
.Ltmp0:
0x3f: {  	[tilespmem:s1+$0x0] =	vst v4;
	(pc) =	sbr.rel @p1 .LBB2_2-.Ltmp0, $4  }
0x40: {  	[tilespmem:s1+$0x10] =	vst v4  }
0x41: {  	[tilespmem:s1+$0x20] =	vst v4  }
0x42: {  	[tilespmem:s1+$0x30] =	vst v4  }
0x43: {  	s13 =	sshra.s32 s2, $0x2;
	s2 =	sadd.s32 $0x40, s2;
	[tilespmem:s1+$0xFFFFFFC0] =	vst v4  }
0x44: {  	[tilespmem:s13+$0x1000] =	vst v4;
	s2 =	simm.s32 $0x3800  }
0x45: {  	[spmem:s18] =	stream.linear.scatter [tilespmem:s2], [sflag:$0xB], $0x2000, $0x38;
	[tilespmem:$0x1E300] =	vst v63  }
0x46: {  	_ =	swait.ge [sflag:s17], $0x2000  }
0x47: {  	[sflag:s17] =	ssyncset.done $0x0  }
0x48: {  	s11 =	simm.s32 $0x1000;
	[sflag:s17] =	ssyncadd.s32 $0xFFFFE000  }
0x49: {  	[spmem:s21] =	stream.linear.scatter [tilespmem:s11], [sflag:$0xB], $0x400, $0x38;
	[tilespmem:$0x1E300] =	vst v63  }
0x4a: {  	_ =	swait.ge [sflag:s17], $0x400  }
0x4b: {  	[sflag:s17] =	ssyncset.done $0x0  }
0x4c: {  	s1 =	rddreg [dreg:$0x7];
	[sflag:s17] =	ssyncadd.s32 $0xFFFFFC00  }
0x4d: {  	[spmem:s1] =	stream.linear.scatter [tilespmem:s2], [sflag:$0xB], $0x2000, $0x38;
	[tilespmem:$0x1E300] =	vst v63  }
0x4e: {  	_ =	swait.ge [sflag:s17], $0x2000  }
0x4f: {  	[sflag:s17] =	ssyncset.done $0x0  }
0x50: {  	s23 =	rddreg [dreg:$0x8];
	[sflag:s17] =	ssyncadd.s32 $0xFFFFE000  }
0x51: {  	[spmem:s23] =	stream.linear.scatter [tilespmem:s11], [sflag:$0xB], $0x400, $0x38;
	[tilespmem:$0x1E300] =	vst v63  }
0x52: {  	_ =	swait.ge [sflag:s17], $0x400  }
0x53: {  	[sflag:s17] =	ssyncset.done $0x0  }
0x54: {  	s25 =	rddreg [dreg:$0x9];
	[sflag:s17] =	ssyncadd.s32 $0xFFFFFC00  }
0x55: {  	[spmem:s25] =	stream.linear.scatter [tilespmem:s2], [sflag:$0xB], $0x2000, $0x38;
	[tilespmem:$0x1E300] =	vst v63  }
0x56: {  	_ =	swait.ge [sflag:s17], $0x2000  }
0x57: {  	[sflag:s17] =	ssyncset.done $0x0  }
0x58: {  	s26 =	rddreg [dreg:$0xa];
	[sflag:s17] =	ssyncadd.s32 $0xFFFFE000  }
0x59: {  	[spmem:s26] =	stream.linear.scatter [tilespmem:s11], [sflag:$0xB], $0x400, $0x38;
	[tilespmem:$0x1E300] =	vst v63  }
0x5a: {  	_ =	swait.ge [sflag:s17], $0x400  }
0x5b: {  	[sflag:s17] =	ssyncset.done $0x0  }
0x5c: {  	s28 =	rddreg [dreg:$0xb];
	[sflag:s17] =	ssyncadd.s32 $0xFFFFFC00  }
0x5d: {  	[spmem:s28] =	stream.linear.scatter [tilespmem:s2], [sflag:$0xB], $0x2000, $0x38;
	[tilespmem:$0x1E300] =	vst v63  }
0x5e: {  	_ =	swait.ge [sflag:s17], $0x2000  }
0x5f: {  	[sflag:s17] =	ssyncset.done $0x0  }
0x60: {  	s30 =	rddreg [dreg:$0xc];
	[sflag:s17] =	ssyncadd.s32 $0xFFFFE000  }
0x61: {  	[spmem:s30] =	stream.linear.scatter [tilespmem:s11], [sflag:$0xB], $0x400, $0x38;
	[tilespmem:$0x1E300] =	vst v63  }
0x62: {  	_ =	swait.ge [sflag:s17], $0x400  }
0x63: {  	[sflag:s17] =	ssyncset.done $0x0  }
0x64: {  	s13 =	rddreg [dreg:$0xf];
	[sflag:s17] =	ssyncadd.s32 $0xFFFFFC00  }
0x65: {  	[spmem:s13] =	stream.linear.scatter [tilespmem:s2], [sflag:$0xB], $0x2000, $0x38;
	[tilespmem:$0x1E300] =	vst v63  }
0x66: {  	_ =	swait.ge [sflag:s17], $0x2000  }
0x67: {  	[sflag:s17] =	ssyncset.done $0x0  }
0x68: {  	s14 =	rddreg [dreg:$0x10];
	[sflag:s17] =	ssyncadd.s32 $0xFFFFE000  }
0x69: {  	[spmem:s14] =	stream.linear.scatter [tilespmem:s11], [sflag:$0xB], $0x400, $0x38;
	[tilespmem:$0x1E300] =	vst v63  }
0x6a: {  	_ =	swait.ge [sflag:s17], $0x400  }
0x6b: {  	[sflag:s17] =	ssyncset.done $0x0  }
0x6c: {  	s18 =	rddreg [dreg:$0x11];
	[sflag:s17] =	ssyncadd.s32 $0xFFFFFC00  }
0x6d: {  	[spmem:s18] =	stream.linear.scatter [tilespmem:s2], [sflag:$0xB], $0x2000, $0x38;
	[tilespmem:$0x1E300] =	vst v63  }
0x6e: {  	_ =	swait.ge [sflag:s17], $0x2000  }
0x6f: {  	[sflag:s17] =	ssyncset.done $0x0  }
0x70: {  	s21 =	rddreg [dreg:$0x12];
	[sflag:s17] =	ssyncadd.s32 $0xFFFFE000  }
0x71: {  	[spmem:s21] =	stream.linear.scatter [tilespmem:s11], [sflag:$0xB], $0x400, $0x38;
	[tilespmem:$0x1E300] =	vst v63  }
0x72: {  	_ =	swait.ge [sflag:s17], $0x400  }
0x73: {  	[sflag:s17] =	ssyncset.done $0x0  }
0x74: {  	s22 =	rddreg [dreg:$0x13];
	[sflag:s17] =	ssyncadd.s32 $0xFFFFFC00  }
0x75: {  	[spmem:s22] =	stream.linear.scatter [tilespmem:s2], [sflag:$0xB], $0x2000, $0x38;
	[tilespmem:$0x1E300] =	vst v63  }
0x76: {  	_ =	swait.ge [sflag:s17], $0x2000  }
0x77: {  	[sflag:s17] =	ssyncset.done $0x0  }
0x78: {  	s23 =	rddreg [dreg:$0x14];
	[sflag:s17] =	ssyncadd.s32 $0xFFFFE000  }
0x79: {  	[spmem:s23] =	stream.linear.scatter [tilespmem:s11], [sflag:$0xB], $0x400, $0x38;
	[tilespmem:$0x1E300] =	vst v63  }
0x7a: {  	_ =	swait.ge [sflag:s17], $0x400  }
0x7b: {  	[sflag:s17] =	ssyncset.done $0x0  }
0x7c: {  	s25 =	rddreg [dreg:$0x15];
	[sflag:s17] =	ssyncadd.s32 $0xFFFFFC00  }
0x7d: {  	[spmem:s25] =	stream.linear.scatter [tilespmem:s2], [sflag:$0xB], $0x2000, $0x38;
	[tilespmem:$0x1E300] =	vst v63  }
0x7e: {  	_ =	swait.ge [sflag:s17], $0x2000  }
0x7f: {  	[sflag:s17] =	ssyncset.done $0x0  }
0x80: {  	s26 =	rddreg [dreg:$0x16];
	[sflag:s17] =	ssyncadd.s32 $0xFFFFE000  }
0x81: {  	[spmem:s26] =	stream.linear.scatter [tilespmem:s11], [sflag:$0xB], $0x400, $0x38;
	[tilespmem:$0x1E300] =	vst v63  }
0x82: {  	_ =	swait.ge [sflag:s17], $0x400  }
0x83: {  	[sflag:s17] =	ssyncset.done $0x0  }
0x84: {  	s28 =	rddreg [dreg:$0x17];
	[sflag:s17] =	ssyncadd.s32 $0xFFFFFC00  }
0x85: {  	[spmem:s28] =	stream.linear.scatter [tilespmem:s2], [sflag:$0xB], $0x2000, $0x38;
	[tilespmem:$0x1E300] =	vst v63  }
0x86: {  	_ =	swait.ge [sflag:s17], $0x2000  }
0x87: {  	[sflag:s17] =	ssyncset.done $0x0  }
0x88: {  	s30 =	rddreg [dreg:$0x18];
	[sflag:s17] =	ssyncadd.s32 $0xFFFFE000  }
0x89: {  	[spmem:s30] =	stream.linear.scatter [tilespmem:s11], [sflag:$0xB], $0x400, $0x38;
	[tilespmem:$0x1E300] =	vst v63  }
0x8a: {  	_ =	swait.ge [sflag:s17], $0x400  }
0x8b: {  	[sflag:s17] =	ssyncset.done $0x0  }
0x8c: {  	s13 =	rddreg [dreg:$0x19];
	[sflag:s17] =	ssyncadd.s32 $0xFFFFFC00  }
0x8d: {  	[spmem:s13] =	stream.linear.scatter [tilespmem:s2], [sflag:$0xB], $0x2000, $0x38;
	[tilespmem:$0x1E300] =	vst v63  }
0x8e: {  	_ =	swait.ge [sflag:s17], $0x2000  }
0x8f: {  	[sflag:s17] =	ssyncset.done $0x0  }
0x90: {  	s14 =	rddreg [dreg:$0x1a];
	[sflag:s17] =	ssyncadd.s32 $0xFFFFE000  }
0x91: {  	[spmem:s14] =	stream.linear.scatter [tilespmem:s11], [sflag:$0xB], $0x400, $0x38;
	[tilespmem:$0x1E300] =	vst v63  }
0x92: {  	_ =	swait.ge [sflag:s17], $0x400  }
0x93: {  	[sflag:s17] =	ssyncset.done $0x0  }
0x94: {  	[sflag:s17] =	ssyncadd.s32 $0xFFFFFC00  }
0x95: {  	s17 =	simm.s32 $0x7800;
	[bflag:$0x0] =	sbarrier.arrive $0xFFFF  }
0x96: {  	[tilespmem:s17], [sflag:$0x1] =	stream.linear.gather [hbm4b:s3+s4], $0x40, $0x38;
	[tilespmem:$0x1E300] =	vst v63  }
0x97: {  	s18 =	simm.s32 $0x7980  }
0x98: {  	[tilespmem:s18], [sflag:$0x1] =	stream.linear.gather [hbm4b:s12+s4], $0x40, $0x38;
	[tilespmem:$0x1E300] =	vst v63  }
0x99: {  	s21 =	sadd.s32 $0x8, s3;
	s22 =	simm.s32 $0x7840  }
0x9a: {  	[tilespmem:s22], [sflag:$0x2] =	stream.linear.gather [hbm4b:s21+s4], $0x40, $0x38;
	[tilespmem:$0x1E300] =	vst v63  }
0x9b: {  	s23 =	sadd.s32 $0x8, s12;
	s25 =	simm.s32 $0x79C0;
	s26 =	simm.s32 $0x1  }
0x9c: {  	[tilespmem:s25], [sflag:$0x2] =	stream.linear.gather [hbm4b:s23+s4], $0x40, $0x38;
	[tilespmem:$0x1E300] =	vst v63  }
0x9d: {  	_ =	swait.ge [sflag:s26], $0x40  }
0x9e: {  	[sflag:s26] =	ssyncset.done $0x0  }
0x9f: {  	[sflag:s26] =	ssyncadd.s32 $0xFFFFFFC0  }
0xa0: {  	_ =	swait.ge [sflag:s26], $0x40  }
0xa1: {  	[sflag:s26] =	ssyncset.done $0x0;
	s30 =	sld [smem:$0x7FA]  }
0xa2: {  	[sflag:s26] =	ssyncadd.s32 $0xFFFFFFC0  }
0xa3: {  	[tilespmem:s4], [sflag:$0x7] =	stream.indirect.gather [hbm4b:s8+s24], $0x10, s17, s24, $0xb8;
	[tilespmem:$0x1E300] =	vst v63  }
0xa4: {  	s28 =	simm.s32 $0x800;
	p1 =	seq.s32 s30, $0x1  }
0xa5: {  	[tilespmem:s28], [sflag:$0x7] =	stream.indirect.gather [hbm4b:s9+s24], $0x10, s18, s24, $0xb8;
	[tilespmem:$0x1E300] =	vst v63  }
0xa6: {  	s17 =	simm.s32 $0x0;
	s11 =	simm.s32 @!p1 $0x40  }
0xa7: {  	s1 =	simm.s32 @!p1 $0x7800;
	s2 =	simm.s32 @!p1 $0x1800;
	[smem:$0x7F9] =	sst s11  }
0xa8: {  	[tilespmem:s2], [sflag:$0x7] =	stream.indirect.gather @!p1 [hbm4b:s5+s11], $0x40, s1, s11, $0xb8;
	[tilespmem:$0x1E300] =	vst v63  }
0xa9: {  	s11 =	simm.s32 @p0 $0x40;
	s1 =	simm.s32 @p0 $0x7800;
	s2 =	simm.s32 @p0 $0x1800  }
0xaa: {  	[tilespmem:s2], [sflag:$0x7] =	stream.indirect.gather @p0 [hbm4b:s6+s11], $0x40, s1, s11, $0xb8;
	[tilespmem:$0x1E300] =	vst v63  }
.LBB2_4:
0xab: {  	s26 =	smul.u32 $0x6, s17;
	_ =	sdelay $0x1  }
0xac: {  	s13 =	sadd.s32 $0x2, s26  }
0xad: {  	s1 =	sshll.u32 s13, $0x3  }
0xae: {  	s14 =	simm.s32 $0x7880;
	s2 =	sadd.s32 s3, s1  }
0xaf: {  	[tilespmem:s14], [sflag:$0x3] =	stream.linear.gather [hbm4b:s2+s4], $0x40, $0x38;
	[tilespmem:$0x1E300] =	vst v63  }
0xb0: {  	s18 =	simm.s32 $0x2;
	s1 =	sadd.s32 s12, s1;
	s14 =	simm.s32 $0x7A00  }
0xb1: {  	[tilespmem:s14], [sflag:$0x3] =	stream.linear.gather [hbm4b:s1+s4], $0x40, $0x38;
	[tilespmem:$0x1E300] =	vst v63  }
0xb2: {  	_ =	swait.ge [sflag:s18], $0x40  }
0xb3: {  	[sflag:s18] =	ssyncset.done $0x0  }
0xb4: {  	[sflag:s18] =	ssyncadd.s32 $0xFFFFFFC0  }
0xb5: {  	s11 =	smov.u32 s29;
	_ =	swait.ge [sflag:s18], $0x40  }
0xb6: {  	s21 =	simm.s32 $0x7840;
	[sflag:s18] =	ssyncset.done $0x0;
	s29 =	sld [smem:$0x7FA]  }
0xb7: {  	s22 =	simm.s32 $0x400;
	s23 =	simm.s32 $0x79C0;
	[sflag:s18] =	ssyncadd.s32 $0xFFFFFFC0  }
0xb8: {  	[tilespmem:s22], [sflag:$0x8] =	stream.indirect.gather [hbm4b:s8+s24], $0x10, s21, s24, $0xb8;
	[tilespmem:$0x1E300] =	vst v63  }
0xb9: {  	s25 =	simm.s32 $0xC00;
	s14 =	sld [smem:$0x7F9];
	p1 =	seq.s32 s29, $0x1  }
0xba: {  	[tilespmem:s25], [sflag:$0x8] =	stream.indirect.gather [hbm4b:s9+s24], $0x10, s23, s24, $0xb8;
	[tilespmem:$0x1E300] =	vst v63  }
0xbb: {  	s1 =	simm.s32 @!p1 $0x7840;
	s2 =	simm.s32 @!p1 $0x2800  }
0xbc: {  	[tilespmem:s2], [sflag:$0x8] =	stream.indirect.gather @!p1 [hbm4b:s5+s14], $0x40, s1, s14, $0xb8;
	[tilespmem:$0x1E300] =	vst v63  }
0xbd: {  	s1 =	simm.s32 @p0 $0x7840;
	s2 =	simm.s32 @p0 $0x2800;
	s14 =	simm.s32 @p0 $0x40  }
0xbe: {  	[tilespmem:s2], [sflag:$0x8] =	stream.indirect.gather @p0 [hbm4b:s6+s14], $0x40, s1, s14, $0xb8;
	[tilespmem:$0x1E300] =	vst v63  }
0xbf: {  	p3 =	seq.s32 s17, $0x0;
	s1 =	rddreg [dreg:$0x1d]  }
0xc0: {  	s1 =	sadd.s32 @!p3 s26, s1  }
0xc1: {  	s1 =	sshll.u32 @!p3 s1, $0x6  }
0xc2: {  	p1 =	sgt.s32 @!p3 s1, $0x270FF  }
0xc3: {  	p4 =	por p1, p3  }
0xc4: {  	p5 =	sne.s32 @!p4 s7, $0x0;
	s1 =	simm.s32 @!p4 $0x9  }
0xc5: {  	_ =	swait.ge @!p4 [sflag:s1], $0x2000;
	p1 =	por @!p3 p5, p1  }
0xc6: {  	[sflag:s1] =	ssyncset.done @!p4 $0x0;
	p1 =	por p1, p3  }
0xc7: {  	[sflag:s1] =	ssyncadd.s32 @!p4 $0xFFFFE000;
	s1 =	simm.s32 @!p1 $0x9  }
0xc8: {  	_ =	swait.ge @!p1 [sflag:s1], $0x400  }
0xc9: {  	[sflag:s1] =	ssyncset.done @!p1 $0x0  }
0xca: {  	[sflag:s1] =	ssyncadd.s32 @!p1 $0xFFFFFC00  }
0xcb: {  	_ =	swait.ge [sflag:s0], $0x400  }
0xcc: {  	[sflag:s0] =	ssyncset.done $0x0  }
0xcd: {  	[sflag:s0] =	ssyncadd.s32 $0xFFFFFC00  }
0xce: {  	_ =	swait.ge [sflag:s0], $0x400  }
0xcf: {  	[sflag:s0] =	ssyncset.done $0x0  }
0xd0: {  	[sflag:s0] =	ssyncadd.s32 $0xFFFFFC00  }
0xd1: {  	_ =	swait.ge [sflag:s0], $0x1000  }
0xd2: {  	[sflag:s0] =	ssyncset.done $0x0  }
0xd3: {  	s2 =	simm.s32 $0x20;
	[sflag:s0] =	ssyncadd.s32 $0xFFFFF000  }
0xd4: {  	s14 =	simm.s32 $0x820;
	v5 =	vld [tilespmem:s2+$0x10]  }
0xd5: {  	v6 =	vld [tilespmem:s14+$0x10];
	_ =	sdelay $0x3  }
0xd6: {  	v7 =	vld [tilespmem:s14+$0xFFFFFFE0]  }
0xd7: {  	v8 =	vld [tilespmem:s2+$0xFFFFFFF0];
	v5 =	vadd.f32 v6, v5  }
0xd8: {  	v9 =	vld [tilespmem:s14+$0xFFFFFFF0]  }
0xd9: {  	v6 =	vld [tilespmem:s2+$0xFFFFFFE0];
	v12 =	vmul.f32 $2.000000030e-01, v5;
	_ =	sdelay $0x1  }
0xda: {  	v5 =	vmax.f32 v5, v12  }
0xdb: {  	v5 =	vmul.f32 $1.442695020e+00, v5  }
0xdc: {  	v8 =	vadd.f32 v9, v8  }
0xdd: {  	v10 =	vld [tilespmem:s2+$0x0];
	v6 =	vadd.f32 v7, v6;
	(erf) = vpow2.f32 v5  }
0xde: {  	v11 =	vld [tilespmem:s14+$0x0];
	v7 =	vmul.f32 $2.000000030e-01, v8  }
0xdf: {  	v5 =	vmul.f32 $2.000000030e-01, v6  }
0xe0: {  	v7 =	vmax.f32 v8, v7  }
0xe1: {  	v5 =	vmax.f32 v6, v5;
	v6 =	vmul.f32 $1.442695020e+00, v7  }
0xe2: {  	v5 =	vmul.f32 $1.442695020e+00, v5  }
0xe3: {  	v9 =	vadd.f32 v11, v10;
	(erf) = vpow2.f32 v6  }
0xe4: {  	(erf) = vpow2.f32 v5  }
0xe5: {  	v10 =	vmul.f32 $2.000000030e-01, v9  }
0xe6: {  	s18 =	simm.s32 $0x1020;
	v6 =	vpop (erf)  }
0xe7: {  	s22 =	simm.s32 $0x1880;
	v7 =	vmax.f32 v9, v10;
	[tilespmem:s18+$0x10] =	vst v6  }
0xe8: {  	v7 =	vmul.f32 $1.442695020e+00, v7;
	v5 =	vld [tilespmem:s22+$0x40];
	_ =	sdelay $0x1  }
0xe9: {  	s21 =	simm.s32 $0x60  }
0xea: {  	s23 =	simm.s32 $0x860;
	v16 =	vld [tilespmem:s21+$0xFFFFFFF0]  }
0xeb: {  	v19 =	vld [tilespmem:s23+$0xFFFFFFF0];
	(erf) = vpow2.f32 v7;
	v8 =	vperm.xlane v6, v0;
	v7 =	vpop (erf)  }
0xec: {  	v22 =	vld [tilespmem:s21+$0x0];
	v9 =	vpop (erf);
	v11 =	vshll.u32 v5, $0x10  }
0xed: {  	v27 =	vld [tilespmem:s23+$0x0];
	[tilespmem:s18+$0xFFFFFFE0] =	vst v9;
	v5 =	vand.u32 $0xFFFF0000, v5;
	v11 =	vmul.f32 v11, v8  }
0xee: {  	s14 =	simm.s32 $0x3900;
	v13 =	vld [tilespmem:s22+$0xFFFFFF80];
	v5 =	vmul.f32 v5, v8  }
0xef: {  	v8 =	vld [tilespmem:s21+$0x10];
	[tilespmem:s14+$0x80] =	vst v11  }
0xf0: {  	[tilespmem:s14+$0x90] =	vst v5;
	v5 =	vld [tilespmem:s23+$0x10]  }
0xf1: {  	v11 =	vld [tilespmem:s22+$0x50]  }
0xf2: {  	[tilespmem:s18+$0xFFFFFFF0] =	vst v7  }
0xf3: {  	v16 =	vadd.f32 v19, v16;
	v23 =	vperm.xlane v6, v1;
	v10 =	vld [tilespmem:s22+$0xFFFFFFC0]  }
0xf4: {  	v15 =	vld [tilespmem:s23+$0xFFFFFFE0];
	v22 =	vadd.f32 v27, v22;
	v17 =	vperm.xlane v7, v0;
	v12 =	vpop (erf);
	v18 =	vperm.xlane v9, v0  }
0xf5: {  	v24 =	vld [tilespmem:s21+$0xFFFFFFE0];
	v20 =	vperm.xlane v9, v1;
	[tilespmem:s18+$0x0] =	vst v12;
	v21 =	vperm.xlane v12, v0;
	v5 =	vadd.f32 v5, v8  }
0xf6: {  	v14 =	vld [tilespmem:s22+$0x0];
	v25 =	vshll.u32 v13, $0x10;
	v13 =	vand.u32 $0xFFFF0000, v13;
	v26 =	vshll.u32 v11, $0x10  }
0xf7: {  	v11 =	vand.u32 $0xFFFF0000, v11;
	v28 =	vmul.f32 $2.000000030e-01, v5;
	v26 =	vmul.f32 v26, v23  }
0xf8: {  	v13 =	vmul.f32 v13, v18;
	v8 =	vshll.u32 v10, $0x10;
	v11 =	vmul.f32 v11, v23  }
0xf9: {  	v10 =	vand.u32 $0xFFFF0000, v10;
	v8 =	vmul.f32 v8, v17;
	v5 =	vmax.f32 v5, v28;
	[tilespmem:s14+$0xA0] =	vst v26  }
0xfa: {  	v23 =	vmul.f32 v25, v18;
	[tilespmem:s14+$0xB0] =	vst v11;
	v11 =	vadd.f32 v15, v24;
	v5 =	vmul.f32 $1.442695020e+00, v5  }
0xfb: {  	v19 =	vshll.u32 v14, $0x10;
	[tilespmem:s14+$0xFFFFFF10] =	vst v13;
	v10 =	vmul.f32 v10, v17;
	v18 =	vmul.f32 $2.000000030e-01, v16;
	v15 =	vld [tilespmem:s22+$0x60]  }
0xfc: {  	[tilespmem:s14+$0xFFFFFF00] =	vst v23;
	(erf) = vpow2.f32 v5;
	v5 =	vand.u32 $0xFFFF0000, v14;
	v14 =	vmul.f32 $2.000000030e-01, v11  }
0xfd: {  	v13 =	vmul.f32 $2.000000030e-01, v22;
	v17 =	vmul.f32 v19, v21;
	[tilespmem:s14+$0xFFFFFF80] =	vst v8;
	v16 =	vmax.f32 v16, v18;
	v8 =	vld [tilespmem:s22+$0xFFFFFF90]  }
0xfe: {  	[tilespmem:s14+$0xFFFFFF90] =	vst v10;
	v10 =	vperm.xlane v6, v2;
	v11 =	vmax.f32 v11, v14;
	v14 =	vmul.f32 $1.442695020e+00, v16  }
0xff: {  	v13 =	vmax.f32 v22, v13;
	v5 =	vmul.f32 v5, v21;
	v11 =	vmul.f32 $1.442695020e+00, v11  }
0x100: {  	v13 =	vmul.f32 $1.442695020e+00, v13;
	[tilespmem:s14+$0x0] =	vst v17;
	v16 =	vld [tilespmem:s22+$0xFFFFFFD0];
	v18 =	vshll.u32 v15, $0x10;
	(erf) = vpow2.f32 v14  }
0x101: {  	[tilespmem:s14+$0x10] =	vst v5;
	v14 =	vand.u32 $0xFFFF0000, v15;
	v15 =	vmul.f32 v18, v10;
	(erf) = vpow2.f32 v11  }
0x102: {  	v18 =	vld [tilespmem:s22+$0x10];
	v5 =	vmul.f32 v14, v10;
	v11 =	vshll.u32 v8, $0x10;
	v8 =	vand.u32 $0xFFFF0000, v8  }
0x103: {  	[tilespmem:s14+$0xC0] =	vst v15;
	v8 =	vmul.f32 v8, v20  }
0x104: {  	v10 =	vperm.xlane v7, v1;
	(erf) = vpow2.f32 v13;
	[tilespmem:s14+$0xD0] =	vst v5  }
0x105: {  	s25 =	simm.s32 $0x1060;
	v5 =	vmul.f32 v11, v20;
	v11 =	vperm.xlane v12, v1;
	v14 =	vshll.u32 v16, $0x10;
	[tilespmem:s14+$0xFFFFFF30] =	vst v8;
	v13 =	vpop (erf)  }
0x106: {  	s18 =	simm.s32 $0x1980;
	v20 =	vperm.xlane v7, v2;
	v15 =	vand.u32 $0xFFFF0000, v16;
	v19 =	vld [tilespmem:s22+$0x70];
	v16 =	vmul.f32 v14, v10;
	[tilespmem:s25+$0x10] =	vst v13  }
0x107: {  	v10 =	vmul.f32 v15, v10;
	v15 =	vperm.xlane v7, v3;
	[tilespmem:s14+$0xFFFFFF20] =	vst v5;
	v7 =	vshll.u32 v18, $0x10;
	v21 =	vld [tilespmem:s18+$0x40]  }
0x108: {  	v22 =	vperm.xlane v12, v2;
	v8 =	vand.u32 $0xFFFF0000, v18;
	[tilespmem:s14+$0xFFFFFFA0] =	vst v16;
	v7 =	vmul.f32 v7, v11  }
0x109: {  	v17 =	vperm.xlane v9, v2;
	[tilespmem:s14+$0xFFFFFFB0] =	vst v10;
	v8 =	vmul.f32 v8, v11  }
0x10a: {  	v14 =	vperm.xlane v9, v3;
	v5 =	vperm.xlane v12, v3;
	[tilespmem:s14+$0x20] =	vst v7  }
0x10b: {  	v12 =	vperm.xlane v6, v3;
	v9 =	vperm.xlane v13, v0;
	v11 =	vld [tilespmem:s22+$0xFFFFFFA0];
	[tilespmem:s14+$0x30] =	vst v8;
	v6 =	vpop (erf)  }
0x10c: {  	s29 =	simm.s32 $0xA0;
	v41 =	vperm.xlane v13, v1;
	v25 =	vld [tilespmem:s22+$0xFFFFFFE0];
	v10 =	vand.u32 $0xFFFF0000, v19;
	[tilespmem:s25+$0xFFFFFFF0] =	vst v6;
	v16 =	vpop (erf);
	v18 =	vshll.u32 v21, $0x10  }
0x10d: {  	v37 =	vld [tilespmem:s29+$0x10];
	v24 =	vmul.f32 v10, v12;
	[tilespmem:s25+$0xFFFFFFE0] =	vst v16;
	v23 =	vpop (erf);
	v10 =	vand.u32 $0xFFFF0000, v21;
	v18 =	vmul.f32 v18, v9  }
0x10e: {  	s21 =	simm.s32 $0x3B00;
	v19 =	vshll.u32 v19, $0x10;
	v29 =	vperm.xlane v6, v1;
	v26 =	vld [tilespmem:s18+$0xFFFFFFC0];
	[tilespmem:s25+$0x0] =	vst v23;
	v9 =	vmul.f32 v10, v9  }
0x10f: {  	v12 =	vmul.f32 v19, v12;
	v7 =	vperm.xlane v16, v0;
	v28 =	vld [tilespmem:s18+$0xFFFFFF80];
	[tilespmem:s21+$0x80] =	vst v18  }
0x110: {  	v27 =	vperm.xlane v16, v1;
	v31 =	vshll.u32 v11, $0x10;
	v8 =	vand.u32 $0xFFFF0000, v11;
	v30 =	vld [tilespmem:s18+$0x0];
	[tilespmem:s21+$0x90] =	vst v9  }
0x111: {  	v21 =	vperm.xlane v6, v0;
	v32 =	vperm.xlane v23, v1;
	v35 =	vshll.u32 v25, $0x10;
	v33 =	vld [tilespmem:s18+$0x50]  }
0x112: {  	v54 =	vld [tilespmem:s29+$0xFFFFFFE0];
	s25 =	simm.s32 $0x8A0;
	v25 =	vand.u32 $0xFFFF0000, v25;
	v10 =	vperm.xlane v16, v2;
	v35 =	vmul.f32 v35, v20  }
0x113: {  	v39 =	vld [tilespmem:s25+$0x10];
	v20 =	vmul.f32 v25, v20;
	v18 =	vperm.xlane v23, v0;
	v36 =	vshll.u32 v26, $0x10  }
0x114: {  	v34 =	vld [tilespmem:s22+$0x20];
	v26 =	vand.u32 $0xFFFF0000, v26;
	v38 =	vshll.u32 v28, $0x10;
	v36 =	vmul.f32 v36, v21  }
0x115: {  	v40 =	vld [tilespmem:s25+$0xFFFFFFE0];
	v28 =	vand.u32 $0xFFFF0000, v28;
	v21 =	vmul.f32 v26, v21;
	v38 =	vmul.f32 v38, v7  }
0x116: {  	[tilespmem:s14+$0xF0] =	vst v24;
	v24 =	vld [tilespmem:s25+$0xFFFFFFF0];
	v42 =	vshll.u32 v30, $0x10;
	v7 =	vmul.f32 v28, v7;
	v43 =	vshll.u32 v33, $0x10  }
0x117: {  	[tilespmem:s14+$0xFFFFFFC0] =	vst v35;
	v28 =	vld [tilespmem:s29+$0xFFFFFFF0];
	v30 =	vand.u32 $0xFFFF0000, v30;
	v26 =	vand.u32 $0xFFFF0000, v33;
	v50 =	vmul.f32 v43, v41  }
0x118: {  	v52 =	vld [tilespmem:s29+$0x0];
	v37 =	vadd.f32 v39, v37;
	[tilespmem:s21+$0xFFFFFF80] =	vst v36;
	v51 =	vmul.f32 v42, v18;
	v26 =	vmul.f32 v26, v41  }
0x119: {  	v53 =	vshll.u32 v34, $0x10;
	v18 =	vmul.f32 v30, v18;
	v30 =	vmul.f32 v31, v17;
	v31 =	vld [tilespmem:s25+$0x0];
	[tilespmem:s21+$0xA0] =	vst v50  }
0x11a: {  	v17 =	vmul.f32 v8, v17;
	v8 =	vand.u32 $0xFFFF0000, v34;
	v25 =	vmul.f32 $2.000000030e-01, v37;
	[tilespmem:s21+$0xB0] =	vst v26  }
0x11b: {  	[tilespmem:s21+$0xFFFFFF90] =	vst v21;
	v21 =	vadd.f32 v40, v54;
	v33 =	vmul.f32 v53, v22;
	v22 =	vmul.f32 v8, v22;
	v26 =	vld [tilespmem:s18+$0x60]  }
0x11c: {  	[tilespmem:s21+$0xFFFFFF10] =	vst v7;
	v8 =	vperm.xlane v16, v3;
	v16 =	vmax.f32 v37, v25;
	v7 =	vadd.f32 v24, v28  }
0x11d: {  	v9 =	vperm.xlane v23, v2;
	[tilespmem:s21+$0x10] =	vst v18;
	v16 =	vmul.f32 $1.442695020e+00, v16  }
0x11e: {  	[tilespmem:s14+$0xFFFFFF50] =	vst v17;
	v17 =	vmul.f32 $2.000000030e-01, v21;
	v28 =	vadd.f32 v31, v52;
	v18 =	vmul.f32 $2.000000030e-01, v7  }
0x11f: {  	[tilespmem:s21+$0xFFFFFF00] =	vst v38;
	v24 =	vperm.xlane v13, v2;
	(erf) = vpow2.f32 v16  }
0x120: {  	[tilespmem:s21+$0x0] =	vst v51;
	v25 =	vld [tilespmem:s18+$0xFFFFFF90];
	v31 =	vmul.f32 $2.000000030e-01, v28;
	v18 =	vmax.f32 v7, v18;
	v16 =	vshll.u32 v26, $0x10  }
0x121: {  	[tilespmem:s14+$0xFFFFFF40] =	vst v30;
	v30 =	vld [tilespmem:s18+$0xFFFFFFD0];
	v7 =	vperm.xlane v23, v3;
	v26 =	vand.u32 $0xFFFF0000, v26;
	v16 =	vmul.f32 v16, v24  }
0x122: {  	[tilespmem:s14+$0xFFFFFFD0] =	vst v20;
	v17 =	vmax.f32 v21, v17;
	v23 =	vld [tilespmem:s18+$0x10];
	v18 =	vmul.f32 $1.442695020e+00, v18;
	v24 =	vmul.f32 v26, v24  }
0x123: {  	v11 =	vperm.xlane v6, v2;
	v17 =	vmul.f32 $1.442695020e+00, v17;
	v19 =	vmax.f32 v28, v31;
	[tilespmem:s21+$0xC0] =	vst v16  }
0x124: {  	v21 =	vld [tilespmem:s22+$0xFFFFFFF0];
	v19 =	vmul.f32 $1.442695020e+00, v19;
	(erf) = vpow2.f32 v18;
	[tilespmem:s21+$0xD0] =	vst v24  }
0x125: {  	v6 =	vperm.xlane v6, v3;
	[tilespmem:s14+$0xE0] =	vst v12;
	v20 =	vshll.u32 v25, $0x10;
	(erf) = vpow2.f32 v17;
	v18 =	vld [tilespmem:s18+$0x70]  }
0x126: {  	[tilespmem:s14+$0x40] =	vst v33;
	(erf) = vpow2.f32 v19;
	v19 =	vmul.f32 v20, v27  }
0x127: {  	[tilespmem:s14+$0x50] =	vst v22;
	v13 =	vperm.xlane v13, v3;
	v17 =	vand.u32 $0xFFFF0000, v30;
	v22 =	vshll.u32 v23, $0x10;
	v16 =	vld [tilespmem:s22+$0xFFFFFFB0]  }
0x128: {  	s28 =	simm.s32 $0x10A0;
	v20 =	vld [tilespmem:s22+$0x30];
	v23 =	vand.u32 $0xFFFF0000, v23;
	v17 =	vmul.f32 v17, v29;
	v24 =	vand.u32 $0xFFFF0000, v25;
	v12 =	vpop (erf);
	[tilespmem:s21+$0xFFFFFF20] =	vst v19  }
0x129: {  	v25 =	vshll.u32 v30, $0x10;
	s22 =	simm.s32 $0x1A80;
	v56 =	vmul.f32 v23, v32;
	v24 =	vmul.f32 v24, v27;
	[tilespmem:s28+$0x10] =	vst v12  }
0x12a: {  	v25 =	vmul.f32 v25, v29;
	v27 =	vshll.u32 v21, $0x10;
	[tilespmem:s21+$0xFFFFFFB0] =	vst v17;
	v55 =	vld [tilespmem:s22+$0x40];
	v19 =	vand.u32 $0xFFFF0000, v18  }
0x12b: {  	v21 =	vand.u32 $0xFFFF0000, v21;
	v23 =	vmul.f32 v27, v15;
	[tilespmem:s21+$0xFFFFFF30] =	vst v24;
	v19 =	vmul.f32 v19, v13  }
0x12c: {  	v17 =	vmul.f32 v21, v15;
	[tilespmem:s21+$0xFFFFFFA0] =	vst v25;
	v25 =	vld [tilespmem:s18+$0xFFFFFFA0];
	v26 =	vshll.u32 v16, $0x10;
	v16 =	vand.u32 $0xFFFF0000, v16  }
0x12d: {  	v24 =	vshll.u32 v20, $0x10;
	v57 =	vmul.f32 v26, v14;
	v28 =	vmul.f32 v16, v14;
	v14 =	vpop (erf)  }
0x12e: {  	v58 =	vld [tilespmem:s18+$0xFFFFFFE0];
	v15 =	vmul.f32 v24, v5;
	v24 =	vand.u32 $0xFFFF0000, v20;
	v20 =	vperm.xlane v12, v0;
	[tilespmem:s28+$0xFFFFFFF0] =	vst v14  }
0x12f: {  	v31 =	vmul.f32 v22, v32;
	v22 =	vshll.u32 v18, $0x10;
	v21 =	vshll.u32 v55, $0x10;
	[tilespmem:s21+$0xF0] =	vst v19;
	v19 =	vpop (erf)  }
0x130: {  	v29 =	vperm.xlane v14, v0;
	v59 =	vld [tilespmem:s22+$0xFFFFFFC0];
	v26 =	vand.u32 $0xFFFF0000, v55;
	v61 =	vmul.f32 v21, v20;
	[tilespmem:s28+$0xFFFFFFE0] =	vst v19;
	v16 =	vpop (erf)  }
0x131: {  	v21 =	vperm.xlane v14, v1;
	v62 =	vmul.f32 v26, v20;
	v33 =	vshll.u32 v25, $0x10;
	v60 =	vld [tilespmem:s22+$0xFFFFFF80];
	[tilespmem:s28+$0x0] =	vst v16  }
0x132: {  	s23 =	simm.s32 $0x3D00;
	[tilespmem:s21+$0x20] =	vst v31;
	v31 =	vand.u32 $0xFFFF0000, v25;
	v26 =	vperm.xlane v14, v2;
	v34 =	vperm.xlane v19, v0;
	v37 =	vld [tilespmem:s22+$0x0]  }
0x133: {  	v32 =	vshll.u32 v58, $0x10;
	[tilespmem:s23+$0x80] =	vst v61;
	v18 =	vperm.xlane v19, v1;
	v27 =	vperm.xlane v19, v2  }
0x134: {  	v35 =	vand.u32 $0xFFFF0000, v58;
	[tilespmem:s23+$0x90] =	vst v62;
	v30 =	vperm.xlane v16, v0;
	v20 =	vperm.xlane v16, v1  }
0x135: {  	[tilespmem:s21+$0x30] =	vst v56;
	v38 =	vld [tilespmem:s22+$0x50];
	v25 =	vperm.xlane v16, v2;
	v63 =	vshll.u32 v59, $0x10;
	v39 =	vand.u32 $0xFFFF0000, v59  }
0x136: {  	s30 =	simm.s32 $0x8;
	s1 =	simm.s32 $0xE0;
	v36 =	vld [tilespmem:s18+$0x20];
	[tilespmem:s14+$0xFFFFFF60] =	vst v57;
	v41 =	vmul.f32 v63, v29;
	v42 =	vshll.u32 v60, $0x10;
	v40 =	vand.u32 $0xFFFF0000, v60  }
.LBB2_5:
0x137: {  	v43 =	vld [tilespmem:s1+$0x10];
	v42 =	vmul.f32 v42, v34;
	v44 =	vshll.u32 v37, $0x10;
	v37 =	vand.u32 $0xFFFF0000, v37;
	s25 =	sadd.s32 $0x40, s25;
	[tilespmem:s14+$0xFFFFFF70] =	vst v28  }
0x138: {  	v34 =	vmul.f32 v40, v34;
	v29 =	vmul.f32 v39, v29;
	v28 =	vld [tilespmem:s25+$0x10];
	[tilespmem:s23+$0xFFFFFF80] =	vst v41  }
0x139: {  	v40 =	vmul.f32 v44, v30;
	v41 =	vperm.xlane v12, v1;
	v39 =	vld [tilespmem:s25+$0xFFFFFFE0];
	[tilespmem:s23+$0xFFFFFF00] =	vst v42  }
0x13a: {  	v33 =	vmul.f32 v33, v10;
	v30 =	vmul.f32 v37, v30;
	v42 =	vld [tilespmem:s1+$0xFFFFFFF0];
	[tilespmem:s23+$0xFFFFFF10] =	vst v34;
	v34 =	vshll.u32 v38, $0x10  }
0x13b: {  	s30 =	sadd.s32 $0x4, s30;
	v37 =	vld [tilespmem:s25+$0xFFFFFFF0];
	[tilespmem:s23+$0xFFFFFF90] =	vst v29;
	v29 =	vand.u32 $0xFFFF0000, v38;
	v34 =	vmul.f32 v34, v41;
	v38 =	vshll.u32 v36, $0x10  }
0x13c: {  	v31 =	vmul.f32 v31, v10;
	v10 =	vmovc v27;
	p1 =	slt.u32 s30, $0x3C;
	v36 =	vand.u32 $0xFFFF0000, v36;
	v44 =	vld [tilespmem:s1+$0x0];
	[tilespmem:s23+$0x0] =	vst v40;
	v29 =	vmul.f32 v29, v41  }
0x13d: {  	v32 =	vmul.f32 v32, v11;
	v27 =	vld [tilespmem:s25+$0x0];
	v28 =	vadd.f32 v28, v43;
	[tilespmem:s23+$0xA0] =	vst v34;
	v34 =	vmul.f32 v35, v11  }
0x13e: {  	v36 =	vmul.f32 v36, v9;
	v11 =	vmovc v26;
	v35 =	vld [tilespmem:s1+$0xFFFFFFE0];
	[tilespmem:s23+$0xB0] =	vst v29;
	v29 =	vmul.f32 v38, v9;
	v9 =	vmov v25  }
0x13f: {  	v19 =	vperm.xlane v19, v3;
	v25 =	vmul.f32 $2.000000030e-01, v28;
	[tilespmem:s23+$0x10] =	vst v30;
	v26 =	vld [tilespmem:s22+$0x60]  }
0x140: {  	v38 =	vperm.xlane v14, v3;
	v14 =	vperm.xlane v16, v3;
	v30 =	vadd.f32 v37, v42;
	v37 =	vld [tilespmem:s22+$0xFFFFFF90];
	[tilespmem:s21+$0xFFFFFF40] =	vst v33  }
0x141: {  	v13 =	vmul.f32 v22, v13;
	v22 =	vmul.f32 v24, v5;
	v16 =	vmax.f32 v28, v25;
	v25 =	vld [tilespmem:s22+$0xFFFFFFD0];
	[tilespmem:s21+$0xFFFFFF50] =	vst v31  }
0x142: {  	v5 =	vmovc v7;
	v7 =	vmovc v14;
	v24 =	vmul.f32 $2.000000030e-01, v30;
	v27 =	vadd.f32 v27, v44;
	v16 =	vmul.f32 $1.442695020e+00, v16;
	v28 =	vld [tilespmem:s22+$0x10];
	[tilespmem:s21+$0xFFFFFFC0] =	vst v32  }
0x143: {  	v31 =	vperm.xlane v12, v2;
	v14 =	vadd.f32 v39, v35;
	v32 =	vld [tilespmem:s18+$0xFFFFFFB0];
	[tilespmem:s21+$0xFFFFFFD0] =	vst v34  }
0x144: {  	v33 =	vmul.f32 $2.000000030e-01, v27;
	(erf) = vpow2.f32 v16;
	v16 =	vshll.u32 v26, $0x10;
	v34 =	vld [tilespmem:s18+$0xFFFFFFF0];
	[tilespmem:s21+$0x40] =	vst v29  }
0x145: {  	v26 =	vand.u32 $0xFFFF0000, v26;
	v29 =	vmul.f32 $2.000000030e-01, v14;
	v16 =	vmul.f32 v16, v31;
	[tilespmem:s21+$0x50] =	vst v36  }
0x146: {  	v24 =	vmax.f32 v30, v24;
	v26 =	vmul.f32 v26, v31;
	v27 =	vmax.f32 v27, v33;
	v30 =	vld [tilespmem:s18+$0x30];
	[tilespmem:s14+$0xFFFFFFE0] =	vst v23;
	s18 =	smov.u32 s22  }
0x147: {  	v23 =	vmul.f32 $1.442695020e+00, v24;
	v14 =	vmax.f32 v14, v29;
	v24 =	vmul.f32 $1.442695020e+00, v27;
	[tilespmem:s23+$0xC0] =	vst v16  }
0x148: {  	v16 =	vshll.u32 v37, $0x10;
	v27 =	vand.u32 $0xFFFF0000, v37;
	v14 =	vmul.f32 $1.442695020e+00, v14;
	[tilespmem:s23+$0xD0] =	vst v26  }
0x149: {  	(erf) = vpow2.f32 v23;
	v23 =	vshll.u32 v25, $0x10;
	v25 =	vand.u32 $0xFFFF0000, v25;
	v26 =	vld [tilespmem:s22+$0x70];
	[tilespmem:s14+$0xFFFFFFF0] =	vst v17  }
0x14a: {  	v17 =	vand.u32 $0xFFFF0000, v28;
	(erf) = vpow2.f32 v14;
	v14 =	vshll.u32 v28, $0x10;
	[tilespmem:s14+$0x60] =	vst v15  }
0x14b: {  	v15 =	vmul.f32 v16, v18;
	v16 =	vshll.u32 v32, $0x10;
	(erf) = vpow2.f32 v24;
	[tilespmem:s14+$0x70] =	vst v22;
	s14 =	smov.u32 s21;
	s21 =	smov.u32 s23  }
0x14c: {  	v18 =	vmul.f32 v27, v18;
	v22 =	vmul.f32 v23, v21;
	v23 =	vand.u32 $0xFFFF0000, v32;
	[tilespmem:s14+$0xE0] =	vst v13  }
0x14d: {  	s28 =	sadd.s32 $0x40, s28;
	v13 =	vperm.xlane v12, v3;
	[tilespmem:s23+$0xFFFFFF20] =	vst v15;
	v15 =	vmul.f32 v25, v21;
	v12 =	vpop (erf);
	v21 =	vshll.u32 v34, $0x10  }
0x14e: {  	s22 =	sadd.s32 $0x100, s22;
	v36 =	vmul.f32 v17, v20;
	v25 =	vmul.f32 v14, v20;
	[tilespmem:s28+$0x10] =	vst v12;
	v14 =	vand.u32 $0xFFFF0000, v26  }
0x14f: {  	v17 =	vand.u32 $0xFFFF0000, v34;
	v20 =	vld [tilespmem:s22+$0x40];
	[tilespmem:s23+$0xFFFFFF30] =	vst v18;
	v27 =	vmul.f32 v14, v13;
	v18 =	vshll.u32 v30, $0x10  }
0x150: {  	v43 =	vmul.f32 v16, v8;
	v24 =	vand.u32 $0xFFFF0000, v30;
	v31 =	vld [tilespmem:s18+$0xFFFFFFA0];
	[tilespmem:s23+$0xFFFFFFA0] =	vst v22;
	v22 =	vshll.u32 v26, $0x10  }
0x151: {  	v28 =	vmul.f32 v23, v8;
	v8 =	vmov v19;
	v23 =	vmul.f32 v21, v6;
	[tilespmem:s23+$0xF0] =	vst v27  }
0x152: {  	v17 =	vmul.f32 v17, v6;
	v6 =	vmov v38;
	v14 =	vpop (erf);
	[tilespmem:s23+$0xFFFFFFB0] =	vst v15;
	v15 =	vmul.f32 v18, v5  }
0x153: {  	v26 =	vperm.xlane v12, v0;
	[tilespmem:s28+$0xFFFFFFF0] =	vst v14;
	v29 =	vperm.xlane v14, v0;
	v19 =	vpop (erf);
	v35 =	vld [tilespmem:s18+$0xFFFFFFE0]  }
0x154: {  	[tilespmem:s28+$0xFFFFFFE0] =	vst v19;
	v34 =	vperm.xlane v19, v0;
	v18 =	vperm.xlane v19, v1;
	v38 =	vld [tilespmem:s22+$0xFFFFFFC0];
	v21 =	vshll.u32 v20, $0x10;
	v16 =	vpop (erf)  }
0x155: {  	v20 =	vand.u32 $0xFFFF0000, v20;
	v40 =	vld [tilespmem:s22+$0xFFFFFF80];
	[tilespmem:s28+$0x0] =	vst v16;
	v30 =	vperm.xlane v16, v0;
	v32 =	vmul.f32 v21, v26  }
.Ltmp1:
0x156: {  	s23 =	sadd.s32 $0x200, s23;
	v21 =	vperm.xlane v14, v1;
	v39 =	vmul.f32 v20, v26;
	v33 =	vshll.u32 v31, $0x10;
	v37 =	vld [tilespmem:s22+$0x0];
	[tilespmem:s21+$0x20] =	vst v25;
	(pc) =	sbr.rel @p1 .LBB2_5-.Ltmp1, $4  }
0x157: {  	v27 =	vperm.xlane v19, v2;
	v20 =	vperm.xlane v16, v1;
	v31 =	vand.u32 $0xFFFF0000, v31;
	[tilespmem:s23+$0x80] =	vst v32  }
0x158: {  	v26 =	vperm.xlane v14, v2;
	v25 =	vperm.xlane v16, v2;
	[tilespmem:s23+$0x90] =	vst v39;
	v32 =	vshll.u32 v35, $0x10  }
0x159: {  	v35 =	vand.u32 $0xFFFF0000, v35;
	v41 =	vshll.u32 v38, $0x10;
	v39 =	vand.u32 $0xFFFF0000, v38;
	v38 =	vld [tilespmem:s22+$0x50];
	[tilespmem:s21+$0x30] =	vst v36  }
0x15a: {  	s1 =	sadd.s32 $0x40, s1;
	v42 =	vshll.u32 v40, $0x10;
	v40 =	vand.u32 $0xFFFF0000, v40;
	v41 =	vmul.f32 v41, v29;
	v36 =	vld [tilespmem:s18+$0x20];
	[tilespmem:s14+$0xFFFFFF60] =	vst v43  }
0x15b: {  	[tilespmem:s14+$0xFFFFFF70] =	vst v28  }
0x15c: {  	[tilespmem:s14+$0xFFFFFFE0] =	vst v23  }
0x15d: {  	v42 =	vmul.f32 v42, v34;
	[tilespmem:s14+$0xFFFFFFF0] =	vst v17  }
0x15e: {  	v28 =	vmul.f32 v40, v34;
	v55 =	vshll.u32 v37, $0x10;
	[tilespmem:s23+$0xFFFFFF80] =	vst v41  }
0x15f: {  	v29 =	vmul.f32 v39, v29;
	v56 =	vperm.xlane v12, v1;
	v57 =	vand.u32 $0xFFFF0000, v37;
	[tilespmem:s23+$0xFFFFFF00] =	vst v42  }
0x160: {  	v34 =	vmul.f32 v55, v30;
	v30 =	vmul.f32 v57, v30;
	[tilespmem:s23+$0xFFFFFF10] =	vst v28;
	v28 =	vshll.u32 v38, $0x10  }
0x161: {  	[tilespmem:s23+$0xFFFFFF90] =	vst v29;
	v29 =	vand.u32 $0xFFFF0000, v38;
	v28 =	vmul.f32 v28, v56  }
0x162: {  	[tilespmem:s23+$0x10] =	vst v30;
	v29 =	vmul.f32 v29, v56  }
0x163: {  	v30 =	vmul.f32 v32, v11;
	[tilespmem:s23+$0xA0] =	vst v28  }
0x164: {  	v28 =	vmul.f32 v33, v10;
	[tilespmem:s23+$0xB0] =	vst v29  }
0x165: {  	[tilespmem:s21+$0xFFFFFFC0] =	vst v30;
	v10 =	vmul.f32 v31, v10;
	v29 =	vld [tilespmem:s22+$0x60]  }
0x166: {  	v11 =	vmul.f32 v35, v11;
	[tilespmem:s21+$0xFFFFFF40] =	vst v28;
	v28 =	vshll.u32 v36, $0x10  }
0x167: {  	[tilespmem:s21+$0xFFFFFF50] =	vst v10;
	v10 =	vand.u32 $0xFFFF0000, v36;
	v28 =	vmul.f32 v28, v9  }
0x168: {  	[tilespmem:s21+$0xFFFFFFD0] =	vst v11;
	v11 =	vld [tilespmem:s22+$0xFFFFFF90];
	v9 =	vmul.f32 v10, v9  }
0x169: {  	v10 =	vperm.xlane v12, v2;
	[tilespmem:s21+$0x40] =	vst v28  }
0x16a: {  	[tilespmem:s21+$0x50] =	vst v9;
	v9 =	vld [tilespmem:s22+$0xFFFFFFD0];
	v30 =	vshll.u32 v29, $0x10;
	v28 =	vand.u32 $0xFFFF0000, v29  }
0x16b: {  	[tilespmem:s23+$0x0] =	vst v34;
	v29 =	vmul.f32 v30, v10;
	v10 =	vmul.f32 v28, v10  }
0x16c: {  	[tilespmem:s14+$0x60] =	vst v15;
	v23 =	vld [tilespmem:s22+$0x10]  }
0x16d: {  	v5 =	vmul.f32 v24, v5;
	[tilespmem:s23+$0xD0] =	vst v10;
	v10 =	vshll.u32 v11, $0x10  }
0x16e: {  	[tilespmem:s23+$0xC0] =	vst v29;
	v11 =	vand.u32 $0xFFFF0000, v11;
	v10 =	vmul.f32 v10, v18  }
0x16f: {  	[tilespmem:s14+$0x70] =	vst v5;
	v15 =	vshll.u32 v9, $0x10;
	v17 =	vld [tilespmem:s22+$0x70];
	v5 =	vmul.f32 v11, v18  }
0x170: {  	v11 =	vld [tilespmem:s18+$0xFFFFFFB0];
	v9 =	vand.u32 $0xFFFF0000, v9;
	v15 =	vmul.f32 v15, v21;
	[tilespmem:s23+$0xFFFFFF20] =	vst v10  }
0x171: {  	v9 =	vmul.f32 v9, v21;
	v10 =	vshll.u32 v23, $0x10;
	[tilespmem:s23+$0xFFFFFF30] =	vst v5  }
0x172: {  	v5 =	vand.u32 $0xFFFF0000, v23;
	v10 =	vmul.f32 v10, v20;
	v18 =	vld [tilespmem:s22+$0xFFFFFFA0];
	[tilespmem:s23+$0xFFFFFFA0] =	vst v15  }
0x173: {  	v12 =	vperm.xlane v12, v3;
	v5 =	vmul.f32 v5, v20;
	[tilespmem:s23+$0xFFFFFFB0] =	vst v9  }
0x174: {  	v9 =	vmul.f32 v22, v13;
	v15 =	vld [tilespmem:s22+$0xFFFFFFE0];
	v13 =	vand.u32 $0xFFFF0000, v17;
	[tilespmem:s23+$0x20] =	vst v10  }
0x175: {  	v10 =	vshll.u32 v11, $0x10;
	[tilespmem:s23+$0x30] =	vst v5;
	v13 =	vmul.f32 v13, v12  }
0x176: {  	v5 =	vand.u32 $0xFFFF0000, v11;
	[tilespmem:s21+$0xE0] =	vst v9;
	v9 =	vmul.f32 v10, v8;
	v10 =	vld [tilespmem:s22+$0x20]  }
0x177: {  	v5 =	vmul.f32 v5, v8;
	[tilespmem:s23+$0xF0] =	vst v13;
	v8 =	vshll.u32 v18, $0x10  }
0x178: {  	v11 =	vld [tilespmem:s18+$0xFFFFFFF0];
	v13 =	vand.u32 $0xFFFF0000, v18;
	[tilespmem:s21+$0xFFFFFF60] =	vst v9;
	v8 =	vmul.f32 v8, v27  }
0x179: {  	[tilespmem:s21+$0xFFFFFF70] =	vst v5;
	v9 =	vshll.u32 v15, $0x10;
	v5 =	vmul.f32 v13, v27  }
0x17a: {  	v13 =	vld [tilespmem:s18+$0x30];
	v15 =	vand.u32 $0xFFFF0000, v15;
	v9 =	vmul.f32 v9, v26;
	[tilespmem:s23+$0xFFFFFF40] =	vst v8  }
0x17b: {  	v15 =	vmul.f32 v15, v26;
	v8 =	vshll.u32 v10, $0x10;
	[tilespmem:s23+$0xFFFFFF50] =	vst v5  }
0x17c: {  	v5 =	vand.u32 $0xFFFF0000, v10;
	v8 =	vmul.f32 v8, v25;
	[tilespmem:s23+$0xFFFFFFC0] =	vst v9  }
0x17d: {  	v9 =	vshll.u32 v11, $0x10;
	v5 =	vmul.f32 v5, v25;
	v10 =	vld [tilespmem:s22+$0xFFFFFFB0];
	[tilespmem:s23+$0xFFFFFFD0] =	vst v15  }
0x17e: {  	v11 =	vand.u32 $0xFFFF0000, v11;
	v9 =	vmul.f32 v9, v6;
	[tilespmem:s23+$0x40] =	vst v8  }
0x17f: {  	v6 =	vmul.f32 v11, v6;
	v11 =	vld [tilespmem:s22+$0xFFFFFFF0];
	v8 =	vshll.u32 v13, $0x10;
	[tilespmem:s23+$0x50] =	vst v5  }
0x180: {  	v5 =	vand.u32 $0xFFFF0000, v13;
	v8 =	vmul.f32 v8, v7;
	[tilespmem:s21+$0xFFFFFFE0] =	vst v9  }
0x181: {  	v13 =	vshll.u32 v17, $0x10;
	v9 =	vperm.xlane v19, v3;
	v5 =	vmul.f32 v5, v7;
	v7 =	vld [tilespmem:s22+$0x30];
	[tilespmem:s21+$0xFFFFFFF0] =	vst v6  }
0x182: {  	v6 =	vmul.f32 v13, v12;
	[tilespmem:s21+$0x60] =	vst v8;
	v8 =	vshll.u32 v10, $0x10  }
0x183: {  	v12 =	vperm.xlane v14, v3;
	[tilespmem:s21+$0x70] =	vst v5;
	v5 =	vand.u32 $0xFFFF0000, v10;
	v8 =	vmul.f32 v8, v9  }
0x184: {  	[tilespmem:s23+$0xE0] =	vst v6;
	v6 =	vshll.u32 v11, $0x10;
	v5 =	vmul.f32 v5, v9  }
0x185: {  	v9 =	vperm.xlane v16, v3;
	v10 =	vand.u32 $0xFFFF0000, v11;
	v6 =	vmul.f32 v6, v12;
	[tilespmem:s23+$0xFFFFFF60] =	vst v8  }
0x186: {  	v10 =	vmul.f32 v10, v12;
	v8 =	vshll.u32 v7, $0x10;
	[tilespmem:s23+$0xFFFFFF70] =	vst v5  }
0x187: {  	s1 =	sadd.s32 s15, s26;
	v5 =	vand.u32 $0xFFFF0000, v7;
	v7 =	vmul.f32 v8, v9;
	[tilespmem:s23+$0xFFFFFFE0] =	vst v6  }
0x188: {  	s28 =	sadd.s32 $0x3, s26;
	p5 =	sgt.u32 s1, $0x9C3;
	v5 =	vmul.f32 v5, v9;
	[tilespmem:s23+$0xFFFFFFF0] =	vst v10  }
0x189: {  	p4 =	sne.s32 @!p5 s7, $0x0;
	s1 =	simm.s32 @!p5 $0x40;
	s2 =	simm.s32 @!p5 $0x7980;
	[tilespmem:s23+$0x60] =	vst v7  }
0x18a: {  	s14 =	simm.s32 @!p5 $0x3800;
	p1 =	por p4, p5;
	s18 =	sshll.u32 s28, $0x3;
	[tilespmem:s23+$0x70] =	vst v5  }
0x18b: {  	[spmem:s31] =	stream.indirect.scatter.add.f32 @!p5 [tilespmem:s14], [sflag:$0x9], $0x80, s2, s1, $0xb8;
	[tilespmem:$0x1E300] =	vst v63  }
0x18c: {  	s1 =	simm.s32 @!p1 $0x40;
	s2 =	simm.s32 @!p1 $0x7980;
	s14 =	simm.s32 @!p1 $0x1000  }
0x18d: {  	[spmem:s11] =	stream.indirect.scatter.add.f32 @!p1 [tilespmem:s14], [sflag:$0x9], $0x10, s2, s1, $0xb8;
	[tilespmem:$0x1E300] =	vst v63  }
0x18e: {  	s22 =	simm.s32 $0x78C0;
	s21 =	sadd.s32 s3, s18  }
0x18f: {  	[tilespmem:s22], [sflag:$0x4] =	stream.linear.gather [hbm4b:s21+s4], $0x40, $0x38;
	[tilespmem:$0x1E300] =	vst v63  }
0x190: {  	s25 =	simm.s32 $0x3;
	s23 =	simm.s32 $0x7A40;
	s1 =	sadd.s32 s12, s18  }
0x191: {  	[tilespmem:s23], [sflag:$0x4] =	stream.linear.gather [hbm4b:s1+s4], $0x40, $0x38;
	[tilespmem:$0x1E300] =	vst v63  }
0x192: {  	_ =	swait.ge [sflag:s25], $0x40  }
0x193: {  	[sflag:s25] =	ssyncset.done $0x0  }
0x194: {  	[sflag:s25] =	ssyncadd.s32 $0xFFFFFFC0  }
0x195: {  	_ =	swait.ge [sflag:s25], $0x40  }
0x196: {  	[sflag:s25] =	ssyncset.done $0x0;
	s21 =	sld [smem:$0x7FA]  }
0x197: {  	s2 =	simm.s32 $0x7880;
	[sflag:s25] =	ssyncadd.s32 $0xFFFFFFC0  }
0x198: {  	[tilespmem:s4], [sflag:$0x7] =	stream.indirect.gather [hbm4b:s8+s24], $0x10, s2, s24, $0xb8;
	[tilespmem:$0x1E300] =	vst v63  }
0x199: {  	s14 =	simm.s32 $0x800;
	s18 =	simm.s32 $0x7A00;
	p2 =	seq.s32 s21, $0x1  }
0x19a: {  	[tilespmem:s14], [sflag:$0x7] =	stream.indirect.gather [hbm4b:s9+s24], $0x10, s18, s24, $0xb8;
	[tilespmem:$0x1E300] =	vst v63  }
0x19b: {  	s1 =	simm.s32 @!p2 $0x40;
	s2 =	simm.s32 @!p2 $0x7880;
	s14 =	simm.s32 @!p2 $0x1800  }
0x19c: {  	[tilespmem:s14], [sflag:$0x7] =	stream.indirect.gather @!p2 [hbm4b:s5+s1], $0x40, s2, s1, $0xb8;
	[tilespmem:$0x1E300] =	vst v63  }
0x19d: {  	s1 =	simm.s32 @p0 $0x40;
	s2 =	simm.s32 @p0 $0x7880;
	s14 =	simm.s32 @p0 $0x1800  }
0x19e: {  	[tilespmem:s14], [sflag:$0x7] =	stream.indirect.gather @p0 [hbm4b:s6+s1], $0x40, s2, s1, $0xb8;
	[tilespmem:$0x1E300] =	vst v63  }
0x19f: {  	s1 =	rddreg [dreg:$0x1e]  }
0x1a0: {  	s1 =	sadd.s32 @!p3 s26, s1  }
0x1a1: {  	s1 =	sshll.u32 @!p3 s1, $0x6  }
0x1a2: {  	p6 =	sgt.s32 @!p3 s1, $0x270FF  }
0x1a3: {  	p2 =	por p6, p3  }
0x1a4: {  	s1 =	simm.s32 @!p2 $0xA  }
0x1a5: {  	p6 =	por @!p3 !p0, p6;
	_ =	swait.ge @!p2 [sflag:s1], $0x2000  }
0x1a6: {  	p3 =	por p6, p3;
	[sflag:s1] =	ssyncset.done @!p2 $0x0  }
0x1a7: {  	[sflag:s1] =	ssyncadd.s32 @!p2 $0xFFFFE000;
	s1 =	simm.s32 @!p3 $0xA  }
0x1a8: {  	_ =	swait.ge @!p3 [sflag:s1], $0x400  }
0x1a9: {  	[sflag:s1] =	ssyncset.done @!p3 $0x0  }
0x1aa: {  	[sflag:s1] =	ssyncadd.s32 @!p3 $0xFFFFFC00  }
0x1ab: {  	_ =	swait.ge [sflag:s10], $0x400  }
0x1ac: {  	[sflag:s10] =	ssyncset.done $0x0  }
0x1ad: {  	[sflag:s10] =	ssyncadd.s32 $0xFFFFFC00  }
0x1ae: {  	_ =	swait.ge [sflag:s10], $0x400  }
0x1af: {  	[sflag:s10] =	ssyncset.done $0x0  }
0x1b0: {  	[sflag:s10] =	ssyncadd.s32 $0xFFFFFC00  }
0x1b1: {  	_ =	swait.ge [sflag:s10], $0x1000  }
0x1b2: {  	[sflag:s10] =	ssyncset.done $0x0  }
0x1b3: {  	s22 =	simm.s32 $0x420;
	[sflag:s10] =	ssyncadd.s32 $0xFFFFF000  }
0x1b4: {  	s23 =	simm.s32 $0xC20;
	v5 =	vld [tilespmem:s22+$0x10]  }
0x1b5: {  	v6 =	vld [tilespmem:s23+$0x10];
	_ =	sdelay $0x3  }
0x1b6: {  	v7 =	vld [tilespmem:s23+$0xFFFFFFE0]  }
0x1b7: {  	v8 =	vld [tilespmem:s22+$0xFFFFFFF0];
	v5 =	vadd.f32 v6, v5  }
0x1b8: {  	v9 =	vld [tilespmem:s23+$0xFFFFFFF0]  }
0x1b9: {  	v6 =	vld [tilespmem:s22+$0xFFFFFFE0];
	v12 =	vmul.f32 $2.000000030e-01, v5;
	_ =	sdelay $0x1  }
0x1ba: {  	v5 =	vmax.f32 v5, v12  }
0x1bb: {  	v5 =	vmul.f32 $1.442695020e+00, v5  }
0x1bc: {  	v8 =	vadd.f32 v9, v8  }
0x1bd: {  	v10 =	vld [tilespmem:s22+$0x0];
	v6 =	vadd.f32 v7, v6;
	(erf) = vpow2.f32 v5  }
0x1be: {  	v11 =	vld [tilespmem:s23+$0x0];
	v7 =	vmul.f32 $2.000000030e-01, v8  }
0x1bf: {  	v5 =	vmul.f32 $2.000000030e-01, v6  }
0x1c0: {  	v7 =	vmax.f32 v8, v7  }
0x1c1: {  	v5 =	vmax.f32 v6, v5;
	v6 =	vmul.f32 $1.442695020e+00, v7  }
0x1c2: {  	v5 =	vmul.f32 $1.442695020e+00, v5  }
0x1c3: {  	v9 =	vadd.f32 v11, v10;
	(erf) = vpow2.f32 v6  }
0x1c4: {  	(erf) = vpow2.f32 v5  }
0x1c5: {  	v10 =	vmul.f32 $2.000000030e-01, v9  }
0x1c6: {  	s25 =	simm.s32 $0x1420;
	v6 =	vpop (erf)  }
0x1c7: {  	s21 =	simm.s32 $0x2880;
	v7 =	vmax.f32 v9, v10;
	[tilespmem:s25+$0x10] =	vst v6  }
0x1c8: {  	v7 =	vmul.f32 $1.442695020e+00, v7;
	v5 =	vld [tilespmem:s21+$0x40];
	_ =	sdelay $0x1  }
0x1c9: {  	s2 =	simm.s32 $0x460  }
0x1ca: {  	s18 =	simm.s32 $0xC60;
	v16 =	vld [tilespmem:s2+$0xFFFFFFF0]  }
0x1cb: {  	v19 =	vld [tilespmem:s18+$0xFFFFFFF0];
	(erf) = vpow2.f32 v7;
	v8 =	vperm.xlane v6, v0;
	v7 =	vpop (erf)  }
0x1cc: {  	v22 =	vld [tilespmem:s2+$0x0];
	v9 =	vpop (erf);
	v11 =	vshll.u32 v5, $0x10  }
0x1cd: {  	v27 =	vld [tilespmem:s18+$0x0];
	[tilespmem:s25+$0xFFFFFFE0] =	vst v9;
	v5 =	vand.u32 $0xFFFF0000, v5;
	v11 =	vmul.f32 v11, v8  }
0x1ce: {  	s14 =	simm.s32 $0x5900;
	v13 =	vld [tilespmem:s21+$0xFFFFFF80];
	v5 =	vmul.f32 v5, v8  }
0x1cf: {  	v8 =	vld [tilespmem:s2+$0x10];
	[tilespmem:s14+$0x80] =	vst v11  }
0x1d0: {  	[tilespmem:s14+$0x90] =	vst v5;
	v5 =	vld [tilespmem:s18+$0x10]  }
0x1d1: {  	v11 =	vld [tilespmem:s21+$0x50]  }
0x1d2: {  	[tilespmem:s25+$0xFFFFFFF0] =	vst v7  }
0x1d3: {  	v16 =	vadd.f32 v19, v16;
	v23 =	vperm.xlane v6, v1;
	v10 =	vld [tilespmem:s21+$0xFFFFFFC0]  }
0x1d4: {  	v15 =	vld [tilespmem:s18+$0xFFFFFFE0];
	v22 =	vadd.f32 v27, v22;
	v17 =	vperm.xlane v7, v0;
	v12 =	vpop (erf);
	v18 =	vperm.xlane v9, v0  }
0x1d5: {  	v24 =	vld [tilespmem:s2+$0xFFFFFFE0];
	v20 =	vperm.xlane v9, v1;
	[tilespmem:s25+$0x0] =	vst v12;
	v21 =	vperm.xlane v12, v0;
	v5 =	vadd.f32 v5, v8  }
0x1d6: {  	v14 =	vld [tilespmem:s21+$0x0];
	v25 =	vshll.u32 v13, $0x10;
	v13 =	vand.u32 $0xFFFF0000, v13;
	v26 =	vshll.u32 v11, $0x10  }
0x1d7: {  	v11 =	vand.u32 $0xFFFF0000, v11;
	v28 =	vmul.f32 $2.000000030e-01, v5;
	v26 =	vmul.f32 v26, v23  }
0x1d8: {  	v13 =	vmul.f32 v13, v18;
	v8 =	vshll.u32 v10, $0x10;
	v11 =	vmul.f32 v11, v23  }
0x1d9: {  	v10 =	vand.u32 $0xFFFF0000, v10;
	v8 =	vmul.f32 v8, v17;
	v5 =	vmax.f32 v5, v28;
	[tilespmem:s14+$0xA0] =	vst v26  }
0x1da: {  	v23 =	vmul.f32 v25, v18;
	[tilespmem:s14+$0xB0] =	vst v11;
	v11 =	vadd.f32 v15, v24;
	v5 =	vmul.f32 $1.442695020e+00, v5  }
0x1db: {  	v19 =	vshll.u32 v14, $0x10;
	[tilespmem:s14+$0xFFFFFF10] =	vst v13;
	v10 =	vmul.f32 v10, v17;
	v18 =	vmul.f32 $2.000000030e-01, v16;
	v15 =	vld [tilespmem:s21+$0x60]  }
0x1dc: {  	[tilespmem:s14+$0xFFFFFF00] =	vst v23;
	(erf) = vpow2.f32 v5;
	v5 =	vand.u32 $0xFFFF0000, v14;
	v14 =	vmul.f32 $2.000000030e-01, v11  }
0x1dd: {  	v13 =	vmul.f32 $2.000000030e-01, v22;
	v17 =	vmul.f32 v19, v21;
	[tilespmem:s14+$0xFFFFFF80] =	vst v8;
	v16 =	vmax.f32 v16, v18;
	v8 =	vld [tilespmem:s21+$0xFFFFFF90]  }
0x1de: {  	[tilespmem:s14+$0xFFFFFF90] =	vst v10;
	v10 =	vperm.xlane v6, v2;
	v11 =	vmax.f32 v11, v14;
	v14 =	vmul.f32 $1.442695020e+00, v16  }
0x1df: {  	v13 =	vmax.f32 v22, v13;
	v5 =	vmul.f32 v5, v21;
	v11 =	vmul.f32 $1.442695020e+00, v11  }
0x1e0: {  	v13 =	vmul.f32 $1.442695020e+00, v13;
	[tilespmem:s14+$0x0] =	vst v17;
	v16 =	vld [tilespmem:s21+$0xFFFFFFD0];
	v18 =	vshll.u32 v15, $0x10;
	(erf) = vpow2.f32 v14  }
0x1e1: {  	[tilespmem:s14+$0x10] =	vst v5;
	v14 =	vand.u32 $0xFFFF0000, v15;
	v15 =	vmul.f32 v18, v10;
	(erf) = vpow2.f32 v11  }
0x1e2: {  	v18 =	vld [tilespmem:s21+$0x10];
	v5 =	vmul.f32 v14, v10;
	v11 =	vshll.u32 v8, $0x10;
	v8 =	vand.u32 $0xFFFF0000, v8  }
0x1e3: {  	[tilespmem:s14+$0xC0] =	vst v15;
	v8 =	vmul.f32 v8, v20  }
0x1e4: {  	v10 =	vperm.xlane v7, v1;
	(erf) = vpow2.f32 v13;
	[tilespmem:s14+$0xD0] =	vst v5  }
0x1e5: {  	s22 =	simm.s32 $0x1460;
	v5 =	vmul.f32 v11, v20;
	v11 =	vperm.xlane v12, v1;
	v14 =	vshll.u32 v16, $0x10;
	[tilespmem:s14+$0xFFFFFF30] =	vst v8;
	v13 =	vpop (erf)  }
0x1e6: {  	s23 =	simm.s32 $0x2980;
	v20 =	vperm.xlane v7, v2;
	v15 =	vand.u32 $0xFFFF0000, v16;
	v19 =	vld [tilespmem:s21+$0x70];
	v16 =	vmul.f32 v14, v10;
	[tilespmem:s22+$0x10] =	vst v13  }
0x1e7: {  	v10 =	vmul.f32 v15, v10;
	v15 =	vperm.xlane v7, v3;
	[tilespmem:s14+$0xFFFFFF20] =	vst v5;
	v7 =	vshll.u32 v18, $0x10;
	v21 =	vld [tilespmem:s23+$0x40]  }
0x1e8: {  	v22 =	vperm.xlane v12, v2;
	v8 =	vand.u32 $0xFFFF0000, v18;
	[tilespmem:s14+$0xFFFFFFA0] =	vst v16;
	v7 =	vmul.f32 v7, v11  }
0x1e9: {  	v17 =	vperm.xlane v9, v2;
	[tilespmem:s14+$0xFFFFFFB0] =	vst v10;
	v8 =	vmul.f32 v8, v11  }
0x1ea: {  	v14 =	vperm.xlane v9, v3;
	v5 =	vperm.xlane v12, v3;
	[tilespmem:s14+$0x20] =	vst v7  }
0x1eb: {  	v12 =	vperm.xlane v6, v3;
	v9 =	vperm.xlane v13, v0;
	v11 =	vld [tilespmem:s21+$0xFFFFFFA0];
	[tilespmem:s14+$0x30] =	vst v8;
	v6 =	vpop (erf)  }
0x1ec: {  	s25 =	simm.s32 $0x4A0;
	v48 =	vperm.xlane v13, v1;
	v25 =	vld [tilespmem:s21+$0xFFFFFFE0];
	v10 =	vand.u32 $0xFFFF0000, v19;
	[tilespmem:s22+$0xFFFFFFF0] =	vst v6;
	v16 =	vpop (erf);
	v18 =	vshll.u32 v21, $0x10  }
0x1ed: {  	v63 =	vld [tilespmem:s25+$0x10];
	v24 =	vmul.f32 v10, v12;
	[tilespmem:s22+$0xFFFFFFE0] =	vst v16;
	v23 =	vpop (erf);
	v10 =	vand.u32 $0xFFFF0000, v21;
	v18 =	vmul.f32 v18, v9  }
0x1ee: {  	s18 =	simm.s32 $0x5B00;
	v19 =	vshll.u32 v19, $0x10;
	v29 =	vperm.xlane v6, v1;
	v26 =	vld [tilespmem:s23+$0xFFFFFFC0];
	[tilespmem:s22+$0x0] =	vst v23;
	v9 =	vmul.f32 v10, v9  }
0x1ef: {  	v12 =	vmul.f32 v19, v12;
	v7 =	vperm.xlane v16, v0;
	v28 =	vld [tilespmem:s23+$0xFFFFFF80];
	[tilespmem:s18+$0x80] =	vst v18  }
0x1f0: {  	v27 =	vperm.xlane v16, v1;
	v31 =	vshll.u32 v11, $0x10;
	v8 =	vand.u32 $0xFFFF0000, v11;
	v30 =	vld [tilespmem:s23+$0x0];
	[tilespmem:s18+$0x90] =	vst v9  }
0x1f1: {  	v21 =	vperm.xlane v6, v0;
	v58 =	vperm.xlane v23, v1;
	v61 =	vshll.u32 v25, $0x10;
	v59 =	vld [tilespmem:s23+$0x50]  }
0x1f2: {  	v54 =	vld [tilespmem:s25+$0xFFFFFFE0];
	s22 =	simm.s32 $0xCA0;
	v25 =	vand.u32 $0xFFFF0000, v25;
	v10 =	vperm.xlane v16, v2;
	v35 =	vmul.f32 v61, v20  }
0x1f3: {  	v46 =	vld [tilespmem:s22+$0x10];
	v20 =	vmul.f32 v25, v20;
	v18 =	vperm.xlane v23, v0;
	v62 =	vshll.u32 v26, $0x10  }
0x1f4: {  	v60 =	vld [tilespmem:s21+$0x20];
	v26 =	vand.u32 $0xFFFF0000, v26;
	v45 =	vshll.u32 v28, $0x10;
	v36 =	vmul.f32 v62, v21  }
0x1f5: {  	v47 =	vld [tilespmem:s22+$0xFFFFFFE0];
	v28 =	vand.u32 $0xFFFF0000, v28;
	v21 =	vmul.f32 v26, v21;
	v38 =	vmul.f32 v45, v7  }
0x1f6: {  	[tilespmem:s14+$0xF0] =	vst v24;
	v24 =	vld [tilespmem:s22+$0xFFFFFFF0];
	v49 =	vshll.u32 v30, $0x10;
	v7 =	vmul.f32 v28, v7;
	v43 =	vshll.u32 v59, $0x10  }
0x1f7: {  	[tilespmem:s14+$0xFFFFFFC0] =	vst v35;
	v28 =	vld [tilespmem:s25+$0xFFFFFFF0];
	v30 =	vand.u32 $0xFFFF0000, v30;
	v26 =	vand.u32 $0xFFFF0000, v59;
	v50 =	vmul.f32 v43, v48  }
0x1f8: {  	v52 =	vld [tilespmem:s25+$0x0];
	v37 =	vadd.f32 v46, v63;
	[tilespmem:s18+$0xFFFFFF80] =	vst v36;
	v51 =	vmul.f32 v49, v18;
	v26 =	vmul.f32 v26, v48  }
0x1f9: {  	v53 =	vshll.u32 v60, $0x10;
	v18 =	vmul.f32 v30, v18;
	v30 =	vmul.f32 v31, v17;
	v31 =	vld [tilespmem:s22+$0x0];
	[tilespmem:s18+$0xA0] =	vst v50  }
0x1fa: {  	v17 =	vmul.f32 v8, v17;
	v8 =	vand.u32 $0xFFFF0000, v60;
	v25 =	vmul.f32 $2.000000030e-01, v37;
	[tilespmem:s18+$0xB0] =	vst v26  }
0x1fb: {  	v33 =	vmul.f32 v53, v22;
	[tilespmem:s18+$0xFFFFFF90] =	vst v21;
	v21 =	vadd.f32 v47, v54;
	v22 =	vmul.f32 v8, v22;
	v26 =	vld [tilespmem:s23+$0x60]  }
0x1fc: {  	[tilespmem:s18+$0xFFFFFF10] =	vst v7;
	v8 =	vperm.xlane v16, v3;
	v16 =	vmax.f32 v37, v25;
	v7 =	vadd.f32 v24, v28  }
0x1fd: {  	v9 =	vperm.xlane v23, v2;
	[tilespmem:s18+$0x10] =	vst v18;
	v16 =	vmul.f32 $1.442695020e+00, v16  }
0x1fe: {  	[tilespmem:s14+$0xFFFFFF50] =	vst v17;
	v17 =	vmul.f32 $2.000000030e-01, v21;
	v28 =	vadd.f32 v31, v52;
	v18 =	vmul.f32 $2.000000030e-01, v7  }
0x1ff: {  	[tilespmem:s18+$0xFFFFFF00] =	vst v38;
	v24 =	vperm.xlane v13, v2;
	(erf) = vpow2.f32 v16  }
0x200: {  	[tilespmem:s18+$0x0] =	vst v51;
	v25 =	vld [tilespmem:s23+$0xFFFFFF90];
	v31 =	vmul.f32 $2.000000030e-01, v28;
	v18 =	vmax.f32 v7, v18;
	v16 =	vshll.u32 v26, $0x10  }
0x201: {  	[tilespmem:s14+$0xFFFFFF40] =	vst v30;
	v30 =	vld [tilespmem:s23+$0xFFFFFFD0];
	v7 =	vperm.xlane v23, v3;
	v26 =	vand.u32 $0xFFFF0000, v26;
	v16 =	vmul.f32 v16, v24  }
0x202: {  	[tilespmem:s14+$0xFFFFFFD0] =	vst v20;
	v17 =	vmax.f32 v21, v17;
	v23 =	vld [tilespmem:s23+$0x10];
	v18 =	vmul.f32 $1.442695020e+00, v18;
	v24 =	vmul.f32 v26, v24  }
0x203: {  	v11 =	vperm.xlane v6, v2;
	v17 =	vmul.f32 $1.442695020e+00, v17;
	v19 =	vmax.f32 v28, v31;
	[tilespmem:s18+$0xC0] =	vst v16  }
0x204: {  	v21 =	vld [tilespmem:s21+$0xFFFFFFF0];
	v19 =	vmul.f32 $1.442695020e+00, v19;
	(erf) = vpow2.f32 v18;
	[tilespmem:s18+$0xD0] =	vst v24  }
0x205: {  	[tilespmem:s14+$0xE0] =	vst v12;
	v13 =	vperm.xlane v13, v3;
	v20 =	vshll.u32 v25, $0x10;
	(erf) = vpow2.f32 v17;
	v18 =	vld [tilespmem:s23+$0x70]  }
0x206: {  	[tilespmem:s14+$0x40] =	vst v33;
	(erf) = vpow2.f32 v19;
	v19 =	vmul.f32 v20, v27  }
0x207: {  	[tilespmem:s14+$0x50] =	vst v22;
	v17 =	vand.u32 $0xFFFF0000, v30;
	v22 =	vshll.u32 v23, $0x10;
	v23 =	vand.u32 $0xFFFF0000, v23;
	v16 =	vld [tilespmem:s21+$0xFFFFFFB0]  }
0x208: {  	s30 =	simm.s32 $0x14A0;
	v20 =	vld [tilespmem:s21+$0x30];
	v17 =	vmul.f32 v17, v29;
	v24 =	vand.u32 $0xFFFF0000, v25;
	v31 =	vmul.f32 v22, v58;
	v12 =	vpop (erf);
	[tilespmem:s18+$0xFFFFFF20] =	vst v19  }
0x209: {  	v25 =	vshll.u32 v30, $0x10;
	s21 =	simm.s32 $0x2A80;
	v56 =	vmul.f32 v23, v58;
	v24 =	vmul.f32 v24, v27;
	[tilespmem:s30+$0x10] =	vst v12  }
0x20a: {  	v25 =	vmul.f32 v25, v29;
	v27 =	vshll.u32 v21, $0x10;
	[tilespmem:s18+$0xFFFFFFB0] =	vst v17;
	v55 =	vld [tilespmem:s21+$0x40];
	v19 =	vand.u32 $0xFFFF0000, v18  }
0x20b: {  	v21 =	vand.u32 $0xFFFF0000, v21;
	v23 =	vmul.f32 v27, v15;
	[tilespmem:s18+$0xFFFFFF30] =	vst v24;
	v19 =	vmul.f32 v19, v13  }
0x20c: {  	v17 =	vmul.f32 v21, v15;
	[tilespmem:s18+$0xFFFFFFA0] =	vst v25;
	v25 =	vld [tilespmem:s23+$0xFFFFFFA0];
	v26 =	vshll.u32 v16, $0x10;
	v16 =	vand.u32 $0xFFFF0000, v16  }
0x20d: {  	v24 =	vshll.u32 v20, $0x10;
	v57 =	vmul.f32 v26, v14;
	v28 =	vmul.f32 v16, v14;
	v14 =	vpop (erf)  }
0x20e: {  	v58 =	vld [tilespmem:s23+$0xFFFFFFE0];
	v15 =	vmul.f32 v24, v5;
	v24 =	vand.u32 $0xFFFF0000, v20;
	v20 =	vperm.xlane v12, v0;
	[tilespmem:s30+$0xFFFFFFF0] =	vst v14  }
0x20f: {  	v6 =	vperm.xlane v6, v3;
	v22 =	vshll.u32 v18, $0x10;
	v21 =	vshll.u32 v55, $0x10;
	[tilespmem:s18+$0xF0] =	vst v19;
	v19 =	vpop (erf)  }
0x210: {  	v29 =	vperm.xlane v14, v0;
	v59 =	vld [tilespmem:s21+$0xFFFFFFC0];
	v26 =	vand.u32 $0xFFFF0000, v55;
	v61 =	vmul.f32 v21, v20;
	[tilespmem:s30+$0xFFFFFFE0] =	vst v19;
	v16 =	vpop (erf)  }
0x211: {  	v21 =	vperm.xlane v14, v1;
	v62 =	vmul.f32 v26, v20;
	v32 =	vshll.u32 v25, $0x10;
	v60 =	vld [tilespmem:s21+$0xFFFFFF80];
	[tilespmem:s30+$0x0] =	vst v16  }
0x212: {  	s25 =	simm.s32 $0x5D00;
	[tilespmem:s18+$0x20] =	vst v31;
	v31 =	vand.u32 $0xFFFF0000, v25;
	v26 =	vperm.xlane v14, v2;
	v34 =	vperm.xlane v19, v0;
	v37 =	vld [tilespmem:s21+$0x0]  }
0x213: {  	v33 =	vshll.u32 v58, $0x10;
	[tilespmem:s25+$0x80] =	vst v61;
	v18 =	vperm.xlane v19, v1;
	v27 =	vperm.xlane v19, v2  }
0x214: {  	p1 =	por @!p1 $0x1, $0x1;
	p2 =	por @!p5 $0x0, $0x0;
	p3 =	por !p4, p5;
	v35 =	vand.u32 $0xFFFF0000, v58;
	[tilespmem:s25+$0x90] =	vst v62;
	v30 =	vperm.xlane v16, v0;
	v20 =	vperm.xlane v16, v1  }
0x215: {  	s29 =	smov.u32 s31;
	p1 =	por @!p3 p2, p2;
	p3 =	por $0x0, $0x0;
	[tilespmem:s18+$0x30] =	vst v56;
	v38 =	vld [tilespmem:s21+$0x50];
	v25 =	vperm.xlane v16, v2;
	v63 =	vshll.u32 v59, $0x10;
	v39 =	vand.u32 $0xFFFF0000, v59  }
0x216: {  	s31 =	simm.s32 $0x8;
	s1 =	simm.s32 $0x4E0;
	p3 =	por @!p5 p1, p1;
	v36 =	vld [tilespmem:s23+$0x20];
	[tilespmem:s14+$0xFFFFFF60] =	vst v57;
	v41 =	vmul.f32 v63, v29;
	v42 =	vshll.u32 v60, $0x10;
	v40 =	vand.u32 $0xFFFF0000, v60  }
.LBB2_7:
0x217: {  	v43 =	vld [tilespmem:s1+$0x10];
	v42 =	vmul.f32 v42, v34;
	v44 =	vshll.u32 v37, $0x10;
	v37 =	vand.u32 $0xFFFF0000, v37;
	s22 =	sadd.s32 $0x40, s22;
	[tilespmem:s14+$0xFFFFFF70] =	vst v28  }
0x218: {  	v34 =	vmul.f32 v40, v34;
	v29 =	vmul.f32 v39, v29;
	v28 =	vld [tilespmem:s22+$0x10];
	[tilespmem:s25+$0xFFFFFF80] =	vst v41  }
0x219: {  	v40 =	vmul.f32 v44, v30;
	v41 =	vperm.xlane v12, v1;
	v39 =	vld [tilespmem:s22+$0xFFFFFFE0];
	[tilespmem:s25+$0xFFFFFF00] =	vst v42  }
0x21a: {  	v32 =	vmul.f32 v32, v10;
	v30 =	vmul.f32 v37, v30;
	v42 =	vld [tilespmem:s1+$0xFFFFFFF0];
	[tilespmem:s25+$0xFFFFFF10] =	vst v34;
	v34 =	vshll.u32 v38, $0x10  }
0x21b: {  	s31 =	sadd.s32 $0x4, s31;
	v37 =	vld [tilespmem:s22+$0xFFFFFFF0];
	[tilespmem:s25+$0xFFFFFF90] =	vst v29;
	v29 =	vand.u32 $0xFFFF0000, v38;
	v34 =	vmul.f32 v34, v41;
	v38 =	vshll.u32 v36, $0x10  }
0x21c: {  	v31 =	vmul.f32 v31, v10;
	v10 =	vmovc v27;
	p1 =	slt.u32 s31, $0x3C;
	v36 =	vand.u32 $0xFFFF0000, v36;
	v44 =	vld [tilespmem:s1+$0x0];
	[tilespmem:s25+$0x0] =	vst v40;
	v29 =	vmul.f32 v29, v41  }
0x21d: {  	v33 =	vmul.f32 v33, v11;
	v27 =	vld [tilespmem:s22+$0x0];
	v28 =	vadd.f32 v28, v43;
	[tilespmem:s25+$0xA0] =	vst v34;
	v34 =	vmul.f32 v35, v11  }
0x21e: {  	v36 =	vmul.f32 v36, v9;
	v11 =	vmovc v26;
	v35 =	vld [tilespmem:s1+$0xFFFFFFE0];
	[tilespmem:s25+$0xB0] =	vst v29;
	v29 =	vmul.f32 v38, v9;
	v9 =	vmov v25  }
0x21f: {  	v19 =	vperm.xlane v19, v3;
	v25 =	vmul.f32 $2.000000030e-01, v28;
	[tilespmem:s25+$0x10] =	vst v30;
	v26 =	vld [tilespmem:s21+$0x60]  }
0x220: {  	v38 =	vperm.xlane v14, v3;
	v14 =	vperm.xlane v16, v3;
	v30 =	vadd.f32 v37, v42;
	v37 =	vld [tilespmem:s21+$0xFFFFFF90];
	[tilespmem:s18+$0xFFFFFF40] =	vst v32  }
0x221: {  	v13 =	vmul.f32 v22, v13;
	v22 =	vmul.f32 v24, v5;
	v16 =	vmax.f32 v28, v25;
	v25 =	vld [tilespmem:s21+$0xFFFFFFD0];
	[tilespmem:s18+$0xFFFFFF50] =	vst v31  }
0x222: {  	v5 =	vmovc v7;
	v7 =	vmovc v14;
	v24 =	vmul.f32 $2.000000030e-01, v30;
	v27 =	vadd.f32 v27, v44;
	v16 =	vmul.f32 $1.442695020e+00, v16;
	v28 =	vld [tilespmem:s21+$0x10];
	[tilespmem:s18+$0xFFFFFFC0] =	vst v33  }
0x223: {  	v31 =	vperm.xlane v12, v2;
	v14 =	vadd.f32 v39, v35;
	v32 =	vld [tilespmem:s23+$0xFFFFFFB0];
	[tilespmem:s18+$0xFFFFFFD0] =	vst v34  }
0x224: {  	v33 =	vmul.f32 $2.000000030e-01, v27;
	(erf) = vpow2.f32 v16;
	v16 =	vshll.u32 v26, $0x10;
	v34 =	vld [tilespmem:s23+$0xFFFFFFF0];
	[tilespmem:s18+$0x40] =	vst v29  }
0x225: {  	v26 =	vand.u32 $0xFFFF0000, v26;
	v29 =	vmul.f32 $2.000000030e-01, v14;
	v16 =	vmul.f32 v16, v31;
	[tilespmem:s18+$0x50] =	vst v36  }
0x226: {  	v24 =	vmax.f32 v30, v24;
	v26 =	vmul.f32 v26, v31;
	v27 =	vmax.f32 v27, v33;
	v30 =	vld [tilespmem:s23+$0x30];
	[tilespmem:s14+$0xFFFFFFE0] =	vst v23;
	s23 =	smov.u32 s21  }
0x227: {  	v23 =	vmul.f32 $1.442695020e+00, v24;
	v14 =	vmax.f32 v14, v29;
	v24 =	vmul.f32 $1.442695020e+00, v27;
	[tilespmem:s25+$0xC0] =	vst v16  }
0x228: {  	v16 =	vshll.u32 v37, $0x10;
	v27 =	vand.u32 $0xFFFF0000, v37;
	v14 =	vmul.f32 $1.442695020e+00, v14;
	[tilespmem:s25+$0xD0] =	vst v26  }
0x229: {  	(erf) = vpow2.f32 v23;
	v23 =	vshll.u32 v25, $0x10;
	v25 =	vand.u32 $0xFFFF0000, v25;
	v26 =	vld [tilespmem:s21+$0x70];
	[tilespmem:s14+$0xFFFFFFF0] =	vst v17  }
0x22a: {  	v17 =	vand.u32 $0xFFFF0000, v28;
	(erf) = vpow2.f32 v14;
	v14 =	vshll.u32 v28, $0x10;
	[tilespmem:s14+$0x60] =	vst v15  }
0x22b: {  	v15 =	vmul.f32 v16, v18;
	v16 =	vshll.u32 v32, $0x10;
	(erf) = vpow2.f32 v24;
	[tilespmem:s14+$0x70] =	vst v22;
	s14 =	smov.u32 s18;
	s18 =	smov.u32 s25  }
0x22c: {  	v18 =	vmul.f32 v27, v18;
	v22 =	vmul.f32 v23, v21;
	v23 =	vand.u32 $0xFFFF0000, v32;
	[tilespmem:s14+$0xE0] =	vst v13  }
0x22d: {  	s30 =	sadd.s32 $0x40, s30;
	v13 =	vperm.xlane v12, v3;
	[tilespmem:s25+$0xFFFFFF20] =	vst v15;
	v15 =	vmul.f32 v25, v21;
	v12 =	vpop (erf);
	v21 =	vshll.u32 v34, $0x10  }
0x22e: {  	s21 =	sadd.s32 $0x100, s21;
	v36 =	vmul.f32 v17, v20;
	v25 =	vmul.f32 v14, v20;
	[tilespmem:s30+$0x10] =	vst v12;
	v14 =	vand.u32 $0xFFFF0000, v26  }
0x22f: {  	v17 =	vand.u32 $0xFFFF0000, v34;
	v20 =	vld [tilespmem:s21+$0x40];
	[tilespmem:s25+$0xFFFFFF30] =	vst v18;
	v27 =	vmul.f32 v14, v13;
	v18 =	vshll.u32 v30, $0x10  }
0x230: {  	v43 =	vmul.f32 v16, v8;
	v24 =	vand.u32 $0xFFFF0000, v30;
	v31 =	vld [tilespmem:s23+$0xFFFFFFA0];
	[tilespmem:s25+$0xFFFFFFA0] =	vst v22;
	v22 =	vshll.u32 v26, $0x10  }
0x231: {  	v28 =	vmul.f32 v23, v8;
	v8 =	vmov v19;
	v23 =	vmul.f32 v21, v6;
	[tilespmem:s25+$0xF0] =	vst v27  }
0x232: {  	v17 =	vmul.f32 v17, v6;
	v6 =	vmov v38;
	v14 =	vpop (erf);
	[tilespmem:s25+$0xFFFFFFB0] =	vst v15;
	v15 =	vmul.f32 v18, v5  }
0x233: {  	v26 =	vperm.xlane v12, v0;
	[tilespmem:s30+$0xFFFFFFF0] =	vst v14;
	v29 =	vperm.xlane v14, v0;
	v19 =	vpop (erf);
	v35 =	vld [tilespmem:s23+$0xFFFFFFE0]  }
0x234: {  	[tilespmem:s30+$0xFFFFFFE0] =	vst v19;
	v34 =	vperm.xlane v19, v0;
	v18 =	vperm.xlane v19, v1;
	v38 =	vld [tilespmem:s21+$0xFFFFFFC0];
	v21 =	vshll.u32 v20, $0x10;
	v16 =	vpop (erf)  }
0x235: {  	v20 =	vand.u32 $0xFFFF0000, v20;
	v40 =	vld [tilespmem:s21+$0xFFFFFF80];
	[tilespmem:s30+$0x0] =	vst v16;
	v30 =	vperm.xlane v16, v0;
	v33 =	vmul.f32 v21, v26  }
.Ltmp2:
0x236: {  	s25 =	sadd.s32 $0x200, s25;
	v21 =	vperm.xlane v14, v1;
	v39 =	vmul.f32 v20, v26;
	v32 =	vshll.u32 v31, $0x10;
	v37 =	vld [tilespmem:s21+$0x0];
	[tilespmem:s18+$0x20] =	vst v25;
	(pc) =	sbr.rel @p1 .LBB2_7-.Ltmp2, $4  }
0x237: {  	v27 =	vperm.xlane v19, v2;
	v20 =	vperm.xlane v16, v1;
	v31 =	vand.u32 $0xFFFF0000, v31;
	[tilespmem:s25+$0x80] =	vst v33  }
0x238: {  	v26 =	vperm.xlane v14, v2;
	v25 =	vperm.xlane v16, v2;
	[tilespmem:s25+$0x90] =	vst v39;
	v33 =	vshll.u32 v35, $0x10  }
0x239: {  	v35 =	vand.u32 $0xFFFF0000, v35;
	v41 =	vshll.u32 v38, $0x10;
	v39 =	vand.u32 $0xFFFF0000, v38;
	v38 =	vld [tilespmem:s21+$0x50];
	[tilespmem:s18+$0x30] =	vst v36  }
0x23a: {  	s1 =	sadd.s32 $0x40, s1;
	v42 =	vshll.u32 v40, $0x10;
	v40 =	vand.u32 $0xFFFF0000, v40;
	v41 =	vmul.f32 v41, v29;
	v36 =	vld [tilespmem:s23+$0x20];
	[tilespmem:s14+$0xFFFFFF60] =	vst v43  }
0x23b: {  	[tilespmem:s14+$0xFFFFFF70] =	vst v28  }
0x23c: {  	[tilespmem:s14+$0xFFFFFFE0] =	vst v23  }
0x23d: {  	v42 =	vmul.f32 v42, v34;
	[tilespmem:s14+$0xFFFFFFF0] =	vst v17  }
0x23e: {  	v28 =	vmul.f32 v40, v34;
	v55 =	vshll.u32 v37, $0x10;
	[tilespmem:s25+$0xFFFFFF80] =	vst v41  }
0x23f: {  	v29 =	vmul.f32 v39, v29;
	v56 =	vperm.xlane v12, v1;
	v57 =	vand.u32 $0xFFFF0000, v37;
	[tilespmem:s25+$0xFFFFFF00] =	vst v42  }
0x240: {  	v34 =	vmul.f32 v55, v30;
	v30 =	vmul.f32 v57, v30;
	[tilespmem:s25+$0xFFFFFF10] =	vst v28;
	v28 =	vshll.u32 v38, $0x10  }
0x241: {  	[tilespmem:s25+$0xFFFFFF90] =	vst v29;
	v29 =	vand.u32 $0xFFFF0000, v38;
	v28 =	vmul.f32 v28, v56  }
0x242: {  	[tilespmem:s25+$0x10] =	vst v30;
	v29 =	vmul.f32 v29, v56  }
0x243: {  	v30 =	vmul.f32 v33, v11;
	[tilespmem:s25+$0xA0] =	vst v28  }
0x244: {  	v28 =	vmul.f32 v32, v10;
	[tilespmem:s25+$0xB0] =	vst v29  }
0x245: {  	[tilespmem:s18+$0xFFFFFFC0] =	vst v30;
	v10 =	vmul.f32 v31, v10;
	v29 =	vld [tilespmem:s21+$0x60]  }
0x246: {  	v11 =	vmul.f32 v35, v11;
	[tilespmem:s18+$0xFFFFFF40] =	vst v28;
	v28 =	vshll.u32 v36, $0x10  }
0x247: {  	[tilespmem:s18+$0xFFFFFF50] =	vst v10;
	v10 =	vand.u32 $0xFFFF0000, v36;
	v28 =	vmul.f32 v28, v9  }
0x248: {  	[tilespmem:s18+$0xFFFFFFD0] =	vst v11;
	v11 =	vld [tilespmem:s21+$0xFFFFFF90];
	v9 =	vmul.f32 v10, v9  }
0x249: {  	v10 =	vperm.xlane v12, v2;
	[tilespmem:s18+$0x40] =	vst v28  }
0x24a: {  	[tilespmem:s18+$0x50] =	vst v9;
	v9 =	vld [tilespmem:s21+$0xFFFFFFD0];
	v30 =	vshll.u32 v29, $0x10;
	v28 =	vand.u32 $0xFFFF0000, v29  }
0x24b: {  	[tilespmem:s25+$0x0] =	vst v34;
	v29 =	vmul.f32 v30, v10;
	v10 =	vmul.f32 v28, v10  }
0x24c: {  	[tilespmem:s14+$0x60] =	vst v15;
	v23 =	vld [tilespmem:s21+$0x10]  }
0x24d: {  	v5 =	vmul.f32 v24, v5;
	[tilespmem:s25+$0xD0] =	vst v10;
	v10 =	vshll.u32 v11, $0x10  }
0x24e: {  	[tilespmem:s25+$0xC0] =	vst v29;
	v11 =	vand.u32 $0xFFFF0000, v11;
	v10 =	vmul.f32 v10, v18  }
0x24f: {  	[tilespmem:s14+$0x70] =	vst v5;
	v15 =	vshll.u32 v9, $0x10;
	v17 =	vld [tilespmem:s21+$0x70];
	v5 =	vmul.f32 v11, v18  }
0x250: {  	v11 =	vld [tilespmem:s23+$0xFFFFFFB0];
	v9 =	vand.u32 $0xFFFF0000, v9;
	v15 =	vmul.f32 v15, v21;
	[tilespmem:s25+$0xFFFFFF20] =	vst v10  }
0x251: {  	v9 =	vmul.f32 v9, v21;
	v10 =	vshll.u32 v23, $0x10;
	[tilespmem:s25+$0xFFFFFF30] =	vst v5  }
0x252: {  	v5 =	vand.u32 $0xFFFF0000, v23;
	v10 =	vmul.f32 v10, v20;
	v18 =	vld [tilespmem:s21+$0xFFFFFFA0];
	[tilespmem:s25+$0xFFFFFFA0] =	vst v15  }
0x253: {  	v12 =	vperm.xlane v12, v3;
	v5 =	vmul.f32 v5, v20;
	[tilespmem:s25+$0xFFFFFFB0] =	vst v9  }
0x254: {  	v9 =	vmul.f32 v22, v13;
	v15 =	vld [tilespmem:s21+$0xFFFFFFE0];
	v13 =	vand.u32 $0xFFFF0000, v17;
	[tilespmem:s25+$0x20] =	vst v10  }
0x255: {  	v10 =	vshll.u32 v11, $0x10;
	[tilespmem:s25+$0x30] =	vst v5;
	v13 =	vmul.f32 v13, v12  }
0x256: {  	v5 =	vand.u32 $0xFFFF0000, v11;
	[tilespmem:s18+$0xE0] =	vst v9;
	v9 =	vmul.f32 v10, v8;
	v10 =	vld [tilespmem:s21+$0x20]  }
0x257: {  	v5 =	vmul.f32 v5, v8;
	[tilespmem:s25+$0xF0] =	vst v13;
	v8 =	vshll.u32 v18, $0x10  }
0x258: {  	v11 =	vld [tilespmem:s23+$0xFFFFFFF0];
	v13 =	vand.u32 $0xFFFF0000, v18;
	[tilespmem:s18+$0xFFFFFF60] =	vst v9;
	v8 =	vmul.f32 v8, v27  }
0x259: {  	[tilespmem:s18+$0xFFFFFF70] =	vst v5;
	v9 =	vshll.u32 v15, $0x10;
	v5 =	vmul.f32 v13, v27  }
0x25a: {  	v13 =	vld [tilespmem:s23+$0x30];
	v15 =	vand.u32 $0xFFFF0000, v15;
	v9 =	vmul.f32 v9, v26;
	[tilespmem:s25+$0xFFFFFF40] =	vst v8  }
0x25b: {  	v15 =	vmul.f32 v15, v26;
	v8 =	vshll.u32 v10, $0x10;
	[tilespmem:s25+$0xFFFFFF50] =	vst v5  }
0x25c: {  	v5 =	vand.u32 $0xFFFF0000, v10;
	v8 =	vmul.f32 v8, v25;
	[tilespmem:s25+$0xFFFFFFC0] =	vst v9  }
0x25d: {  	v9 =	vshll.u32 v11, $0x10;
	v5 =	vmul.f32 v5, v25;
	v10 =	vld [tilespmem:s21+$0xFFFFFFB0];
	[tilespmem:s25+$0xFFFFFFD0] =	vst v15  }
0x25e: {  	v11 =	vand.u32 $0xFFFF0000, v11;
	v9 =	vmul.f32 v9, v6;
	[tilespmem:s25+$0x40] =	vst v8  }
0x25f: {  	v6 =	vmul.f32 v11, v6;
	v11 =	vld [tilespmem:s21+$0xFFFFFFF0];
	v8 =	vshll.u32 v13, $0x10;
	[tilespmem:s25+$0x50] =	vst v5  }
0x260: {  	v5 =	vand.u32 $0xFFFF0000, v13;
	v8 =	vmul.f32 v8, v7;
	[tilespmem:s18+$0xFFFFFFE0] =	vst v9  }
0x261: {  	v13 =	vshll.u32 v17, $0x10;
	v9 =	vperm.xlane v19, v3;
	v5 =	vmul.f32 v5, v7;
	v7 =	vld [tilespmem:s21+$0x30];
	[tilespmem:s18+$0xFFFFFFF0] =	vst v6  }
0x262: {  	v6 =	vmul.f32 v13, v12;
	[tilespmem:s18+$0x60] =	vst v8;
	v8 =	vshll.u32 v10, $0x10  }
0x263: {  	v12 =	vperm.xlane v14, v3;
	[tilespmem:s18+$0x70] =	vst v5;
	v5 =	vand.u32 $0xFFFF0000, v10;
	v8 =	vmul.f32 v8, v9  }
0x264: {  	[tilespmem:s25+$0xE0] =	vst v6;
	v6 =	vshll.u32 v11, $0x10;
	v5 =	vmul.f32 v5, v9  }
0x265: {  	v9 =	vperm.xlane v16, v3;
	v10 =	vand.u32 $0xFFFF0000, v11;
	v6 =	vmul.f32 v6, v12;
	[tilespmem:s25+$0xFFFFFF60] =	vst v8  }
0x266: {  	v10 =	vmul.f32 v10, v12;
	v8 =	vshll.u32 v7, $0x10;
	[tilespmem:s25+$0xFFFFFF70] =	vst v5  }
0x267: {  	v5 =	vand.u32 $0xFFFF0000, v7;
	v7 =	vmul.f32 v8, v9;
	[tilespmem:s25+$0xFFFFFFE0] =	vst v6  }
0x268: {  	v5 =	vmul.f32 v5, v9;
	[tilespmem:s25+$0xFFFFFFF0] =	vst v10  }
0x269: {  	s1 =	simm.s32 @!p5 $0x40;
	[tilespmem:s25+$0x60] =	vst v7  }
0x26a: {  	s2 =	simm.s32 @!p5 $0x79C0;
	p1 =	por !p0, p5;
	s14 =	simm.s32 @!p5 $0x5800;
	[tilespmem:s25+$0x70] =	vst v5  }
0x26b: {  	[spmem:s29] =	stream.indirect.scatter.add.f32 @!p5 [tilespmem:s14], [sflag:$0xA], $0x80, s2, s1, $0xb8;
	[tilespmem:$0x1E300] =	vst v63  }
0x26c: {  	s1 =	simm.s32 @!p1 $0x40;
	s2 =	simm.s32 @!p1 $0x79C0;
	s14 =	simm.s32 @!p1 $0x1400  }
0x26d: {  	[spmem:s11] =	stream.indirect.scatter.add.f32 @!p1 [tilespmem:s14], [sflag:$0xA], $0x10, s2, s1, $0xb8;
	[tilespmem:$0x1E300] =	vst v63  }
0x26e: {  	s14 =	sadd.s32 $0x4, s26  }
0x26f: {  	s25 =	sshll.u32 s14, $0x3  }
0x270: {  	s21 =	simm.s32 $0x7900;
	s18 =	sadd.s32 s3, s25  }
0x271: {  	[tilespmem:s21], [sflag:$0x5] =	stream.linear.gather [hbm4b:s18+s4], $0x40, $0x38;
	[tilespmem:$0x1E300] =	vst v63  }
0x272: {  	s22 =	simm.s32 $0x7A80;
	s1 =	sadd.s32 s12, s25  }
0x273: {  	[tilespmem:s22], [sflag:$0x5] =	stream.linear.gather [hbm4b:s1+s4], $0x40, $0x38;
	[tilespmem:$0x1E300] =	vst v63  }
0x274: {  	_ =	swait.ge [sflag:s20], $0x40  }
0x275: {  	[sflag:s20] =	ssyncset.done $0x0  }
0x276: {  	[sflag:s20] =	ssyncadd.s32 $0xFFFFFFC0  }
0x277: {  	_ =	swait.ge [sflag:s20], $0x40  }
0x278: {  	[sflag:s20] =	ssyncset.done $0x0;
	s21 =	sld [smem:$0x7FA]  }
0x279: {  	s23 =	simm.s32 $0x400;
	s25 =	simm.s32 $0x78C0;
	[sflag:s20] =	ssyncadd.s32 $0xFFFFFFC0  }
0x27a: {  	[tilespmem:s23], [sflag:$0x8] =	stream.indirect.gather [hbm4b:s8+s24], $0x10, s25, s24, $0xb8;
	[tilespmem:$0x1E300] =	vst v63  }
0x27b: {  	s2 =	simm.s32 $0xC00;
	s18 =	simm.s32 $0x7A40;
	p2 =	seq.s32 s21, $0x1  }
0x27c: {  	[tilespmem:s2], [sflag:$0x8] =	stream.indirect.gather [hbm4b:s9+s24], $0x10, s18, s24, $0xb8;
	[tilespmem:$0x1E300] =	vst v63  }
0x27d: {  	s1 =	simm.s32 @!p2 $0x40;
	s2 =	simm.s32 @!p2 $0x78C0;
	s18 =	simm.s32 @!p2 $0x2800  }
0x27e: {  	[tilespmem:s18], [sflag:$0x8] =	stream.indirect.gather @!p2 [hbm4b:s5+s1], $0x40, s2, s1, $0xb8;
	[tilespmem:$0x1E300] =	vst v63  }
0x27f: {  	s1 =	simm.s32 @p0 $0x40;
	s2 =	simm.s32 @p0 $0x78C0;
	s18 =	simm.s32 @p0 $0x2800  }
0x280: {  	[tilespmem:s18], [sflag:$0x8] =	stream.indirect.gather @p0 [hbm4b:s6+s1], $0x40, s2, s1, $0xb8;
	[tilespmem:$0x1E300] =	vst v63  }
0x281: {  	s1 =	simm.s32 @!p5 $0x9  }
0x282: {  	_ =	swait.ge @!p5 [sflag:s1], $0x2000  }
0x283: {  	[sflag:s1] =	ssyncset.done @!p5 $0x0  }
0x284: {  	[sflag:s1] =	ssyncadd.s32 @!p5 $0xFFFFE000;
	s1 =	simm.s32 @p3 $0x9  }
0x285: {  	_ =	swait.ge @p3 [sflag:s1], $0x400  }
0x286: {  	[sflag:s1] =	ssyncset.done @p3 $0x0  }
0x287: {  	[sflag:s1] =	ssyncadd.s32 @p3 $0xFFFFFC00  }
0x288: {  	_ =	swait.ge [sflag:s0], $0x400  }
0x289: {  	[sflag:s0] =	ssyncset.done $0x0  }
0x28a: {  	[sflag:s0] =	ssyncadd.s32 $0xFFFFFC00  }
0x28b: {  	_ =	swait.ge [sflag:s0], $0x400  }
0x28c: {  	[sflag:s0] =	ssyncset.done $0x0  }
0x28d: {  	[sflag:s0] =	ssyncadd.s32 $0xFFFFFC00  }
0x28e: {  	_ =	swait.ge [sflag:s0], $0x1000  }
0x28f: {  	[sflag:s0] =	ssyncset.done $0x0  }
0x290: {  	s22 =	simm.s32 $0x20;
	[sflag:s0] =	ssyncadd.s32 $0xFFFFF000  }
0x291: {  	s23 =	simm.s32 $0x820;
	v5 =	vld [tilespmem:s22+$0x10]  }
0x292: {  	v6 =	vld [tilespmem:s23+$0x10];
	_ =	sdelay $0x3  }
0x293: {  	v7 =	vld [tilespmem:s23+$0xFFFFFFE0]  }
0x294: {  	v8 =	vld [tilespmem:s22+$0xFFFFFFF0];
	v5 =	vadd.f32 v6, v5  }
0x295: {  	v9 =	vld [tilespmem:s23+$0xFFFFFFF0]  }
0x296: {  	v6 =	vld [tilespmem:s22+$0xFFFFFFE0];
	v12 =	vmul.f32 $2.000000030e-01, v5;
	_ =	sdelay $0x1  }
0x297: {  	v5 =	vmax.f32 v5, v12  }
0x298: {  	v5 =	vmul.f32 $1.442695020e+00, v5  }
0x299: {  	v8 =	vadd.f32 v9, v8  }
0x29a: {  	v10 =	vld [tilespmem:s22+$0x0];
	v6 =	vadd.f32 v7, v6;
	(erf) = vpow2.f32 v5  }
0x29b: {  	v11 =	vld [tilespmem:s23+$0x0];
	v7 =	vmul.f32 $2.000000030e-01, v8  }
0x29c: {  	v5 =	vmul.f32 $2.000000030e-01, v6  }
0x29d: {  	v7 =	vmax.f32 v8, v7  }
0x29e: {  	v5 =	vmax.f32 v6, v5;
	v6 =	vmul.f32 $1.442695020e+00, v7  }
0x29f: {  	v5 =	vmul.f32 $1.442695020e+00, v5  }
0x2a0: {  	v9 =	vadd.f32 v11, v10;
	(erf) = vpow2.f32 v6  }
0x2a1: {  	(erf) = vpow2.f32 v5  }
0x2a2: {  	v10 =	vmul.f32 $2.000000030e-01, v9  }
0x2a3: {  	s25 =	simm.s32 $0x1020;
	v6 =	vpop (erf)  }
0x2a4: {  	s22 =	simm.s32 $0x1880;
	v7 =	vmax.f32 v9, v10;
	[tilespmem:s25+$0x10] =	vst v6  }
0x2a5: {  	v7 =	vmul.f32 $1.442695020e+00, v7;
	v5 =	vld [tilespmem:s22+$0x40];
	_ =	sdelay $0x1  }
0x2a6: {  	s2 =	simm.s32 $0x60  }
0x2a7: {  	s18 =	simm.s32 $0x860;
	v16 =	vld [tilespmem:s2+$0xFFFFFFF0];
	(erf) = vpow2.f32 v7  }
0x2a8: {  	v19 =	vld [tilespmem:s18+$0xFFFFFFF0];
	v8 =	vperm.xlane v6, v0;
	v7 =	vpop (erf)  }
0x2a9: {  	v22 =	vld [tilespmem:s2+$0x0];
	v9 =	vpop (erf);
	v11 =	vshll.u32 v5, $0x10  }
0x2aa: {  	v27 =	vld [tilespmem:s18+$0x0];
	[tilespmem:s25+$0xFFFFFFE0] =	vst v9;
	v5 =	vand.u32 $0xFFFF0000, v5;
	v11 =	vmul.f32 v11, v8  }
0x2ab: {  	s23 =	simm.s32 $0x3900;
	v13 =	vld [tilespmem:s22+$0xFFFFFF80];
	v5 =	vmul.f32 v5, v8  }
0x2ac: {  	v8 =	vld [tilespmem:s2+$0x10];
	[tilespmem:s23+$0x80] =	vst v11  }
0x2ad: {  	[tilespmem:s23+$0x90] =	vst v5;
	v5 =	vld [tilespmem:s18+$0x10]  }
0x2ae: {  	v11 =	vld [tilespmem:s22+$0x50]  }
0x2af: {  	[tilespmem:s25+$0xFFFFFFF0] =	vst v7  }
0x2b0: {  	v16 =	vadd.f32 v19, v16;
	v23 =	vperm.xlane v6, v1;
	v17 =	vperm.xlane v7, v0;
	v10 =	vld [tilespmem:s22+$0xFFFFFFC0];
	v12 =	vpop (erf)  }
0x2b1: {  	v15 =	vld [tilespmem:s18+$0xFFFFFFE0];
	v22 =	vadd.f32 v27, v22;
	v18 =	vperm.xlane v9, v0;
	v20 =	vperm.xlane v9, v1;
	[tilespmem:s25+$0x0] =	vst v12  }
0x2b2: {  	v14 =	vld [tilespmem:s22+$0x0];
	v25 =	vshll.u32 v13, $0x10;
	v13 =	vand.u32 $0xFFFF0000, v13;
	v5 =	vadd.f32 v5, v8  }
0x2b3: {  	v24 =	vld [tilespmem:s2+$0xFFFFFFE0];
	v21 =	vperm.xlane v12, v0;
	v13 =	vmul.f32 v13, v18;
	v26 =	vshll.u32 v11, $0x10  }
0x2b4: {  	v11 =	vand.u32 $0xFFFF0000, v11;
	v28 =	vmul.f32 $2.000000030e-01, v5;
	v26 =	vmul.f32 v26, v23  }
0x2b5: {  	v8 =	vshll.u32 v10, $0x10;
	v10 =	vand.u32 $0xFFFF0000, v10;
	[tilespmem:s23+$0xFFFFFF10] =	vst v13;
	v11 =	vmul.f32 v11, v23  }
0x2b6: {  	v13 =	vmul.f32 $2.000000030e-01, v22;
	v8 =	vmul.f32 v8, v17;
	v5 =	vmax.f32 v5, v28;
	[tilespmem:s23+$0xA0] =	vst v26  }
0x2b7: {  	v19 =	vshll.u32 v14, $0x10;
	v10 =	vmul.f32 v10, v17;
	[tilespmem:s23+$0xB0] =	vst v11;
	v5 =	vmul.f32 $1.442695020e+00, v5  }
0x2b8: {  	v17 =	vmul.f32 v19, v21;
	v23 =	vmul.f32 v25, v18;
	v11 =	vadd.f32 v15, v24;
	v15 =	vld [tilespmem:s22+$0x60]  }
0x2b9: {  	v18 =	vmul.f32 $2.000000030e-01, v16;
	v13 =	vmax.f32 v22, v13;
	[tilespmem:s23+$0xFFFFFF80] =	vst v8;
	(erf) = vpow2.f32 v5  }
0x2ba: {  	v22 =	vperm.xlane v12, v2;
	[tilespmem:s23+$0xFFFFFF00] =	vst v23;
	v5 =	vand.u32 $0xFFFF0000, v14;
	v14 =	vmul.f32 $2.000000030e-01, v11  }
0x2bb: {  	[tilespmem:s23+$0xFFFFFF90] =	vst v10;
	v10 =	vperm.xlane v6, v2;
	v13 =	vmul.f32 $1.442695020e+00, v13;
	v16 =	vmax.f32 v16, v18;
	v8 =	vld [tilespmem:s22+$0xFFFFFF90]  }
0x2bc: {  	[tilespmem:s23+$0x0] =	vst v17;
	v17 =	vperm.xlane v9, v2;
	v11 =	vmax.f32 v11, v14;
	v14 =	vmul.f32 $1.442695020e+00, v16  }
0x2bd: {  	v5 =	vmul.f32 v5, v21;
	v11 =	vmul.f32 $1.442695020e+00, v11;
	v18 =	vshll.u32 v15, $0x10  }
0x2be: {  	v16 =	vld [tilespmem:s22+$0xFFFFFFD0];
	(erf) = vpow2.f32 v14;
	v14 =	vand.u32 $0xFFFF0000, v15;
	v15 =	vmul.f32 v18, v10  }
0x2bf: {  	[tilespmem:s23+$0x10] =	vst v5;
	(erf) = vpow2.f32 v11;
	v5 =	vmul.f32 v14, v10  }
0x2c0: {  	v18 =	vld [tilespmem:s22+$0x10];
	v10 =	vperm.xlane v7, v1;
	v11 =	vshll.u32 v8, $0x10;
	v8 =	vand.u32 $0xFFFF0000, v8  }
0x2c1: {  	(erf) = vpow2.f32 v13;
	[tilespmem:s23+$0xC0] =	vst v15;
	v8 =	vmul.f32 v8, v20  }
0x2c2: {  	s21 =	simm.s32 $0x1060;
	[tilespmem:s23+$0xD0] =	vst v5;
	v5 =	vmul.f32 v11, v20;
	v11 =	vperm.xlane v12, v1;
	v13 =	vpop (erf)  }
0x2c3: {  	s18 =	simm.s32 $0x1980;
	v14 =	vshll.u32 v16, $0x10;
	v20 =	vperm.xlane v7, v2;
	v15 =	vand.u32 $0xFFFF0000, v16;
	v19 =	vld [tilespmem:s22+$0x70];
	[tilespmem:s21+$0x10] =	vst v13  }
0x2c4: {  	v16 =	vmul.f32 v14, v10;
	v10 =	vmul.f32 v15, v10;
	[tilespmem:s23+$0xFFFFFF30] =	vst v8;
	v21 =	vld [tilespmem:s18+$0x40]  }
0x2c5: {  	v14 =	vperm.xlane v9, v3;
	v15 =	vperm.xlane v7, v3;
	[tilespmem:s23+$0xFFFFFF20] =	vst v5;
	v7 =	vshll.u32 v18, $0x10  }
0x2c6: {  	s30 =	simm.s32 $0x8A0;
	v5 =	vperm.xlane v12, v3;
	[tilespmem:s23+$0xFFFFFFA0] =	vst v16;
	v7 =	vmul.f32 v7, v11  }
0x2c7: {  	v46 =	vld [tilespmem:s30+$0x10];
	s25 =	simm.s32 $0xA0;
	v12 =	vperm.xlane v6, v3;
	v8 =	vand.u32 $0xFFFF0000, v18;
	[tilespmem:s23+$0xFFFFFFB0] =	vst v10;
	v9 =	vperm.xlane v13, v0  }
0x2c8: {  	v63 =	vld [tilespmem:s25+$0x10];
	v8 =	vmul.f32 v8, v11;
	v48 =	vperm.xlane v13, v1;
	[tilespmem:s23+$0x20] =	vst v7;
	v6 =	vpop (erf);
	v10 =	vand.u32 $0xFFFF0000, v19  }
0x2c9: {  	v25 =	vld [tilespmem:s22+$0xFFFFFFE0];
	v19 =	vshll.u32 v19, $0x10;
	[tilespmem:s21+$0xFFFFFFF0] =	vst v6;
	v16 =	vpop (erf);
	v24 =	vmul.f32 v10, v12;
	v18 =	vshll.u32 v21, $0x10  }
0x2ca: {  	v11 =	vld [tilespmem:s22+$0xFFFFFFA0];
	v29 =	vperm.xlane v6, v1;
	[tilespmem:s21+$0xFFFFFFE0] =	vst v16;
	v23 =	vpop (erf);
	v10 =	vand.u32 $0xFFFF0000, v21;
	v18 =	vmul.f32 v18, v9  }
0x2cb: {  	v12 =	vmul.f32 v19, v12;
	v26 =	vld [tilespmem:s18+$0xFFFFFFC0];
	[tilespmem:s21+$0x0] =	vst v23;
	s21 =	simm.s32 $0x3B00;
	v9 =	vmul.f32 v10, v9  }
0x2cc: {  	v7 =	vperm.xlane v16, v0;
	v27 =	vperm.xlane v16, v1;
	v28 =	vld [tilespmem:s18+$0xFFFFFF80];
	[tilespmem:s21+$0x80] =	vst v18  }
0x2cd: {  	v37 =	vadd.f32 v46, v63;
	v21 =	vperm.xlane v6, v0;
	v58 =	vperm.xlane v23, v1;
	v30 =	vld [tilespmem:s18+$0x0];
	[tilespmem:s21+$0x90] =	vst v9  }
0x2ce: {  	v61 =	vshll.u32 v25, $0x10;
	v25 =	vand.u32 $0xFFFF0000, v25;
	v10 =	vperm.xlane v16, v2;
	v59 =	vld [tilespmem:s18+$0x50]  }
0x2cf: {  	v35 =	vmul.f32 v61, v20;
	v20 =	vmul.f32 v25, v20  }
0x2d0: {  	v47 =	vld [tilespmem:s30+$0xFFFFFFE0];
	v31 =	vshll.u32 v11, $0x10;
	v25 =	vmul.f32 $2.000000030e-01, v37;
	v18 =	vperm.xlane v23, v0  }
0x2d1: {  	v54 =	vld [tilespmem:s25+$0xFFFFFFE0];
	[tilespmem:s23+$0x30] =	vst v8;
	v62 =	vshll.u32 v26, $0x10;
	v26 =	vand.u32 $0xFFFF0000, v26;
	v45 =	vshll.u32 v28, $0x10  }
0x2d2: {  	v60 =	vld [tilespmem:s22+$0x20];
	v36 =	vmul.f32 v62, v21;
	v28 =	vand.u32 $0xFFFF0000, v28;
	v21 =	vmul.f32 v26, v21  }
0x2d3: {  	[tilespmem:s23+$0xF0] =	vst v24;
	v24 =	vld [tilespmem:s30+$0xFFFFFFF0];
	v38 =	vmul.f32 v45, v7;
	v49 =	vshll.u32 v30, $0x10;
	v43 =	vshll.u32 v59, $0x10  }
0x2d4: {  	[tilespmem:s23+$0xFFFFFFC0] =	vst v35;
	v7 =	vmul.f32 v28, v7;
	v28 =	vld [tilespmem:s25+$0xFFFFFFF0];
	v26 =	vand.u32 $0xFFFF0000, v59;
	v50 =	vmul.f32 v43, v48  }
0x2d5: {  	v52 =	vld [tilespmem:s25+$0x0];
	v30 =	vand.u32 $0xFFFF0000, v30;
	[tilespmem:s21+$0xFFFFFF80] =	vst v36;
	v51 =	vmul.f32 v49, v18;
	v26 =	vmul.f32 v26, v48  }
0x2d6: {  	v8 =	vand.u32 $0xFFFF0000, v11;
	v18 =	vmul.f32 v30, v18;
	v30 =	vmul.f32 v31, v17;
	v31 =	vld [tilespmem:s30+$0x0];
	[tilespmem:s21+$0xA0] =	vst v50  }
0x2d7: {  	v53 =	vshll.u32 v60, $0x10;
	v17 =	vmul.f32 v8, v17;
	v8 =	vand.u32 $0xFFFF0000, v60;
	[tilespmem:s21+$0xB0] =	vst v26  }
0x2d8: {  	v33 =	vmul.f32 v53, v22;
	[tilespmem:s21+$0xFFFFFF90] =	vst v21;
	v21 =	vadd.f32 v47, v54;
	v22 =	vmul.f32 v8, v22;
	v26 =	vld [tilespmem:s18+$0x60]  }
0x2d9: {  	[tilespmem:s21+$0xFFFFFF10] =	vst v7;
	v8 =	vperm.xlane v16, v3;
	v16 =	vmax.f32 v37, v25;
	v7 =	vadd.f32 v24, v28  }
0x2da: {  	v9 =	vperm.xlane v23, v2;
	v16 =	vmul.f32 $1.442695020e+00, v16;
	[tilespmem:s21+$0x10] =	vst v18  }
0x2db: {  	[tilespmem:s23+$0xFFFFFF50] =	vst v17;
	v17 =	vmul.f32 $2.000000030e-01, v21;
	v28 =	vadd.f32 v31, v52;
	v18 =	vmul.f32 $2.000000030e-01, v7  }
0x2dc: {  	[tilespmem:s21+$0xFFFFFF00] =	vst v38;
	v24 =	vperm.xlane v13, v2;
	(erf) = vpow2.f32 v16  }
0x2dd: {  	[tilespmem:s21+$0x0] =	vst v51;
	v25 =	vld [tilespmem:s18+$0xFFFFFF90];
	v31 =	vmul.f32 $2.000000030e-01, v28;
	v18 =	vmax.f32 v7, v18;
	v16 =	vshll.u32 v26, $0x10  }
0x2de: {  	[tilespmem:s23+$0xFFFFFF40] =	vst v30;
	v30 =	vld [tilespmem:s18+$0xFFFFFFD0];
	v7 =	vperm.xlane v23, v3;
	v26 =	vand.u32 $0xFFFF0000, v26;
	v16 =	vmul.f32 v16, v24  }
0x2df: {  	[tilespmem:s23+$0xFFFFFFD0] =	vst v20;
	v17 =	vmax.f32 v21, v17;
	v23 =	vld [tilespmem:s18+$0x10];
	v18 =	vmul.f32 $1.442695020e+00, v18;
	v24 =	vmul.f32 v26, v24  }
0x2e0: {  	v11 =	vperm.xlane v6, v2;
	v17 =	vmul.f32 $1.442695020e+00, v17;
	v19 =	vmax.f32 v28, v31;
	[tilespmem:s21+$0xC0] =	vst v16  }
0x2e1: {  	v21 =	vld [tilespmem:s22+$0xFFFFFFF0];
	v19 =	vmul.f32 $1.442695020e+00, v19;
	(erf) = vpow2.f32 v18;
	[tilespmem:s21+$0xD0] =	vst v24  }
0x2e2: {  	v13 =	vperm.xlane v13, v3;
	(erf) = vpow2.f32 v17;
	v18 =	vld [tilespmem:s18+$0x70]  }
0x2e3: {  	[tilespmem:s23+$0x40] =	vst v33;
	v20 =	vshll.u32 v25, $0x10;
	v17 =	vand.u32 $0xFFFF0000, v30;
	(erf) = vpow2.f32 v19  }
0x2e4: {  	[tilespmem:s23+$0x50] =	vst v22;
	v19 =	vmul.f32 v20, v27;
	v22 =	vshll.u32 v23, $0x10;
	v23 =	vand.u32 $0xFFFF0000, v23;
	v16 =	vld [tilespmem:s22+$0xFFFFFFB0]  }
0x2e5: {  	s31 =	simm.s32 $0x10A0;
	[tilespmem:s23+$0xE0] =	vst v12;
	v20 =	vld [tilespmem:s22+$0x30];
	v12 =	vpop (erf);
	v17 =	vmul.f32 v17, v29;
	v24 =	vand.u32 $0xFFFF0000, v25;
	v31 =	vmul.f32 v22, v58  }
0x2e6: {  	v25 =	vshll.u32 v30, $0x10;
	[tilespmem:s31+$0x10] =	vst v12;
	s22 =	simm.s32 $0x1A80;
	v56 =	vmul.f32 v23, v58;
	v24 =	vmul.f32 v24, v27  }
0x2e7: {  	v25 =	vmul.f32 v25, v29;
	[tilespmem:s21+$0xFFFFFF20] =	vst v19;
	v27 =	vshll.u32 v21, $0x10;
	v55 =	vld [tilespmem:s22+$0x40];
	v19 =	vand.u32 $0xFFFF0000, v18  }
0x2e8: {  	v21 =	vand.u32 $0xFFFF0000, v21;
	[tilespmem:s21+$0xFFFFFFB0] =	vst v17;
	v23 =	vmul.f32 v27, v15;
	v19 =	vmul.f32 v19, v13  }
0x2e9: {  	v17 =	vmul.f32 v21, v15;
	[tilespmem:s21+$0xFFFFFF30] =	vst v24;
	v26 =	vshll.u32 v16, $0x10;
	v16 =	vand.u32 $0xFFFF0000, v16  }
0x2ea: {  	[tilespmem:s21+$0xFFFFFFA0] =	vst v25;
	v24 =	vshll.u32 v20, $0x10;
	v25 =	vld [tilespmem:s18+$0xFFFFFFA0];
	v57 =	vmul.f32 v26, v14;
	v28 =	vmul.f32 v16, v14;
	v14 =	vpop (erf)  }
0x2eb: {  	v58 =	vld [tilespmem:s18+$0xFFFFFFE0];
	v15 =	vmul.f32 v24, v5;
	v24 =	vand.u32 $0xFFFF0000, v20;
	v20 =	vperm.xlane v12, v0;
	[tilespmem:s31+$0xFFFFFFF0] =	vst v14  }
0x2ec: {  	v6 =	vperm.xlane v6, v3;
	v21 =	vshll.u32 v55, $0x10;
	v29 =	vperm.xlane v14, v0;
	[tilespmem:s21+$0xF0] =	vst v19;
	v19 =	vpop (erf)  }
0x2ed: {  	v26 =	vand.u32 $0xFFFF0000, v55;
	v61 =	vmul.f32 v21, v20;
	v21 =	vperm.xlane v14, v1;
	v59 =	vld [tilespmem:s22+$0xFFFFFFC0];
	[tilespmem:s31+$0xFFFFFFE0] =	vst v19;
	v16 =	vpop (erf)  }
0x2ee: {  	v22 =	vshll.u32 v18, $0x10;
	v62 =	vmul.f32 v26, v20;
	v26 =	vperm.xlane v14, v2;
	v60 =	vld [tilespmem:s22+$0xFFFFFF80];
	[tilespmem:s31+$0x0] =	vst v16  }
0x2ef: {  	s25 =	simm.s32 $0x3D00;
	[tilespmem:s21+$0x20] =	vst v31;
	v32 =	vshll.u32 v25, $0x10;
	v31 =	vand.u32 $0xFFFF0000, v25;
	v34 =	vperm.xlane v19, v0;
	v37 =	vld [tilespmem:s22+$0x0]  }
0x2f0: {  	[tilespmem:s25+$0x80] =	vst v61;
	v33 =	vshll.u32 v58, $0x10;
	v18 =	vperm.xlane v19, v1;
	v27 =	vperm.xlane v19, v2  }
0x2f1: {  	p2 =	por @!p5 $0x0, $0x0;
	p3 =	por @!p1 $0x1, $0x1;
	[tilespmem:s25+$0x90] =	vst v62;
	v35 =	vand.u32 $0xFFFF0000, v58;
	v30 =	vperm.xlane v16, v0;
	v20 =	vperm.xlane v16, v1  }
0x2f2: {  	p2 =	por @!p1 p3, p3;
	p3 =	por $0x0, $0x0;
	[tilespmem:s21+$0x30] =	vst v56;
	v38 =	vld [tilespmem:s22+$0x50];
	v25 =	vperm.xlane v16, v2;
	v63 =	vshll.u32 v59, $0x10;
	v39 =	vand.u32 $0xFFFF0000, v59  }
0x2f3: {  	s1 =	simm.s32 $0x8;
	p3 =	por @!p5 p2, p2;
	s2 =	simm.s32 $0xE0;
	v36 =	vld [tilespmem:s18+$0x20];
	[tilespmem:s23+$0xFFFFFF60] =	vst v57;
	v41 =	vmul.f32 v63, v29;
	v42 =	vshll.u32 v60, $0x10;
	v40 =	vand.u32 $0xFFFF0000, v60  }
.LBB2_9:
0x2f4: {  	v43 =	vld [tilespmem:s2+$0x10];
	v42 =	vmul.f32 v42, v34;
	v44 =	vshll.u32 v37, $0x10;
	v37 =	vand.u32 $0xFFFF0000, v37;
	s30 =	sadd.s32 $0x40, s30;
	[tilespmem:s23+$0xFFFFFF70] =	vst v28  }
0x2f5: {  	v34 =	vmul.f32 v40, v34;
	v29 =	vmul.f32 v39, v29;
	v28 =	vld [tilespmem:s30+$0x10];
	[tilespmem:s25+$0xFFFFFF80] =	vst v41  }
0x2f6: {  	v40 =	vmul.f32 v44, v30;
	v41 =	vperm.xlane v12, v1;
	v39 =	vld [tilespmem:s30+$0xFFFFFFE0];
	[tilespmem:s25+$0xFFFFFF00] =	vst v42  }
0x2f7: {  	v32 =	vmul.f32 v32, v10;
	v30 =	vmul.f32 v37, v30;
	v42 =	vld [tilespmem:s2+$0xFFFFFFF0];
	[tilespmem:s25+$0xFFFFFF10] =	vst v34;
	v34 =	vshll.u32 v38, $0x10  }
0x2f8: {  	s1 =	sadd.s32 $0x4, s1;
	v37 =	vld [tilespmem:s30+$0xFFFFFFF0];
	[tilespmem:s25+$0xFFFFFF90] =	vst v29;
	v29 =	vand.u32 $0xFFFF0000, v38;
	v34 =	vmul.f32 v34, v41;
	v38 =	vshll.u32 v36, $0x10  }
0x2f9: {  	v31 =	vmul.f32 v31, v10;
	v10 =	vmovc v27;
	p1 =	slt.u32 s1, $0x3C;
	v36 =	vand.u32 $0xFFFF0000, v36;
	v44 =	vld [tilespmem:s2+$0x0];
	[tilespmem:s25+$0x0] =	vst v40;
	v29 =	vmul.f32 v29, v41  }
0x2fa: {  	v33 =	vmul.f32 v33, v11;
	v27 =	vld [tilespmem:s30+$0x0];
	v28 =	vadd.f32 v28, v43;
	[tilespmem:s25+$0xA0] =	vst v34;
	v34 =	vmul.f32 v35, v11  }
0x2fb: {  	v36 =	vmul.f32 v36, v9;
	v11 =	vmovc v26;
	v35 =	vld [tilespmem:s2+$0xFFFFFFE0];
	[tilespmem:s25+$0xB0] =	vst v29;
	v29 =	vmul.f32 v38, v9;
	v9 =	vmov v25  }
0x2fc: {  	v19 =	vperm.xlane v19, v3;
	v25 =	vmul.f32 $2.000000030e-01, v28;
	[tilespmem:s25+$0x10] =	vst v30;
	v26 =	vld [tilespmem:s22+$0x60]  }
0x2fd: {  	v38 =	vperm.xlane v14, v3;
	v14 =	vperm.xlane v16, v3;
	v30 =	vadd.f32 v37, v42;
	v37 =	vld [tilespmem:s22+$0xFFFFFF90];
	[tilespmem:s21+$0xFFFFFF40] =	vst v32  }
0x2fe: {  	v13 =	vmul.f32 v22, v13;
	v22 =	vmul.f32 v24, v5;
	v16 =	vmax.f32 v28, v25;
	v25 =	vld [tilespmem:s22+$0xFFFFFFD0];
	[tilespmem:s21+$0xFFFFFF50] =	vst v31  }
0x2ff: {  	v5 =	vmovc v7;
	v7 =	vmovc v14;
	v24 =	vmul.f32 $2.000000030e-01, v30;
	v27 =	vadd.f32 v27, v44;
	v16 =	vmul.f32 $1.442695020e+00, v16;
	v28 =	vld [tilespmem:s22+$0x10];
	[tilespmem:s21+$0xFFFFFFC0] =	vst v33  }
0x300: {  	v31 =	vperm.xlane v12, v2;
	v14 =	vadd.f32 v39, v35;
	v32 =	vld [tilespmem:s18+$0xFFFFFFB0];
	[tilespmem:s21+$0xFFFFFFD0] =	vst v34  }
0x301: {  	v33 =	vmul.f32 $2.000000030e-01, v27;
	(erf) = vpow2.f32 v16;
	v16 =	vshll.u32 v26, $0x10;
	v34 =	vld [tilespmem:s18+$0xFFFFFFF0];
	[tilespmem:s21+$0x40] =	vst v29  }
0x302: {  	v26 =	vand.u32 $0xFFFF0000, v26;
	v29 =	vmul.f32 $2.000000030e-01, v14;
	v16 =	vmul.f32 v16, v31;
	[tilespmem:s21+$0x50] =	vst v36  }
0x303: {  	v24 =	vmax.f32 v30, v24;
	v26 =	vmul.f32 v26, v31;
	v27 =	vmax.f32 v27, v33;
	v30 =	vld [tilespmem:s18+$0x30];
	[tilespmem:s23+$0xFFFFFFE0] =	vst v23;
	s18 =	smov.u32 s22  }
0x304: {  	v23 =	vmul.f32 $1.442695020e+00, v24;
	v14 =	vmax.f32 v14, v29;
	v24 =	vmul.f32 $1.442695020e+00, v27;
	[tilespmem:s25+$0xC0] =	vst v16  }
0x305: {  	v16 =	vshll.u32 v37, $0x10;
	v27 =	vand.u32 $0xFFFF0000, v37;
	v14 =	vmul.f32 $1.442695020e+00, v14;
	[tilespmem:s25+$0xD0] =	vst v26  }
0x306: {  	(erf) = vpow2.f32 v23;
	v23 =	vshll.u32 v25, $0x10;
	v25 =	vand.u32 $0xFFFF0000, v25;
	v26 =	vld [tilespmem:s22+$0x70];
	[tilespmem:s23+$0xFFFFFFF0] =	vst v17  }
0x307: {  	v17 =	vand.u32 $0xFFFF0000, v28;
	(erf) = vpow2.f32 v14;
	v14 =	vshll.u32 v28, $0x10;
	[tilespmem:s23+$0x60] =	vst v15  }
0x308: {  	v15 =	vmul.f32 v16, v18;
	v16 =	vshll.u32 v32, $0x10;
	(erf) = vpow2.f32 v24;
	[tilespmem:s23+$0x70] =	vst v22;
	s23 =	smov.u32 s21;
	s21 =	smov.u32 s25  }
0x309: {  	v18 =	vmul.f32 v27, v18;
	v22 =	vmul.f32 v23, v21;
	v23 =	vand.u32 $0xFFFF0000, v32;
	[tilespmem:s23+$0xE0] =	vst v13  }
0x30a: {  	s31 =	sadd.s32 $0x40, s31;
	v13 =	vperm.xlane v12, v3;
	[tilespmem:s25+$0xFFFFFF20] =	vst v15;
	v15 =	vmul.f32 v25, v21;
	v12 =	vpop (erf);
	v21 =	vshll.u32 v34, $0x10  }
0x30b: {  	s22 =	sadd.s32 $0x100, s22;
	v36 =	vmul.f32 v17, v20;
	v25 =	vmul.f32 v14, v20;
	[tilespmem:s31+$0x10] =	vst v12;
	v14 =	vand.u32 $0xFFFF0000, v26  }
0x30c: {  	v17 =	vand.u32 $0xFFFF0000, v34;
	v20 =	vld [tilespmem:s22+$0x40];
	[tilespmem:s25+$0xFFFFFF30] =	vst v18;
	v27 =	vmul.f32 v14, v13;
	v18 =	vshll.u32 v30, $0x10  }
0x30d: {  	v43 =	vmul.f32 v16, v8;
	v24 =	vand.u32 $0xFFFF0000, v30;
	v31 =	vld [tilespmem:s18+$0xFFFFFFA0];
	[tilespmem:s25+$0xFFFFFFA0] =	vst v22;
	v22 =	vshll.u32 v26, $0x10  }
0x30e: {  	v28 =	vmul.f32 v23, v8;
	v8 =	vmov v19;
	v23 =	vmul.f32 v21, v6;
	[tilespmem:s25+$0xF0] =	vst v27  }
0x30f: {  	v17 =	vmul.f32 v17, v6;
	v6 =	vmov v38;
	v14 =	vpop (erf);
	[tilespmem:s25+$0xFFFFFFB0] =	vst v15;
	v15 =	vmul.f32 v18, v5  }
0x310: {  	v26 =	vperm.xlane v12, v0;
	[tilespmem:s31+$0xFFFFFFF0] =	vst v14;
	v29 =	vperm.xlane v14, v0;
	v19 =	vpop (erf);
	v35 =	vld [tilespmem:s18+$0xFFFFFFE0]  }
0x311: {  	[tilespmem:s31+$0xFFFFFFE0] =	vst v19;
	v34 =	vperm.xlane v19, v0;
	v18 =	vperm.xlane v19, v1;
	v38 =	vld [tilespmem:s22+$0xFFFFFFC0];
	v21 =	vshll.u32 v20, $0x10;
	v16 =	vpop (erf)  }
0x312: {  	v20 =	vand.u32 $0xFFFF0000, v20;
	v40 =	vld [tilespmem:s22+$0xFFFFFF80];
	[tilespmem:s31+$0x0] =	vst v16;
	v30 =	vperm.xlane v16, v0;
	v33 =	vmul.f32 v21, v26  }
.Ltmp3:
0x313: {  	s25 =	sadd.s32 $0x200, s25;
	v21 =	vperm.xlane v14, v1;
	v39 =	vmul.f32 v20, v26;
	v32 =	vshll.u32 v31, $0x10;
	v37 =	vld [tilespmem:s22+$0x0];
	[tilespmem:s21+$0x20] =	vst v25;
	(pc) =	sbr.rel @p1 .LBB2_9-.Ltmp3, $4  }
0x314: {  	v27 =	vperm.xlane v19, v2;
	v20 =	vperm.xlane v16, v1;
	v31 =	vand.u32 $0xFFFF0000, v31;
	[tilespmem:s25+$0x80] =	vst v33  }
0x315: {  	v26 =	vperm.xlane v14, v2;
	v25 =	vperm.xlane v16, v2;
	[tilespmem:s25+$0x90] =	vst v39;
	v33 =	vshll.u32 v35, $0x10  }
0x316: {  	v35 =	vand.u32 $0xFFFF0000, v35;
	v41 =	vshll.u32 v38, $0x10;
	v39 =	vand.u32 $0xFFFF0000, v38;
	v38 =	vld [tilespmem:s22+$0x50];
	[tilespmem:s21+$0x30] =	vst v36  }
0x317: {  	s2 =	sadd.s32 $0x40, s2;
	v42 =	vshll.u32 v40, $0x10;
	v40 =	vand.u32 $0xFFFF0000, v40;
	v41 =	vmul.f32 v41, v29;
	v36 =	vld [tilespmem:s18+$0x20];
	[tilespmem:s23+$0xFFFFFF60] =	vst v43  }
0x318: {  	[tilespmem:s23+$0xFFFFFF70] =	vst v28  }
0x319: {  	[tilespmem:s23+$0xFFFFFFE0] =	vst v23  }
0x31a: {  	v42 =	vmul.f32 v42, v34;
	[tilespmem:s23+$0xFFFFFFF0] =	vst v17  }
0x31b: {  	v28 =	vmul.f32 v40, v34;
	v55 =	vshll.u32 v37, $0x10;
	[tilespmem:s25+$0xFFFFFF80] =	vst v41  }
0x31c: {  	v29 =	vmul.f32 v39, v29;
	v56 =	vperm.xlane v12, v1;
	v57 =	vand.u32 $0xFFFF0000, v37;
	[tilespmem:s25+$0xFFFFFF00] =	vst v42  }
0x31d: {  	v34 =	vmul.f32 v55, v30;
	v30 =	vmul.f32 v57, v30;
	[tilespmem:s25+$0xFFFFFF10] =	vst v28;
	v28 =	vshll.u32 v38, $0x10  }
0x31e: {  	[tilespmem:s25+$0xFFFFFF90] =	vst v29;
	v29 =	vand.u32 $0xFFFF0000, v38;
	v28 =	vmul.f32 v28, v56  }
0x31f: {  	[tilespmem:s25+$0x10] =	vst v30;
	v29 =	vmul.f32 v29, v56  }
0x320: {  	v30 =	vmul.f32 v33, v11;
	[tilespmem:s25+$0xA0] =	vst v28  }
0x321: {  	v28 =	vmul.f32 v32, v10;
	[tilespmem:s25+$0xB0] =	vst v29  }
0x322: {  	[tilespmem:s21+$0xFFFFFFC0] =	vst v30;
	v10 =	vmul.f32 v31, v10;
	v29 =	vld [tilespmem:s22+$0x60]  }
0x323: {  	v11 =	vmul.f32 v35, v11;
	[tilespmem:s21+$0xFFFFFF40] =	vst v28;
	v28 =	vshll.u32 v36, $0x10  }
0x324: {  	[tilespmem:s21+$0xFFFFFF50] =	vst v10;
	v10 =	vand.u32 $0xFFFF0000, v36;
	v28 =	vmul.f32 v28, v9  }
0x325: {  	[tilespmem:s21+$0xFFFFFFD0] =	vst v11;
	v11 =	vld [tilespmem:s22+$0xFFFFFF90];
	v9 =	vmul.f32 v10, v9  }
0x326: {  	v10 =	vperm.xlane v12, v2;
	[tilespmem:s21+$0x40] =	vst v28  }
0x327: {  	[tilespmem:s21+$0x50] =	vst v9;
	v9 =	vld [tilespmem:s22+$0xFFFFFFD0];
	v30 =	vshll.u32 v29, $0x10;
	v28 =	vand.u32 $0xFFFF0000, v29  }
0x328: {  	[tilespmem:s25+$0x0] =	vst v34;
	v29 =	vmul.f32 v30, v10;
	v10 =	vmul.f32 v28, v10  }
0x329: {  	[tilespmem:s23+$0x60] =	vst v15;
	v23 =	vld [tilespmem:s22+$0x10]  }
0x32a: {  	v5 =	vmul.f32 v24, v5;
	[tilespmem:s25+$0xD0] =	vst v10;
	v10 =	vshll.u32 v11, $0x10  }
0x32b: {  	[tilespmem:s25+$0xC0] =	vst v29;
	v11 =	vand.u32 $0xFFFF0000, v11;
	v10 =	vmul.f32 v10, v18  }
0x32c: {  	[tilespmem:s23+$0x70] =	vst v5;
	v15 =	vshll.u32 v9, $0x10;
	v17 =	vld [tilespmem:s22+$0x70];
	v5 =	vmul.f32 v11, v18  }
0x32d: {  	v11 =	vld [tilespmem:s18+$0xFFFFFFB0];
	v9 =	vand.u32 $0xFFFF0000, v9;
	v15 =	vmul.f32 v15, v21;
	[tilespmem:s25+$0xFFFFFF20] =	vst v10  }
0x32e: {  	v9 =	vmul.f32 v9, v21;
	v10 =	vshll.u32 v23, $0x10;
	[tilespmem:s25+$0xFFFFFF30] =	vst v5  }
0x32f: {  	v5 =	vand.u32 $0xFFFF0000, v23;
	v10 =	vmul.f32 v10, v20;
	v18 =	vld [tilespmem:s22+$0xFFFFFFA0];
	[tilespmem:s25+$0xFFFFFFA0] =	vst v15  }
0x330: {  	v12 =	vperm.xlane v12, v3;
	v5 =	vmul.f32 v5, v20;
	[tilespmem:s25+$0xFFFFFFB0] =	vst v9  }
0x331: {  	v9 =	vmul.f32 v22, v13;
	v15 =	vld [tilespmem:s22+$0xFFFFFFE0];
	v13 =	vand.u32 $0xFFFF0000, v17;
	[tilespmem:s25+$0x20] =	vst v10  }
0x332: {  	v10 =	vshll.u32 v11, $0x10;
	[tilespmem:s25+$0x30] =	vst v5;
	v13 =	vmul.f32 v13, v12  }
0x333: {  	v5 =	vand.u32 $0xFFFF0000, v11;
	[tilespmem:s21+$0xE0] =	vst v9;
	v9 =	vmul.f32 v10, v8;
	v10 =	vld [tilespmem:s22+$0x20]  }
0x334: {  	v5 =	vmul.f32 v5, v8;
	[tilespmem:s25+$0xF0] =	vst v13;
	v8 =	vshll.u32 v18, $0x10  }
0x335: {  	v11 =	vld [tilespmem:s18+$0xFFFFFFF0];
	v13 =	vand.u32 $0xFFFF0000, v18;
	[tilespmem:s21+$0xFFFFFF60] =	vst v9;
	v8 =	vmul.f32 v8, v27  }
0x336: {  	[tilespmem:s21+$0xFFFFFF70] =	vst v5;
	v9 =	vshll.u32 v15, $0x10;
	v5 =	vmul.f32 v13, v27  }
0x337: {  	v13 =	vld [tilespmem:s18+$0x30];
	v15 =	vand.u32 $0xFFFF0000, v15;
	v9 =	vmul.f32 v9, v26;
	[tilespmem:s25+$0xFFFFFF40] =	vst v8  }
0x338: {  	v15 =	vmul.f32 v15, v26;
	v8 =	vshll.u32 v10, $0x10;
	[tilespmem:s25+$0xFFFFFF50] =	vst v5  }
0x339: {  	v5 =	vand.u32 $0xFFFF0000, v10;
	v8 =	vmul.f32 v8, v25;
	[tilespmem:s25+$0xFFFFFFC0] =	vst v9  }
0x33a: {  	v9 =	vshll.u32 v11, $0x10;
	v5 =	vmul.f32 v5, v25;
	v10 =	vld [tilespmem:s22+$0xFFFFFFB0];
	[tilespmem:s25+$0xFFFFFFD0] =	vst v15  }
0x33b: {  	v11 =	vand.u32 $0xFFFF0000, v11;
	v9 =	vmul.f32 v9, v6;
	[tilespmem:s25+$0x40] =	vst v8  }
0x33c: {  	v6 =	vmul.f32 v11, v6;
	v11 =	vld [tilespmem:s22+$0xFFFFFFF0];
	v8 =	vshll.u32 v13, $0x10;
	[tilespmem:s25+$0x50] =	vst v5  }
0x33d: {  	v5 =	vand.u32 $0xFFFF0000, v13;
	v8 =	vmul.f32 v8, v7;
	[tilespmem:s21+$0xFFFFFFE0] =	vst v9  }
0x33e: {  	v13 =	vshll.u32 v17, $0x10;
	v9 =	vperm.xlane v19, v3;
	v5 =	vmul.f32 v5, v7;
	v7 =	vld [tilespmem:s22+$0x30];
	[tilespmem:s21+$0xFFFFFFF0] =	vst v6  }
0x33f: {  	v6 =	vmul.f32 v13, v12;
	[tilespmem:s21+$0x60] =	vst v8;
	v8 =	vshll.u32 v10, $0x10  }
0x340: {  	v12 =	vperm.xlane v14, v3;
	[tilespmem:s21+$0x70] =	vst v5;
	v5 =	vand.u32 $0xFFFF0000, v10;
	v8 =	vmul.f32 v8, v9  }
0x341: {  	[tilespmem:s25+$0xE0] =	vst v6;
	v6 =	vshll.u32 v11, $0x10;
	v5 =	vmul.f32 v5, v9  }
0x342: {  	v9 =	vperm.xlane v16, v3;
	v10 =	vand.u32 $0xFFFF0000, v11;
	v6 =	vmul.f32 v6, v12;
	[tilespmem:s25+$0xFFFFFF60] =	vst v8  }
0x343: {  	v10 =	vmul.f32 v10, v12;
	v8 =	vshll.u32 v7, $0x10;
	[tilespmem:s25+$0xFFFFFF70] =	vst v5  }
0x344: {  	s1 =	sadd.s32 s15, s13;
	v5 =	vand.u32 $0xFFFF0000, v7;
	v7 =	vmul.f32 v8, v9;
	[tilespmem:s25+$0xFFFFFFE0] =	vst v6  }
0x345: {  	s26 =	sadd.s32 $0x5, s26;
	p6 =	sgt.u32 s1, $0x9C3;
	v5 =	vmul.f32 v5, v9;
	[tilespmem:s25+$0xFFFFFFF0] =	vst v10  }
0x346: {  	p1 =	sne.s32 @!p6 s7, $0x0;
	s1 =	simm.s32 @!p6 $0x40;
	s2 =	simm.s32 @!p6 $0x7A00;
	[tilespmem:s25+$0x60] =	vst v7  }
0x347: {  	s13 =	simm.s32 @!p6 $0x3800;
	p4 =	por p1, p6;
	s21 =	sshll.u32 s26, $0x3;
	[tilespmem:s25+$0x70] =	vst v5  }
0x348: {  	[spmem:s29] =	stream.indirect.scatter.add.f32 @!p6 [tilespmem:s13], [sflag:$0x9], $0x80, s2, s1, $0xb8;
	[tilespmem:$0x1E300] =	vst v63  }
0x349: {  	s1 =	simm.s32 @!p4 $0x40;
	s2 =	simm.s32 @!p4 $0x7A00;
	s13 =	simm.s32 @!p4 $0x1000  }
0x34a: {  	[spmem:s11] =	stream.indirect.scatter.add.f32 @!p4 [tilespmem:s13], [sflag:$0x9], $0x10, s2, s1, $0xb8;
	[tilespmem:$0x1E300] =	vst v63  }
0x34b: {  	s23 =	simm.s32 $0x7940;
	s22 =	sadd.s32 s3, s21  }
0x34c: {  	[tilespmem:s23], [sflag:$0x6] =	stream.linear.gather [hbm4b:s22+s4], $0x40, $0x38;
	[tilespmem:$0x1E300] =	vst v63  }
0x34d: {  	s25 =	simm.s32 $0x7AC0;
	s1 =	sadd.s32 s12, s21  }
0x34e: {  	[tilespmem:s25], [sflag:$0x6] =	stream.linear.gather [hbm4b:s1+s4], $0x40, $0x38;
	[tilespmem:$0x1E300] =	vst v63  }
0x34f: {  	_ =	swait.ge [sflag:s19], $0x40  }
0x350: {  	[sflag:s19] =	ssyncset.done $0x0  }
0x351: {  	[sflag:s19] =	ssyncadd.s32 $0xFFFFFFC0  }
0x352: {  	_ =	swait.ge [sflag:s19], $0x40  }
0x353: {  	s31 =	smov.u32 s29;
	[sflag:s19] =	ssyncset.done $0x0;
	s21 =	sld [smem:$0x7FA]  }
0x354: {  	s29 =	smov.u32 s11;
	s11 =	simm.s32 $0x7900;
	[sflag:s19] =	ssyncadd.s32 $0xFFFFFFC0  }
0x355: {  	[tilespmem:s4], [sflag:$0x7] =	stream.indirect.gather [hbm4b:s8+s24], $0x10, s11, s24, $0xb8;
	[tilespmem:$0x1E300] =	vst v63  }
0x356: {  	s18 =	simm.s32 $0x7A80;
	s13 =	simm.s32 $0x800;
	p2 =	seq.s32 s21, $0x1  }
0x357: {  	[tilespmem:s13], [sflag:$0x7] =	stream.indirect.gather [hbm4b:s9+s24], $0x10, s18, s24, $0xb8;
	[tilespmem:$0x1E300] =	vst v63  }
0x358: {  	s1 =	simm.s32 @!p2 $0x40;
	s2 =	simm.s32 @!p2 $0x7900;
	s13 =	simm.s32 @!p2 $0x1800  }
0x359: {  	[tilespmem:s13], [sflag:$0x7] =	stream.indirect.gather @!p2 [hbm4b:s5+s1], $0x40, s2, s1, $0xb8;
	[tilespmem:$0x1E300] =	vst v63  }
0x35a: {  	s1 =	simm.s32 @p0 $0x40;
	s2 =	simm.s32 @p0 $0x7900;
	s13 =	simm.s32 @p0 $0x1800  }
0x35b: {  	[tilespmem:s13], [sflag:$0x7] =	stream.indirect.gather @p0 [hbm4b:s6+s1], $0x40, s2, s1, $0xb8;
	[tilespmem:$0x1E300] =	vst v63  }
0x35c: {  	s1 =	simm.s32 @!p5 $0xA  }
0x35d: {  	_ =	swait.ge @!p5 [sflag:s1], $0x2000  }
0x35e: {  	[sflag:s1] =	ssyncset.done @!p5 $0x0  }
0x35f: {  	[sflag:s1] =	ssyncadd.s32 @!p5 $0xFFFFE000;
	s1 =	simm.s32 @p3 $0xA  }
0x360: {  	_ =	swait.ge @p3 [sflag:s1], $0x400  }
0x361: {  	[sflag:s1] =	ssyncset.done @p3 $0x0  }
0x362: {  	[sflag:s1] =	ssyncadd.s32 @p3 $0xFFFFFC00  }
0x363: {  	_ =	swait.ge [sflag:s10], $0x400  }
0x364: {  	[sflag:s10] =	ssyncset.done $0x0  }
0x365: {  	[sflag:s10] =	ssyncadd.s32 $0xFFFFFC00  }
0x366: {  	_ =	swait.ge [sflag:s10], $0x400  }
0x367: {  	[sflag:s10] =	ssyncset.done $0x0  }
0x368: {  	[sflag:s10] =	ssyncadd.s32 $0xFFFFFC00  }
0x369: {  	_ =	swait.ge [sflag:s10], $0x1000  }
0x36a: {  	[sflag:s10] =	ssyncset.done $0x0  }
0x36b: {  	s22 =	simm.s32 $0x420;
	[sflag:s10] =	ssyncadd.s32 $0xFFFFF000  }
0x36c: {  	s23 =	simm.s32 $0xC20;
	v5 =	vld [tilespmem:s22+$0x10]  }
0x36d: {  	v6 =	vld [tilespmem:s23+$0x10];
	_ =	sdelay $0x3  }
0x36e: {  	v7 =	vld [tilespmem:s23+$0xFFFFFFE0]  }
0x36f: {  	v8 =	vld [tilespmem:s22+$0xFFFFFFF0];
	v5 =	vadd.f32 v6, v5  }
0x370: {  	v9 =	vld [tilespmem:s23+$0xFFFFFFF0]  }
0x371: {  	v6 =	vld [tilespmem:s22+$0xFFFFFFE0];
	v12 =	vmul.f32 $2.000000030e-01, v5;
	_ =	sdelay $0x1  }
0x372: {  	v5 =	vmax.f32 v5, v12  }
0x373: {  	v5 =	vmul.f32 $1.442695020e+00, v5  }
0x374: {  	v8 =	vadd.f32 v9, v8  }
0x375: {  	v10 =	vld [tilespmem:s22+$0x0];
	v6 =	vadd.f32 v7, v6;
	(erf) = vpow2.f32 v5  }
0x376: {  	v11 =	vld [tilespmem:s23+$0x0];
	v7 =	vmul.f32 $2.000000030e-01, v8  }
0x377: {  	v5 =	vmul.f32 $2.000000030e-01, v6  }
0x378: {  	v7 =	vmax.f32 v8, v7  }
0x379: {  	v5 =	vmax.f32 v6, v5;
	v6 =	vmul.f32 $1.442695020e+00, v7  }
0x37a: {  	v5 =	vmul.f32 $1.442695020e+00, v5  }
0x37b: {  	v9 =	vadd.f32 v11, v10;
	(erf) = vpow2.f32 v6  }
0x37c: {  	(erf) = vpow2.f32 v5  }
0x37d: {  	v10 =	vmul.f32 $2.000000030e-01, v9  }
0x37e: {  	s25 =	simm.s32 $0x1420;
	v6 =	vpop (erf)  }
0x37f: {  	s21 =	simm.s32 $0x2880;
	v7 =	vmax.f32 v9, v10;
	[tilespmem:s25+$0x10] =	vst v6  }
0x380: {  	v7 =	vmul.f32 $1.442695020e+00, v7;
	v5 =	vld [tilespmem:s21+$0x40];
	_ =	sdelay $0x1  }
0x381: {  	s2 =	simm.s32 $0x460  }
0x382: {  	s11 =	simm.s32 $0xC60;
	v16 =	vld [tilespmem:s2+$0xFFFFFFF0];
	(erf) = vpow2.f32 v7  }
0x383: {  	v19 =	vld [tilespmem:s11+$0xFFFFFFF0];
	v8 =	vperm.xlane v6, v0;
	v7 =	vpop (erf)  }
0x384: {  	v22 =	vld [tilespmem:s2+$0x0];
	v9 =	vpop (erf);
	v11 =	vshll.u32 v5, $0x10  }
0x385: {  	v27 =	vld [tilespmem:s11+$0x0];
	[tilespmem:s25+$0xFFFFFFE0] =	vst v9;
	v5 =	vand.u32 $0xFFFF0000, v5;
	v11 =	vmul.f32 v11, v8  }
0x386: {  	s13 =	simm.s32 $0x5900;
	v13 =	vld [tilespmem:s21+$0xFFFFFF80];
	v5 =	vmul.f32 v5, v8  }
0x387: {  	v8 =	vld [tilespmem:s2+$0x10];
	[tilespmem:s13+$0x80] =	vst v11  }
0x388: {  	[tilespmem:s13+$0x90] =	vst v5;
	v5 =	vld [tilespmem:s11+$0x10]  }
0x389: {  	v11 =	vld [tilespmem:s21+$0x50]  }
0x38a: {  	[tilespmem:s25+$0xFFFFFFF0] =	vst v7  }
0x38b: {  	v16 =	vadd.f32 v19, v16;
	v23 =	vperm.xlane v6, v1;
	v17 =	vperm.xlane v7, v0;
	v10 =	vld [tilespmem:s21+$0xFFFFFFC0];
	v12 =	vpop (erf)  }
0x38c: {  	v15 =	vld [tilespmem:s11+$0xFFFFFFE0];
	v22 =	vadd.f32 v27, v22;
	v18 =	vperm.xlane v9, v0;
	v20 =	vperm.xlane v9, v1;
	[tilespmem:s25+$0x0] =	vst v12  }
0x38d: {  	v14 =	vld [tilespmem:s21+$0x0];
	v25 =	vshll.u32 v13, $0x10;
	v13 =	vand.u32 $0xFFFF0000, v13;
	v5 =	vadd.f32 v5, v8  }
0x38e: {  	v24 =	vld [tilespmem:s2+$0xFFFFFFE0];
	v21 =	vperm.xlane v12, v0;
	v13 =	vmul.f32 v13, v18;
	v26 =	vshll.u32 v11, $0x10  }
0x38f: {  	v11 =	vand.u32 $0xFFFF0000, v11;
	v28 =	vmul.f32 $2.000000030e-01, v5;
	v26 =	vmul.f32 v26, v23  }
0x390: {  	v8 =	vshll.u32 v10, $0x10;
	v10 =	vand.u32 $0xFFFF0000, v10;
	[tilespmem:s13+$0xFFFFFF10] =	vst v13;
	v11 =	vmul.f32 v11, v23  }
0x391: {  	v13 =	vmul.f32 $2.000000030e-01, v22;
	v8 =	vmul.f32 v8, v17;
	v5 =	vmax.f32 v5, v28;
	[tilespmem:s13+$0xA0] =	vst v26  }
0x392: {  	v19 =	vshll.u32 v14, $0x10;
	v10 =	vmul.f32 v10, v17;
	[tilespmem:s13+$0xB0] =	vst v11;
	v5 =	vmul.f32 $1.442695020e+00, v5  }
0x393: {  	v17 =	vmul.f32 v19, v21;
	v23 =	vmul.f32 v25, v18;
	v11 =	vadd.f32 v15, v24;
	v15 =	vld [tilespmem:s21+$0x60]  }
0x394: {  	v18 =	vmul.f32 $2.000000030e-01, v16;
	v13 =	vmax.f32 v22, v13;
	[tilespmem:s13+$0xFFFFFF80] =	vst v8;
	(erf) = vpow2.f32 v5  }
0x395: {  	v22 =	vperm.xlane v12, v2;
	[tilespmem:s13+$0xFFFFFF00] =	vst v23;
	v5 =	vand.u32 $0xFFFF0000, v14;
	v14 =	vmul.f32 $2.000000030e-01, v11  }
0x396: {  	[tilespmem:s13+$0xFFFFFF90] =	vst v10;
	v10 =	vperm.xlane v6, v2;
	v13 =	vmul.f32 $1.442695020e+00, v13;
	v16 =	vmax.f32 v16, v18;
	v8 =	vld [tilespmem:s21+$0xFFFFFF90]  }
0x397: {  	[tilespmem:s13+$0x0] =	vst v17;
	v17 =	vperm.xlane v9, v2;
	v11 =	vmax.f32 v11, v14;
	v14 =	vmul.f32 $1.442695020e+00, v16  }
0x398: {  	v5 =	vmul.f32 v5, v21;
	v11 =	vmul.f32 $1.442695020e+00, v11;
	v18 =	vshll.u32 v15, $0x10  }
0x399: {  	v16 =	vld [tilespmem:s21+$0xFFFFFFD0];
	(erf) = vpow2.f32 v14;
	v14 =	vand.u32 $0xFFFF0000, v15;
	v15 =	vmul.f32 v18, v10  }
0x39a: {  	[tilespmem:s13+$0x10] =	vst v5;
	(erf) = vpow2.f32 v11;
	v5 =	vmul.f32 v14, v10  }
0x39b: {  	v18 =	vld [tilespmem:s21+$0x10];
	v10 =	vperm.xlane v7, v1;
	v11 =	vshll.u32 v8, $0x10;
	v8 =	vand.u32 $0xFFFF0000, v8  }
0x39c: {  	(erf) = vpow2.f32 v13;
	[tilespmem:s13+$0xC0] =	vst v15;
	v8 =	vmul.f32 v8, v20  }
0x39d: {  	s18 =	simm.s32 $0x1460;
	[tilespmem:s13+$0xD0] =	vst v5;
	v5 =	vmul.f32 v11, v20;
	v11 =	vperm.xlane v12, v1;
	v13 =	vpop (erf)  }
0x39e: {  	s23 =	simm.s32 $0x2980;
	v14 =	vshll.u32 v16, $0x10;
	v20 =	vperm.xlane v7, v2;
	v15 =	vand.u32 $0xFFFF0000, v16;
	v19 =	vld [tilespmem:s21+$0x70];
	[tilespmem:s18+$0x10] =	vst v13  }
0x39f: {  	v16 =	vmul.f32 v14, v10;
	v10 =	vmul.f32 v15, v10;
	[tilespmem:s13+$0xFFFFFF30] =	vst v8;
	v21 =	vld [tilespmem:s23+$0x40]  }
0x3a0: {  	v14 =	vperm.xlane v9, v3;
	v15 =	vperm.xlane v7, v3;
	[tilespmem:s13+$0xFFFFFF20] =	vst v5;
	v7 =	vshll.u32 v18, $0x10  }
0x3a1: {  	s22 =	simm.s32 $0x4A0;
	v5 =	vperm.xlane v12, v3;
	[tilespmem:s13+$0xFFFFFFA0] =	vst v16;
	v7 =	vmul.f32 v7, v11  }
0x3a2: {  	v63 =	vld [tilespmem:s22+$0x10];
	s25 =	simm.s32 $0xCA0;
	v12 =	vperm.xlane v6, v3;
	v8 =	vand.u32 $0xFFFF0000, v18;
	[tilespmem:s13+$0xFFFFFFB0] =	vst v10;
	v9 =	vperm.xlane v13, v0  }
0x3a3: {  	v46 =	vld [tilespmem:s25+$0x10];
	v8 =	vmul.f32 v8, v11;
	v48 =	vperm.xlane v13, v1;
	[tilespmem:s13+$0x20] =	vst v7;
	v6 =	vpop (erf);
	v10 =	vand.u32 $0xFFFF0000, v19  }
0x3a4: {  	v25 =	vld [tilespmem:s21+$0xFFFFFFE0];
	v19 =	vshll.u32 v19, $0x10;
	[tilespmem:s18+$0xFFFFFFF0] =	vst v6;
	v16 =	vpop (erf);
	v24 =	vmul.f32 v10, v12;
	v18 =	vshll.u32 v21, $0x10  }
0x3a5: {  	v11 =	vld [tilespmem:s21+$0xFFFFFFA0];
	v29 =	vperm.xlane v6, v1;
	[tilespmem:s18+$0xFFFFFFE0] =	vst v16;
	v23 =	vpop (erf);
	v10 =	vand.u32 $0xFFFF0000, v21;
	v18 =	vmul.f32 v18, v9  }
0x3a6: {  	v12 =	vmul.f32 v19, v12;
	v26 =	vld [tilespmem:s23+$0xFFFFFFC0];
	[tilespmem:s18+$0x0] =	vst v23;
	s18 =	simm.s32 $0x5B00;
	v9 =	vmul.f32 v10, v9  }
0x3a7: {  	v7 =	vperm.xlane v16, v0;
	v27 =	vperm.xlane v16, v1;
	v28 =	vld [tilespmem:s23+$0xFFFFFF80];
	[tilespmem:s18+$0x80] =	vst v18  }
0x3a8: {  	v37 =	vadd.f32 v46, v63;
	v21 =	vperm.xlane v6, v0;
	v58 =	vperm.xlane v23, v1;
	v30 =	vld [tilespmem:s23+$0x0];
	[tilespmem:s18+$0x90] =	vst v9  }
0x3a9: {  	v61 =	vshll.u32 v25, $0x10;
	v25 =	vand.u32 $0xFFFF0000, v25;
	v10 =	vperm.xlane v16, v2;
	v59 =	vld [tilespmem:s23+$0x50]  }
0x3aa: {  	v35 =	vmul.f32 v61, v20;
	v20 =	vmul.f32 v25, v20  }
0x3ab: {  	v54 =	vld [tilespmem:s22+$0xFFFFFFE0];
	v31 =	vshll.u32 v11, $0x10;
	v25 =	vmul.f32 $2.000000030e-01, v37;
	v18 =	vperm.xlane v23, v0  }
0x3ac: {  	v47 =	vld [tilespmem:s25+$0xFFFFFFE0];
	[tilespmem:s13+$0x30] =	vst v8;
	v62 =	vshll.u32 v26, $0x10;
	v26 =	vand.u32 $0xFFFF0000, v26;
	v45 =	vshll.u32 v28, $0x10  }
0x3ad: {  	v60 =	vld [tilespmem:s21+$0x20];
	v36 =	vmul.f32 v62, v21;
	v28 =	vand.u32 $0xFFFF0000, v28;
	v21 =	vmul.f32 v26, v21  }
0x3ae: {  	[tilespmem:s13+$0xF0] =	vst v24;
	v24 =	vld [tilespmem:s25+$0xFFFFFFF0];
	v38 =	vmul.f32 v45, v7;
	v49 =	vshll.u32 v30, $0x10;
	v43 =	vshll.u32 v59, $0x10  }
0x3af: {  	[tilespmem:s13+$0xFFFFFFC0] =	vst v35;
	v7 =	vmul.f32 v28, v7;
	v28 =	vld [tilespmem:s22+$0xFFFFFFF0];
	v26 =	vand.u32 $0xFFFF0000, v59;
	v50 =	vmul.f32 v43, v48  }
0x3b0: {  	v52 =	vld [tilespmem:s22+$0x0];
	v30 =	vand.u32 $0xFFFF0000, v30;
	[tilespmem:s18+$0xFFFFFF80] =	vst v36;
	v51 =	vmul.f32 v49, v18;
	v26 =	vmul.f32 v26, v48  }
0x3b1: {  	v8 =	vand.u32 $0xFFFF0000, v11;
	v18 =	vmul.f32 v30, v18;
	v30 =	vmul.f32 v31, v17;
	v31 =	vld [tilespmem:s25+$0x0];
	[tilespmem:s18+$0xA0] =	vst v50  }
0x3b2: {  	v53 =	vshll.u32 v60, $0x10;
	v17 =	vmul.f32 v8, v17;
	v8 =	vand.u32 $0xFFFF0000, v60;
	[tilespmem:s18+$0xB0] =	vst v26  }
0x3b3: {  	v33 =	vmul.f32 v53, v22;
	[tilespmem:s18+$0xFFFFFF90] =	vst v21;
	v21 =	vadd.f32 v47, v54;
	v22 =	vmul.f32 v8, v22;
	v26 =	vld [tilespmem:s23+$0x60]  }
0x3b4: {  	[tilespmem:s18+$0xFFFFFF10] =	vst v7;
	v8 =	vperm.xlane v16, v3;
	v16 =	vmax.f32 v37, v25;
	v7 =	vadd.f32 v24, v28  }
0x3b5: {  	v9 =	vperm.xlane v23, v2;
	v16 =	vmul.f32 $1.442695020e+00, v16;
	[tilespmem:s18+$0x10] =	vst v18  }
0x3b6: {  	[tilespmem:s13+$0xFFFFFF50] =	vst v17;
	v17 =	vmul.f32 $2.000000030e-01, v21;
	v28 =	vadd.f32 v31, v52;
	v18 =	vmul.f32 $2.000000030e-01, v7  }
0x3b7: {  	[tilespmem:s18+$0xFFFFFF00] =	vst v38;
	v24 =	vperm.xlane v13, v2;
	(erf) = vpow2.f32 v16  }
0x3b8: {  	[tilespmem:s18+$0x0] =	vst v51;
	v25 =	vld [tilespmem:s23+$0xFFFFFF90];
	v31 =	vmul.f32 $2.000000030e-01, v28;
	v18 =	vmax.f32 v7, v18;
	v16 =	vshll.u32 v26, $0x10  }
0x3b9: {  	[tilespmem:s13+$0xFFFFFF40] =	vst v30;
	v30 =	vld [tilespmem:s23+$0xFFFFFFD0];
	v7 =	vperm.xlane v23, v3;
	v26 =	vand.u32 $0xFFFF0000, v26;
	v16 =	vmul.f32 v16, v24  }
0x3ba: {  	[tilespmem:s13+$0xFFFFFFD0] =	vst v20;
	v17 =	vmax.f32 v21, v17;
	v23 =	vld [tilespmem:s23+$0x10];
	v18 =	vmul.f32 $1.442695020e+00, v18;
	v24 =	vmul.f32 v26, v24  }
0x3bb: {  	v11 =	vperm.xlane v6, v2;
	v17 =	vmul.f32 $1.442695020e+00, v17;
	v19 =	vmax.f32 v28, v31;
	[tilespmem:s18+$0xC0] =	vst v16  }
0x3bc: {  	v21 =	vld [tilespmem:s21+$0xFFFFFFF0];
	v19 =	vmul.f32 $1.442695020e+00, v19;
	(erf) = vpow2.f32 v18;
	[tilespmem:s18+$0xD0] =	vst v24  }
0x3bd: {  	v13 =	vperm.xlane v13, v3;
	(erf) = vpow2.f32 v17;
	v18 =	vld [tilespmem:s23+$0x70]  }
0x3be: {  	[tilespmem:s13+$0x40] =	vst v33;
	v20 =	vshll.u32 v25, $0x10;
	v17 =	vand.u32 $0xFFFF0000, v30;
	(erf) = vpow2.f32 v19  }
0x3bf: {  	[tilespmem:s13+$0x50] =	vst v22;
	v19 =	vmul.f32 v20, v27;
	v22 =	vshll.u32 v23, $0x10;
	v23 =	vand.u32 $0xFFFF0000, v23;
	v16 =	vld [tilespmem:s21+$0xFFFFFFB0]  }
0x3c0: {  	s30 =	simm.s32 $0x14A0;
	[tilespmem:s13+$0xE0] =	vst v12;
	v20 =	vld [tilespmem:s21+$0x30];
	v12 =	vpop (erf);
	v17 =	vmul.f32 v17, v29;
	v24 =	vand.u32 $0xFFFF0000, v25;
	v31 =	vmul.f32 v22, v58  }
0x3c1: {  	v25 =	vshll.u32 v30, $0x10;
	[tilespmem:s30+$0x10] =	vst v12;
	s21 =	simm.s32 $0x2A80;
	v56 =	vmul.f32 v23, v58;
	v24 =	vmul.f32 v24, v27  }
0x3c2: {  	v25 =	vmul.f32 v25, v29;
	[tilespmem:s18+$0xFFFFFF20] =	vst v19;
	v27 =	vshll.u32 v21, $0x10;
	v55 =	vld [tilespmem:s21+$0x40];
	v19 =	vand.u32 $0xFFFF0000, v18  }
0x3c3: {  	v21 =	vand.u32 $0xFFFF0000, v21;
	[tilespmem:s18+$0xFFFFFFB0] =	vst v17;
	v23 =	vmul.f32 v27, v15;
	v19 =	vmul.f32 v19, v13  }
0x3c4: {  	v17 =	vmul.f32 v21, v15;
	[tilespmem:s18+$0xFFFFFF30] =	vst v24;
	v26 =	vshll.u32 v16, $0x10;
	v16 =	vand.u32 $0xFFFF0000, v16  }
0x3c5: {  	[tilespmem:s18+$0xFFFFFFA0] =	vst v25;
	v24 =	vshll.u32 v20, $0x10;
	v25 =	vld [tilespmem:s23+$0xFFFFFFA0];
	v57 =	vmul.f32 v26, v14;
	v28 =	vmul.f32 v16, v14;
	v14 =	vpop (erf)  }
0x3c6: {  	v58 =	vld [tilespmem:s23+$0xFFFFFFE0];
	v15 =	vmul.f32 v24, v5;
	v24 =	vand.u32 $0xFFFF0000, v20;
	v20 =	vperm.xlane v12, v0;
	[tilespmem:s30+$0xFFFFFFF0] =	vst v14  }
0x3c7: {  	v6 =	vperm.xlane v6, v3;
	v21 =	vshll.u32 v55, $0x10;
	v29 =	vperm.xlane v14, v0;
	[tilespmem:s18+$0xF0] =	vst v19;
	v19 =	vpop (erf)  }
0x3c8: {  	v26 =	vand.u32 $0xFFFF0000, v55;
	v61 =	vmul.f32 v21, v20;
	v21 =	vperm.xlane v14, v1;
	v59 =	vld [tilespmem:s21+$0xFFFFFFC0];
	[tilespmem:s30+$0xFFFFFFE0] =	vst v19;
	v16 =	vpop (erf)  }
0x3c9: {  	v22 =	vshll.u32 v18, $0x10;
	v62 =	vmul.f32 v26, v20;
	v26 =	vperm.xlane v14, v2;
	v60 =	vld [tilespmem:s21+$0xFFFFFF80];
	[tilespmem:s30+$0x0] =	vst v16  }
0x3ca: {  	s22 =	simm.s32 $0x5D00;
	[tilespmem:s18+$0x20] =	vst v31;
	v32 =	vshll.u32 v25, $0x10;
	v31 =	vand.u32 $0xFFFF0000, v25;
	v34 =	vperm.xlane v19, v0;
	v37 =	vld [tilespmem:s21+$0x0]  }
0x3cb: {  	[tilespmem:s22+$0x80] =	vst v61;
	v33 =	vshll.u32 v58, $0x10;
	v18 =	vperm.xlane v19, v1;
	v27 =	vperm.xlane v19, v2  }
0x3cc: {  	p1 =	por !p1, p6;
	p2 =	por @!p6 $0x0, $0x0;
	p3 =	por @!p4 $0x1, $0x1;
	[tilespmem:s22+$0x90] =	vst v62;
	v35 =	vand.u32 $0xFFFF0000, v58;
	v30 =	vperm.xlane v16, v0;
	v20 =	vperm.xlane v16, v1  }
0x3cd: {  	p4 =	por $0x0, $0x0;
	p3 =	por @!p1 p2, p2;
	[tilespmem:s18+$0x30] =	vst v56;
	v38 =	vld [tilespmem:s21+$0x50];
	v25 =	vperm.xlane v16, v2;
	v63 =	vshll.u32 v59, $0x10;
	v39 =	vand.u32 $0xFFFF0000, v59  }
0x3ce: {  	s1 =	simm.s32 $0x8;
	p4 =	por @!p6 p3, p3;
	s2 =	simm.s32 $0x4E0;
	v36 =	vld [tilespmem:s23+$0x20];
	[tilespmem:s13+$0xFFFFFF60] =	vst v57;
	v41 =	vmul.f32 v63, v29;
	v42 =	vshll.u32 v60, $0x10;
	v40 =	vand.u32 $0xFFFF0000, v60  }
.LBB2_11:
0x3cf: {  	v43 =	vld [tilespmem:s2+$0x10];
	v42 =	vmul.f32 v42, v34;
	v44 =	vshll.u32 v37, $0x10;
	v37 =	vand.u32 $0xFFFF0000, v37;
	s25 =	sadd.s32 $0x40, s25;
	[tilespmem:s13+$0xFFFFFF70] =	vst v28  }
0x3d0: {  	v34 =	vmul.f32 v40, v34;
	v29 =	vmul.f32 v39, v29;
	v28 =	vld [tilespmem:s25+$0x10];
	[tilespmem:s22+$0xFFFFFF80] =	vst v41  }
0x3d1: {  	v40 =	vmul.f32 v44, v30;
	v41 =	vperm.xlane v12, v1;
	v39 =	vld [tilespmem:s25+$0xFFFFFFE0];
	[tilespmem:s22+$0xFFFFFF00] =	vst v42  }
0x3d2: {  	v32 =	vmul.f32 v32, v10;
	v30 =	vmul.f32 v37, v30;
	v42 =	vld [tilespmem:s2+$0xFFFFFFF0];
	[tilespmem:s22+$0xFFFFFF10] =	vst v34;
	v34 =	vshll.u32 v38, $0x10  }
0x3d3: {  	s1 =	sadd.s32 $0x4, s1;
	v37 =	vld [tilespmem:s25+$0xFFFFFFF0];
	[tilespmem:s22+$0xFFFFFF90] =	vst v29;
	v29 =	vand.u32 $0xFFFF0000, v38;
	v34 =	vmul.f32 v34, v41;
	v38 =	vshll.u32 v36, $0x10  }
0x3d4: {  	v31 =	vmul.f32 v31, v10;
	v10 =	vmovc v27;
	p1 =	slt.u32 s1, $0x3C;
	v36 =	vand.u32 $0xFFFF0000, v36;
	v44 =	vld [tilespmem:s2+$0x0];
	[tilespmem:s22+$0x0] =	vst v40;
	v29 =	vmul.f32 v29, v41  }
0x3d5: {  	v33 =	vmul.f32 v33, v11;
	v27 =	vld [tilespmem:s25+$0x0];
	v28 =	vadd.f32 v28, v43;
	[tilespmem:s22+$0xA0] =	vst v34;
	v34 =	vmul.f32 v35, v11  }
0x3d6: {  	v36 =	vmul.f32 v36, v9;
	v11 =	vmovc v26;
	v35 =	vld [tilespmem:s2+$0xFFFFFFE0];
	[tilespmem:s22+$0xB0] =	vst v29;
	v29 =	vmul.f32 v38, v9;
	v9 =	vmov v25  }
0x3d7: {  	v19 =	vperm.xlane v19, v3;
	v25 =	vmul.f32 $2.000000030e-01, v28;
	[tilespmem:s22+$0x10] =	vst v30;
	v26 =	vld [tilespmem:s21+$0x60]  }
0x3d8: {  	v38 =	vperm.xlane v14, v3;
	v14 =	vperm.xlane v16, v3;
	v30 =	vadd.f32 v37, v42;
	v37 =	vld [tilespmem:s21+$0xFFFFFF90];
	[tilespmem:s18+$0xFFFFFF40] =	vst v32  }
0x3d9: {  	v13 =	vmul.f32 v22, v13;
	v22 =	vmul.f32 v24, v5;
	v16 =	vmax.f32 v28, v25;
	v25 =	vld [tilespmem:s21+$0xFFFFFFD0];
	[tilespmem:s18+$0xFFFFFF50] =	vst v31  }
0x3da: {  	v5 =	vmovc v7;
	v7 =	vmovc v14;
	v24 =	vmul.f32 $2.000000030e-01, v30;
	v27 =	vadd.f32 v27, v44;
	v16 =	vmul.f32 $1.442695020e+00, v16;
	v28 =	vld [tilespmem:s21+$0x10];
	[tilespmem:s18+$0xFFFFFFC0] =	vst v33  }
0x3db: {  	v31 =	vperm.xlane v12, v2;
	v14 =	vadd.f32 v39, v35;
	v32 =	vld [tilespmem:s23+$0xFFFFFFB0];
	[tilespmem:s18+$0xFFFFFFD0] =	vst v34  }
0x3dc: {  	v33 =	vmul.f32 $2.000000030e-01, v27;
	(erf) = vpow2.f32 v16;
	v16 =	vshll.u32 v26, $0x10;
	v34 =	vld [tilespmem:s23+$0xFFFFFFF0];
	[tilespmem:s18+$0x40] =	vst v29  }
0x3dd: {  	v26 =	vand.u32 $0xFFFF0000, v26;
	v29 =	vmul.f32 $2.000000030e-01, v14;
	v16 =	vmul.f32 v16, v31;
	[tilespmem:s18+$0x50] =	vst v36  }
0x3de: {  	v24 =	vmax.f32 v30, v24;
	v26 =	vmul.f32 v26, v31;
	v27 =	vmax.f32 v27, v33;
	v30 =	vld [tilespmem:s23+$0x30];
	[tilespmem:s13+$0xFFFFFFE0] =	vst v23;
	s23 =	smov.u32 s21  }
0x3df: {  	v23 =	vmul.f32 $1.442695020e+00, v24;
	v14 =	vmax.f32 v14, v29;
	v24 =	vmul.f32 $1.442695020e+00, v27;
	[tilespmem:s22+$0xC0] =	vst v16  }
0x3e0: {  	v16 =	vshll.u32 v37, $0x10;
	v27 =	vand.u32 $0xFFFF0000, v37;
	v14 =	vmul.f32 $1.442695020e+00, v14;
	[tilespmem:s22+$0xD0] =	vst v26  }
0x3e1: {  	(erf) = vpow2.f32 v23;
	v23 =	vshll.u32 v25, $0x10;
	v25 =	vand.u32 $0xFFFF0000, v25;
	v26 =	vld [tilespmem:s21+$0x70];
	[tilespmem:s13+$0xFFFFFFF0] =	vst v17  }
0x3e2: {  	v17 =	vand.u32 $0xFFFF0000, v28;
	(erf) = vpow2.f32 v14;
	v14 =	vshll.u32 v28, $0x10;
	[tilespmem:s13+$0x60] =	vst v15  }
0x3e3: {  	v15 =	vmul.f32 v16, v18;
	v16 =	vshll.u32 v32, $0x10;
	(erf) = vpow2.f32 v24;
	[tilespmem:s13+$0x70] =	vst v22;
	s13 =	smov.u32 s18;
	s18 =	smov.u32 s22  }
0x3e4: {  	v18 =	vmul.f32 v27, v18;
	v22 =	vmul.f32 v23, v21;
	v23 =	vand.u32 $0xFFFF0000, v32;
	[tilespmem:s13+$0xE0] =	vst v13  }
0x3e5: {  	s30 =	sadd.s32 $0x40, s30;
	v13 =	vperm.xlane v12, v3;
	[tilespmem:s22+$0xFFFFFF20] =	vst v15;
	v15 =	vmul.f32 v25, v21;
	v12 =	vpop (erf);
	v21 =	vshll.u32 v34, $0x10  }
0x3e6: {  	s21 =	sadd.s32 $0x100, s21;
	v36 =	vmul.f32 v17, v20;
	v25 =	vmul.f32 v14, v20;
	[tilespmem:s30+$0x10] =	vst v12;
	v14 =	vand.u32 $0xFFFF0000, v26  }
0x3e7: {  	v17 =	vand.u32 $0xFFFF0000, v34;
	v20 =	vld [tilespmem:s21+$0x40];
	[tilespmem:s22+$0xFFFFFF30] =	vst v18;
	v27 =	vmul.f32 v14, v13;
	v18 =	vshll.u32 v30, $0x10  }
0x3e8: {  	v43 =	vmul.f32 v16, v8;
	v24 =	vand.u32 $0xFFFF0000, v30;
	v31 =	vld [tilespmem:s23+$0xFFFFFFA0];
	[tilespmem:s22+$0xFFFFFFA0] =	vst v22;
	v22 =	vshll.u32 v26, $0x10  }
0x3e9: {  	v28 =	vmul.f32 v23, v8;
	v8 =	vmov v19;
	v23 =	vmul.f32 v21, v6;
	[tilespmem:s22+$0xF0] =	vst v27  }
0x3ea: {  	v17 =	vmul.f32 v17, v6;
	v6 =	vmov v38;
	v14 =	vpop (erf);
	[tilespmem:s22+$0xFFFFFFB0] =	vst v15;
	v15 =	vmul.f32 v18, v5  }
0x3eb: {  	v26 =	vperm.xlane v12, v0;
	[tilespmem:s30+$0xFFFFFFF0] =	vst v14;
	v29 =	vperm.xlane v14, v0;
	v19 =	vpop (erf);
	v35 =	vld [tilespmem:s23+$0xFFFFFFE0]  }
0x3ec: {  	[tilespmem:s30+$0xFFFFFFE0] =	vst v19;
	v34 =	vperm.xlane v19, v0;
	v18 =	vperm.xlane v19, v1;
	v38 =	vld [tilespmem:s21+$0xFFFFFFC0];
	v21 =	vshll.u32 v20, $0x10;
	v16 =	vpop (erf)  }
0x3ed: {  	v20 =	vand.u32 $0xFFFF0000, v20;
	v40 =	vld [tilespmem:s21+$0xFFFFFF80];
	[tilespmem:s30+$0x0] =	vst v16;
	v30 =	vperm.xlane v16, v0;
	v33 =	vmul.f32 v21, v26  }
.Ltmp4:
0x3ee: {  	s22 =	sadd.s32 $0x200, s22;
	v21 =	vperm.xlane v14, v1;
	v39 =	vmul.f32 v20, v26;
	v32 =	vshll.u32 v31, $0x10;
	v37 =	vld [tilespmem:s21+$0x0];
	[tilespmem:s18+$0x20] =	vst v25;
	(pc) =	sbr.rel @p1 .LBB2_11-.Ltmp4, $4  }
0x3ef: {  	v27 =	vperm.xlane v19, v2;
	v20 =	vperm.xlane v16, v1;
	v31 =	vand.u32 $0xFFFF0000, v31;
	[tilespmem:s22+$0x80] =	vst v33  }
0x3f0: {  	v26 =	vperm.xlane v14, v2;
	v25 =	vperm.xlane v16, v2;
	[tilespmem:s22+$0x90] =	vst v39;
	v33 =	vshll.u32 v35, $0x10  }
0x3f1: {  	v35 =	vand.u32 $0xFFFF0000, v35;
	v41 =	vshll.u32 v38, $0x10;
	v39 =	vand.u32 $0xFFFF0000, v38;
	v38 =	vld [tilespmem:s21+$0x50];
	[tilespmem:s18+$0x30] =	vst v36  }
0x3f2: {  	s2 =	sadd.s32 $0x40, s2;
	v42 =	vshll.u32 v40, $0x10;
	v40 =	vand.u32 $0xFFFF0000, v40;
	v41 =	vmul.f32 v41, v29;
	v36 =	vld [tilespmem:s23+$0x20];
	[tilespmem:s13+$0xFFFFFF60] =	vst v43  }
0x3f3: {  	[tilespmem:s13+$0xFFFFFF70] =	vst v28  }
0x3f4: {  	[tilespmem:s13+$0xFFFFFFE0] =	vst v23  }
0x3f5: {  	v42 =	vmul.f32 v42, v34;
	[tilespmem:s13+$0xFFFFFFF0] =	vst v17  }
0x3f6: {  	v28 =	vmul.f32 v40, v34;
	v55 =	vshll.u32 v37, $0x10;
	[tilespmem:s22+$0xFFFFFF80] =	vst v41  }
0x3f7: {  	v29 =	vmul.f32 v39, v29;
	v56 =	vperm.xlane v12, v1;
	v57 =	vand.u32 $0xFFFF0000, v37;
	[tilespmem:s22+$0xFFFFFF00] =	vst v42  }
0x3f8: {  	v34 =	vmul.f32 v55, v30;
	v30 =	vmul.f32 v57, v30;
	[tilespmem:s22+$0xFFFFFF10] =	vst v28;
	v28 =	vshll.u32 v38, $0x10  }
0x3f9: {  	[tilespmem:s22+$0xFFFFFF90] =	vst v29;
	v29 =	vand.u32 $0xFFFF0000, v38;
	v28 =	vmul.f32 v28, v56  }
0x3fa: {  	[tilespmem:s22+$0x10] =	vst v30;
	v29 =	vmul.f32 v29, v56  }
0x3fb: {  	v30 =	vmul.f32 v33, v11;
	[tilespmem:s22+$0xA0] =	vst v28  }
0x3fc: {  	v28 =	vmul.f32 v32, v10;
	[tilespmem:s22+$0xB0] =	vst v29  }
0x3fd: {  	[tilespmem:s18+$0xFFFFFFC0] =	vst v30;
	v10 =	vmul.f32 v31, v10;
	v29 =	vld [tilespmem:s21+$0x60]  }
0x3fe: {  	v11 =	vmul.f32 v35, v11;
	[tilespmem:s18+$0xFFFFFF40] =	vst v28;
	v28 =	vshll.u32 v36, $0x10  }
0x3ff: {  	[tilespmem:s18+$0xFFFFFF50] =	vst v10;
	v10 =	vand.u32 $0xFFFF0000, v36;
	v28 =	vmul.f32 v28, v9  }
0x400: {  	[tilespmem:s18+$0xFFFFFFD0] =	vst v11;
	v11 =	vld [tilespmem:s21+$0xFFFFFF90];
	v9 =	vmul.f32 v10, v9  }
0x401: {  	v10 =	vperm.xlane v12, v2;
	[tilespmem:s18+$0x40] =	vst v28  }
0x402: {  	[tilespmem:s18+$0x50] =	vst v9;
	v9 =	vld [tilespmem:s21+$0xFFFFFFD0];
	v30 =	vshll.u32 v29, $0x10;
	v28 =	vand.u32 $0xFFFF0000, v29  }
0x403: {  	[tilespmem:s22+$0x0] =	vst v34;
	v29 =	vmul.f32 v30, v10;
	v10 =	vmul.f32 v28, v10  }
0x404: {  	[tilespmem:s13+$0x60] =	vst v15;
	v23 =	vld [tilespmem:s21+$0x10]  }
0x405: {  	v5 =	vmul.f32 v24, v5;
	[tilespmem:s22+$0xD0] =	vst v10;
	v10 =	vshll.u32 v11, $0x10  }
0x406: {  	[tilespmem:s22+$0xC0] =	vst v29;
	v11 =	vand.u32 $0xFFFF0000, v11;
	v10 =	vmul.f32 v10, v18  }
0x407: {  	[tilespmem:s13+$0x70] =	vst v5;
	v15 =	vshll.u32 v9, $0x10;
	v17 =	vld [tilespmem:s21+$0x70];
	v5 =	vmul.f32 v11, v18  }
0x408: {  	v11 =	vld [tilespmem:s23+$0xFFFFFFB0];
	v9 =	vand.u32 $0xFFFF0000, v9;
	v15 =	vmul.f32 v15, v21;
	[tilespmem:s22+$0xFFFFFF20] =	vst v10  }
0x409: {  	v9 =	vmul.f32 v9, v21;
	v10 =	vshll.u32 v23, $0x10;
	[tilespmem:s22+$0xFFFFFF30] =	vst v5  }
0x40a: {  	v5 =	vand.u32 $0xFFFF0000, v23;
	v10 =	vmul.f32 v10, v20;
	v18 =	vld [tilespmem:s21+$0xFFFFFFA0];
	[tilespmem:s22+$0xFFFFFFA0] =	vst v15  }
0x40b: {  	v12 =	vperm.xlane v12, v3;
	v5 =	vmul.f32 v5, v20;
	[tilespmem:s22+$0xFFFFFFB0] =	vst v9  }
0x40c: {  	v9 =	vmul.f32 v22, v13;
	v15 =	vld [tilespmem:s21+$0xFFFFFFE0];
	v13 =	vand.u32 $0xFFFF0000, v17;
	[tilespmem:s22+$0x20] =	vst v10  }
0x40d: {  	v10 =	vshll.u32 v11, $0x10;
	[tilespmem:s22+$0x30] =	vst v5;
	v13 =	vmul.f32 v13, v12  }
0x40e: {  	v5 =	vand.u32 $0xFFFF0000, v11;
	[tilespmem:s18+$0xE0] =	vst v9;
	v9 =	vmul.f32 v10, v8;
	v10 =	vld [tilespmem:s21+$0x20]  }
0x40f: {  	v5 =	vmul.f32 v5, v8;
	[tilespmem:s22+$0xF0] =	vst v13;
	v8 =	vshll.u32 v18, $0x10  }
0x410: {  	v11 =	vld [tilespmem:s23+$0xFFFFFFF0];
	v13 =	vand.u32 $0xFFFF0000, v18;
	[tilespmem:s18+$0xFFFFFF60] =	vst v9;
	v8 =	vmul.f32 v8, v27  }
0x411: {  	[tilespmem:s18+$0xFFFFFF70] =	vst v5;
	v9 =	vshll.u32 v15, $0x10;
	v5 =	vmul.f32 v13, v27  }
0x412: {  	v13 =	vld [tilespmem:s23+$0x30];
	v15 =	vand.u32 $0xFFFF0000, v15;
	v9 =	vmul.f32 v9, v26;
	[tilespmem:s22+$0xFFFFFF40] =	vst v8  }
0x413: {  	v15 =	vmul.f32 v15, v26;
	v8 =	vshll.u32 v10, $0x10;
	[tilespmem:s22+$0xFFFFFF50] =	vst v5  }
0x414: {  	v5 =	vand.u32 $0xFFFF0000, v10;
	v8 =	vmul.f32 v8, v25;
	[tilespmem:s22+$0xFFFFFFC0] =	vst v9  }
0x415: {  	v9 =	vshll.u32 v11, $0x10;
	v5 =	vmul.f32 v5, v25;
	v10 =	vld [tilespmem:s21+$0xFFFFFFB0];
	[tilespmem:s22+$0xFFFFFFD0] =	vst v15  }
0x416: {  	v11 =	vand.u32 $0xFFFF0000, v11;
	v9 =	vmul.f32 v9, v6;
	[tilespmem:s22+$0x40] =	vst v8  }
0x417: {  	v6 =	vmul.f32 v11, v6;
	v11 =	vld [tilespmem:s21+$0xFFFFFFF0];
	v8 =	vshll.u32 v13, $0x10;
	[tilespmem:s22+$0x50] =	vst v5  }
0x418: {  	v5 =	vand.u32 $0xFFFF0000, v13;
	v8 =	vmul.f32 v8, v7;
	[tilespmem:s18+$0xFFFFFFE0] =	vst v9  }
0x419: {  	v13 =	vshll.u32 v17, $0x10;
	v9 =	vperm.xlane v19, v3;
	v5 =	vmul.f32 v5, v7;
	v7 =	vld [tilespmem:s21+$0x30];
	[tilespmem:s18+$0xFFFFFFF0] =	vst v6  }
0x41a: {  	v6 =	vmul.f32 v13, v12;
	[tilespmem:s18+$0x60] =	vst v8;
	v8 =	vshll.u32 v10, $0x10  }
0x41b: {  	v12 =	vperm.xlane v14, v3;
	[tilespmem:s18+$0x70] =	vst v5;
	v5 =	vand.u32 $0xFFFF0000, v10;
	v8 =	vmul.f32 v8, v9  }
0x41c: {  	[tilespmem:s22+$0xE0] =	vst v6;
	v6 =	vshll.u32 v11, $0x10;
	v5 =	vmul.f32 v5, v9  }
0x41d: {  	v9 =	vperm.xlane v16, v3;
	v10 =	vand.u32 $0xFFFF0000, v11;
	v6 =	vmul.f32 v6, v12;
	[tilespmem:s22+$0xFFFFFF60] =	vst v8  }
0x41e: {  	v10 =	vmul.f32 v10, v12;
	v8 =	vshll.u32 v7, $0x10;
	[tilespmem:s22+$0xFFFFFF70] =	vst v5  }
0x41f: {  	s1 =	sadd.s32 s15, s28;
	v5 =	vand.u32 $0xFFFF0000, v7;
	v7 =	vmul.f32 v8, v9;
	[tilespmem:s22+$0xFFFFFFE0] =	vst v6  }
0x420: {  	p5 =	sgt.u32 s1, $0x9C3;
	v5 =	vmul.f32 v5, v9;
	[tilespmem:s22+$0xFFFFFFF0] =	vst v10  }
0x421: {  	p3 =	seq.s32 s17, $0x1A;
	s1 =	simm.s32 @!p5 $0x40;
	p1 =	por !p0, p5;
	[tilespmem:s22+$0x60] =	vst v7  }
0x422: {  	s2 =	simm.s32 @!p5 $0x7A40;
	s13 =	simm.s32 @!p5 $0x5800;
	s18 =	simm.s32 @!p1 $0x1400;
	[tilespmem:s22+$0x70] =	vst v5  }
0x423: {  	[spmem:s31] =	stream.indirect.scatter.add.f32 @!p5 [tilespmem:s13], [sflag:$0xA], $0x80, s2, s1, $0xb8;
	[tilespmem:$0x1E300] =	vst v63  }
0x424: {  	s1 =	simm.s32 @!p1 $0x40;
	s2 =	simm.s32 @!p1 $0x7A40;
	s13 =	smul.u32 @!p3 $0x30, s17  }
0x425: {  	[spmem:s29] =	stream.indirect.scatter.add.f32 @!p1 [tilespmem:s18], [sflag:$0xA], $0x10, s2, s1, $0xb8;
	[tilespmem:$0x1E300] =	vst v63  }
0x426: {  	s1 =	sadd.s32 @!p3 $0x30, s13  }
0x427: {  	s21 =	simm.s32 @!p3 $0x7800;
	s18 =	simm.s32 @!p3 $0x0;
	s2 =	sadd.s32 @!p3 s3, s1  }
0x428: {  	[tilespmem:s21], [sflag:$0x1] =	stream.linear.gather @!p3 [hbm4b:s2+s18], $0x40, $0x38;
	[tilespmem:$0x1E300] =	vst v63  }
0x429: {  	s1 =	sadd.s32 @!p3 s12, s1;
	s2 =	simm.s32 @!p3 $0x7980  }
0x42a: {  	[tilespmem:s2], [sflag:$0x1] =	stream.linear.gather @!p3 [hbm4b:s1+s18], $0x40, $0x38;
	[tilespmem:$0x1E300] =	vst v63  }
0x42b: {  	_ =	swait.ge [sflag:s16], $0x40  }
0x42c: {  	[sflag:s16] =	ssyncset.done $0x0  }
0x42d: {  	[sflag:s16] =	ssyncadd.s32 $0xFFFFFFC0  }
0x42e: {  	_ =	swait.ge [sflag:s16], $0x40  }
0x42f: {  	[sflag:s16] =	ssyncset.done $0x0;
	s22 =	sld [smem:$0x7FA]  }
0x430: {  	s11 =	simm.s32 $0x7940;
	s2 =	simm.s32 $0x400;
	[sflag:s16] =	ssyncadd.s32 $0xFFFFFFC0  }
0x431: {  	[tilespmem:s2], [sflag:$0x8] =	stream.indirect.gather [hbm4b:s8+s24], $0x10, s11, s24, $0xb8;
	[tilespmem:$0x1E300] =	vst v63  }
0x432: {  	s21 =	simm.s32 $0x7AC0;
	s18 =	simm.s32 $0xC00;
	p2 =	seq.s32 s22, $0x1  }
0x433: {  	[tilespmem:s18], [sflag:$0x8] =	stream.indirect.gather [hbm4b:s9+s24], $0x10, s21, s24, $0xb8;
	[tilespmem:$0x1E300] =	vst v63  }
0x434: {  	s1 =	simm.s32 @!p2 $0x40;
	s2 =	simm.s32 @!p2 $0x7940;
	s18 =	simm.s32 @!p2 $0x2800  }
0x435: {  	[tilespmem:s18], [sflag:$0x8] =	stream.indirect.gather @!p2 [hbm4b:s5+s1], $0x40, s2, s1, $0xb8;
	[tilespmem:$0x1E300] =	vst v63  }
0x436: {  	s1 =	simm.s32 @p0 $0x40;
	s2 =	simm.s32 @p0 $0x7940;
	s18 =	simm.s32 @p0 $0x2800  }
0x437: {  	[tilespmem:s18], [sflag:$0x8] =	stream.indirect.gather @p0 [hbm4b:s6+s1], $0x40, s2, s1, $0xb8;
	[tilespmem:$0x1E300] =	vst v63  }
0x438: {  	s1 =	simm.s32 @!p6 $0x9  }
0x439: {  	_ =	swait.ge @!p6 [sflag:s1], $0x2000  }
0x43a: {  	[sflag:s1] =	ssyncset.done @!p6 $0x0  }
0x43b: {  	[sflag:s1] =	ssyncadd.s32 @!p6 $0xFFFFE000;
	s1 =	simm.s32 @p4 $0x9  }
0x43c: {  	_ =	swait.ge @p4 [sflag:s1], $0x400  }
0x43d: {  	[sflag:s1] =	ssyncset.done @p4 $0x0  }
0x43e: {  	[sflag:s1] =	ssyncadd.s32 @p4 $0xFFFFFC00  }
0x43f: {  	_ =	swait.ge [sflag:s0], $0x400  }
0x440: {  	[sflag:s0] =	ssyncset.done $0x0  }
0x441: {  	[sflag:s0] =	ssyncadd.s32 $0xFFFFFC00  }
0x442: {  	_ =	swait.ge [sflag:s0], $0x400  }
0x443: {  	[sflag:s0] =	ssyncset.done $0x0  }
0x444: {  	[sflag:s0] =	ssyncadd.s32 $0xFFFFFC00  }
0x445: {  	_ =	swait.ge [sflag:s0], $0x1000  }
0x446: {  	[sflag:s0] =	ssyncset.done $0x0  }
0x447: {  	s23 =	simm.s32 $0x20;
	[sflag:s0] =	ssyncadd.s32 $0xFFFFF000  }
0x448: {  	s25 =	simm.s32 $0x820;
	v5 =	vld [tilespmem:s23+$0x10]  }
0x449: {  	v6 =	vld [tilespmem:s25+$0x10];
	_ =	sdelay $0x3  }
0x44a: {  	v7 =	vld [tilespmem:s25+$0xFFFFFFE0]  }
0x44b: {  	v8 =	vld [tilespmem:s23+$0xFFFFFFF0];
	v5 =	vadd.f32 v6, v5  }
0x44c: {  	v9 =	vld [tilespmem:s25+$0xFFFFFFF0]  }
0x44d: {  	v6 =	vld [tilespmem:s23+$0xFFFFFFE0];
	v12 =	vmul.f32 $2.000000030e-01, v5;
	_ =	sdelay $0x1  }
0x44e: {  	v5 =	vmax.f32 v5, v12  }
0x44f: {  	v5 =	vmul.f32 $1.442695020e+00, v5  }
0x450: {  	v8 =	vadd.f32 v9, v8  }
0x451: {  	v10 =	vld [tilespmem:s23+$0x0];
	v6 =	vadd.f32 v7, v6;
	(erf) = vpow2.f32 v5  }
0x452: {  	v11 =	vld [tilespmem:s25+$0x0];
	v7 =	vmul.f32 $2.000000030e-01, v8  }
0x453: {  	v5 =	vmul.f32 $2.000000030e-01, v6  }
0x454: {  	v7 =	vmax.f32 v8, v7  }
0x455: {  	v5 =	vmax.f32 v6, v5;
	v6 =	vmul.f32 $1.442695020e+00, v7  }
0x456: {  	v5 =	vmul.f32 $1.442695020e+00, v5  }
0x457: {  	v9 =	vadd.f32 v11, v10;
	(erf) = vpow2.f32 v6  }
0x458: {  	(erf) = vpow2.f32 v5  }
0x459: {  	v10 =	vmul.f32 $2.000000030e-01, v9  }
0x45a: {  	s2 =	simm.s32 $0x1020;
	v6 =	vpop (erf)  }
0x45b: {  	s22 =	simm.s32 $0x1880;
	v7 =	vmax.f32 v9, v10;
	[tilespmem:s2+$0x10] =	vst v6  }
0x45c: {  	v7 =	vmul.f32 $1.442695020e+00, v7;
	v5 =	vld [tilespmem:s22+$0x40];
	_ =	sdelay $0x1  }
0x45d: {  	s11 =	simm.s32 $0x60  }
0x45e: {  	s18 =	simm.s32 $0x860;
	v16 =	vld [tilespmem:s11+$0xFFFFFFF0];
	(erf) = vpow2.f32 v7  }
0x45f: {  	v19 =	vld [tilespmem:s18+$0xFFFFFFF0];
	v8 =	vperm.xlane v6, v0;
	v7 =	vpop (erf)  }
0x460: {  	v22 =	vld [tilespmem:s11+$0x0];
	v9 =	vpop (erf);
	v11 =	vshll.u32 v5, $0x10  }
0x461: {  	v27 =	vld [tilespmem:s18+$0x0];
	[tilespmem:s2+$0xFFFFFFE0] =	vst v9;
	v5 =	vand.u32 $0xFFFF0000, v5;
	v11 =	vmul.f32 v11, v8  }
0x462: {  	s23 =	simm.s32 $0x3900;
	v13 =	vld [tilespmem:s22+$0xFFFFFF80];
	v5 =	vmul.f32 v5, v8  }
0x463: {  	v8 =	vld [tilespmem:s11+$0x10];
	[tilespmem:s23+$0x80] =	vst v11  }
0x464: {  	[tilespmem:s23+$0x90] =	vst v5;
	v5 =	vld [tilespmem:s18+$0x10]  }
0x465: {  	v11 =	vld [tilespmem:s22+$0x50]  }
0x466: {  	[tilespmem:s2+$0xFFFFFFF0] =	vst v7  }
0x467: {  	v16 =	vadd.f32 v19, v16;
	v23 =	vperm.xlane v6, v1;
	v17 =	vperm.xlane v7, v0;
	v10 =	vld [tilespmem:s22+$0xFFFFFFC0];
	v12 =	vpop (erf)  }
0x468: {  	v15 =	vld [tilespmem:s18+$0xFFFFFFE0];
	v22 =	vadd.f32 v27, v22;
	v18 =	vperm.xlane v9, v0;
	v20 =	vperm.xlane v9, v1;
	[tilespmem:s2+$0x0] =	vst v12  }
0x469: {  	v14 =	vld [tilespmem:s22+$0x0];
	v25 =	vshll.u32 v13, $0x10;
	v13 =	vand.u32 $0xFFFF0000, v13;
	v5 =	vadd.f32 v5, v8  }
0x46a: {  	v24 =	vld [tilespmem:s11+$0xFFFFFFE0];
	v21 =	vperm.xlane v12, v0;
	v13 =	vmul.f32 v13, v18;
	v26 =	vshll.u32 v11, $0x10  }
0x46b: {  	v11 =	vand.u32 $0xFFFF0000, v11;
	v28 =	vmul.f32 $2.000000030e-01, v5;
	v26 =	vmul.f32 v26, v23  }
0x46c: {  	v8 =	vshll.u32 v10, $0x10;
	v10 =	vand.u32 $0xFFFF0000, v10;
	[tilespmem:s23+$0xFFFFFF10] =	vst v13;
	v11 =	vmul.f32 v11, v23  }
0x46d: {  	v13 =	vmul.f32 $2.000000030e-01, v22;
	v8 =	vmul.f32 v8, v17;
	v5 =	vmax.f32 v5, v28;
	[tilespmem:s23+$0xA0] =	vst v26  }
0x46e: {  	v19 =	vshll.u32 v14, $0x10;
	v10 =	vmul.f32 v10, v17;
	[tilespmem:s23+$0xB0] =	vst v11;
	v5 =	vmul.f32 $1.442695020e+00, v5  }
0x46f: {  	v17 =	vmul.f32 v19, v21;
	v23 =	vmul.f32 v25, v18;
	v11 =	vadd.f32 v15, v24;
	v15 =	vld [tilespmem:s22+$0x60]  }
0x470: {  	v18 =	vmul.f32 $2.000000030e-01, v16;
	v13 =	vmax.f32 v22, v13;
	[tilespmem:s23+$0xFFFFFF80] =	vst v8;
	(erf) = vpow2.f32 v5  }
0x471: {  	v22 =	vperm.xlane v12, v2;
	[tilespmem:s23+$0xFFFFFF00] =	vst v23;
	v5 =	vand.u32 $0xFFFF0000, v14;
	v14 =	vmul.f32 $2.000000030e-01, v11  }
0x472: {  	[tilespmem:s23+$0xFFFFFF90] =	vst v10;
	v10 =	vperm.xlane v6, v2;
	v13 =	vmul.f32 $1.442695020e+00, v13;
	v16 =	vmax.f32 v16, v18;
	v8 =	vld [tilespmem:s22+$0xFFFFFF90]  }
0x473: {  	[tilespmem:s23+$0x0] =	vst v17;
	v17 =	vperm.xlane v9, v2;
	v11 =	vmax.f32 v11, v14;
	v14 =	vmul.f32 $1.442695020e+00, v16  }
0x474: {  	v5 =	vmul.f32 v5, v21;
	v11 =	vmul.f32 $1.442695020e+00, v11;
	v18 =	vshll.u32 v15, $0x10  }
0x475: {  	v16 =	vld [tilespmem:s22+$0xFFFFFFD0];
	(erf) = vpow2.f32 v14;
	v14 =	vand.u32 $0xFFFF0000, v15;
	v15 =	vmul.f32 v18, v10  }
0x476: {  	[tilespmem:s23+$0x10] =	vst v5;
	(erf) = vpow2.f32 v11;
	v5 =	vmul.f32 v14, v10  }
0x477: {  	v18 =	vld [tilespmem:s22+$0x10];
	v10 =	vperm.xlane v7, v1;
	v11 =	vshll.u32 v8, $0x10;
	v8 =	vand.u32 $0xFFFF0000, v8  }
0x478: {  	(erf) = vpow2.f32 v13;
	[tilespmem:s23+$0xC0] =	vst v15;
	v8 =	vmul.f32 v8, v20  }
0x479: {  	s21 =	simm.s32 $0x1060;
	[tilespmem:s23+$0xD0] =	vst v5;
	v5 =	vmul.f32 v11, v20;
	v11 =	vperm.xlane v12, v1;
	v13 =	vpop (erf)  }
0x47a: {  	s18 =	simm.s32 $0x1980;
	v14 =	vshll.u32 v16, $0x10;
	v20 =	vperm.xlane v7, v2;
	v15 =	vand.u32 $0xFFFF0000, v16;
	v19 =	vld [tilespmem:s22+$0x70];
	[tilespmem:s21+$0x10] =	vst v13  }
0x47b: {  	v16 =	vmul.f32 v14, v10;
	v10 =	vmul.f32 v15, v10;
	[tilespmem:s23+$0xFFFFFF30] =	vst v8;
	v21 =	vld [tilespmem:s18+$0x40]  }
0x47c: {  	v14 =	vperm.xlane v9, v3;
	v15 =	vperm.xlane v7, v3;
	[tilespmem:s23+$0xFFFFFF20] =	vst v5;
	v7 =	vshll.u32 v18, $0x10  }
0x47d: {  	s28 =	simm.s32 $0x8A0;
	v5 =	vperm.xlane v12, v3;
	[tilespmem:s23+$0xFFFFFFA0] =	vst v16;
	v7 =	vmul.f32 v7, v11  }
0x47e: {  	s25 =	simm.s32 $0xA0;
	v46 =	vld [tilespmem:s28+$0x10];
	v12 =	vperm.xlane v6, v3;
	v8 =	vand.u32 $0xFFFF0000, v18;
	[tilespmem:s23+$0xFFFFFFB0] =	vst v10;
	v9 =	vperm.xlane v13, v0  }
0x47f: {  	v63 =	vld [tilespmem:s25+$0x10];
	v8 =	vmul.f32 v8, v11;
	v48 =	vperm.xlane v13, v1;
	[tilespmem:s23+$0x20] =	vst v7;
	v6 =	vpop (erf);
	v10 =	vand.u32 $0xFFFF0000, v19  }
0x480: {  	v25 =	vld [tilespmem:s22+$0xFFFFFFE0];
	v19 =	vshll.u32 v19, $0x10;
	[tilespmem:s21+$0xFFFFFFF0] =	vst v6;
	v16 =	vpop (erf);
	v24 =	vmul.f32 v10, v12;
	v18 =	vshll.u32 v21, $0x10  }
0x481: {  	v11 =	vld [tilespmem:s22+$0xFFFFFFA0];
	v29 =	vperm.xlane v6, v1;
	[tilespmem:s21+$0xFFFFFFE0] =	vst v16;
	v23 =	vpop (erf);
	v10 =	vand.u32 $0xFFFF0000, v21;
	v18 =	vmul.f32 v18, v9  }
0x482: {  	v12 =	vmul.f32 v19, v12;
	v26 =	vld [tilespmem:s18+$0xFFFFFFC0];
	[tilespmem:s21+$0x0] =	vst v23;
	s21 =	simm.s32 $0x3B00;
	v9 =	vmul.f32 v10, v9  }
0x483: {  	v7 =	vperm.xlane v16, v0;
	v27 =	vperm.xlane v16, v1;
	v28 =	vld [tilespmem:s18+$0xFFFFFF80];
	[tilespmem:s21+$0x80] =	vst v18  }
0x484: {  	v37 =	vadd.f32 v46, v63;
	v21 =	vperm.xlane v6, v0;
	v58 =	vperm.xlane v23, v1;
	v30 =	vld [tilespmem:s18+$0x0];
	[tilespmem:s21+$0x90] =	vst v9  }
0x485: {  	v61 =	vshll.u32 v25, $0x10;
	v25 =	vand.u32 $0xFFFF0000, v25;
	v10 =	vperm.xlane v16, v2;
	v59 =	vld [tilespmem:s18+$0x50]  }
0x486: {  	v35 =	vmul.f32 v61, v20;
	v20 =	vmul.f32 v25, v20  }
0x487: {  	v47 =	vld [tilespmem:s28+$0xFFFFFFE0];
	v31 =	vshll.u32 v11, $0x10;
	v25 =	vmul.f32 $2.000000030e-01, v37;
	v18 =	vperm.xlane v23, v0  }
0x488: {  	v54 =	vld [tilespmem:s25+$0xFFFFFFE0];
	[tilespmem:s23+$0x30] =	vst v8;
	v62 =	vshll.u32 v26, $0x10;
	v26 =	vand.u32 $0xFFFF0000, v26;
	v45 =	vshll.u32 v28, $0x10  }
0x489: {  	v60 =	vld [tilespmem:s22+$0x20];
	v36 =	vmul.f32 v62, v21;
	v28 =	vand.u32 $0xFFFF0000, v28;
	v21 =	vmul.f32 v26, v21  }
0x48a: {  	[tilespmem:s23+$0xF0] =	vst v24;
	v24 =	vld [tilespmem:s28+$0xFFFFFFF0];
	v38 =	vmul.f32 v45, v7;
	v49 =	vshll.u32 v30, $0x10;
	v43 =	vshll.u32 v59, $0x10  }
0x48b: {  	[tilespmem:s23+$0xFFFFFFC0] =	vst v35;
	v7 =	vmul.f32 v28, v7;
	v28 =	vld [tilespmem:s25+$0xFFFFFFF0];
	v26 =	vand.u32 $0xFFFF0000, v59;
	v50 =	vmul.f32 v43, v48  }
0x48c: {  	v52 =	vld [tilespmem:s25+$0x0];
	v30 =	vand.u32 $0xFFFF0000, v30;
	[tilespmem:s21+$0xFFFFFF80] =	vst v36;
	v51 =	vmul.f32 v49, v18;
	v26 =	vmul.f32 v26, v48  }
0x48d: {  	v8 =	vand.u32 $0xFFFF0000, v11;
	v18 =	vmul.f32 v30, v18;
	v30 =	vmul.f32 v31, v17;
	v31 =	vld [tilespmem:s28+$0x0];
	[tilespmem:s21+$0xA0] =	vst v50  }
0x48e: {  	v53 =	vshll.u32 v60, $0x10;
	v17 =	vmul.f32 v8, v17;
	v8 =	vand.u32 $0xFFFF0000, v60;
	[tilespmem:s21+$0xB0] =	vst v26  }
0x48f: {  	v33 =	vmul.f32 v53, v22;
	[tilespmem:s21+$0xFFFFFF90] =	vst v21;
	v21 =	vadd.f32 v47, v54;
	v22 =	vmul.f32 v8, v22;
	v26 =	vld [tilespmem:s18+$0x60]  }
0x490: {  	[tilespmem:s21+$0xFFFFFF10] =	vst v7;
	v8 =	vperm.xlane v16, v3;
	v16 =	vmax.f32 v37, v25;
	v7 =	vadd.f32 v24, v28  }
0x491: {  	v9 =	vperm.xlane v23, v2;
	v16 =	vmul.f32 $1.442695020e+00, v16;
	[tilespmem:s21+$0x10] =	vst v18  }
0x492: {  	[tilespmem:s23+$0xFFFFFF50] =	vst v17;
	v17 =	vmul.f32 $2.000000030e-01, v21;
	v28 =	vadd.f32 v31, v52;
	v18 =	vmul.f32 $2.000000030e-01, v7  }
0x493: {  	[tilespmem:s21+$0xFFFFFF00] =	vst v38;
	v24 =	vperm.xlane v13, v2;
	(erf) = vpow2.f32 v16  }
0x494: {  	[tilespmem:s21+$0x0] =	vst v51;
	v25 =	vld [tilespmem:s18+$0xFFFFFF90];
	v31 =	vmul.f32 $2.000000030e-01, v28;
	v18 =	vmax.f32 v7, v18;
	v16 =	vshll.u32 v26, $0x10  }
0x495: {  	[tilespmem:s23+$0xFFFFFF40] =	vst v30;
	v30 =	vld [tilespmem:s18+$0xFFFFFFD0];
	v7 =	vperm.xlane v23, v3;
	v26 =	vand.u32 $0xFFFF0000, v26;
	v16 =	vmul.f32 v16, v24  }
0x496: {  	[tilespmem:s23+$0xFFFFFFD0] =	vst v20;
	v17 =	vmax.f32 v21, v17;
	v23 =	vld [tilespmem:s18+$0x10];
	v18 =	vmul.f32 $1.442695020e+00, v18;
	v24 =	vmul.f32 v26, v24  }
0x497: {  	v11 =	vperm.xlane v6, v2;
	v17 =	vmul.f32 $1.442695020e+00, v17;
	v19 =	vmax.f32 v28, v31;
	[tilespmem:s21+$0xC0] =	vst v16  }
0x498: {  	v21 =	vld [tilespmem:s22+$0xFFFFFFF0];
	v19 =	vmul.f32 $1.442695020e+00, v19;
	(erf) = vpow2.f32 v18;
	[tilespmem:s21+$0xD0] =	vst v24  }
0x499: {  	v13 =	vperm.xlane v13, v3;
	(erf) = vpow2.f32 v17;
	v18 =	vld [tilespmem:s18+$0x70]  }
0x49a: {  	[tilespmem:s23+$0x40] =	vst v33;
	v20 =	vshll.u32 v25, $0x10;
	v17 =	vand.u32 $0xFFFF0000, v30;
	(erf) = vpow2.f32 v19  }
0x49b: {  	[tilespmem:s23+$0x50] =	vst v22;
	v19 =	vmul.f32 v20, v27;
	v22 =	vshll.u32 v23, $0x10;
	v23 =	vand.u32 $0xFFFF0000, v23;
	v16 =	vld [tilespmem:s22+$0xFFFFFFB0]  }
0x49c: {  	s30 =	simm.s32 $0x10A0;
	[tilespmem:s23+$0xE0] =	vst v12;
	v20 =	vld [tilespmem:s22+$0x30];
	v12 =	vpop (erf);
	v17 =	vmul.f32 v17, v29;
	v24 =	vand.u32 $0xFFFF0000, v25;
	v31 =	vmul.f32 v22, v58  }
0x49d: {  	v25 =	vshll.u32 v30, $0x10;
	[tilespmem:s30+$0x10] =	vst v12;
	s22 =	simm.s32 $0x1A80;
	v56 =	vmul.f32 v23, v58;
	v24 =	vmul.f32 v24, v27  }
0x49e: {  	v25 =	vmul.f32 v25, v29;
	[tilespmem:s21+$0xFFFFFF20] =	vst v19;
	v27 =	vshll.u32 v21, $0x10;
	v55 =	vld [tilespmem:s22+$0x40];
	v19 =	vand.u32 $0xFFFF0000, v18  }
0x49f: {  	v21 =	vand.u32 $0xFFFF0000, v21;
	[tilespmem:s21+$0xFFFFFFB0] =	vst v17;
	v23 =	vmul.f32 v27, v15;
	v19 =	vmul.f32 v19, v13  }
0x4a0: {  	v17 =	vmul.f32 v21, v15;
	[tilespmem:s21+$0xFFFFFF30] =	vst v24;
	v26 =	vshll.u32 v16, $0x10;
	v16 =	vand.u32 $0xFFFF0000, v16  }
0x4a1: {  	[tilespmem:s21+$0xFFFFFFA0] =	vst v25;
	v24 =	vshll.u32 v20, $0x10;
	v25 =	vld [tilespmem:s18+$0xFFFFFFA0];
	v57 =	vmul.f32 v26, v14;
	v28 =	vmul.f32 v16, v14;
	v14 =	vpop (erf)  }
0x4a2: {  	v58 =	vld [tilespmem:s18+$0xFFFFFFE0];
	v15 =	vmul.f32 v24, v5;
	v24 =	vand.u32 $0xFFFF0000, v20;
	v20 =	vperm.xlane v12, v0;
	[tilespmem:s30+$0xFFFFFFF0] =	vst v14  }
0x4a3: {  	v6 =	vperm.xlane v6, v3;
	v21 =	vshll.u32 v55, $0x10;
	v29 =	vperm.xlane v14, v0;
	[tilespmem:s21+$0xF0] =	vst v19;
	v19 =	vpop (erf)  }
0x4a4: {  	v26 =	vand.u32 $0xFFFF0000, v55;
	v61 =	vmul.f32 v21, v20;
	v21 =	vperm.xlane v14, v1;
	v59 =	vld [tilespmem:s22+$0xFFFFFFC0];
	[tilespmem:s30+$0xFFFFFFE0] =	vst v19;
	v16 =	vpop (erf)  }
0x4a5: {  	v22 =	vshll.u32 v18, $0x10;
	v62 =	vmul.f32 v26, v20;
	v26 =	vperm.xlane v14, v2;
	v60 =	vld [tilespmem:s22+$0xFFFFFF80];
	[tilespmem:s30+$0x0] =	vst v16  }
0x4a6: {  	s25 =	simm.s32 $0x3D00;
	[tilespmem:s21+$0x20] =	vst v31;
	v32 =	vshll.u32 v25, $0x10;
	v31 =	vand.u32 $0xFFFF0000, v25;
	v34 =	vperm.xlane v19, v0;
	v37 =	vld [tilespmem:s22+$0x0]  }
0x4a7: {  	[tilespmem:s25+$0x80] =	vst v61;
	v33 =	vshll.u32 v58, $0x10;
	v18 =	vperm.xlane v19, v1;
	v27 =	vperm.xlane v19, v2  }
0x4a8: {  	p2 =	por @!p5 $0x0, $0x0;
	p4 =	por @!p1 $0x1, $0x1;
	[tilespmem:s25+$0x90] =	vst v62;
	v35 =	vand.u32 $0xFFFF0000, v58;
	v30 =	vperm.xlane v16, v0;
	v20 =	vperm.xlane v16, v1  }
0x4a9: {  	p6 =	por $0x0, $0x0;
	p2 =	por @!p1 p4, p4;
	[tilespmem:s21+$0x30] =	vst v56;
	v38 =	vld [tilespmem:s22+$0x50];
	v25 =	vperm.xlane v16, v2;
	v63 =	vshll.u32 v59, $0x10;
	v39 =	vand.u32 $0xFFFF0000, v59  }
0x4aa: {  	s1 =	simm.s32 $0x8;
	p6 =	por @!p5 p2, p2;
	s2 =	simm.s32 $0xE0;
	v36 =	vld [tilespmem:s18+$0x20];
	[tilespmem:s23+$0xFFFFFF60] =	vst v57;
	v41 =	vmul.f32 v63, v29;
	v42 =	vshll.u32 v60, $0x10;
	v40 =	vand.u32 $0xFFFF0000, v60  }
.LBB2_13:
0x4ab: {  	v43 =	vld [tilespmem:s2+$0x10];
	v42 =	vmul.f32 v42, v34;
	v44 =	vshll.u32 v37, $0x10;
	v37 =	vand.u32 $0xFFFF0000, v37;
	s28 =	sadd.s32 $0x40, s28;
	[tilespmem:s23+$0xFFFFFF70] =	vst v28  }
0x4ac: {  	v34 =	vmul.f32 v40, v34;
	v29 =	vmul.f32 v39, v29;
	v28 =	vld [tilespmem:s28+$0x10];
	[tilespmem:s25+$0xFFFFFF80] =	vst v41  }
0x4ad: {  	v40 =	vmul.f32 v44, v30;
	v41 =	vperm.xlane v12, v1;
	v39 =	vld [tilespmem:s28+$0xFFFFFFE0];
	[tilespmem:s25+$0xFFFFFF00] =	vst v42  }
0x4ae: {  	v32 =	vmul.f32 v32, v10;
	v30 =	vmul.f32 v37, v30;
	v42 =	vld [tilespmem:s2+$0xFFFFFFF0];
	[tilespmem:s25+$0xFFFFFF10] =	vst v34;
	v34 =	vshll.u32 v38, $0x10  }
0x4af: {  	s1 =	sadd.s32 $0x4, s1;
	v37 =	vld [tilespmem:s28+$0xFFFFFFF0];
	[tilespmem:s25+$0xFFFFFF90] =	vst v29;
	v29 =	vand.u32 $0xFFFF0000, v38;
	v34 =	vmul.f32 v34, v41;
	v38 =	vshll.u32 v36, $0x10  }
0x4b0: {  	v31 =	vmul.f32 v31, v10;
	v10 =	vmovc v27;
	p1 =	slt.u32 s1, $0x3C;
	v36 =	vand.u32 $0xFFFF0000, v36;
	v44 =	vld [tilespmem:s2+$0x0];
	[tilespmem:s25+$0x0] =	vst v40;
	v29 =	vmul.f32 v29, v41  }
0x4b1: {  	v33 =	vmul.f32 v33, v11;
	v27 =	vld [tilespmem:s28+$0x0];
	v28 =	vadd.f32 v28, v43;
	[tilespmem:s25+$0xA0] =	vst v34;
	v34 =	vmul.f32 v35, v11  }
0x4b2: {  	v36 =	vmul.f32 v36, v9;
	v11 =	vmovc v26;
	v35 =	vld [tilespmem:s2+$0xFFFFFFE0];
	[tilespmem:s25+$0xB0] =	vst v29;
	v29 =	vmul.f32 v38, v9;
	v9 =	vmov v25  }
0x4b3: {  	v19 =	vperm.xlane v19, v3;
	v25 =	vmul.f32 $2.000000030e-01, v28;
	[tilespmem:s25+$0x10] =	vst v30;
	v26 =	vld [tilespmem:s22+$0x60]  }
0x4b4: {  	v38 =	vperm.xlane v14, v3;
	v14 =	vperm.xlane v16, v3;
	v30 =	vadd.f32 v37, v42;
	v37 =	vld [tilespmem:s22+$0xFFFFFF90];
	[tilespmem:s21+$0xFFFFFF40] =	vst v32  }
0x4b5: {  	v13 =	vmul.f32 v22, v13;
	v22 =	vmul.f32 v24, v5;
	v16 =	vmax.f32 v28, v25;
	v25 =	vld [tilespmem:s22+$0xFFFFFFD0];
	[tilespmem:s21+$0xFFFFFF50] =	vst v31  }
0x4b6: {  	v5 =	vmovc v7;
	v7 =	vmovc v14;
	v24 =	vmul.f32 $2.000000030e-01, v30;
	v27 =	vadd.f32 v27, v44;
	v16 =	vmul.f32 $1.442695020e+00, v16;
	v28 =	vld [tilespmem:s22+$0x10];
	[tilespmem:s21+$0xFFFFFFC0] =	vst v33  }
0x4b7: {  	v31 =	vperm.xlane v12, v2;
	v14 =	vadd.f32 v39, v35;
	v32 =	vld [tilespmem:s18+$0xFFFFFFB0];
	[tilespmem:s21+$0xFFFFFFD0] =	vst v34  }
0x4b8: {  	v33 =	vmul.f32 $2.000000030e-01, v27;
	(erf) = vpow2.f32 v16;
	v16 =	vshll.u32 v26, $0x10;
	v34 =	vld [tilespmem:s18+$0xFFFFFFF0];
	[tilespmem:s21+$0x40] =	vst v29  }
0x4b9: {  	v26 =	vand.u32 $0xFFFF0000, v26;
	v29 =	vmul.f32 $2.000000030e-01, v14;
	v16 =	vmul.f32 v16, v31;
	[tilespmem:s21+$0x50] =	vst v36  }
0x4ba: {  	v24 =	vmax.f32 v30, v24;
	v26 =	vmul.f32 v26, v31;
	v27 =	vmax.f32 v27, v33;
	v30 =	vld [tilespmem:s18+$0x30];
	[tilespmem:s23+$0xFFFFFFE0] =	vst v23;
	s18 =	smov.u32 s22  }
0x4bb: {  	v23 =	vmul.f32 $1.442695020e+00, v24;
	v14 =	vmax.f32 v14, v29;
	v24 =	vmul.f32 $1.442695020e+00, v27;
	[tilespmem:s25+$0xC0] =	vst v16  }
0x4bc: {  	v16 =	vshll.u32 v37, $0x10;
	v27 =	vand.u32 $0xFFFF0000, v37;
	v14 =	vmul.f32 $1.442695020e+00, v14;
	[tilespmem:s25+$0xD0] =	vst v26  }
0x4bd: {  	(erf) = vpow2.f32 v23;
	v23 =	vshll.u32 v25, $0x10;
	v25 =	vand.u32 $0xFFFF0000, v25;
	v26 =	vld [tilespmem:s22+$0x70];
	[tilespmem:s23+$0xFFFFFFF0] =	vst v17  }
0x4be: {  	v17 =	vand.u32 $0xFFFF0000, v28;
	(erf) = vpow2.f32 v14;
	v14 =	vshll.u32 v28, $0x10;
	[tilespmem:s23+$0x60] =	vst v15  }
0x4bf: {  	v15 =	vmul.f32 v16, v18;
	v16 =	vshll.u32 v32, $0x10;
	(erf) = vpow2.f32 v24;
	[tilespmem:s23+$0x70] =	vst v22;
	s23 =	smov.u32 s21;
	s21 =	smov.u32 s25  }
0x4c0: {  	v18 =	vmul.f32 v27, v18;
	v22 =	vmul.f32 v23, v21;
	v23 =	vand.u32 $0xFFFF0000, v32;
	[tilespmem:s23+$0xE0] =	vst v13  }
0x4c1: {  	s30 =	sadd.s32 $0x40, s30;
	v13 =	vperm.xlane v12, v3;
	[tilespmem:s25+$0xFFFFFF20] =	vst v15;
	v15 =	vmul.f32 v25, v21;
	v12 =	vpop (erf);
	v21 =	vshll.u32 v34, $0x10  }
0x4c2: {  	s22 =	sadd.s32 $0x100, s22;
	v36 =	vmul.f32 v17, v20;
	v25 =	vmul.f32 v14, v20;
	[tilespmem:s30+$0x10] =	vst v12;
	v14 =	vand.u32 $0xFFFF0000, v26  }
0x4c3: {  	v17 =	vand.u32 $0xFFFF0000, v34;
	v20 =	vld [tilespmem:s22+$0x40];
	[tilespmem:s25+$0xFFFFFF30] =	vst v18;
	v27 =	vmul.f32 v14, v13;
	v18 =	vshll.u32 v30, $0x10  }
0x4c4: {  	v43 =	vmul.f32 v16, v8;
	v24 =	vand.u32 $0xFFFF0000, v30;
	v31 =	vld [tilespmem:s18+$0xFFFFFFA0];
	[tilespmem:s25+$0xFFFFFFA0] =	vst v22;
	v22 =	vshll.u32 v26, $0x10  }
0x4c5: {  	v28 =	vmul.f32 v23, v8;
	v8 =	vmov v19;
	v23 =	vmul.f32 v21, v6;
	[tilespmem:s25+$0xF0] =	vst v27  }
0x4c6: {  	v17 =	vmul.f32 v17, v6;
	v6 =	vmov v38;
	v14 =	vpop (erf);
	[tilespmem:s25+$0xFFFFFFB0] =	vst v15;
	v15 =	vmul.f32 v18, v5  }
0x4c7: {  	v26 =	vperm.xlane v12, v0;
	[tilespmem:s30+$0xFFFFFFF0] =	vst v14;
	v29 =	vperm.xlane v14, v0;
	v19 =	vpop (erf);
	v35 =	vld [tilespmem:s18+$0xFFFFFFE0]  }
0x4c8: {  	[tilespmem:s30+$0xFFFFFFE0] =	vst v19;
	v34 =	vperm.xlane v19, v0;
	v18 =	vperm.xlane v19, v1;
	v38 =	vld [tilespmem:s22+$0xFFFFFFC0];
	v21 =	vshll.u32 v20, $0x10;
	v16 =	vpop (erf)  }
0x4c9: {  	v20 =	vand.u32 $0xFFFF0000, v20;
	v40 =	vld [tilespmem:s22+$0xFFFFFF80];
	[tilespmem:s30+$0x0] =	vst v16;
	v30 =	vperm.xlane v16, v0;
	v33 =	vmul.f32 v21, v26  }
.Ltmp5:
0x4ca: {  	s25 =	sadd.s32 $0x200, s25;
	v21 =	vperm.xlane v14, v1;
	v39 =	vmul.f32 v20, v26;
	v32 =	vshll.u32 v31, $0x10;
	v37 =	vld [tilespmem:s22+$0x0];
	[tilespmem:s21+$0x20] =	vst v25;
	(pc) =	sbr.rel @p1 .LBB2_13-.Ltmp5, $4  }
0x4cb: {  	v27 =	vperm.xlane v19, v2;
	v20 =	vperm.xlane v16, v1;
	v31 =	vand.u32 $0xFFFF0000, v31;
	[tilespmem:s25+$0x80] =	vst v33  }
0x4cc: {  	v26 =	vperm.xlane v14, v2;
	v25 =	vperm.xlane v16, v2;
	[tilespmem:s25+$0x90] =	vst v39;
	v33 =	vshll.u32 v35, $0x10  }
0x4cd: {  	v35 =	vand.u32 $0xFFFF0000, v35;
	v41 =	vshll.u32 v38, $0x10;
	v39 =	vand.u32 $0xFFFF0000, v38;
	v38 =	vld [tilespmem:s22+$0x50];
	[tilespmem:s21+$0x30] =	vst v36  }
0x4ce: {  	s2 =	sadd.s32 $0x40, s2;
	v42 =	vshll.u32 v40, $0x10;
	v40 =	vand.u32 $0xFFFF0000, v40;
	v41 =	vmul.f32 v41, v29;
	v36 =	vld [tilespmem:s18+$0x20];
	[tilespmem:s23+$0xFFFFFF60] =	vst v43  }
0x4cf: {  	[tilespmem:s23+$0xFFFFFF70] =	vst v28  }
0x4d0: {  	[tilespmem:s23+$0xFFFFFFE0] =	vst v23  }
0x4d1: {  	v42 =	vmul.f32 v42, v34;
	[tilespmem:s23+$0xFFFFFFF0] =	vst v17  }
0x4d2: {  	v28 =	vmul.f32 v40, v34;
	v55 =	vshll.u32 v37, $0x10;
	[tilespmem:s25+$0xFFFFFF80] =	vst v41  }
0x4d3: {  	v29 =	vmul.f32 v39, v29;
	v56 =	vperm.xlane v12, v1;
	v57 =	vand.u32 $0xFFFF0000, v37;
	[tilespmem:s25+$0xFFFFFF00] =	vst v42  }
0x4d4: {  	v34 =	vmul.f32 v55, v30;
	v30 =	vmul.f32 v57, v30;
	[tilespmem:s25+$0xFFFFFF10] =	vst v28;
	v28 =	vshll.u32 v38, $0x10  }
0x4d5: {  	[tilespmem:s25+$0xFFFFFF90] =	vst v29;
	v29 =	vand.u32 $0xFFFF0000, v38;
	v28 =	vmul.f32 v28, v56  }
0x4d6: {  	[tilespmem:s25+$0x10] =	vst v30;
	v29 =	vmul.f32 v29, v56  }
0x4d7: {  	v30 =	vmul.f32 v33, v11;
	[tilespmem:s25+$0xA0] =	vst v28  }
0x4d8: {  	v28 =	vmul.f32 v32, v10;
	[tilespmem:s25+$0xB0] =	vst v29  }
0x4d9: {  	[tilespmem:s21+$0xFFFFFFC0] =	vst v30;
	v10 =	vmul.f32 v31, v10;
	v29 =	vld [tilespmem:s22+$0x60]  }
0x4da: {  	v11 =	vmul.f32 v35, v11;
	[tilespmem:s21+$0xFFFFFF40] =	vst v28;
	v28 =	vshll.u32 v36, $0x10  }
0x4db: {  	[tilespmem:s21+$0xFFFFFF50] =	vst v10;
	v10 =	vand.u32 $0xFFFF0000, v36;
	v28 =	vmul.f32 v28, v9  }
0x4dc: {  	[tilespmem:s21+$0xFFFFFFD0] =	vst v11;
	v11 =	vld [tilespmem:s22+$0xFFFFFF90];
	v9 =	vmul.f32 v10, v9  }
0x4dd: {  	v10 =	vperm.xlane v12, v2;
	[tilespmem:s21+$0x40] =	vst v28  }
0x4de: {  	[tilespmem:s21+$0x50] =	vst v9;
	v9 =	vld [tilespmem:s22+$0xFFFFFFD0];
	v30 =	vshll.u32 v29, $0x10;
	v28 =	vand.u32 $0xFFFF0000, v29  }
0x4df: {  	[tilespmem:s25+$0x0] =	vst v34;
	v29 =	vmul.f32 v30, v10;
	v10 =	vmul.f32 v28, v10  }
0x4e0: {  	[tilespmem:s23+$0x60] =	vst v15;
	v23 =	vld [tilespmem:s22+$0x10]  }
0x4e1: {  	v5 =	vmul.f32 v24, v5;
	[tilespmem:s25+$0xD0] =	vst v10;
	v10 =	vshll.u32 v11, $0x10  }
0x4e2: {  	[tilespmem:s25+$0xC0] =	vst v29;
	v11 =	vand.u32 $0xFFFF0000, v11;
	v10 =	vmul.f32 v10, v18  }
0x4e3: {  	[tilespmem:s23+$0x70] =	vst v5;
	v15 =	vshll.u32 v9, $0x10;
	v17 =	vld [tilespmem:s22+$0x70];
	v5 =	vmul.f32 v11, v18  }
0x4e4: {  	v11 =	vld [tilespmem:s18+$0xFFFFFFB0];
	v9 =	vand.u32 $0xFFFF0000, v9;
	v15 =	vmul.f32 v15, v21;
	[tilespmem:s25+$0xFFFFFF20] =	vst v10  }
0x4e5: {  	v9 =	vmul.f32 v9, v21;
	v10 =	vshll.u32 v23, $0x10;
	[tilespmem:s25+$0xFFFFFF30] =	vst v5  }
0x4e6: {  	v5 =	vand.u32 $0xFFFF0000, v23;
	v10 =	vmul.f32 v10, v20;
	v18 =	vld [tilespmem:s22+$0xFFFFFFA0];
	[tilespmem:s25+$0xFFFFFFA0] =	vst v15  }
0x4e7: {  	v12 =	vperm.xlane v12, v3;
	v5 =	vmul.f32 v5, v20;
	[tilespmem:s25+$0xFFFFFFB0] =	vst v9  }
0x4e8: {  	v9 =	vmul.f32 v22, v13;
	v15 =	vld [tilespmem:s22+$0xFFFFFFE0];
	v13 =	vand.u32 $0xFFFF0000, v17;
	[tilespmem:s25+$0x20] =	vst v10  }
0x4e9: {  	v10 =	vshll.u32 v11, $0x10;
	[tilespmem:s25+$0x30] =	vst v5;
	v13 =	vmul.f32 v13, v12  }
0x4ea: {  	v5 =	vand.u32 $0xFFFF0000, v11;
	[tilespmem:s21+$0xE0] =	vst v9;
	v9 =	vmul.f32 v10, v8;
	v10 =	vld [tilespmem:s22+$0x20]  }
0x4eb: {  	v5 =	vmul.f32 v5, v8;
	[tilespmem:s25+$0xF0] =	vst v13;
	v8 =	vshll.u32 v18, $0x10  }
0x4ec: {  	v11 =	vld [tilespmem:s18+$0xFFFFFFF0];
	v13 =	vand.u32 $0xFFFF0000, v18;
	[tilespmem:s21+$0xFFFFFF60] =	vst v9;
	v8 =	vmul.f32 v8, v27  }
0x4ed: {  	[tilespmem:s21+$0xFFFFFF70] =	vst v5;
	v9 =	vshll.u32 v15, $0x10;
	v5 =	vmul.f32 v13, v27  }
0x4ee: {  	v13 =	vld [tilespmem:s18+$0x30];
	v15 =	vand.u32 $0xFFFF0000, v15;
	v9 =	vmul.f32 v9, v26;
	[tilespmem:s25+$0xFFFFFF40] =	vst v8  }
0x4ef: {  	v15 =	vmul.f32 v15, v26;
	v8 =	vshll.u32 v10, $0x10;
	[tilespmem:s25+$0xFFFFFF50] =	vst v5  }
0x4f0: {  	v5 =	vand.u32 $0xFFFF0000, v10;
	v8 =	vmul.f32 v8, v25;
	[tilespmem:s25+$0xFFFFFFC0] =	vst v9  }
0x4f1: {  	v9 =	vshll.u32 v11, $0x10;
	v5 =	vmul.f32 v5, v25;
	v10 =	vld [tilespmem:s22+$0xFFFFFFB0];
	[tilespmem:s25+$0xFFFFFFD0] =	vst v15  }
0x4f2: {  	v11 =	vand.u32 $0xFFFF0000, v11;
	v9 =	vmul.f32 v9, v6;
	[tilespmem:s25+$0x40] =	vst v8  }
0x4f3: {  	v6 =	vmul.f32 v11, v6;
	v11 =	vld [tilespmem:s22+$0xFFFFFFF0];
	v8 =	vshll.u32 v13, $0x10;
	[tilespmem:s25+$0x50] =	vst v5  }
0x4f4: {  	v5 =	vand.u32 $0xFFFF0000, v13;
	v8 =	vmul.f32 v8, v7;
	[tilespmem:s21+$0xFFFFFFE0] =	vst v9  }
0x4f5: {  	v13 =	vshll.u32 v17, $0x10;
	v9 =	vperm.xlane v19, v3;
	v5 =	vmul.f32 v5, v7;
	v7 =	vld [tilespmem:s22+$0x30];
	[tilespmem:s21+$0xFFFFFFF0] =	vst v6  }
0x4f6: {  	v6 =	vmul.f32 v13, v12;
	[tilespmem:s21+$0x60] =	vst v8;
	v8 =	vshll.u32 v10, $0x10  }
0x4f7: {  	v12 =	vperm.xlane v14, v3;
	[tilespmem:s21+$0x70] =	vst v5;
	v5 =	vand.u32 $0xFFFF0000, v10;
	v8 =	vmul.f32 v8, v9  }
0x4f8: {  	[tilespmem:s25+$0xE0] =	vst v6;
	v6 =	vshll.u32 v11, $0x10;
	v5 =	vmul.f32 v5, v9  }
0x4f9: {  	v9 =	vperm.xlane v16, v3;
	v10 =	vand.u32 $0xFFFF0000, v11;
	v6 =	vmul.f32 v6, v12;
	[tilespmem:s25+$0xFFFFFF60] =	vst v8  }
0x4fa: {  	v10 =	vmul.f32 v10, v12;
	v8 =	vshll.u32 v7, $0x10;
	[tilespmem:s25+$0xFFFFFF70] =	vst v5  }
0x4fb: {  	s1 =	sadd.s32 s15, s14;
	v5 =	vand.u32 $0xFFFF0000, v7;
	v7 =	vmul.f32 v8, v9;
	[tilespmem:s25+$0xFFFFFFE0] =	vst v6  }
0x4fc: {  	p1 =	sgt.u32 s1, $0x9C3;
	v5 =	vmul.f32 v5, v9;
	[tilespmem:s25+$0xFFFFFFF0] =	vst v10  }
0x4fd: {  	p2 =	sne.s32 @!p1 s7, $0x0;
	[tilespmem:s25+$0x60] =	vst v7  }
0x4fe: {  	s1 =	simm.s32 @!p1 $0x40;
	s2 =	simm.s32 @!p1 $0x7A80;
	s14 =	simm.s32 @!p1 $0x3800;
	[tilespmem:s25+$0x70] =	vst v5  }
0x4ff: {  	[spmem:s31] =	stream.indirect.scatter.add.f32 @!p1 [tilespmem:s14], [sflag:$0x9], $0x80, s2, s1, $0xb8;
	[tilespmem:$0x1E300] =	vst v63  }
0x500: {  	p1 =	por p2, p1  }
0x501: {  	s1 =	simm.s32 @!p1 $0x40;
	s2 =	simm.s32 @!p1 $0x7A80;
	s14 =	simm.s32 @!p1 $0x1000  }
0x502: {  	[spmem:s29] =	stream.indirect.scatter.add.f32 @!p1 [tilespmem:s14], [sflag:$0x9], $0x10, s2, s1, $0xb8;
	[tilespmem:$0x1E300] =	vst v63  }
0x503: {  	s1 =	sadd.s32 @!p3 $0x38, s13  }
0x504: {  	s13 =	simm.s32 @!p3 $0x0;
	s14 =	simm.s32 @!p3 $0x7840;
	s2 =	sadd.s32 @!p3 s3, s1  }
0x505: {  	[tilespmem:s14], [sflag:$0x2] =	stream.linear.gather @!p3 [hbm4b:s2+s13], $0x40, $0x38;
	[tilespmem:$0x1E300] =	vst v63  }
0x506: {  	s1 =	sadd.s32 @!p3 s12, s1;
	s2 =	simm.s32 @!p3 $0x79C0  }
0x507: {  	[tilespmem:s2], [sflag:$0x2] =	stream.linear.gather @!p3 [hbm4b:s1+s13], $0x40, $0x38;
	[tilespmem:$0x1E300] =	vst v63  }
0x508: {  	s1 =	simm.s32 @!p3 $0x1  }
0x509: {  	_ =	swait.ge @!p3 [sflag:s1], $0x40  }
0x50a: {  	[sflag:s1] =	ssyncset.done @!p3 $0x0  }
0x50b: {  	[sflag:s1] =	ssyncadd.s32 @!p3 $0xFFFFFFC0  }
0x50c: {  	_ =	swait.ge @!p3 [sflag:s1], $0x40  }
0x50d: {  	p1 =	sne.s32 @!p3 s7, $0x0;
	[sflag:s1] =	ssyncset.done @!p3 $0x0  }
0x50e: {  	s2 =	simm.s32 @!p3 $0x7800;
	[sflag:s1] =	ssyncadd.s32 @!p3 $0xFFFFFFC0;
	s1 =	simm.s32 @!p3 $0x40  }
0x50f: {  	[tilespmem:s13], [sflag:$0x7] =	stream.indirect.gather @!p3 [hbm4b:s8+s1], $0x10, s2, s1, $0xb8;
	[tilespmem:$0x1E300] =	vst v63  }
0x510: {  	p1 =	por p1, p3;
	s2 =	simm.s32 @!p3 $0x7980;
	s13 =	simm.s32 @!p3 $0x800  }
0x511: {  	[tilespmem:s13], [sflag:$0x7] =	stream.indirect.gather @!p3 [hbm4b:s9+s1], $0x10, s2, s1, $0xb8;
	[tilespmem:$0x1E300] =	vst v63  }
0x512: {  	s1 =	simm.s32 @!p1 $0x40;
	s2 =	simm.s32 @!p1 $0x7800;
	s13 =	simm.s32 @!p1 $0x1800  }
0x513: {  	[tilespmem:s13], [sflag:$0x7] =	stream.indirect.gather @!p1 [hbm4b:s5+s1], $0x40, s2, s1, $0xb8;
	[tilespmem:$0x1E300] =	vst v63  }
0x514: {  	p1 =	por !p0, p3  }
0x515: {  	s1 =	simm.s32 @!p1 $0x40;
	s2 =	simm.s32 @!p1 $0x7800;
	s13 =	simm.s32 @!p1 $0x1800  }
0x516: {  	[tilespmem:s13], [sflag:$0x7] =	stream.indirect.gather @!p1 [hbm4b:s6+s1], $0x40, s2, s1, $0xb8;
	[tilespmem:$0x1E300] =	vst v63  }
0x517: {  	s1 =	simm.s32 @!p5 $0xA  }
0x518: {  	_ =	swait.ge @!p5 [sflag:s1], $0x2000  }
0x519: {  	[sflag:s1] =	ssyncset.done @!p5 $0x0  }
0x51a: {  	[sflag:s1] =	ssyncadd.s32 @!p5 $0xFFFFE000;
	s1 =	simm.s32 @p6 $0xA  }
0x51b: {  	_ =	swait.ge @p6 [sflag:s1], $0x400  }
0x51c: {  	[sflag:s1] =	ssyncset.done @p6 $0x0  }
0x51d: {  	[sflag:s1] =	ssyncadd.s32 @p6 $0xFFFFFC00  }
0x51e: {  	_ =	swait.ge [sflag:s10], $0x400  }
0x51f: {  	[sflag:s10] =	ssyncset.done $0x0  }
0x520: {  	[sflag:s10] =	ssyncadd.s32 $0xFFFFFC00  }
0x521: {  	_ =	swait.ge [sflag:s10], $0x400  }
0x522: {  	[sflag:s10] =	ssyncset.done $0x0  }
0x523: {  	[sflag:s10] =	ssyncadd.s32 $0xFFFFFC00  }
0x524: {  	_ =	swait.ge [sflag:s10], $0x1000  }
0x525: {  	[sflag:s10] =	ssyncset.done $0x0  }
0x526: {  	s14 =	simm.s32 $0x420;
	[sflag:s10] =	ssyncadd.s32 $0xFFFFF000  }
0x527: {  	s18 =	simm.s32 $0xC20;
	v5 =	vld [tilespmem:s14+$0x10]  }
0x528: {  	v6 =	vld [tilespmem:s18+$0x10];
	_ =	sdelay $0x3  }
0x529: {  	v7 =	vld [tilespmem:s18+$0xFFFFFFE0]  }
0x52a: {  	v8 =	vld [tilespmem:s14+$0xFFFFFFF0];
	v5 =	vadd.f32 v6, v5  }
0x52b: {  	v9 =	vld [tilespmem:s18+$0xFFFFFFF0]  }
0x52c: {  	v6 =	vld [tilespmem:s14+$0xFFFFFFE0];
	v12 =	vmul.f32 $2.000000030e-01, v5;
	_ =	sdelay $0x1  }
0x52d: {  	v5 =	vmax.f32 v5, v12  }
0x52e: {  	v5 =	vmul.f32 $1.442695020e+00, v5  }
0x52f: {  	v8 =	vadd.f32 v9, v8  }
0x530: {  	v10 =	vld [tilespmem:s14+$0x0];
	v6 =	vadd.f32 v7, v6;
	(erf) = vpow2.f32 v5  }
0x531: {  	v11 =	vld [tilespmem:s18+$0x0];
	v7 =	vmul.f32 $2.000000030e-01, v8  }
0x532: {  	v5 =	vmul.f32 $2.000000030e-01, v6  }
0x533: {  	v7 =	vmax.f32 v8, v7  }
0x534: {  	v5 =	vmax.f32 v6, v5;
	v6 =	vmul.f32 $1.442695020e+00, v7  }
0x535: {  	v5 =	vmul.f32 $1.442695020e+00, v5  }
0x536: {  	v9 =	vadd.f32 v11, v10;
	(erf) = vpow2.f32 v6  }
0x537: {  	(erf) = vpow2.f32 v5  }
0x538: {  	v10 =	vmul.f32 $2.000000030e-01, v9  }
0x539: {  	s21 =	simm.s32 $0x1420;
	v6 =	vpop (erf)  }
0x53a: {  	s22 =	simm.s32 $0x2880;
	v7 =	vmax.f32 v9, v10;
	[tilespmem:s21+$0x10] =	vst v6  }
0x53b: {  	v7 =	vmul.f32 $1.442695020e+00, v7;
	v5 =	vld [tilespmem:s22+$0x40];
	_ =	sdelay $0x1  }
0x53c: {  	s23 =	simm.s32 $0x460  }
0x53d: {  	s25 =	simm.s32 $0xC60;
	v16 =	vld [tilespmem:s23+$0xFFFFFFF0];
	(erf) = vpow2.f32 v7  }
0x53e: {  	v19 =	vld [tilespmem:s25+$0xFFFFFFF0];
	v8 =	vperm.xlane v6, v0;
	v7 =	vpop (erf)  }
0x53f: {  	v22 =	vld [tilespmem:s23+$0x0];
	v9 =	vpop (erf);
	v11 =	vshll.u32 v5, $0x10  }
0x540: {  	v27 =	vld [tilespmem:s25+$0x0];
	[tilespmem:s21+$0xFFFFFFE0] =	vst v9;
	v5 =	vand.u32 $0xFFFF0000, v5;
	v11 =	vmul.f32 v11, v8  }
0x541: {  	s13 =	simm.s32 $0x5900;
	v13 =	vld [tilespmem:s22+$0xFFFFFF80];
	v5 =	vmul.f32 v5, v8  }
0x542: {  	v8 =	vld [tilespmem:s23+$0x10];
	[tilespmem:s13+$0x80] =	vst v11  }
0x543: {  	[tilespmem:s13+$0x90] =	vst v5;
	v5 =	vld [tilespmem:s25+$0x10]  }
0x544: {  	v11 =	vld [tilespmem:s22+$0x50]  }
0x545: {  	[tilespmem:s21+$0xFFFFFFF0] =	vst v7  }
0x546: {  	v16 =	vadd.f32 v19, v16;
	v23 =	vperm.xlane v6, v1;
	v17 =	vperm.xlane v7, v0;
	v10 =	vld [tilespmem:s22+$0xFFFFFFC0];
	v12 =	vpop (erf)  }
0x547: {  	v15 =	vld [tilespmem:s25+$0xFFFFFFE0];
	v22 =	vadd.f32 v27, v22;
	v18 =	vperm.xlane v9, v0;
	v20 =	vperm.xlane v9, v1;
	[tilespmem:s21+$0x0] =	vst v12  }
0x548: {  	v14 =	vld [tilespmem:s22+$0x0];
	v25 =	vshll.u32 v13, $0x10;
	v13 =	vand.u32 $0xFFFF0000, v13;
	v5 =	vadd.f32 v5, v8  }
0x549: {  	v24 =	vld [tilespmem:s23+$0xFFFFFFE0];
	v21 =	vperm.xlane v12, v0;
	v13 =	vmul.f32 v13, v18;
	v26 =	vshll.u32 v11, $0x10  }
0x54a: {  	v11 =	vand.u32 $0xFFFF0000, v11;
	v28 =	vmul.f32 $2.000000030e-01, v5;
	v26 =	vmul.f32 v26, v23  }
0x54b: {  	v8 =	vshll.u32 v10, $0x10;
	v10 =	vand.u32 $0xFFFF0000, v10;
	[tilespmem:s13+$0xFFFFFF10] =	vst v13;
	v11 =	vmul.f32 v11, v23  }
0x54c: {  	v13 =	vmul.f32 $2.000000030e-01, v22;
	v8 =	vmul.f32 v8, v17;
	v5 =	vmax.f32 v5, v28;
	[tilespmem:s13+$0xA0] =	vst v26  }
0x54d: {  	v19 =	vshll.u32 v14, $0x10;
	v10 =	vmul.f32 v10, v17;
	[tilespmem:s13+$0xB0] =	vst v11;
	v5 =	vmul.f32 $1.442695020e+00, v5  }
0x54e: {  	v17 =	vmul.f32 v19, v21;
	v23 =	vmul.f32 v25, v18;
	v11 =	vadd.f32 v15, v24;
	v15 =	vld [tilespmem:s22+$0x60]  }
0x54f: {  	v18 =	vmul.f32 $2.000000030e-01, v16;
	v13 =	vmax.f32 v22, v13;
	[tilespmem:s13+$0xFFFFFF80] =	vst v8;
	(erf) = vpow2.f32 v5  }
0x550: {  	v22 =	vperm.xlane v12, v2;
	[tilespmem:s13+$0xFFFFFF00] =	vst v23;
	v5 =	vand.u32 $0xFFFF0000, v14;
	v14 =	vmul.f32 $2.000000030e-01, v11  }
0x551: {  	[tilespmem:s13+$0xFFFFFF90] =	vst v10;
	v10 =	vperm.xlane v6, v2;
	v13 =	vmul.f32 $1.442695020e+00, v13;
	v16 =	vmax.f32 v16, v18;
	v8 =	vld [tilespmem:s22+$0xFFFFFF90]  }
0x552: {  	[tilespmem:s13+$0x0] =	vst v17;
	v17 =	vperm.xlane v9, v2;
	v11 =	vmax.f32 v11, v14;
	v14 =	vmul.f32 $1.442695020e+00, v16  }
0x553: {  	v5 =	vmul.f32 v5, v21;
	v11 =	vmul.f32 $1.442695020e+00, v11;
	v18 =	vshll.u32 v15, $0x10  }
0x554: {  	v16 =	vld [tilespmem:s22+$0xFFFFFFD0];
	(erf) = vpow2.f32 v14;
	v14 =	vand.u32 $0xFFFF0000, v15;
	v15 =	vmul.f32 v18, v10  }
0x555: {  	[tilespmem:s13+$0x10] =	vst v5;
	(erf) = vpow2.f32 v11;
	v5 =	vmul.f32 v14, v10  }
0x556: {  	v18 =	vld [tilespmem:s22+$0x10];
	v10 =	vperm.xlane v7, v1;
	v11 =	vshll.u32 v8, $0x10;
	v8 =	vand.u32 $0xFFFF0000, v8  }
0x557: {  	(erf) = vpow2.f32 v13;
	[tilespmem:s13+$0xC0] =	vst v15;
	v8 =	vmul.f32 v8, v20  }
0x558: {  	s28 =	simm.s32 $0x1460;
	[tilespmem:s13+$0xD0] =	vst v5;
	v5 =	vmul.f32 v11, v20;
	v11 =	vperm.xlane v12, v1;
	v13 =	vpop (erf)  }
0x559: {  	s14 =	simm.s32 $0x2980;
	v14 =	vshll.u32 v16, $0x10;
	v20 =	vperm.xlane v7, v2;
	v15 =	vand.u32 $0xFFFF0000, v16;
	v19 =	vld [tilespmem:s22+$0x70];
	[tilespmem:s28+$0x10] =	vst v13  }
0x55a: {  	v16 =	vmul.f32 v14, v10;
	v10 =	vmul.f32 v15, v10;
	[tilespmem:s13+$0xFFFFFF30] =	vst v8;
	v21 =	vld [tilespmem:s14+$0x40]  }
0x55b: {  	v14 =	vperm.xlane v9, v3;
	v15 =	vperm.xlane v7, v3;
	[tilespmem:s13+$0xFFFFFF20] =	vst v5;
	v7 =	vshll.u32 v18, $0x10  }
0x55c: {  	s30 =	simm.s32 $0x4A0;
	v5 =	vperm.xlane v12, v3;
	[tilespmem:s13+$0xFFFFFFA0] =	vst v16;
	v7 =	vmul.f32 v7, v11  }
0x55d: {  	v63 =	vld [tilespmem:s30+$0x10];
	s23 =	simm.s32 $0xCA0;
	v12 =	vperm.xlane v6, v3;
	v8 =	vand.u32 $0xFFFF0000, v18;
	[tilespmem:s13+$0xFFFFFFB0] =	vst v10;
	v9 =	vperm.xlane v13, v0  }
0x55e: {  	v46 =	vld [tilespmem:s23+$0x10];
	v8 =	vmul.f32 v8, v11;
	v48 =	vperm.xlane v13, v1;
	[tilespmem:s13+$0x20] =	vst v7;
	v6 =	vpop (erf);
	v10 =	vand.u32 $0xFFFF0000, v19  }
0x55f: {  	v25 =	vld [tilespmem:s22+$0xFFFFFFE0];
	v19 =	vshll.u32 v19, $0x10;
	[tilespmem:s28+$0xFFFFFFF0] =	vst v6;
	v16 =	vpop (erf);
	v24 =	vmul.f32 v10, v12;
	v18 =	vshll.u32 v21, $0x10  }
0x560: {  	v11 =	vld [tilespmem:s22+$0xFFFFFFA0];
	v29 =	vperm.xlane v6, v1;
	[tilespmem:s28+$0xFFFFFFE0] =	vst v16;
	v23 =	vpop (erf);
	v10 =	vand.u32 $0xFFFF0000, v21;
	v18 =	vmul.f32 v18, v9  }
0x561: {  	s18 =	simm.s32 $0x5B00;
	v12 =	vmul.f32 v19, v12;
	v26 =	vld [tilespmem:s14+$0xFFFFFFC0];
	[tilespmem:s28+$0x0] =	vst v23;
	v9 =	vmul.f32 v10, v9  }
0x562: {  	v7 =	vperm.xlane v16, v0;
	v27 =	vperm.xlane v16, v1;
	v28 =	vld [tilespmem:s14+$0xFFFFFF80];
	[tilespmem:s18+$0x80] =	vst v18  }
0x563: {  	v37 =	vadd.f32 v46, v63;
	v21 =	vperm.xlane v6, v0;
	v58 =	vperm.xlane v23, v1;
	v30 =	vld [tilespmem:s14+$0x0];
	[tilespmem:s18+$0x90] =	vst v9  }
0x564: {  	v61 =	vshll.u32 v25, $0x10;
	v25 =	vand.u32 $0xFFFF0000, v25;
	v10 =	vperm.xlane v16, v2;
	v59 =	vld [tilespmem:s14+$0x50]  }
0x565: {  	v35 =	vmul.f32 v61, v20;
	v20 =	vmul.f32 v25, v20  }
0x566: {  	v54 =	vld [tilespmem:s30+$0xFFFFFFE0];
	v31 =	vshll.u32 v11, $0x10;
	v25 =	vmul.f32 $2.000000030e-01, v37;
	v18 =	vperm.xlane v23, v0  }
0x567: {  	v47 =	vld [tilespmem:s23+$0xFFFFFFE0];
	[tilespmem:s13+$0x30] =	vst v8;
	v62 =	vshll.u32 v26, $0x10;
	v26 =	vand.u32 $0xFFFF0000, v26;
	v45 =	vshll.u32 v28, $0x10  }
0x568: {  	v60 =	vld [tilespmem:s22+$0x20];
	v36 =	vmul.f32 v62, v21;
	v28 =	vand.u32 $0xFFFF0000, v28;
	v21 =	vmul.f32 v26, v21  }
0x569: {  	[tilespmem:s13+$0xF0] =	vst v24;
	v24 =	vld [tilespmem:s23+$0xFFFFFFF0];
	v38 =	vmul.f32 v45, v7;
	v49 =	vshll.u32 v30, $0x10;
	v43 =	vshll.u32 v59, $0x10  }
0x56a: {  	[tilespmem:s13+$0xFFFFFFC0] =	vst v35;
	v7 =	vmul.f32 v28, v7;
	v28 =	vld [tilespmem:s30+$0xFFFFFFF0];
	v26 =	vand.u32 $0xFFFF0000, v59;
	v50 =	vmul.f32 v43, v48  }
0x56b: {  	v52 =	vld [tilespmem:s30+$0x0];
	v30 =	vand.u32 $0xFFFF0000, v30;
	[tilespmem:s18+$0xFFFFFF80] =	vst v36;
	v51 =	vmul.f32 v49, v18;
	v26 =	vmul.f32 v26, v48  }
0x56c: {  	v8 =	vand.u32 $0xFFFF0000, v11;
	v18 =	vmul.f32 v30, v18;
	v30 =	vmul.f32 v31, v17;
	v31 =	vld [tilespmem:s23+$0x0];
	[tilespmem:s18+$0xA0] =	vst v50  }
0x56d: {  	v53 =	vshll.u32 v60, $0x10;
	v17 =	vmul.f32 v8, v17;
	v8 =	vand.u32 $0xFFFF0000, v60;
	[tilespmem:s18+$0xB0] =	vst v26  }
0x56e: {  	v33 =	vmul.f32 v53, v22;
	[tilespmem:s18+$0xFFFFFF90] =	vst v21;
	v21 =	vadd.f32 v47, v54;
	v22 =	vmul.f32 v8, v22;
	v26 =	vld [tilespmem:s14+$0x60]  }
0x56f: {  	[tilespmem:s18+$0xFFFFFF10] =	vst v7;
	v8 =	vperm.xlane v16, v3;
	v16 =	vmax.f32 v37, v25;
	v7 =	vadd.f32 v24, v28  }
0x570: {  	v9 =	vperm.xlane v23, v2;
	v16 =	vmul.f32 $1.442695020e+00, v16;
	[tilespmem:s18+$0x10] =	vst v18  }
0x571: {  	[tilespmem:s13+$0xFFFFFF50] =	vst v17;
	v17 =	vmul.f32 $2.000000030e-01, v21;
	v28 =	vadd.f32 v31, v52;
	v18 =	vmul.f32 $2.000000030e-01, v7  }
0x572: {  	[tilespmem:s18+$0xFFFFFF00] =	vst v38;
	v24 =	vperm.xlane v13, v2;
	(erf) = vpow2.f32 v16  }
0x573: {  	[tilespmem:s18+$0x0] =	vst v51;
	v25 =	vld [tilespmem:s14+$0xFFFFFF90];
	v31 =	vmul.f32 $2.000000030e-01, v28;
	v18 =	vmax.f32 v7, v18;
	v16 =	vshll.u32 v26, $0x10  }
0x574: {  	[tilespmem:s13+$0xFFFFFF40] =	vst v30;
	v30 =	vld [tilespmem:s14+$0xFFFFFFD0];
	v7 =	vperm.xlane v23, v3;
	v26 =	vand.u32 $0xFFFF0000, v26;
	v16 =	vmul.f32 v16, v24  }
0x575: {  	[tilespmem:s13+$0xFFFFFFD0] =	vst v20;
	v17 =	vmax.f32 v21, v17;
	v23 =	vld [tilespmem:s14+$0x10];
	v18 =	vmul.f32 $1.442695020e+00, v18;
	v24 =	vmul.f32 v26, v24  }
0x576: {  	v11 =	vperm.xlane v6, v2;
	v17 =	vmul.f32 $1.442695020e+00, v17;
	v19 =	vmax.f32 v28, v31;
	[tilespmem:s18+$0xC0] =	vst v16  }
0x577: {  	v21 =	vld [tilespmem:s22+$0xFFFFFFF0];
	v19 =	vmul.f32 $1.442695020e+00, v19;
	(erf) = vpow2.f32 v18;
	[tilespmem:s18+$0xD0] =	vst v24  }
0x578: {  	v13 =	vperm.xlane v13, v3;
	(erf) = vpow2.f32 v17;
	v18 =	vld [tilespmem:s14+$0x70]  }
0x579: {  	[tilespmem:s13+$0x40] =	vst v33;
	v20 =	vshll.u32 v25, $0x10;
	v17 =	vand.u32 $0xFFFF0000, v30;
	(erf) = vpow2.f32 v19  }
0x57a: {  	[tilespmem:s13+$0x50] =	vst v22;
	v19 =	vmul.f32 v20, v27;
	v22 =	vshll.u32 v23, $0x10;
	v23 =	vand.u32 $0xFFFF0000, v23;
	v16 =	vld [tilespmem:s22+$0xFFFFFFB0]  }
0x57b: {  	s25 =	simm.s32 $0x14A0;
	[tilespmem:s13+$0xE0] =	vst v12;
	v20 =	vld [tilespmem:s22+$0x30];
	v12 =	vpop (erf);
	v17 =	vmul.f32 v17, v29;
	v24 =	vand.u32 $0xFFFF0000, v25;
	v31 =	vmul.f32 v22, v58  }
0x57c: {  	s21 =	simm.s32 $0x2A80;
	v25 =	vshll.u32 v30, $0x10;
	[tilespmem:s25+$0x10] =	vst v12;
	v56 =	vmul.f32 v23, v58;
	v24 =	vmul.f32 v24, v27  }
0x57d: {  	v25 =	vmul.f32 v25, v29;
	[tilespmem:s18+$0xFFFFFF20] =	vst v19;
	v27 =	vshll.u32 v21, $0x10;
	v55 =	vld [tilespmem:s21+$0x40];
	v19 =	vand.u32 $0xFFFF0000, v18  }
0x57e: {  	v21 =	vand.u32 $0xFFFF0000, v21;
	[tilespmem:s18+$0xFFFFFFB0] =	vst v17;
	v23 =	vmul.f32 v27, v15;
	v19 =	vmul.f32 v19, v13  }
0x57f: {  	v17 =	vmul.f32 v21, v15;
	[tilespmem:s18+$0xFFFFFF30] =	vst v24;
	v26 =	vshll.u32 v16, $0x10;
	v16 =	vand.u32 $0xFFFF0000, v16  }
0x580: {  	[tilespmem:s18+$0xFFFFFFA0] =	vst v25;
	v24 =	vshll.u32 v20, $0x10;
	v25 =	vld [tilespmem:s14+$0xFFFFFFA0];
	v57 =	vmul.f32 v26, v14;
	v28 =	vmul.f32 v16, v14;
	v14 =	vpop (erf)  }
0x581: {  	v58 =	vld [tilespmem:s14+$0xFFFFFFE0];
	v15 =	vmul.f32 v24, v5;
	v24 =	vand.u32 $0xFFFF0000, v20;
	v20 =	vperm.xlane v12, v0;
	[tilespmem:s25+$0xFFFFFFF0] =	vst v14  }
0x582: {  	v6 =	vperm.xlane v6, v3;
	v21 =	vshll.u32 v55, $0x10;
	v29 =	vperm.xlane v14, v0;
	[tilespmem:s18+$0xF0] =	vst v19;
	v19 =	vpop (erf)  }
0x583: {  	v26 =	vand.u32 $0xFFFF0000, v55;
	v61 =	vmul.f32 v21, v20;
	v21 =	vperm.xlane v14, v1;
	v59 =	vld [tilespmem:s21+$0xFFFFFFC0];
	[tilespmem:s25+$0xFFFFFFE0] =	vst v19;
	v16 =	vpop (erf)  }
0x584: {  	v22 =	vshll.u32 v18, $0x10;
	v62 =	vmul.f32 v26, v20;
	v26 =	vperm.xlane v14, v2;
	v60 =	vld [tilespmem:s21+$0xFFFFFF80];
	[tilespmem:s25+$0x0] =	vst v16  }
0x585: {  	s22 =	simm.s32 $0x5D00;
	[tilespmem:s18+$0x20] =	vst v31;
	v33 =	vshll.u32 v25, $0x10;
	v31 =	vand.u32 $0xFFFF0000, v25;
	v34 =	vperm.xlane v19, v0;
	v37 =	vld [tilespmem:s21+$0x0]  }
0x586: {  	[tilespmem:s22+$0x80] =	vst v61;
	v32 =	vshll.u32 v58, $0x10;
	v18 =	vperm.xlane v19, v1;
	v27 =	vperm.xlane v19, v2  }
0x587: {  	[tilespmem:s22+$0x90] =	vst v62;
	v35 =	vand.u32 $0xFFFF0000, v58;
	v30 =	vperm.xlane v16, v0;
	v20 =	vperm.xlane v16, v1  }
0x588: {  	[tilespmem:s18+$0x30] =	vst v56;
	v38 =	vld [tilespmem:s21+$0x50];
	v25 =	vperm.xlane v16, v2;
	v63 =	vshll.u32 v59, $0x10;
	v39 =	vand.u32 $0xFFFF0000, v59  }
0x589: {  	s2 =	simm.s32 $0x4E0;
	s1 =	simm.s32 $0x8;
	v36 =	vld [tilespmem:s14+$0x20];
	[tilespmem:s13+$0xFFFFFF60] =	vst v57;
	v41 =	vmul.f32 v63, v29;
	v42 =	vshll.u32 v60, $0x10;
	v40 =	vand.u32 $0xFFFF0000, v60  }
.LBB2_15:
0x58a: {  	v43 =	vld [tilespmem:s2+$0x10];
	v42 =	vmul.f32 v42, v34;
	v44 =	vshll.u32 v37, $0x10;
	v37 =	vand.u32 $0xFFFF0000, v37;
	s23 =	sadd.s32 $0x40, s23;
	[tilespmem:s13+$0xFFFFFF70] =	vst v28  }
0x58b: {  	v34 =	vmul.f32 v40, v34;
	v29 =	vmul.f32 v39, v29;
	v28 =	vld [tilespmem:s23+$0x10];
	[tilespmem:s22+$0xFFFFFF80] =	vst v41  }
0x58c: {  	v40 =	vmul.f32 v44, v30;
	v41 =	vperm.xlane v12, v1;
	v39 =	vld [tilespmem:s23+$0xFFFFFFE0];
	[tilespmem:s22+$0xFFFFFF00] =	vst v42  }
0x58d: {  	v33 =	vmul.f32 v33, v10;
	v30 =	vmul.f32 v37, v30;
	v42 =	vld [tilespmem:s2+$0xFFFFFFF0];
	[tilespmem:s22+$0xFFFFFF10] =	vst v34;
	v34 =	vshll.u32 v38, $0x10  }
0x58e: {  	s1 =	sadd.s32 $0x4, s1;
	v37 =	vld [tilespmem:s23+$0xFFFFFFF0];
	[tilespmem:s22+$0xFFFFFF90] =	vst v29;
	v29 =	vand.u32 $0xFFFF0000, v38;
	v34 =	vmul.f32 v34, v41;
	v38 =	vshll.u32 v36, $0x10  }
0x58f: {  	v31 =	vmul.f32 v31, v10;
	v10 =	vmovc v27;
	p1 =	slt.u32 s1, $0x3C;
	v36 =	vand.u32 $0xFFFF0000, v36;
	v44 =	vld [tilespmem:s2+$0x0];
	[tilespmem:s22+$0x0] =	vst v40;
	v29 =	vmul.f32 v29, v41  }
0x590: {  	v32 =	vmul.f32 v32, v11;
	v27 =	vld [tilespmem:s23+$0x0];
	v28 =	vadd.f32 v28, v43;
	[tilespmem:s22+$0xA0] =	vst v34;
	v34 =	vmul.f32 v35, v11  }
0x591: {  	v36 =	vmul.f32 v36, v9;
	v11 =	vmovc v26;
	v35 =	vld [tilespmem:s2+$0xFFFFFFE0];
	[tilespmem:s22+$0xB0] =	vst v29;
	v29 =	vmul.f32 v38, v9;
	v9 =	vmov v25  }
0x592: {  	v19 =	vperm.xlane v19, v3;
	v25 =	vmul.f32 $2.000000030e-01, v28;
	[tilespmem:s22+$0x10] =	vst v30;
	v26 =	vld [tilespmem:s21+$0x60]  }
0x593: {  	v38 =	vperm.xlane v14, v3;
	v14 =	vperm.xlane v16, v3;
	v30 =	vadd.f32 v37, v42;
	v37 =	vld [tilespmem:s21+$0xFFFFFF90];
	[tilespmem:s18+$0xFFFFFF40] =	vst v33  }
0x594: {  	v13 =	vmul.f32 v22, v13;
	v22 =	vmul.f32 v24, v5;
	v16 =	vmax.f32 v28, v25;
	v25 =	vld [tilespmem:s21+$0xFFFFFFD0];
	[tilespmem:s18+$0xFFFFFF50] =	vst v31  }
0x595: {  	v5 =	vmovc v7;
	v7 =	vmovc v14;
	v24 =	vmul.f32 $2.000000030e-01, v30;
	v27 =	vadd.f32 v27, v44;
	v16 =	vmul.f32 $1.442695020e+00, v16;
	v28 =	vld [tilespmem:s21+$0x10];
	[tilespmem:s18+$0xFFFFFFC0] =	vst v32  }
0x596: {  	v31 =	vperm.xlane v12, v2;
	v14 =	vadd.f32 v39, v35;
	v32 =	vld [tilespmem:s14+$0xFFFFFFB0];
	[tilespmem:s18+$0xFFFFFFD0] =	vst v34  }
0x597: {  	v33 =	vmul.f32 $2.000000030e-01, v27;
	(erf) = vpow2.f32 v16;
	v16 =	vshll.u32 v26, $0x10;
	v34 =	vld [tilespmem:s14+$0xFFFFFFF0];
	[tilespmem:s18+$0x40] =	vst v29  }
0x598: {  	v26 =	vand.u32 $0xFFFF0000, v26;
	v29 =	vmul.f32 $2.000000030e-01, v14;
	v16 =	vmul.f32 v16, v31;
	[tilespmem:s18+$0x50] =	vst v36  }
0x599: {  	v24 =	vmax.f32 v30, v24;
	v26 =	vmul.f32 v26, v31;
	v27 =	vmax.f32 v27, v33;
	v30 =	vld [tilespmem:s14+$0x30];
	[tilespmem:s13+$0xFFFFFFE0] =	vst v23;
	s14 =	smov.u32 s21  }
0x59a: {  	v23 =	vmul.f32 $1.442695020e+00, v24;
	v14 =	vmax.f32 v14, v29;
	v24 =	vmul.f32 $1.442695020e+00, v27;
	[tilespmem:s22+$0xC0] =	vst v16  }
0x59b: {  	v16 =	vshll.u32 v37, $0x10;
	v27 =	vand.u32 $0xFFFF0000, v37;
	v14 =	vmul.f32 $1.442695020e+00, v14;
	[tilespmem:s22+$0xD0] =	vst v26  }
0x59c: {  	(erf) = vpow2.f32 v23;
	v23 =	vshll.u32 v25, $0x10;
	v25 =	vand.u32 $0xFFFF0000, v25;
	v26 =	vld [tilespmem:s21+$0x70];
	[tilespmem:s13+$0xFFFFFFF0] =	vst v17  }
0x59d: {  	v17 =	vand.u32 $0xFFFF0000, v28;
	(erf) = vpow2.f32 v14;
	v14 =	vshll.u32 v28, $0x10;
	[tilespmem:s13+$0x60] =	vst v15  }
0x59e: {  	v15 =	vmul.f32 v16, v18;
	v16 =	vshll.u32 v32, $0x10;
	(erf) = vpow2.f32 v24;
	[tilespmem:s13+$0x70] =	vst v22;
	s13 =	smov.u32 s18;
	s18 =	smov.u32 s22  }
0x59f: {  	v18 =	vmul.f32 v27, v18;
	v22 =	vmul.f32 v23, v21;
	v23 =	vand.u32 $0xFFFF0000, v32;
	[tilespmem:s13+$0xE0] =	vst v13  }
0x5a0: {  	s25 =	sadd.s32 $0x40, s25;
	v13 =	vperm.xlane v12, v3;
	[tilespmem:s22+$0xFFFFFF20] =	vst v15;
	v15 =	vmul.f32 v25, v21;
	v12 =	vpop (erf);
	v21 =	vshll.u32 v34, $0x10  }
0x5a1: {  	s21 =	sadd.s32 $0x100, s21;
	v36 =	vmul.f32 v17, v20;
	v25 =	vmul.f32 v14, v20;
	[tilespmem:s25+$0x10] =	vst v12;
	v14 =	vand.u32 $0xFFFF0000, v26  }
0x5a2: {  	v17 =	vand.u32 $0xFFFF0000, v34;
	v20 =	vld [tilespmem:s21+$0x40];
	[tilespmem:s22+$0xFFFFFF30] =	vst v18;
	v27 =	vmul.f32 v14, v13;
	v18 =	vshll.u32 v30, $0x10  }
0x5a3: {  	v43 =	vmul.f32 v16, v8;
	v24 =	vand.u32 $0xFFFF0000, v30;
	v31 =	vld [tilespmem:s14+$0xFFFFFFA0];
	[tilespmem:s22+$0xFFFFFFA0] =	vst v22;
	v22 =	vshll.u32 v26, $0x10  }
0x5a4: {  	v28 =	vmul.f32 v23, v8;
	v8 =	vmov v19;
	v23 =	vmul.f32 v21, v6;
	[tilespmem:s22+$0xF0] =	vst v27  }
0x5a5: {  	v17 =	vmul.f32 v17, v6;
	v6 =	vmov v38;
	v14 =	vpop (erf);
	[tilespmem:s22+$0xFFFFFFB0] =	vst v15;
	v15 =	vmul.f32 v18, v5  }
0x5a6: {  	v26 =	vperm.xlane v12, v0;
	[tilespmem:s25+$0xFFFFFFF0] =	vst v14;
	v29 =	vperm.xlane v14, v0;
	v19 =	vpop (erf);
	v35 =	vld [tilespmem:s14+$0xFFFFFFE0]  }
0x5a7: {  	[tilespmem:s25+$0xFFFFFFE0] =	vst v19;
	v34 =	vperm.xlane v19, v0;
	v18 =	vperm.xlane v19, v1;
	v38 =	vld [tilespmem:s21+$0xFFFFFFC0];
	v21 =	vshll.u32 v20, $0x10;
	v16 =	vpop (erf)  }
0x5a8: {  	v20 =	vand.u32 $0xFFFF0000, v20;
	v40 =	vld [tilespmem:s21+$0xFFFFFF80];
	[tilespmem:s25+$0x0] =	vst v16;
	v30 =	vperm.xlane v16, v0;
	v32 =	vmul.f32 v21, v26  }
.Ltmp6:
0x5a9: {  	s22 =	sadd.s32 $0x200, s22;
	v21 =	vperm.xlane v14, v1;
	v39 =	vmul.f32 v20, v26;
	v33 =	vshll.u32 v31, $0x10;
	v37 =	vld [tilespmem:s21+$0x0];
	[tilespmem:s18+$0x20] =	vst v25;
	(pc) =	sbr.rel @p1 .LBB2_15-.Ltmp6, $4  }
0x5aa: {  	v27 =	vperm.xlane v19, v2;
	v20 =	vperm.xlane v16, v1;
	v31 =	vand.u32 $0xFFFF0000, v31;
	[tilespmem:s22+$0x80] =	vst v32  }
0x5ab: {  	v26 =	vperm.xlane v14, v2;
	v25 =	vperm.xlane v16, v2;
	[tilespmem:s22+$0x90] =	vst v39;
	v32 =	vshll.u32 v35, $0x10  }
0x5ac: {  	v35 =	vand.u32 $0xFFFF0000, v35;
	v41 =	vshll.u32 v38, $0x10;
	v39 =	vand.u32 $0xFFFF0000, v38;
	v38 =	vld [tilespmem:s21+$0x50];
	[tilespmem:s18+$0x30] =	vst v36  }
0x5ad: {  	s2 =	sadd.s32 $0x40, s2;
	v42 =	vshll.u32 v40, $0x10;
	v40 =	vand.u32 $0xFFFF0000, v40;
	v41 =	vmul.f32 v41, v29;
	v36 =	vld [tilespmem:s14+$0x20];
	[tilespmem:s13+$0xFFFFFF60] =	vst v43  }
0x5ae: {  	[tilespmem:s13+$0xFFFFFF70] =	vst v28  }
0x5af: {  	[tilespmem:s13+$0xFFFFFFE0] =	vst v23  }
0x5b0: {  	[tilespmem:s13+$0xFFFFFFF0] =	vst v17  }
0x5b1: {  	v42 =	vmul.f32 v42, v34;
	[tilespmem:s13+$0x60] =	vst v15  }
0x5b2: {  	v46 =	vmul.f32 v40, v34;
	[tilespmem:s22+$0xFFFFFF80] =	vst v41  }
0x5b3: {  	v29 =	vmul.f32 v39, v29;
	[tilespmem:s22+$0xFFFFFF00] =	vst v42  }
0x5b4: {  	v53 =	vmul.f32 v33, v10;
	[tilespmem:s22+$0xFFFFFF10] =	vst v46  }
0x5b5: {  	v54 =	vmul.f32 v31, v10;
	[tilespmem:s22+$0xFFFFFF90] =	vst v29  }
0x5b6: {  	v48 =	vperm.xlane v12, v1;
	v55 =	vmul.f32 v32, v11;
	[tilespmem:s18+$0xFFFFFF40] =	vst v53  }
0x5b7: {  	v57 =	vmul.f32 v35, v11;
	[tilespmem:s18+$0xFFFFFF50] =	vst v54;
	v49 =	vshll.u32 v38, $0x10  }
0x5b8: {  	[tilespmem:s18+$0xFFFFFFC0] =	vst v55;
	v50 =	vand.u32 $0xFFFF0000, v38;
	v28 =	vmul.f32 v49, v48  }
0x5b9: {  	[tilespmem:s18+$0xFFFFFFD0] =	vst v57;
	v33 =	vld [tilespmem:s21+$0xFFFFFFD0];
	v29 =	vmul.f32 v50, v48  }
0x5ba: {  	v47 =	vshll.u32 v37, $0x10;
	v5 =	vmul.f32 v24, v5;
	[tilespmem:s22+$0xA0] =	vst v28  }
0x5bb: {  	v51 =	vand.u32 $0xFFFF0000, v37;
	v34 =	vmul.f32 v47, v30;
	v61 =	vld [tilespmem:s21+$0xFFFFFF90];
	[tilespmem:s22+$0xB0] =	vst v29  }
0x5bc: {  	v52 =	vmul.f32 v51, v30;
	[tilespmem:s13+$0x70] =	vst v5;
	v29 =	vld [tilespmem:s21+$0x60]  }
0x5bd: {  	v42 =	vmul.f32 v22, v13;
	[tilespmem:s22+$0x0] =	vst v34;
	v58 =	vand.u32 $0xFFFF0000, v36  }
0x5be: {  	[tilespmem:s22+$0x10] =	vst v52;
	v56 =	vshll.u32 v36, $0x10;
	v59 =	vmul.f32 v58, v9;
	v36 =	vshll.u32 v33, $0x10  }
0x5bf: {  	v34 =	vld [tilespmem:s21+$0x10];
	[tilespmem:s18+$0xE0] =	vst v42;
	v28 =	vmul.f32 v56, v9;
	v9 =	vand.u32 $0xFFFF0000, v33;
	v15 =	vmul.f32 v36, v21  }
0x5c0: {  	v60 =	vperm.xlane v12, v2;
	[tilespmem:s18+$0x50] =	vst v59;
	v11 =	vand.u32 $0xFFFF0000, v61;
	v9 =	vmul.f32 v9, v21  }
0x5c1: {  	v5 =	vmul.f32 v11, v18;
	[tilespmem:s22+$0xFFFFFFA0] =	vst v15;
	v63 =	vand.u32 $0xFFFF0000, v29  }
0x5c2: {  	v38 =	vld [tilespmem:s14+$0xFFFFFFB0];
	[tilespmem:s22+$0xFFFFFFB0] =	vst v9;
	v10 =	vmul.f32 v63, v60  }
0x5c3: {  	v35 =	vshll.u32 v61, $0x10;
	[tilespmem:s22+$0xFFFFFF30] =	vst v5;
	v15 =	vld [tilespmem:s21+$0xFFFFFFE0]  }
0x5c4: {  	v5 =	vand.u32 $0xFFFF0000, v34;
	[tilespmem:s22+$0xD0] =	vst v10;
	v10 =	vmul.f32 v35, v18  }
0x5c5: {  	[tilespmem:s18+$0x40] =	vst v28;
	v62 =	vshll.u32 v29, $0x10;
	v5 =	vmul.f32 v5, v20  }
0x5c6: {  	v48 =	vld [tilespmem:s14+$0xFFFFFFF0];
	v39 =	vshll.u32 v34, $0x10;
	v32 =	vmul.f32 v62, v60;
	[tilespmem:s22+$0xFFFFFF20] =	vst v10  }
0x5c7: {  	v44 =	vshll.u32 v38, $0x10;
	[tilespmem:s22+$0x30] =	vst v5;
	v10 =	vmul.f32 v39, v20;
	v40 =	vld [tilespmem:s21+$0xFFFFFFA0]  }
0x5c8: {  	v45 =	vmul.f32 v44, v8;
	[tilespmem:s22+$0xC0] =	vst v32;
	v50 =	vshll.u32 v15, $0x10  }
0x5c9: {  	v37 =	vld [tilespmem:s21+$0x70];
	v15 =	vand.u32 $0xFFFF0000, v15;
	v9 =	vmul.f32 v50, v26;
	[tilespmem:s22+$0x20] =	vst v10  }
0x5ca: {  	[tilespmem:s18+$0xFFFFFF60] =	vst v45;
	v5 =	vand.u32 $0xFFFF0000, v38;
	v15 =	vmul.f32 v15, v26;
	v46 =	vld [tilespmem:s21+$0x20]  }
0x5cb: {  	v53 =	vshll.u32 v48, $0x10;
	v11 =	vand.u32 $0xFFFF0000, v48;
	v5 =	vmul.f32 v5, v8;
	[tilespmem:s22+$0xFFFFFFC0] =	vst v9  }
0x5cc: {  	v51 =	vld [tilespmem:s14+$0x30];
	[tilespmem:s22+$0xFFFFFFD0] =	vst v15;
	v9 =	vmul.f32 v53, v6;
	v6 =	vmul.f32 v11, v6;
	v47 =	vshll.u32 v40, $0x10  }
0x5cd: {  	v41 =	vperm.xlane v12, v3;
	[tilespmem:s18+$0xFFFFFF70] =	vst v5;
	v56 =	vld [tilespmem:s21+$0xFFFFFFF0];
	v49 =	vand.u32 $0xFFFF0000, v40;
	v8 =	vmul.f32 v47, v27  }
0x5ce: {  	v58 =	vshll.u32 v37, $0x10;
	[tilespmem:s18+$0xFFFFFFF0] =	vst v6;
	v5 =	vmul.f32 v49, v27  }
0x5cf: {  	v6 =	vmul.f32 v58, v41;
	v52 =	vshll.u32 v46, $0x10;
	[tilespmem:s22+$0xFFFFFF40] =	vst v8  }
0x5d0: {  	[tilespmem:s22+$0xFFFFFF50] =	vst v5;
	v5 =	vand.u32 $0xFFFF0000, v46;
	v8 =	vmul.f32 v52, v25  }
0x5d1: {  	v60 =	vperm.xlane v14, v3;
	[tilespmem:s22+$0xE0] =	vst v6;
	v5 =	vmul.f32 v5, v25  }
0x5d2: {  	v55 =	vshll.u32 v51, $0x10;
	v43 =	vand.u32 $0xFFFF0000, v37;
	v6 =	vshll.u32 v56, $0x10;
	v54 =	vld [tilespmem:s21+$0xFFFFFFB0];
	[tilespmem:s22+$0x40] =	vst v8  }
0x5d3: {  	v13 =	vmul.f32 v43, v41;
	v6 =	vmul.f32 v6, v60;
	[tilespmem:s22+$0x50] =	vst v5;
	v5 =	vand.u32 $0xFFFF0000, v51  }
0x5d4: {  	[tilespmem:s18+$0xFFFFFFE0] =	vst v9;
	v8 =	vmul.f32 v55, v7;
	v5 =	vmul.f32 v5, v7;
	v7 =	vld [tilespmem:s21+$0x30]  }
0x5d5: {  	[tilespmem:s22+$0xF0] =	vst v13;
	v62 =	vand.u32 $0xFFFF0000, v56  }
0x5d6: {  	v57 =	vperm.xlane v19, v3;
	v10 =	vmul.f32 v62, v60;
	[tilespmem:s22+$0xFFFFFFE0] =	vst v6  }
0x5d7: {  	[tilespmem:s18+$0x70] =	vst v5;
	v5 =	vand.u32 $0xFFFF0000, v54  }
0x5d8: {  	v61 =	vperm.xlane v16, v3;
	[tilespmem:s22+$0xFFFFFFF0] =	vst v10;
	v59 =	vshll.u32 v54, $0x10;
	v5 =	vmul.f32 v5, v57  }
0x5d9: {  	[tilespmem:s18+$0x60] =	vst v8;
	v8 =	vmul.f32 v59, v57;
	v63 =	vshll.u32 v7, $0x10  }
0x5da: {  	[tilespmem:s22+$0xFFFFFF70] =	vst v5;
	v5 =	vand.u32 $0xFFFF0000, v7;
	v7 =	vmul.f32 v63, v61  }
0x5db: {  	s1 =	sadd.s32 s15, s26;
	[tilespmem:s22+$0xFFFFFF60] =	vst v8;
	v5 =	vmul.f32 v5, v61  }
0x5dc: {  	p1 =	sgt.u32 s1, $0x9C3;
	[tilespmem:s22+$0x60] =	vst v7  }
0x5dd: {  	s1 =	simm.s32 @!p1 $0x40;
	s2 =	simm.s32 @!p1 $0x7AC0;
	s13 =	simm.s32 @!p1 $0x5800;
	[tilespmem:s22+$0x70] =	vst v5  }
0x5de: {  	[spmem:s31] =	stream.indirect.scatter.add.f32 @!p1 [tilespmem:s13], [sflag:$0xA], $0x80, s2, s1, $0xb8;
	[tilespmem:$0x1E300] =	vst v63  }
0x5df: {  	s17 =	sadd.s32 $0x1, s17;
	p1 =	por !p0, p1  }
0x5e0: {  	s1 =	simm.s32 @!p1 $0x40;
	s2 =	simm.s32 @!p1 $0x7AC0;
	s13 =	simm.s32 @!p1 $0x1400  }
0x5e1: {  	[spmem:s29] =	stream.indirect.scatter.add.f32 @!p1 [tilespmem:s13], [sflag:$0xA], $0x10, s2, s1, $0xb8;
	[tilespmem:$0x1E300] =	vst v63  }
0x5e2: {  	p1 =	sne.s32 s17, $0x1B  }
.Ltmp7:
0x5e3: {  	_ = 	snop;
	(pc) =	sbr.rel @p1 .LBB2_4-.Ltmp7, $1  }
0x5e4: {  	_ =	sdelay $0x3  }
0x5e5: {  	s1 =	sld [smem:$0x7FC];
	_ =	sdelay $0x2  }
0x5e6: {  	p1 =	seq.s32 s1, $0x1  }
0x5e7: {  	s1 =	simm.s32 @!p1 $0x9  }
0x5e8: {  	_ =	swait.ge @!p1 [sflag:s1], $0x2000  }
0x5e9: {  	s22 =	sld [smem:$0x7FB];
	_ =	sdelay $0x2  }
0x5ea: {  	[sflag:s1] =	ssyncset.done @!p1 $0x0;
	p2 =	seq.s32 s22, $0x1  }
0x5eb: {  	[sflag:s1] =	ssyncadd.s32 @!p1 $0xFFFFE000;
	s1 =	simm.s32 @!p2 $0x9  }
0x5ec: {  	_ =	swait.ge @!p2 [sflag:s1], $0x400  }
0x5ed: {  	[sflag:s1] =	ssyncset.done @!p2 $0x0  }
0x5ee: {  	[sflag:s1] =	ssyncadd.s32 @!p2 $0xFFFFFC00;
	s1 =	simm.s32 @!p1 $0xA  }
0x5ef: {  	_ =	swait.ge @!p1 [sflag:s1], $0x2000  }
0x5f0: {  	s23 =	sld [smem:$0x7FD];
	_ =	sdelay $0x1  }
0x5f1: {  	[sflag:s1] =	ssyncset.done @!p1 $0x0  }
0x5f2: {  	[sflag:s1] =	ssyncadd.s32 @!p1 $0xFFFFE000;
	p1 =	seq.s32 s23, $0x1  }
0x5f3: {  	s1 =	simm.s32 @!p1 $0xA  }
0x5f4: {  	_ =	swait.ge @!p1 [sflag:s1], $0x400  }
0x5f5: {  	[sflag:s1] =	ssyncset.done @!p1 $0x0  }
0x5f6: {  	[sflag:s1] =	ssyncadd.s32 @!p1 $0xFFFFFC00  }
0x5f7: {  	s25 =	stileid.u32;
	[bflag:$0x0] =	sbarrier.arrive $0xFFFF  }
0x5f8: {  	s17 =	simm.s32 $0xB;
	s1 =	sshll.u32 s25, $0x6;
	s21 =	rddreg [dreg:$0x6]  }
0x5f9: {  	s1 =	sor.u32 $0x1C0B, s1;
	s11 =	rddreg [dreg:$0xe];
	s2 =	sshrl.u32 s21, $0x3  }
0x5fa: {  	[hbm:s11], [sflag:s1] =	dma.local [spmem:s2], $0x500  }
0x5fb: {  	_ =	swait.ge [sflag:s17], $0x500  }
0x5fc: {  	s26 =	sld [smem:$0x7FA];
	_ =	sdelay $0x2  }
0x5fd: {  	[sflag:s17] =	ssyncset.done $0x0;
	s18 =	rddreg [dreg:$0x5];
	p1 =	seq.s32 s26, $0x1  }
0x5fe: {  	s11 =	rddreg [dreg:$0xd];
	[sflag:s17] =	ssyncadd.s32 $0xFFFFFB00;
	s2 =	sshrl.u32 @!p1 s18, $0x3  }
0x5ff: {  	[hbm:s11], [sflag:s1] =	dma.local @!p1 [spmem:s2], $0x2800  }
0x600: {  	s2 =	simm.s32 @!p1 $0xB  }
0x601: {  	_ =	swait.ge @!p1 [sflag:s2], $0x2800  }
0x602: {  	[sflag:s2] =	ssyncset.done @!p1 $0x0  }
0x603: {  	s11 =	rddreg [dreg:$0x1b];
	[sflag:s2] =	ssyncadd.s32 @!p1 $0xFFFFD800;
	s2 =	sshrl.u32 @p0 s18, $0x3  }
0x604: {  	[hbm:s11], [sflag:s1] =	dma.local @p0 [spmem:s2], $0x2800  }
0x605: {  	s1 =	simm.s32 @p0 $0xB  }
0x606: {  	_ =	swait.ge @p0 [sflag:s1], $0x2800  }
0x607: {  	s28 =	rddreg [dreg:$0x1f]  }
0x608: {  	s30 =	rddreg [dreg:$0x1c];
	s11 =	sadd.s32 $0x1, s28  }
0x609: {  	p1 =	sne.s32 s11, s30  }
.Ltmp8:
0x60a: {  	_ = 	snop;
	(pc) =	sbr.rel @p1 .LBB2_1-.Ltmp8, $3  }
0x60b: {  	_ =	sdelay $0x1  }
0x60c: {  	[sflag:s1] =	ssyncset.done @p0 $0x0  }
0x60d: {  	[sflag:s1] =	ssyncadd.s32 @p0 $0xFFFFD800  }
0x60e: {  	_ =	sfence.sel $0x180000  }
0x60f: {  	[bflag:$0x0] =	sbarrier.arrive $0xFFFF  }
0x610: {  	_ =	strace $0x90000047  }
0x611: {  	s0 =	stileid.u32;
	[bflag:$0x2] =	sbarrier.arrive $0xFFFF  }
0x612: {  	p0 =	sne.s32 s0, $0x0;
	s0 =	rddreg [dreg:$0x4]  }
0x613: {  	s0 =	sadd.s32 @!p0 $0x100000, s0  }
0x614: {  	[sflag:s0] =	ssyncadd.tile.s32 @!p0 $0x1;
	_ =	shalt  }
.Lfunc_end2:
_tile_overlayer_lowered:
.L_overlay_start_2:
0x615: {  	(tag) =	ssettag $0x2  }
0x616: {  	s0 =	rddreg [dreg:$0x0];
	s2 =	stileid.u32  }
0x617: {  	s1 =	rddreg [dreg:$0x1];
	p0 =	sne.s32 s2, $0x0  }
0x618: {  	s3 =	rddreg [dreg:$0x2];
	[bflag:$0x3] =	sbarrier.arrive $0xFFFF;
	s2 =	simm.s32 @!p0 $0x1C0B  }
0x619: {  	[timem:s3], [sflag:s2] =	dma.local @!p0 [hbm:s0], s1  }
0x61a: {  	s0 =	simm.s32 @!p0 $0xB  }
0x61b: {  	_ =	swait.ge @!p0 [sflag:s0], s1  }
0x61c: {  	s1 =	ssub.s32 @!p0 $0x0, s1;
	[sflag:s0] =	ssyncset.done @!p0 $0x0  }
0x61d: {  	[sflag:s0] =	ssyncadd.s32 @!p0 s1  }
0x61e: {  	[bflag:$0x3] =	sbarrier.arrive $0xFFFF  }
0x61f: {  	_ =	shalt  }

</sc_bundles>
